<compile_context>
chip_gen: v7x
topology: tpu7x:2x2x1
jax: 0.10.2.dev20260603
libtpu: 0.0.44.dev20260713+nightly
codegen_flags: <defaults>
</compile_context>

<pallas_src>
import functools

import jax
import jax.numpy as jnp
from jax import lax
from jax.experimental import pallas as pl
from jax.experimental.pallas import tpu as pltpu
from jax.experimental.pallas import tpu_sc as plsc

_N = 10000
_NPAD = 10240
_C = 128
_NC = 2
_NS = 16
_NW = _NC * _NS
_RPT = _NPAD // _NS
_RB = 512
_G = _NPAD // _RB
_SPLIT = (64, 16)
_ZR = 64


def _sc_edge_accum(width, chunk_split, gather, ring):
    mesh = plsc.VectorSubcoreMesh(core_axis_name="c", subcore_axis_name="s")
    ch0, ch1 = chunk_split
    assert ch0 % ring == 0 and ch1 % ring == 0

    @functools.partial(
        pl.kernel,
        out_type=jax.ShapeDtypeStruct((2 * _NPAD, width), jnp.float32),
        mesh=mesh,
        scratch_types=[
            pltpu.VMEM((ring, 2, _C), jnp.int32),
            pltpu.VMEM((ring if gather else 1, _C, width), jnp.float32),
            pltpu.VMEM((_ZR, width), jnp.float32),
            pltpu.VMEM_SHARED((_NPAD, width), jnp.float32),
            pltpu.SemaphoreType.DMA,
            pltpu.SemaphoreType.DMA,
        ],
        compiler_params=pltpu.CompilerParams(use_tc_tiling_on_sc=False),
    )
    def k(ep_hbm, u_hbm, z_hbm, out_hbm, idx_v, rows_v, zb_v, acc_sh, gsem, ssem):
        cid = lax.axis_index("c")
        sid = lax.axis_index("s")
        r0 = sid * _RPT
        pltpu.sync_copy(z_hbm, zb_v)

        @pl.loop(0, _RPT // _ZR)
        def _(j):
            pltpu.sync_copy(zb_v, acc_sh.at[pl.ds(r0 + j * _ZR, _ZR)])
        if not gather:
            pltpu.sync_copy(u_hbm, rows_v.at[0])
        plsc.subcore_barrier()

        chc = jnp.where(cid == 0, ch0, ch1)
        cbase = cid * (_NS * ch0) + sid * chc

        @pl.loop(0, chc // ring)
        def _(s):
            base = cbase + s * ring
            pltpu.sync_copy(ep_hbm.at[pl.ds(base, ring)], idx_v)
            if gather:
                gds = [
                    pltpu.async_copy(u_hbm.at[idx_v.at[r, 0]],
                                     rows_v.at[r], gsem)
                    for r in range(ring)
                ]
            sds = []
            for r in range(ring):
                if gather:
                    gds[r].wait()
                    src = rows_v.at[r]
                else:
                    src = rows_v.at[0]
                sds.append(pltpu.async_copy(src, acc_sh.at[idx_v.at[r, 1]],
                                            ssem, add=True))
            for d in sds:
                d.wait()

        plsc.subcore_barrier()
        pltpu.sync_copy(acc_sh.at[pl.ds(r0, _RPT)],
                        out_hbm.at[pl.ds(cid * _NPAD + r0, _RPT)])

    return k


def _sc_agg_staged(wh, ch_all, ring):
    mesh = plsc.VectorSubcoreMesh(core_axis_name="c", subcore_axis_name="s")
    assert ch_all % ring == 0

    @functools.partial(
        pl.kernel,
        out_type=jax.ShapeDtypeStruct((2 * _NPAD, wh), jnp.float32),
        mesh=mesh,
        scratch_types=[
            pltpu.VMEM((ring, 2, _C), jnp.int32),
            pltpu.VMEM((ring, _C, wh), jnp.float32),
            pltpu.VMEM((_ZR, wh), jnp.float32),
            pltpu.VMEM_SHARED((_NPAD, wh), jnp.float32),
            pltpu.VMEM_SHARED((_NPAD, wh), jnp.float32),
            pltpu.SemaphoreType.DMA,
            pltpu.SemaphoreType.DMA,
        ],
        compiler_params=pltpu.CompilerParams(use_tc_tiling_on_sc=False),
    )
    def k(ep_hbm, ua_hbm, ub_hbm, z_hbm, out_hbm,
          idx_v, rows_v, zb_v, stage_sh, acc_sh, gsem, ssem):
        cid = lax.axis_index("c")
        sid = lax.axis_index("s")
        r0 = sid * _RPT

        @pl.when(cid == 0)
        def _():
            pltpu.sync_copy(ua_hbm.at[pl.ds(r0, _RPT)],
                            stage_sh.at[pl.ds(r0, _RPT)])

        @pl.when(cid == 1)
        def _():
            pltpu.sync_copy(ub_hbm.at[pl.ds(r0, _RPT)],
                            stage_sh.at[pl.ds(r0, _RPT)])

        pltpu.sync_copy(z_hbm, zb_v)

        @pl.loop(0, _RPT // _ZR)
        def _(j):
            pltpu.sync_copy(zb_v, acc_sh.at[pl.ds(r0 + j * _ZR, _ZR)])

        plsc.subcore_barrier()

        cbase = sid * ch_all

        @pl.loop(0, ch_all // ring)
        def _(s):
            base = cbase + s * ring
            pltpu.sync_copy(ep_hbm.at[pl.ds(base, ring)], idx_v)
            gds = [
                pltpu.async_copy(stage_sh.at[idx_v.at[r, 0]],
                                 rows_v.at[r], gsem)
                for r in range(ring)
            ]
            sds = []
            for r in range(ring):
                gds[r].wait()
                sds.append(pltpu.async_copy(rows_v.at[r],
                                            acc_sh.at[idx_v.at[r, 1]],
                                            ssem, add=True))
            for d in sds:
                d.wait()

        plsc.subcore_barrier()
        pltpu.sync_copy(acc_sh.at[pl.ds(r0, _RPT)],
                        out_hbm.at[pl.ds(cid * _NPAD + r0, _RPT)])

    return k


def _deg_spec(i):
    return (i, 0)


def _deg_spec2(i):
    return (_G + i, 0)


def _tc_h0(x_pad, Wb):
    def body(x_ref, w_ref, o_ref):
        o_ref[...] = jnp.dot(x_ref[...], w_ref[...],
                             preferred_element_type=jnp.float32)

    return pl.pallas_call(
        body,
        grid=(_G,),
        in_specs=[
            pl.BlockSpec((_RB, 128), lambda i: (i, 0)),
            pl.BlockSpec((128, 64), lambda i: (0, 0)),
        ],
        out_specs=pl.BlockSpec((_RB, 64), lambda i: (i, 0)),
        out_shape=jax.ShapeDtypeStruct((_NPAD, 64), jnp.float32),
    )(x_pad, Wb)


def _tc_scale(h0, degp):
    def body(h_ref, d0, d1, oa_ref, ob_ref):
        dinv = lax.rsqrt(1.0 + d0[:, 0:1] + d1[:, 0:1])
        u = h_ref[...] * dinv
        oa_ref[...] = u[:, :32]
        ob_ref[...] = u[:, 32:]

    return pl.pallas_call(
        body,
        grid=(_G,),
        in_specs=[
            pl.BlockSpec((_RB, 64), lambda i: (i, 0)),
            pl.BlockSpec((_RB, 16), _deg_spec),
            pl.BlockSpec((_RB, 16), _deg_spec2),
        ],
        out_specs=[
            pl.BlockSpec((_RB, 32), lambda i: (i, 0)),
            pl.BlockSpec((_RB, 32), lambda i: (i, 0)),
        ],
        out_shape=[
            jax.ShapeDtypeStruct((_NPAD, 32), jnp.float32),
            jax.ShapeDtypeStruct((_NPAD, 32), jnp.float32),
        ],
    )(h0, degp, degp)


def _tc_mid(agg0, u0a, u0b, degp, bb, gbe, beb, Wm, Ws):
    def body(aa, ab, ua, ub, d0, d1, bb_r, g_r, be_r, wm_r, ws_r,
             oa_ref, ob_ref):
        dinv = lax.rsqrt(1.0 + d0[:, 0:1] + d1[:, 0:1])
        agg = jnp.concatenate([aa[...] + ua[...], ab[...] + ub[...]], axis=1)
        s = dinv * agg + bb_r[...]
        hid = jax.nn.sigmoid(s) * g_r[...] + be_r[...]
        oa_ref[...] = jnp.dot(hid, wm_r[...],
                              preferred_element_type=jnp.float32) * dinv
        ob_ref[...] = jnp.dot(hid, ws_r[...],
                              preferred_element_type=jnp.float32) * dinv

    return pl.pallas_call(
        body,
        grid=(_G,),
        in_specs=[
            pl.BlockSpec((_RB, 32), _deg_spec),
            pl.BlockSpec((_RB, 32), _deg_spec2),
            pl.BlockSpec((_RB, 32), lambda i: (i, 0)),
            pl.BlockSpec((_RB, 32), lambda i: (i, 0)),
            pl.BlockSpec((_RB, 16), _deg_spec),
            pl.BlockSpec((_RB, 16), _deg_spec2),
            pl.BlockSpec((1, 64), lambda i: (0, 0)),
            pl.BlockSpec((1, 64), lambda i: (0, 0)),
            pl.BlockSpec((1, 64), lambda i: (0, 0)),
            pl.BlockSpec((64, 64), lambda i: (0, 0)),
            pl.BlockSpec((64, 64), lambda i: (0, 0)),
        ],
        out_specs=[
            pl.BlockSpec((_RB, 64), lambda i: (i, 0)),
            pl.BlockSpec((_RB, 64), lambda i: (i, 0)),
        ],
        out_shape=[
            jax.ShapeDtypeStruct((_NPAD, 64), jnp.float32),
            jax.ShapeDtypeStruct((_NPAD, 64), jnp.float32),
        ],
    )(agg0, agg0, u0a, u0b, degp, degp, bb, gbe, beb, Wm, Ws)


def _tc_head(agg1, u1a, u1b, degp, noise, bm, gme, bem, bs, gse, bes,
             D1, db1, D2, db2):
    def body(am, al, ua, ub, d0, d1, nz, bm_r, gm_r, bem_r, bs_r, gs_r, bes_r,
             d1_r, db1_r, d2_r, db2_r, z_ref, rec_ref):
        dinv = lax.rsqrt(1.0 + d0[:, 0:1] + d1[:, 0:1])
        tm = dinv * (am[...] + ua[...])
        tl = dinv * (al[...] + ub[...])
        mean = jax.nn.sigmoid(tm + bm_r[...]) * gm_r[...] + bem_r[...]
        ls = jax.nn.sigmoid(tl + bs_r[...]) * gs_r[...] + bes_r[...]
        z = nz[...] * jnp.exp(ls) + mean
        z_ref[...] = z
        a = jnp.dot(z, d1_r[...], preferred_element_type=jnp.float32) + db1_r[...]
        a = jnp.where(a > 0, a, 0.01 * a)
        rec_ref[...] = jnp.dot(a, d2_r[...],
                               preferred_element_type=jnp.float32) + db2_r[...]

    vec64 = pl.BlockSpec((1, 64), lambda i: (0, 0))
    return pl.pallas_call(
        body,
        grid=(_G,),
        in_specs=[
            pl.BlockSpec((_RB, 64), _deg_spec),
            pl.BlockSpec((_RB, 64), _deg_spec2),
            pl.BlockSpec((_RB, 64), lambda i: (i, 0)),
            pl.BlockSpec((_RB, 64), lambda i: (i, 0)),
            pl.BlockSpec((_RB, 16), _deg_spec),
            pl.BlockSpec((_RB, 16), _deg_spec2),
            pl.BlockSpec((_RB, 64), lambda i: (i, 0)),
            vec64, vec64, vec64, vec64, vec64, vec64,
            pl.BlockSpec((64, 64), lambda i: (0, 0)),
            vec64,
            pl.BlockSpec((64, 128), lambda i: (0, 0)),
            pl.BlockSpec((1, 128), lambda i: (0, 0)),
        ],
        out_specs=[
            pl.BlockSpec((_RB, 64), lambda i: (i, 0)),
            pl.BlockSpec((_RB, 128), lambda i: (i, 0)),
        ],
        out_shape=[
            jax.ShapeDtypeStruct((_NPAD, 64), jnp.float32),
            jax.ShapeDtypeStruct((_NPAD, 128), jnp.float32),
        ],
    )(agg1, agg1, u1a, u1b, degp, degp, noise, bm, gme, bem, bs, gse, bes,
      D1, db1, D2, db2)


def _tc_decode(z_pad, zT):
    def body(zi, za, o_ref):
        o_ref[...] = jax.nn.sigmoid(
            jnp.dot(zi[...], za[...], preferred_element_type=jnp.float32))

    return pl.pallas_call(
        body,
        grid=(_N // 400,),
        in_specs=[
            pl.BlockSpec((400, 64), lambda i: (i, 0)),
            pl.BlockSpec((64, _N), lambda i: (0, 0)),
        ],
        out_specs=pl.BlockSpec((400, _N), lambda i: (i, 0)),
        out_shape=jax.ShapeDtypeStruct((_N, _N), jnp.float32),
    )(z_pad, zT)


def kernel(x, edge_index, batch, Wb, bb, gb, beb, Wm, bm, gm, bem,
           Ws, bs, gs, bes, D1, db1, D2, db2):
    n, f_in = x.shape
    e = edge_index.shape[1]
    ch = -(-e // (_C * _NW))
    e_pad = ch * _C * _NW

    x_pad = jnp.pad(x, ((0, _NPAD - n), (0, 0)))
    pad = jnp.full((e_pad - e,), n, jnp.int32)
    srcp = jnp.concatenate([edge_index[0].astype(jnp.int32), pad])
    dstp = jnp.concatenate([edge_index[1].astype(jnp.int32), pad])
    ep = jnp.stack([srcp.reshape(-1, _C), dstp.reshape(-1, _C)], axis=1)

    inv_c = 1.0 / jnp.sqrt(1.0 + 1e-4)
    gbe = (gb * inv_c).reshape(1, 64)
    gme = (gm * inv_c).reshape(1, 64)
    gse = (gs * inv_c).reshape(1, 64)
    bb2, beb2 = bb.reshape(1, 64), beb.reshape(1, 64)
    bm2, bem2 = bm.reshape(1, 64), bem.reshape(1, 64)
    bs2, bes2 = bs.reshape(1, 64), bes.reshape(1, 64)
    db1_2, db2_2 = db1.reshape(1, 64), db2.reshape(1, 128)

    noise = jax.random.normal(jax.random.key(42), (n, 64), jnp.float32)
    noise = jnp.pad(noise, ((0, _NPAD - n), (0, 0)))

    ones16 = jnp.ones((_C, 16), jnp.float32)
    z16 = jnp.zeros((_ZR, 16), jnp.float32)
    z32 = jnp.zeros((_ZR, 32), jnp.float32)
    z64 = jnp.zeros((_ZR, 64), jnp.float32)

    degp = _sc_edge_accum(16, (ch, ch), gather=False, ring=8)(ep, ones16, z16)

    h0 = _tc_h0(x_pad, Wb)
    u0a, u0b = _tc_scale(h0, degp)

    agg0 = _sc_agg_staged(32, 2 * ch, ring=16)(ep, u0a, u0b, z32)

    u1a, u1b = _tc_mid(agg0, u0a, u0b, degp, bb2, gbe, beb2, Wm, Ws)

    agg1 = _sc_agg_staged(64, 2 * ch, ring=4)(ep, u1a, u1b, z64)

    z_pad, rec_pad = _tc_head(agg1, u1a, u1b, degp, noise, bm2, gme, bem2,
                              bs2, gse, bes2, D1, db1_2, D2, db2_2)

    rec = rec_pad[:n]
    zT = z_pad[:n].T
    a_pred = _tc_decode(z_pad, zT)
    return rec, a_pred

# --- scband reference (transcript-rebuilt; emitter-appended) ---
"""Pipeline reference for scband-co-vgae-25752623907299 (READ-ONLY COPY).

The authoritative reference and input builder live on the scoring server;
editing this copy changes nothing except your own understanding.
"""

import jax, jax.numpy as jnp
import numpy as np

N = 10000
E = 160000
F_IN = 128
H = 64
NG = 32


def _gcn_conv(x, edge_index, W, b):
    # PyG GCNConv: h = x @ W; add self-loops; sym-normalized scatter-add; + bias
    n = x.shape[0]
    src = jnp.concatenate([edge_index[0], jnp.arange(n, dtype=edge_index.dtype)])
    dst = jnp.concatenate([edge_index[1], jnp.arange(n, dtype=edge_index.dtype)])
    deg = jnp.zeros((n,), jnp.float32).at[dst].add(1.0)
    dinv = jnp.where(deg > 0, deg ** -0.5, 0.0)
    norm = dinv[src] * dinv[dst]
    h = x @ W
    out = jnp.zeros((n, W.shape[1]), jnp.float32).at[dst].add(h[src] * norm[:, None])
    return out + b


def _enc_layer(x, edge_index, W, b, g, be):
    # conv -> Sigmoid act -> dropout(eval: no-op) -> BatchNorm1d(eval: running_mean=0, running_var=1, eps=1e-4)
    h = _gcn_conv(x, edge_index, W, b)
    h = jax.nn.sigmoid(h)
    h = h / jnp.sqrt(1.0 + 1e-4) * g + be
    return h


def setup_inputs(seed: int = 0) -> dict:
    key = jax.random.key(seed)
    ks = jax.random.split(key, 20)
    x = jax.random.normal(ks[0], (N, F_IN), jnp.float32)
    edge_index = jax.random.randint(ks[1], (2, E), 0, N, dtype=jnp.int32)
    batch = jnp.sort(jax.random.randint(ks[2], (N,), 0, NG, dtype=jnp.int32))
    s_in = 1.0 / np.sqrt(F_IN)
    s_h = 1.0 / np.sqrt(H)
    Wb = jax.random.normal(ks[3], (F_IN, H), jnp.float32) * s_in
    bb = jnp.zeros((H,), jnp.float32)
    gb = 1.0 + 0.1 * jax.random.normal(ks[4], (H,), jnp.float32)
    beb = 0.1 * jax.random.normal(ks[5], (H,), jnp.float32)
    Wm = jax.random.normal(ks[6], (H, H), jnp.float32) * s_h
    bm = jnp.zeros((H,), jnp.float32)
    gm = 1.0 + 0.1 * jax.random.normal(ks[7], (H,), jnp.float32)
    bem = 0.1 * jax.random.normal(ks[8], (H,), jnp.float32)
    Ws = jax.random.normal(ks[9], (H, H), jnp.float32) * s_h
    bs = jnp.zeros((H,), jnp.float32)
    gs = 1.0 + 0.1 * jax.random.normal(ks[10], (H,), jnp.float32)
    bes = 0.1 * jax.random.normal(ks[11], (H,), jnp.float32)
    Dh = int(np.ceil(F_IN / 2))
    D1 = jax.random.normal(ks[12], (H, Dh), jnp.float32) * s_h
    db1 = jnp.zeros((Dh,), jnp.float32)
    D2 = jax.random.normal(ks[13], (Dh, F_IN), jnp.float32) / np.sqrt(Dh)
    db2 = jnp.zeros((F_IN,), jnp.float32)
    return {"x": x, "edge_index": edge_index, "batch": batch,
            "Wb": Wb, "bb": bb, "gb": gb, "beb": beb,
            "Wm": Wm, "bm": bm, "gm": gm, "bem": bem,
            "Ws": Ws, "bs": bs, "gs": gs, "bes": bes,
            "D1": D1, "db1": db1, "D2": D2, "db2": db2}


def reference(x, edge_index, batch, Wb, bb, gb, beb, Wm, bm, gm, bem, Ws, bs, gs, bes, D1, db1, D2, db2):
    hidden = _enc_layer(x, edge_index, Wb, bb, gb, beb)
    mean = _enc_layer(hidden, edge_index, Wm, bm, gm, bem)
    logstd = _enc_layer(hidden, edge_index, Ws, bs, gs, bes)
    noise = jax.random.normal(jax.random.key(42), mean.shape, jnp.float32)
    z = noise * jnp.exp(logstd) + mean
    rec = jax.nn.leaky_relu(z @ D1 + db1, negative_slope=0.01) @ D2 + db2
    A_pred = jax.nn.sigmoid(z @ z.T)
    return rec, A_pred


if False:  # reference __main__ guard neutralized (emitter)
    out = reference(**setup_inputs())
    print(out[0].shape, out[1].shape)

if __name__ == "__main__":
    import jax
    _d = setup_inputs()
    print(jax.jit(kernel)(*tuple(_d.values())))

</pallas_src>

<mosaic_0001>
#map = affine_map<(d0, d1) -> (0, 0, 0)>
#map1 = affine_map<(d0, d1) -> (0, 0)>
module attributes {stable_mosaic.version = 14 : i64} {
  func.func @k(%arg0: i32, %arg1: i32, %arg2: memref<1280x2x128xi32, #tpu.memory_space<hbm>>, %arg3: memref<128x16xf32, #tpu.memory_space<hbm>>, %arg4: memref<64x16xf32, #tpu.memory_space<hbm>>, %arg5: memref<20480x16xf32, #tpu.memory_space<hbm>>, %arg6: memref<8x2x128xi32, #tpu.memory_space<vmem>>, %arg7: memref<1x128x16xf32, #tpu.memory_space<vmem>>, %arg8: memref<64x16xf32, #tpu.memory_space<vmem>>, %arg9: memref<10240x16xf32, #tpu.memory_space<vmem_shared>>, %arg10: memref<!tpu.dma_semaphore, #tpu.memory_space<semaphore_mem>>, %arg11: memref<!tpu.dma_semaphore, #tpu.memory_space<semaphore_mem>>) attributes {dimension_semantics = [#tpu.dimension_semantics<core_parallel>, #tpu.dimension_semantics<subcore_parallel>], iteration_bounds = array<i64: 2, 16>, scalar_prefetch = 0 : i64, scratch_operands = 6 : i64, tpu.core_type = #tpu.core_type<sc_vector_subcore>, window_params = [{transform_indices = #map}, {transform_indices = #map1}, {transform_indices = #map1}, {transform_indices = #map1}]} {
    %mul3A = arith.constant 640 : i32
    %mul3A_0 = arith.muli %arg1, %mul3A : i32
    "tpu.region"() ({
      %run_scoped3A_50 = tpu.sem_alloc : memref<!tpu.dma_semaphore, #tpu.memory_space<semaphore_mem>>
      tpu.enqueue_dma source(%arg4 : memref<64x16xf32, #tpu.memory_space<hbm>>) target(%arg8 : memref<64x16xf32, #tpu.memory_space<vmem>>) target_semaphore(%run_scoped3A_50 : memref<!tpu.dma_semaphore, #tpu.memory_space<semaphore_mem>>)
      tpu.wait_dma2 semaphore(%run_scoped3A_50 : memref<!tpu.dma_semaphore, #tpu.memory_space<semaphore_mem>>) src(%arg4 : memref<64x16xf32, #tpu.memory_space<hbm>>) dst(%arg8 : memref<64x16xf32, #tpu.memory_space<vmem>>)
      tpu.yield
    }) : () -> ()
    %scan3A = arith.constant 0 : i32
    %scan3A_1 = arith.constant 10 : i32
    %scan3A_2 = arith.addi %scan3A, %scan3A_1 : i32
    %scan3A_3 = arith.constant 1 : i32
    scf.for %scan3A_50 = %scan3A to %scan3A_2 step %scan3A_3  : i32 {
      %mul3A_51 = arith.constant 1 : i32
      %mul3A_52 = arith.muli %scan3A_50, %mul3A_51 : i32
      %add3A_53 = arith.constant 0 : i32
      %add3A_54 = arith.addi %add3A_53, %mul3A_52 : i32
      %mul3A_55 = arith.constant 64 : i32
      %mul3A_56 = arith.muli %add3A_54, %mul3A_55 : i32
      %add3A_57 = arith.addi %mul3A_0, %mul3A_56 : i32
      "tpu.region"() ({
        %run_scoped3A_58 = tpu.sem_alloc : memref<!tpu.dma_semaphore, #tpu.memory_space<semaphore_mem>>
        %dma_start3A = arith.constant 0 : i32
        %dma_start3A_59 = tpu.memref_slice %arg9[%add3A_57, %dma_start3A] : memref<10240x16xf32, #tpu.memory_space<vmem_shared>> -> memref<64x16xf32, #tpu.memory_space<vmem_shared>>
        %dma_start3A_60 = arith.constant 0 : i32
        %dma_start3A_61 = tpu.memref_slice %arg9[%add3A_57, %dma_start3A_60] : memref<10240x16xf32, #tpu.memory_space<vmem_shared>> -> memref<64x16xf32, #tpu.memory_space<vmem_shared>>
        tpu.enqueue_dma source(%arg8 : memref<64x16xf32, #tpu.memory_space<vmem>>) target(%dma_start3A_61 : memref<64x16xf32, #tpu.memory_space<vmem_shared>>) target_semaphore(%run_scoped3A_58 : memref<!tpu.dma_semaphore, #tpu.memory_space<semaphore_mem>>)
        %dma_wait3A = arith.constant 0 : i32
        %dma_wait3A_62 = tpu.memref_slice %arg9[%add3A_57, %dma_wait3A] : memref<10240x16xf32, #tpu.memory_space<vmem_shared>> -> memref<64x16xf32, #tpu.memory_space<vmem_shared>>
        %dma_wait3A_63 = arith.constant 0 : i32
        %dma_wait3A_64 = tpu.memref_slice %arg9[%add3A_57, %dma_wait3A_63] : memref<10240x16xf32, #tpu.memory_space<vmem_shared>> -> memref<64x16xf32, #tpu.memory_space<vmem_shared>>
        tpu.wait_dma2 semaphore(%run_scoped3A_58 : memref<!tpu.dma_semaphore, #tpu.memory_space<semaphore_mem>>) src(%arg8 : memref<64x16xf32, #tpu.memory_space<vmem>>) dst(%dma_wait3A_64 : memref<64x16xf32, #tpu.memory_space<vmem_shared>>)
        tpu.yield
      }) : () -> ()
    }
    %scan3A_4 = arith.constant 10 : i32
    %run_scoped3A = arith.constant 0 : i32
    "tpu.region"() ({
      %run_scoped3A_50 = tpu.sem_alloc : memref<!tpu.dma_semaphore, #tpu.memory_space<semaphore_mem>>
      %dma_start3A = arith.constant 0 : i32
      %dma_start3A_51 = arith.constant 0 : i32
      %dma_start3A_52 = tpu.memref_slice %arg7[%run_scoped3A, %dma_start3A, %dma_start3A_51] : memref<1x128x16xf32, #tpu.memory_space<vmem>> -> memref<1x128x16xf32, #tpu.memory_space<vmem>>
      %dma_start3A_53 = tpu.memref_squeeze %dma_start3A_52 : memref<1x128x16xf32, #tpu.memory_space<vmem>> -> memref<128x16xf32, #tpu.memory_space<vmem>>
      %dma_start3A_54 = arith.constant 0 : i32
      %dma_start3A_55 = arith.constant 0 : i32
      %dma_start3A_56 = tpu.memref_slice %arg7[%run_scoped3A, %dma_start3A_54, %dma_start3A_55] : memref<1x128x16xf32, #tpu.memory_space<vmem>> -> memref<1x128x16xf32, #tpu.memory_space<vmem>>
      %dma_start3A_57 = tpu.memref_squeeze %dma_start3A_56 : memref<1x128x16xf32, #tpu.memory_space<vmem>> -> memref<128x16xf32, #tpu.memory_space<vmem>>
      tpu.enqueue_dma source(%arg3 : memref<128x16xf32, #tpu.memory_space<hbm>>) target(%dma_start3A_57 : memref<128x16xf32, #tpu.memory_space<vmem>>) target_semaphore(%run_scoped3A_50 : memref<!tpu.dma_semaphore, #tpu.memory_space<semaphore_mem>>)
      %dma_wait3A = arith.constant 0 : i32
      %dma_wait3A_58 = arith.constant 0 : i32
      %dma_wait3A_59 = tpu.memref_slice %arg7[%run_scoped3A, %dma_wait3A, %dma_wait3A_58] : memref<1x128x16xf32, #tpu.memory_space<vmem>> -> memref<1x128x16xf32, #tpu.memory_space<vmem>>
      %dma_wait3A_60 = tpu.memref_squeeze %dma_wait3A_59 : memref<1x128x16xf32, #tpu.memory_space<vmem>> -> memref<128x16xf32, #tpu.memory_space<vmem>>
      %dma_wait3A_61 = arith.constant 0 : i32
      %dma_wait3A_62 = arith.constant 0 : i32
      %dma_wait3A_63 = tpu.memref_slice %arg7[%run_scoped3A, %dma_wait3A_61, %dma_wait3A_62] : memref<1x128x16xf32, #tpu.memory_space<vmem>> -> memref<1x128x16xf32, #tpu.memory_space<vmem>>
      %dma_wait3A_64 = tpu.memref_squeeze %dma_wait3A_63 : memref<1x128x16xf32, #tpu.memory_space<vmem>> -> memref<128x16xf32, #tpu.memory_space<vmem>>
      tpu.wait_dma2 semaphore(%run_scoped3A_50 : memref<!tpu.dma_semaphore, #tpu.memory_space<semaphore_mem>>) src(%arg3 : memref<128x16xf32, #tpu.memory_space<hbm>>) dst(%dma_wait3A_64 : memref<128x16xf32, #tpu.memory_space<vmem>>)
      tpu.yield
    }) : () -> ()
    %barrier3A = arith.constant 0 : index
    tpu.barrier barrier_id(%barrier3A)
    %eq3A = arith.constant 0 : i32
    %eq3A_5 = arith.cmpi eq, %arg0, %eq3A : i32
    %jit3A = arith.constant 40 : i32
    %jit3A_6 = arith.constant 40 : i32
    %select_n3A = arith.select %eq3A_5, %jit3A, %jit3A_6 : i32
    %mul3A_7 = arith.constant 640 : i32
    %mul3A_8 = arith.muli %arg0, %mul3A_7 : i32
    %mul3A_9 = arith.muli %arg1, %select_n3A : i32
    %add3A = arith.addi %mul3A_8, %mul3A_9 : i32
    %jit3A_10 = arith.constant 8 : i32
    %div3A = arith.divsi %select_n3A, %jit3A_10 : i32
    %sign3A = arith.constant 0 : i32
    %sign3A_11 = arith.cmpi sgt, %select_n3A, %sign3A : i32
    %sign3A_12 = arith.extui %sign3A_11 : i1 to i32
    %sign3A_13 = arith.constant 0 : i32
    %sign3A_14 = arith.cmpi slt, %select_n3A, %sign3A_13 : i32
    %sign3A_15 = arith.extui %sign3A_14 : i1 to i32
    %sign3A_16 = arith.subi %sign3A_12, %sign3A_15 : i32
    %sign3A_17 = arith.constant 0 : i32
    %sign3A_18 = arith.cmpi sgt, %jit3A_10, %sign3A_17 : i32
    %sign3A_19 = arith.extui %sign3A_18 : i1 to i32
    %sign3A_20 = arith.constant 0 : i32
    %sign3A_21 = arith.cmpi slt, %jit3A_10, %sign3A_20 : i32
    %sign3A_22 = arith.extui %sign3A_21 : i1 to i32
    %sign3A_23 = arith.subi %sign3A_19, %sign3A_22 : i32
    %ne3A = arith.cmpi ne, %sign3A_16, %sign3A_23 : i32
    %rem3A = arith.remsi %select_n3A, %jit3A_10 : i32
    %ne3A_24 = arith.constant 0 : i32
    %ne3A_25 = arith.cmpi ne, %rem3A, %ne3A_24 : i32
    %and3A = arith.andi %ne3A, %ne3A_25 : i1
    %sub3A = arith.constant 1 : i32
    %sub3A_26 = arith.subi %div3A, %sub3A : i32
    %select_n3A_27 = arith.select %and3A, %sub3A_26, %div3A : i32
    %sub3A_28 = arith.constant 0 : i32
    %sub3A_29 = arith.subi %select_n3A_27, %sub3A_28 : i32
    %sub3A_30 = arith.constant 1 : i32
    %sub3A_31 = arith.constant 1 : i32
    %sub3A_32 = arith.subi %sub3A_30, %sub3A_31 : i32
    %add3A_33 = arith.addi %sub3A_29, %sub3A_32 : i32
    %div3A_34 = arith.constant 1 : i32
    %div3A_35 = arith.divsi %add3A_33, %div3A_34 : i32
    %while3A = arith.constant 1 : i32
    %while3A_36 = arith.constant 0 : i32
    %while3A_37 = arith.constant 0 : i32
    %while3A_38 = arith.subi %div3A_35, %while3A_37 : i32
    %while3A_39 = arith.addi %while3A_37, %while3A_38 : i32
    %while3A_40 = arith.constant 1 : i32
    %while3A_41 = arith.divsi %while3A_38, %while3A_40 : i32
    %while3A_42 = arith.muli %while3A_41, %while3A_40 : i32
    %while3A_43 = arith.addi %while3A_37, %while3A_42 : i32
    %while3A_44 = arith.constant 1 : i32
    scf.for %while3A_50 = %while3A_37 to %while3A_43 step %while3A_44  : i32 {
      %mul3A_51 = arith.muli %while3A_50, %while3A : i32
      %add3A_52 = arith.addi %while3A_36, %mul3A_51 : i32
      %mul3A_53 = arith.constant 8 : i32
      %mul3A_54 = arith.muli %add3A_52, %mul3A_53 : i32
      %add3A_55 = arith.addi %add3A, %mul3A_54 : i32
      "tpu.region"() ({
        %run_scoped3A_262 = tpu.sem_alloc : memref<!tpu.dma_semaphore, #tpu.memory_space<semaphore_mem>>
        %dma_start3A_263 = arith.constant 0 : i32
        %dma_start3A_264 = arith.constant 0 : i32
        %dma_start3A_265 = tpu.memref_slice %arg2[%add3A_55, %dma_start3A_263, %dma_start3A_264] : memref<1280x2x128xi32, #tpu.memory_space<hbm>> -> memref<8x2x128xi32, #tpu.memory_space<hbm>>
        %dma_start3A_266 = arith.constant 0 : i32
        %dma_start3A_267 = arith.constant 0 : i32
        %dma_start3A_268 = tpu.memref_slice %arg2[%add3A_55, %dma_start3A_266, %dma_start3A_267] : memref<1280x2x128xi32, #tpu.memory_space<hbm>> -> memref<8x2x128xi32, #tpu.memory_space<hbm>>
        tpu.enqueue_dma source(%dma_start3A_268 : memref<8x2x128xi32, #tpu.memory_space<hbm>>) target(%arg6 : memref<8x2x128xi32, #tpu.memory_space<vmem>>) target_semaphore(%run_scoped3A_262 : memref<!tpu.dma_semaphore, #tpu.memory_space<semaphore_mem>>)
        %dma_wait3A_269 = arith.constant 0 : i32
        %dma_wait3A_270 = arith.constant 0 : i32
        %dma_wait3A_271 = tpu.memref_slice %arg2[%add3A_55, %dma_wait3A_269, %dma_wait3A_270] : memref<1280x2x128xi32, #tpu.memory_space<hbm>> -> memref<8x2x128xi32, #tpu.memory_space<hbm>>
        %dma_wait3A_272 = arith.constant 0 : i32
        %dma_wait3A_273 = arith.constant 0 : i32
        %dma_wait3A_274 = tpu.memref_slice %arg2[%add3A_55, %dma_wait3A_272, %dma_wait3A_273] : memref<1280x2x128xi32, #tpu.memory_space<hbm>> -> memref<8x2x128xi32, #tpu.memory_space<hbm>>
        tpu.wait_dma2 semaphore(%run_scoped3A_262 : memref<!tpu.dma_semaphore, #tpu.memory_space<semaphore_mem>>) src(%dma_wait3A_274 : memref<8x2x128xi32, #tpu.memory_space<hbm>>) dst(%arg6 : memref<8x2x128xi32, #tpu.memory_space<vmem>>)
        tpu.yield
      }) : () -> ()
      %dma_start3A = arith.constant 0 : i32
      %dma_start3A_56 = arith.constant 0 : i32
      %dma_start3A_57 = arith.constant 1 : i32
      %dma_start3A_58 = arith.constant 0 : i32
      %dma_start3A_59 = arith.constant 0 : i32
      %dma_start3A_60 = tpu.memref_slice %arg7[%dma_start3A, %dma_start3A_58, %dma_start3A_59] : memref<1x128x16xf32, #tpu.memory_space<vmem>> -> memref<1x128x16xf32, #tpu.memory_space<vmem>>
      %dma_start3A_61 = tpu.memref_squeeze %dma_start3A_60 : memref<1x128x16xf32, #tpu.memory_space<vmem>> -> memref<128x16xf32, #tpu.memory_space<vmem>>
      %dma_start3A_62 = arith.constant 0 : i32
      %dma_start3A_63 = tpu.memref_slice %arg6[%dma_start3A_56, %dma_start3A_57, %dma_start3A_62] : memref<8x2x128xi32, #tpu.memory_space<vmem>> -> memref<1x1x128xi32, #tpu.memory_space<vmem>>
      %dma_start3A_64 = tpu.memref_squeeze %dma_start3A_63 : memref<1x1x128xi32, #tpu.memory_space<vmem>> -> memref<128xi32, #tpu.memory_space<vmem>>
      %dma_start3A_65 = arith.constant 0 : i32
      %dma_start3A_66 = arith.constant 0 : i32
      %dma_start3A_67 = tpu.memref_slice %arg9[%dma_start3A_65, %dma_start3A_66] : memref<10240x16xf32, #tpu.memory_space<vmem_shared>> -> memref<10240x16xf32, #tpu.memory_space<vmem_shared>>
      tpu.enqueue_indirect_dma source(%dma_start3A_61 : memref<128x16xf32, #tpu.memory_space<vmem>>) target(%dma_start3A_67 : memref<10240x16xf32, #tpu.memory_space<vmem_shared>>) offsets(%dma_start3A_64 : memref<128xi32, #tpu.memory_space<vmem>>) semaphore(%arg11 : memref<!tpu.dma_semaphore, #tpu.memory_space<semaphore_mem>>) {add = true}
      %dma_start3A_68 = arith.constant 0 : i32
      %dma_start3A_69 = arith.constant 1 : i32
      %dma_start3A_70 = arith.constant 1 : i32
      %dma_start3A_71 = arith.constant 0 : i32
      %dma_start3A_72 = arith.constant 0 : i32
      %dma_start3A_73 = tpu.memref_slice %arg7[%dma_start3A_68, %dma_start3A_71, %dma_start3A_72] : memref<1x128x16xf32, #tpu.memory_space<vmem>> -> memref<1x128x16xf32, #tpu.memory_space<vmem>>
      %dma_start3A_74 = tpu.memref_squeeze %dma_start3A_73 : memref<1x128x16xf32, #tpu.memory_space<vmem>> -> memref<128x16xf32, #tpu.memory_space<vmem>>
      %dma_start3A_75 = arith.constant 0 : i32
      %dma_start3A_76 = tpu.memref_slice %arg6[%dma_start3A_69, %dma_start3A_70, %dma_start3A_75] : memref<8x2x128xi32, #tpu.memory_space<vmem>> -> memref<1x1x128xi32, #tpu.memory_space<vmem>>
      %dma_start3A_77 = tpu.memref_squeeze %dma_start3A_76 : memref<1x1x128xi32, #tpu.memory_space<vmem>> -> memref<128xi32, #tpu.memory_space<vmem>>
      %dma_start3A_78 = arith.constant 0 : i32
      %dma_start3A_79 = arith.constant 0 : i32
      %dma_start3A_80 = tpu.memref_slice %arg9[%dma_start3A_78, %dma_start3A_79] : memref<10240x16xf32, #tpu.memory_space<vmem_shared>> -> memref<10240x16xf32, #tpu.memory_space<vmem_shared>>
      tpu.enqueue_indirect_dma source(%dma_start3A_74 : memref<128x16xf32, #tpu.memory_space<vmem>>) target(%dma_start3A_80 : memref<10240x16xf32, #tpu.memory_space<vmem_shared>>) offsets(%dma_start3A_77 : memref<128xi32, #tpu.memory_space<vmem>>) semaphore(%arg11 : memref<!tpu.dma_semaphore, #tpu.memory_space<semaphore_mem>>) {add = true}
      %dma_start3A_81 = arith.constant 0 : i32
      %dma_start3A_82 = arith.constant 2 : i32
      %dma_start3A_83 = arith.constant 1 : i32
      %dma_start3A_84 = arith.constant 0 : i32
      %dma_start3A_85 = arith.constant 0 : i32
      %dma_start3A_86 = tpu.memref_slice %arg7[%dma_start3A_81, %dma_start3A_84, %dma_start3A_85] : memref<1x128x16xf32, #tpu.memory_space<vmem>> -> memref<1x128x16xf32, #tpu.memory_space<vmem>>
      %dma_start3A_87 = tpu.memref_squeeze %dma_start3A_86 : memref<1x128x16xf32, #tpu.memory_space<vmem>> -> memref<128x16xf32, #tpu.memory_space<vmem>>
      %dma_start3A_88 = arith.constant 0 : i32
      %dma_start3A_89 = tpu.memref_slice %arg6[%dma_start3A_82, %dma_start3A_83, %dma_start3A_88] : memref<8x2x128xi32, #tpu.memory_space<vmem>> -> memref<1x1x128xi32, #tpu.memory_space<vmem>>
      %dma_start3A_90 = tpu.memref_squeeze %dma_start3A_89 : memref<1x1x128xi32, #tpu.memory_space<vmem>> -> memref<128xi32, #tpu.memory_space<vmem>>
      %dma_start3A_91 = arith.constant 0 : i32
      %dma_start3A_92 = arith.constant 0 : i32
      %dma_start3A_93 = tpu.memref_slice %arg9[%dma_start3A_91, %dma_start3A_92] : memref<10240x16xf32, #tpu.memory_space<vmem_shared>> -> memref<10240x16xf32, #tpu.memory_space<vmem_shared>>
      tpu.enqueue_indirect_dma source(%dma_start3A_87 : memref<128x16xf32, #tpu.memory_space<vmem>>) target(%dma_start3A_93 : memref<10240x16xf32, #tpu.memory_space<vmem_shared>>) offsets(%dma_start3A_90 : memref<128xi32, #tpu.memory_space<vmem>>) semaphore(%arg11 : memref<!tpu.dma_semaphore, #tpu.memory_space<semaphore_mem>>) {add = true}
      %dma_start3A_94 = arith.constant 0 : i32
      %dma_start3A_95 = arith.constant 3 : i32
      %dma_start3A_96 = arith.constant 1 : i32
      %dma_start3A_97 = arith.constant 0 : i32
      %dma_start3A_98 = arith.constant 0 : i32
      %dma_start3A_99 = tpu.memref_slice %arg7[%dma_start3A_94, %dma_start3A_97, %dma_start3A_98] : memref<1x128x16xf32, #tpu.memory_space<vmem>> -> memref<1x128x16xf32, #tpu.memory_space<vmem>>
      %dma_start3A_100 = tpu.memref_squeeze %dma_start3A_99 : memref<1x128x16xf32, #tpu.memory_space<vmem>> -> memref<128x16xf32, #tpu.memory_space<vmem>>
      %dma_start3A_101 = arith.constant 0 : i32
      %dma_start3A_102 = tpu.memref_slice %arg6[%dma_start3A_95, %dma_start3A_96, %dma_start3A_101] : memref<8x2x128xi32, #tpu.memory_space<vmem>> -> memref<1x1x128xi32, #tpu.memory_space<vmem>>
      %dma_start3A_103 = tpu.memref_squeeze %dma_start3A_102 : memref<1x1x128xi32, #tpu.memory_space<vmem>> -> memref<128xi32, #tpu.memory_space<vmem>>
      %dma_start3A_104 = arith.constant 0 : i32
      %dma_start3A_105 = arith.constant 0 : i32
      %dma_start3A_106 = tpu.memref_slice %arg9[%dma_start3A_104, %dma_start3A_105] : memref<10240x16xf32, #tpu.memory_space<vmem_shared>> -> memref<10240x16xf32, #tpu.memory_space<vmem_shared>>
      tpu.enqueue_indirect_dma source(%dma_start3A_100 : memref<128x16xf32, #tpu.memory_space<vmem>>) target(%dma_start3A_106 : memref<10240x16xf32, #tpu.memory_space<vmem_shared>>) offsets(%dma_start3A_103 : memref<128xi32, #tpu.memory_space<vmem>>) semaphore(%arg11 : memref<!tpu.dma_semaphore, #tpu.memory_space<semaphore_mem>>) {add = true}
      %dma_start3A_107 = arith.constant 0 : i32
      %dma_start3A_108 = arith.constant 4 : i32
      %dma_start3A_109 = arith.constant 1 : i32
      %dma_start3A_110 = arith.constant 0 : i32
      %dma_start3A_111 = arith.constant 0 : i32
      %dma_start3A_112 = tpu.memref_slice %arg7[%dma_start3A_107, %dma_start3A_110, %dma_start3A_111] : memref<1x128x16xf32, #tpu.memory_space<vmem>> -> memref<1x128x16xf32, #tpu.memory_space<vmem>>
      %dma_start3A_113 = tpu.memref_squeeze %dma_start3A_112 : memref<1x128x16xf32, #tpu.memory_space<vmem>> -> memref<128x16xf32, #tpu.memory_space<vmem>>
      %dma_start3A_114 = arith.constant 0 : i32
      %dma_start3A_115 = tpu.memref_slice %arg6[%dma_start3A_108, %dma_start3A_109, %dma_start3A_114] : memref<8x2x128xi32, #tpu.memory_space<vmem>> -> memref<1x1x128xi32, #tpu.memory_space<vmem>>
      %dma_start3A_116 = tpu.memref_squeeze %dma_start3A_115 : memref<1x1x128xi32, #tpu.memory_space<vmem>> -> memref<128xi32, #tpu.memory_space<vmem>>
      %dma_start3A_117 = arith.constant 0 : i32
      %dma_start3A_118 = arith.constant 0 : i32
      %dma_start3A_119 = tpu.memref_slice %arg9[%dma_start3A_117, %dma_start3A_118] : memref<10240x16xf32, #tpu.memory_space<vmem_shared>> -> memref<10240x16xf32, #tpu.memory_space<vmem_shared>>
      tpu.enqueue_indirect_dma source(%dma_start3A_113 : memref<128x16xf32, #tpu.memory_space<vmem>>) target(%dma_start3A_119 : memref<10240x16xf32, #tpu.memory_space<vmem_shared>>) offsets(%dma_start3A_116 : memref<128xi32, #tpu.memory_space<vmem>>) semaphore(%arg11 : memref<!tpu.dma_semaphore, #tpu.memory_space<semaphore_mem>>) {add = true}
      %dma_start3A_120 = arith.constant 0 : i32
      %dma_start3A_121 = arith.constant 5 : i32
      %dma_start3A_122 = arith.constant 1 : i32
      %dma_start3A_123 = arith.constant 0 : i32
      %dma_start3A_124 = arith.constant 0 : i32
      %dma_start3A_125 = tpu.memref_slice %arg7[%dma_start3A_120, %dma_start3A_123, %dma_start3A_124] : memref<1x128x16xf32, #tpu.memory_space<vmem>> -> memref<1x128x16xf32, #tpu.memory_space<vmem>>
      %dma_start3A_126 = tpu.memref_squeeze %dma_start3A_125 : memref<1x128x16xf32, #tpu.memory_space<vmem>> -> memref<128x16xf32, #tpu.memory_space<vmem>>
      %dma_start3A_127 = arith.constant 0 : i32
      %dma_start3A_128 = tpu.memref_slice %arg6[%dma_start3A_121, %dma_start3A_122, %dma_start3A_127] : memref<8x2x128xi32, #tpu.memory_space<vmem>> -> memref<1x1x128xi32, #tpu.memory_space<vmem>>
      %dma_start3A_129 = tpu.memref_squeeze %dma_start3A_128 : memref<1x1x128xi32, #tpu.memory_space<vmem>> -> memref<128xi32, #tpu.memory_space<vmem>>
      %dma_start3A_130 = arith.constant 0 : i32
      %dma_start3A_131 = arith.constant 0 : i32
      %dma_start3A_132 = tpu.memref_slice %arg9[%dma_start3A_130, %dma_start3A_131] : memref<10240x16xf32, #tpu.memory_space<vmem_shared>> -> memref<10240x16xf32, #tpu.memory_space<vmem_shared>>
      tpu.enqueue_indirect_dma source(%dma_start3A_126 : memref<128x16xf32, #tpu.memory_space<vmem>>) target(%dma_start3A_132 : memref<10240x16xf32, #tpu.memory_space<vmem_shared>>) offsets(%dma_start3A_129 : memref<128xi32, #tpu.memory_space<vmem>>) semaphore(%arg11 : memref<!tpu.dma_semaphore, #tpu.memory_space<semaphore_mem>>) {add = true}
      %dma_start3A_133 = arith.constant 0 : i32
      %dma_start3A_134 = arith.constant 6 : i32
      %dma_start3A_135 = arith.constant 1 : i32
      %dma_start3A_136 = arith.constant 0 : i32
      %dma_start3A_137 = arith.constant 0 : i32
      %dma_start3A_138 = tpu.memref_slice %arg7[%dma_start3A_133, %dma_start3A_136, %dma_start3A_137] : memref<1x128x16xf32, #tpu.memory_space<vmem>> -> memref<1x128x16xf32, #tpu.memory_space<vmem>>
      %dma_start3A_139 = tpu.memref_squeeze %dma_start3A_138 : memref<1x128x16xf32, #tpu.memory_space<vmem>> -> memref<128x16xf32, #tpu.memory_space<vmem>>
      %dma_start3A_140 = arith.constant 0 : i32
      %dma_start3A_141 = tpu.memref_slice %arg6[%dma_start3A_134, %dma_start3A_135, %dma_start3A_140] : memref<8x2x128xi32, #tpu.memory_space<vmem>> -> memref<1x1x128xi32, #tpu.memory_space<vmem>>
      %dma_start3A_142 = tpu.memref_squeeze %dma_start3A_141 : memref<1x1x128xi32, #tpu.memory_space<vmem>> -> memref<128xi32, #tpu.memory_space<vmem>>
      %dma_start3A_143 = arith.constant 0 : i32
      %dma_start3A_144 = arith.constant 0 : i32
      %dma_start3A_145 = tpu.memref_slice %arg9[%dma_start3A_143, %dma_start3A_144] : memref<10240x16xf32, #tpu.memory_space<vmem_shared>> -> memref<10240x16xf32, #tpu.memory_space<vmem_shared>>
      tpu.enqueue_indirect_dma source(%dma_start3A_139 : memref<128x16xf32, #tpu.memory_space<vmem>>) target(%dma_start3A_145 : memref<10240x16xf32, #tpu.memory_space<vmem_shared>>) offsets(%dma_start3A_142 : memref<128xi32, #tpu.memory_space<vmem>>) semaphore(%arg11 : memref<!tpu.dma_semaphore, #tpu.memory_space<semaphore_mem>>) {add = true}
      %dma_start3A_146 = arith.constant 0 : i32
      %dma_start3A_147 = arith.constant 7 : i32
      %dma_start3A_148 = arith.constant 1 : i32
      %dma_start3A_149 = arith.constant 0 : i32
      %dma_start3A_150 = arith.constant 0 : i32
      %dma_start3A_151 = tpu.memref_slice %arg7[%dma_start3A_146, %dma_start3A_149, %dma_start3A_150] : memref<1x128x16xf32, #tpu.memory_space<vmem>> -> memref<1x128x16xf32, #tpu.memory_space<vmem>>
      %dma_start3A_152 = tpu.memref_squeeze %dma_start3A_151 : memref<1x128x16xf32, #tpu.memory_space<vmem>> -> memref<128x16xf32, #tpu.memory_space<vmem>>
      %dma_start3A_153 = arith.constant 0 : i32
      %dma_start3A_154 = tpu.memref_slice %arg6[%dma_start3A_147, %dma_start3A_148, %dma_start3A_153] : memref<8x2x128xi32, #tpu.memory_space<vmem>> -> memref<1x1x128xi32, #tpu.memory_space<vmem>>
      %dma_start3A_155 = tpu.memref_squeeze %dma_start3A_154 : memref<1x1x128xi32, #tpu.memory_space<vmem>> -> memref<128xi32, #tpu.memory_space<vmem>>
      %dma_start3A_156 = arith.constant 0 : i32
      %dma_start3A_157 = arith.constant 0 : i32
      %dma_start3A_158 = tpu.memref_slice %arg9[%dma_start3A_156, %dma_start3A_157] : memref<10240x16xf32, #tpu.memory_space<vmem_shared>> -> memref<10240x16xf32, #tpu.memory_space<vmem_shared>>
      tpu.enqueue_indirect_dma source(%dma_start3A_152 : memref<128x16xf32, #tpu.memory_space<vmem>>) target(%dma_start3A_158 : memref<10240x16xf32, #tpu.memory_space<vmem_shared>>) offsets(%dma_start3A_155 : memref<128xi32, #tpu.memory_space<vmem>>) semaphore(%arg11 : memref<!tpu.dma_semaphore, #tpu.memory_space<semaphore_mem>>) {add = true}
      %dma_wait3A = arith.constant 0 : i32
      %dma_wait3A_159 = arith.constant 0 : i32
      %dma_wait3A_160 = arith.constant 1 : i32
      %dma_wait3A_161 = arith.constant 0 : i32
      %dma_wait3A_162 = arith.constant 0 : i32
      %dma_wait3A_163 = tpu.memref_slice %arg7[%dma_wait3A, %dma_wait3A_161, %dma_wait3A_162] : memref<1x128x16xf32, #tpu.memory_space<vmem>> -> memref<1x128x16xf32, #tpu.memory_space<vmem>>
      %dma_wait3A_164 = tpu.memref_squeeze %dma_wait3A_163 : memref<1x128x16xf32, #tpu.memory_space<vmem>> -> memref<128x16xf32, #tpu.memory_space<vmem>>
      %dma_wait3A_165 = arith.constant 0 : i32
      %dma_wait3A_166 = tpu.memref_slice %arg6[%dma_wait3A_159, %dma_wait3A_160, %dma_wait3A_165] : memref<8x2x128xi32, #tpu.memory_space<vmem>> -> memref<1x1x128xi32, #tpu.memory_space<vmem>>
      %dma_wait3A_167 = tpu.memref_squeeze %dma_wait3A_166 : memref<1x1x128xi32, #tpu.memory_space<vmem>> -> memref<128xi32, #tpu.memory_space<vmem>>
      %dma_wait3A_168 = arith.constant 0 : i32
      %dma_wait3A_169 = arith.constant 0 : i32
      %dma_wait3A_170 = tpu.memref_slice %arg9[%dma_wait3A_168, %dma_wait3A_169] : memref<10240x16xf32, #tpu.memory_space<vmem_shared>> -> memref<10240x16xf32, #tpu.memory_space<vmem_shared>>
      tpu.wait_indirect_dma semaphore(%arg11 : memref<!tpu.dma_semaphore, #tpu.memory_space<semaphore_mem>>) src(%dma_wait3A_164 : memref<128x16xf32, #tpu.memory_space<vmem>>) dst(%dma_wait3A_170 : memref<10240x16xf32, #tpu.memory_space<vmem_shared>>)
      %dma_wait3A_171 = arith.constant 0 : i32
      %dma_wait3A_172 = arith.constant 1 : i32
      %dma_wait3A_173 = arith.constant 1 : i32
      %dma_wait3A_174 = arith.constant 0 : i32
      %dma_wait3A_175 = arith.constant 0 : i32
      %dma_wait3A_176 = tpu.memref_slice %arg7[%dma_wait3A_171, %dma_wait3A_174, %dma_wait3A_175] : memref<1x128x16xf32, #tpu.memory_space<vmem>> -> memref<1x128x16xf32, #tpu.memory_space<vmem>>
      %dma_wait3A_177 = tpu.memref_squeeze %dma_wait3A_176 : memref<1x128x16xf32, #tpu.memory_space<vmem>> -> memref<128x16xf32, #tpu.memory_space<vmem>>
      %dma_wait3A_178 = arith.constant 0 : i32
      %dma_wait3A_179 = tpu.memref_slice %arg6[%dma_wait3A_172, %dma_wait3A_173, %dma_wait3A_178] : memref<8x2x128xi32, #tpu.memory_space<vmem>> -> memref<1x1x128xi32, #tpu.memory_space<vmem>>
      %dma_wait3A_180 = tpu.memref_squeeze %dma_wait3A_179 : memref<1x1x128xi32, #tpu.memory_space<vmem>> -> memref<128xi32, #tpu.memory_space<vmem>>
      %dma_wait3A_181 = arith.constant 0 : i32
      %dma_wait3A_182 = arith.constant 0 : i32
      %dma_wait3A_183 = tpu.memref_slice %arg9[%dma_wait3A_181, %dma_wait3A_182] : memref<10240x16xf32, #tpu.memory_space<vmem_shared>> -> memref<10240x16xf32, #tpu.memory_space<vmem_shared>>
      tpu.wait_indirect_dma semaphore(%arg11 : memref<!tpu.dma_semaphore, #tpu.memory_space<semaphore_mem>>) src(%dma_wait3A_177 : memref<128x16xf32, #tpu.memory_space<vmem>>) dst(%dma_wait3A_183 : memref<10240x16xf32, #tpu.memory_space<vmem_shared>>)
      %dma_wait3A_184 = arith.constant 0 : i32
      %dma_wait3A_185 = arith.constant 2 : i32
      %dma_wait3A_186 = arith.constant 1 : i32
      %dma_wait3A_187 = arith.constant 0 : i32
      %dma_wait3A_188 = arith.constant 0 : i32
      %dma_wait3A_189 = tpu.memref_slice %arg7[%dma_wait3A_184, %dma_wait3A_187, %dma_wait3A_188] : memref<1x128x16xf32, #tpu.memory_space<vmem>> -> memref<1x128x16xf32, #tpu.memory_space<vmem>>
      %dma_wait3A_190 = tpu.memref_squeeze %dma_wait3A_189 : memref<1x128x16xf32, #tpu.memory_space<vmem>> -> memref<128x16xf32, #tpu.memory_space<vmem>>
      %dma_wait3A_191 = arith.constant 0 : i32
      %dma_wait3A_192 = tpu.memref_slice %arg6[%dma_wait3A_185, %dma_wait3A_186, %dma_wait3A_191] : memref<8x2x128xi32, #tpu.memory_space<vmem>> -> memref<1x1x128xi32, #tpu.memory_space<vmem>>
      %dma_wait3A_193 = tpu.memref_squeeze %dma_wait3A_192 : memref<1x1x128xi32, #tpu.memory_space<vmem>> -> memref<128xi32, #tpu.memory_space<vmem>>
      %dma_wait3A_194 = arith.constant 0 : i32
      %dma_wait3A_195 = arith.constant 0 : i32
      %dma_wait3A_196 = tpu.memref_slice %arg9[%dma_wait3A_194, %dma_wait3A_195] : memref<10240x16xf32, #tpu.memory_space<vmem_shared>> -> memref<10240x16xf32, #tpu.memory_space<vmem_shared>>
      tpu.wait_indirect_dma semaphore(%arg11 : memref<!tpu.dma_semaphore, #tpu.memory_space<semaphore_mem>>) src(%dma_wait3A_190 : memref<128x16xf32, #tpu.memory_space<vmem>>) dst(%dma_wait3A_196 : memref<10240x16xf32, #tpu.memory_space<vmem_shared>>)
      %dma_wait3A_197 = arith.constant 0 : i32
      %dma_wait3A_198 = arith.constant 3 : i32
      %dma_wait3A_199 = arith.constant 1 : i32
      %dma_wait3A_200 = arith.constant 0 : i32
      %dma_wait3A_201 = arith.constant 0 : i32
      %dma_wait3A_202 = tpu.memref_slice %arg7[%dma_wait3A_197, %dma_wait3A_200, %dma_wait3A_201] : memref<1x128x16xf32, #tpu.memory_space<vmem>> -> memref<1x128x16xf32, #tpu.memory_space<vmem>>
      %dma_wait3A_203 = tpu.memref_squeeze %dma_wait3A_202 : memref<1x128x16xf32, #tpu.memory_space<vmem>> -> memref<128x16xf32, #tpu.memory_space<vmem>>
      %dma_wait3A_204 = arith.constant 0 : i32
      %dma_wait3A_205 = tpu.memref_slice %arg6[%dma_wait3A_198, %dma_wait3A_199, %dma_wait3A_204] : memref<8x2x128xi32, #tpu.memory_space<vmem>> -> memref<1x1x128xi32, #tpu.memory_space<vmem>>
      %dma_wait3A_206 = tpu.memref_squeeze %dma_wait3A_205 : memref<1x1x128xi32, #tpu.memory_space<vmem>> -> memref<128xi32, #tpu.memory_space<vmem>>
      %dma_wait3A_207 = arith.constant 0 : i32
      %dma_wait3A_208 = arith.constant 0 : i32
      %dma_wait3A_209 = tpu.memref_slice %arg9[%dma_wait3A_207, %dma_wait3A_208] : memref<10240x16xf32, #tpu.memory_space<vmem_shared>> -> memref<10240x16xf32, #tpu.memory_space<vmem_shared>>
      tpu.wait_indirect_dma semaphore(%arg11 : memref<!tpu.dma_semaphore, #tpu.memory_space<semaphore_mem>>) src(%dma_wait3A_203 : memref<128x16xf32, #tpu.memory_space<vmem>>) dst(%dma_wait3A_209 : memref<10240x16xf32, #tpu.memory_space<vmem_shared>>)
      %dma_wait3A_210 = arith.constant 0 : i32
      %dma_wait3A_211 = arith.constant 4 : i32
      %dma_wait3A_212 = arith.constant 1 : i32
      %dma_wait3A_213 = arith.constant 0 : i32
      %dma_wait3A_214 = arith.constant 0 : i32
      %dma_wait3A_215 = tpu.memref_slice %arg7[%dma_wait3A_210, %dma_wait3A_213, %dma_wait3A_214] : memref<1x128x16xf32, #tpu.memory_space<vmem>> -> memref<1x128x16xf32, #tpu.memory_space<vmem>>
      %dma_wait3A_216 = tpu.memref_squeeze %dma_wait3A_215 : memref<1x128x16xf32, #tpu.memory_space<vmem>> -> memref<128x16xf32, #tpu.memory_space<vmem>>
      %dma_wait3A_217 = arith.constant 0 : i32
      %dma_wait3A_218 = tpu.memref_slice %arg6[%dma_wait3A_211, %dma_wait3A_212, %dma_wait3A_217] : memref<8x2x128xi32, #tpu.memory_space<vmem>> -> memref<1x1x128xi32, #tpu.memory_space<vmem>>
      %dma_wait3A_219 = tpu.memref_squeeze %dma_wait3A_218 : memref<1x1x128xi32, #tpu.memory_space<vmem>> -> memref<128xi32, #tpu.memory_space<vmem>>
      %dma_wait3A_220 = arith.constant 0 : i32
      %dma_wait3A_221 = arith.constant 0 : i32
      %dma_wait3A_222 = tpu.memref_slice %arg9[%dma_wait3A_220, %dma_wait3A_221] : memref<10240x16xf32, #tpu.memory_space<vmem_shared>> -> memref<10240x16xf32, #tpu.memory_space<vmem_shared>>
      tpu.wait_indirect_dma semaphore(%arg11 : memref<!tpu.dma_semaphore, #tpu.memory_space<semaphore_mem>>) src(%dma_wait3A_216 : memref<128x16xf32, #tpu.memory_space<vmem>>) dst(%dma_wait3A_222 : memref<10240x16xf32, #tpu.memory_space<vmem_shared>>)
      %dma_wait3A_223 = arith.constant 0 : i32
      %dma_wait3A_224 = arith.constant 5 : i32
      %dma_wait3A_225 = arith.constant 1 : i32
      %dma_wait3A_226 = arith.constant 0 : i32
      %dma_wait3A_227 = arith.constant 0 : i32
      %dma_wait3A_228 = tpu.memref_slice %arg7[%dma_wait3A_223, %dma_wait3A_226, %dma_wait3A_227] : memref<1x128x16xf32, #tpu.memory_space<vmem>> -> memref<1x128x16xf32, #tpu.memory_space<vmem>>
      %dma_wait3A_229 = tpu.memref_squeeze %dma_wait3A_228 : memref<1x128x16xf32, #tpu.memory_space<vmem>> -> memref<128x16xf32, #tpu.memory_space<vmem>>
      %dma_wait3A_230 = arith.constant 0 : i32
      %dma_wait3A_231 = tpu.memref_slice %arg6[%dma_wait3A_224, %dma_wait3A_225, %dma_wait3A_230] : memref<8x2x128xi32, #tpu.memory_space<vmem>> -> memref<1x1x128xi32, #tpu.memory_space<vmem>>
      %dma_wait3A_232 = tpu.memref_squeeze %dma_wait3A_231 : memref<1x1x128xi32, #tpu.memory_space<vmem>> -> memref<128xi32, #tpu.memory_space<vmem>>
      %dma_wait3A_233 = arith.constant 0 : i32
      %dma_wait3A_234 = arith.constant 0 : i32
      %dma_wait3A_235 = tpu.memref_slice %arg9[%dma_wait3A_233, %dma_wait3A_234] : memref<10240x16xf32, #tpu.memory_space<vmem_shared>> -> memref<10240x16xf32, #tpu.memory_space<vmem_shared>>
      tpu.wait_indirect_dma semaphore(%arg11 : memref<!tpu.dma_semaphore, #tpu.memory_space<semaphore_mem>>) src(%dma_wait3A_229 : memref<128x16xf32, #tpu.memory_space<vmem>>) dst(%dma_wait3A_235 : memref<10240x16xf32, #tpu.memory_space<vmem_shared>>)
      %dma_wait3A_236 = arith.constant 0 : i32
      %dma_wait3A_237 = arith.constant 6 : i32
      %dma_wait3A_238 = arith.constant 1 : i32
      %dma_wait3A_239 = arith.constant 0 : i32
      %dma_wait3A_240 = arith.constant 0 : i32
      %dma_wait3A_241 = tpu.memref_slice %arg7[%dma_wait3A_236, %dma_wait3A_239, %dma_wait3A_240] : memref<1x128x16xf32, #tpu.memory_space<vmem>> -> memref<1x128x16xf32, #tpu.memory_space<vmem>>
      %dma_wait3A_242 = tpu.memref_squeeze %dma_wait3A_241 : memref<1x128x16xf32, #tpu.memory_space<vmem>> -> memref<128x16xf32, #tpu.memory_space<vmem>>
      %dma_wait3A_243 = arith.constant 0 : i32
      %dma_wait3A_244 = tpu.memref_slice %arg6[%dma_wait3A_237, %dma_wait3A_238, %dma_wait3A_243] : memref<8x2x128xi32, #tpu.memory_space<vmem>> -> memref<1x1x128xi32, #tpu.memory_space<vmem>>
      %dma_wait3A_245 = tpu.memref_squeeze %dma_wait3A_244 : memref<1x1x128xi32, #tpu.memory_space<vmem>> -> memref<128xi32, #tpu.memory_space<vmem>>
      %dma_wait3A_246 = arith.constant 0 : i32
      %dma_wait3A_247 = arith.constant 0 : i32
      %dma_wait3A_248 = tpu.memref_slice %arg9[%dma_wait3A_246, %dma_wait3A_247] : memref<10240x16xf32, #tpu.memory_space<vmem_shared>> -> memref<10240x16xf32, #tpu.memory_space<vmem_shared>>
      tpu.wait_indirect_dma semaphore(%arg11 : memref<!tpu.dma_semaphore, #tpu.memory_space<semaphore_mem>>) src(%dma_wait3A_242 : memref<128x16xf32, #tpu.memory_space<vmem>>) dst(%dma_wait3A_248 : memref<10240x16xf32, #tpu.memory_space<vmem_shared>>)
      %dma_wait3A_249 = arith.constant 0 : i32
      %dma_wait3A_250 = arith.constant 7 : i32
      %dma_wait3A_251 = arith.constant 1 : i32
      %dma_wait3A_252 = arith.constant 0 : i32
      %dma_wait3A_253 = arith.constant 0 : i32
      %dma_wait3A_254 = tpu.memref_slice %arg7[%dma_wait3A_249, %dma_wait3A_252, %dma_wait3A_253] : memref<1x128x16xf32, #tpu.memory_space<vmem>> -> memref<1x128x16xf32, #tpu.memory_space<vmem>>
      %dma_wait3A_255 = tpu.memref_squeeze %dma_wait3A_254 : memref<1x128x16xf32, #tpu.memory_space<vmem>> -> memref<128x16xf32, #tpu.memory_space<vmem>>
      %dma_wait3A_256 = arith.constant 0 : i32
      %dma_wait3A_257 = tpu.memref_slice %arg6[%dma_wait3A_250, %dma_wait3A_251, %dma_wait3A_256] : memref<8x2x128xi32, #tpu.memory_space<vmem>> -> memref<1x1x128xi32, #tpu.memory_space<vmem>>
      %dma_wait3A_258 = tpu.memref_squeeze %dma_wait3A_257 : memref<1x1x128xi32, #tpu.memory_space<vmem>> -> memref<128xi32, #tpu.memory_space<vmem>>
      %dma_wait3A_259 = arith.constant 0 : i32
      %dma_wait3A_260 = arith.constant 0 : i32
      %dma_wait3A_261 = tpu.memref_slice %arg9[%dma_wait3A_259, %dma_wait3A_260] : memref<10240x16xf32, #tpu.memory_space<vmem_shared>> -> memref<10240x16xf32, #tpu.memory_space<vmem_shared>>
      tpu.wait_indirect_dma semaphore(%arg11 : memref<!tpu.dma_semaphore, #tpu.memory_space<semaphore_mem>>) src(%dma_wait3A_255 : memref<128x16xf32, #tpu.memory_space<vmem>>) dst(%dma_wait3A_261 : memref<10240x16xf32, #tpu.memory_space<vmem_shared>>)
    }
    %while3A_45 = arith.constant 1 : i32
    scf.for %while3A_50 = %while3A_43 to %while3A_39 step %while3A_45  : i32 {
      %mul3A_51 = arith.muli %while3A_50, %while3A : i32
      %add3A_52 = arith.addi %while3A_36, %mul3A_51 : i32
      %mul3A_53 = arith.constant 8 : i32
      %mul3A_54 = arith.muli %add3A_52, %mul3A_53 : i32
      %add3A_55 = arith.addi %add3A, %mul3A_54 : i32
      "tpu.region"() ({
        %run_scoped3A_262 = tpu.sem_alloc : memref<!tpu.dma_semaphore, #tpu.memory_space<semaphore_mem>>
        %dma_start3A_263 = arith.constant 0 : i32
        %dma_start3A_264 = arith.constant 0 : i32
        %dma_start3A_265 = tpu.memref_slice %arg2[%add3A_55, %dma_start3A_263, %dma_start3A_264] : memref<1280x2x128xi32, #tpu.memory_space<hbm>> -> memref<8x2x128xi32, #tpu.memory_space<hbm>>
        %dma_start3A_266 = arith.constant 0 : i32
        %dma_start3A_267 = arith.constant 0 : i32
        %dma_start3A_268 = tpu.memref_slice %arg2[%add3A_55, %dma_start3A_266, %dma_start3A_267] : memref<1280x2x128xi32, #tpu.memory_space<hbm>> -> memref<8x2x128xi32, #tpu.memory_space<hbm>>
        tpu.enqueue_dma source(%dma_start3A_268 : memref<8x2x128xi32, #tpu.memory_space<hbm>>) target(%arg6 : memref<8x2x128xi32, #tpu.memory_space<vmem>>) target_semaphore(%run_scoped3A_262 : memref<!tpu.dma_semaphore, #tpu.memory_space<semaphore_mem>>)
        %dma_wait3A_269 = arith.constant 0 : i32
        %dma_wait3A_270 = arith.constant 0 : i32
        %dma_wait3A_271 = tpu.memref_slice %arg2[%add3A_55, %dma_wait3A_269, %dma_wait3A_270] : memref<1280x2x128xi32, #tpu.memory_space<hbm>> -> memref<8x2x128xi32, #tpu.memory_space<hbm>>
        %dma_wait3A_272 = arith.constant 0 : i32
        %dma_wait3A_273 = arith.constant 0 : i32
        %dma_wait3A_274 = tpu.memref_slice %arg2[%add3A_55, %dma_wait3A_272, %dma_wait3A_273] : memref<1280x2x128xi32, #tpu.memory_space<hbm>> -> memref<8x2x128xi32, #tpu.memory_space<hbm>>
        tpu.wait_dma2 semaphore(%run_scoped3A_262 : memref<!tpu.dma_semaphore, #tpu.memory_space<semaphore_mem>>) src(%dma_wait3A_274 : memref<8x2x128xi32, #tpu.memory_space<hbm>>) dst(%arg6 : memref<8x2x128xi32, #tpu.memory_space<vmem>>)
        tpu.yield
      }) : () -> ()
      %dma_start3A = arith.constant 0 : i32
      %dma_start3A_56 = arith.constant 0 : i32
      %dma_start3A_57 = arith.constant 1 : i32
      %dma_start3A_58 = arith.constant 0 : i32
      %dma_start3A_59 = arith.constant 0 : i32
      %dma_start3A_60 = tpu.memref_slice %arg7[%dma_start3A, %dma_start3A_58, %dma_start3A_59] : memref<1x128x16xf32, #tpu.memory_space<vmem>> -> memref<1x128x16xf32, #tpu.memory_space<vmem>>
      %dma_start3A_61 = tpu.memref_squeeze %dma_start3A_60 : memref<1x128x16xf32, #tpu.memory_space<vmem>> -> memref<128x16xf32, #tpu.memory_space<vmem>>
      %dma_start3A_62 = arith.constant 0 : i32
      %dma_start3A_63 = tpu.memref_slice %arg6[%dma_start3A_56, %dma_start3A_57, %dma_start3A_62] : memref<8x2x128xi32, #tpu.memory_space<vmem>> -> memref<1x1x128xi32, #tpu.memory_space<vmem>>
      %dma_start3A_64 = tpu.memref_squeeze %dma_start3A_63 : memref<1x1x128xi32, #tpu.memory_space<vmem>> -> memref<128xi32, #tpu.memory_space<vmem>>
      %dma_start3A_65 = arith.constant 0 : i32
      %dma_start3A_66 = arith.constant 0 : i32
      %dma_start3A_67 = tpu.memref_slice %arg9[%dma_start3A_65, %dma_start3A_66] : memref<10240x16xf32, #tpu.memory_space<vmem_shared>> -> memref<10240x16xf32, #tpu.memory_space<vmem_shared>>
      tpu.enqueue_indirect_dma source(%dma_start3A_61 : memref<128x16xf32, #tpu.memory_space<vmem>>) target(%dma_start3A_67 : memref<10240x16xf32, #tpu.memory_space<vmem_shared>>) offsets(%dma_start3A_64 : memref<128xi32, #tpu.memory_space<vmem>>) semaphore(%arg11 : memref<!tpu.dma_semaphore, #tpu.memory_space<semaphore_mem>>) {add = true}
      %dma_start3A_68 = arith.constant 0 : i32
      %dma_start3A_69 = arith.constant 1 : i32
      %dma_start3A_70 = arith.constant 1 : i32
      %dma_start3A_71 = arith.constant 0 : i32
      %dma_start3A_72 = arith.constant 0 : i32
      %dma_start3A_73 = tpu.memref_slice %arg7[%dma_start3A_68, %dma_start3A_71, %dma_start3A_72] : memref<1x128x16xf32, #tpu.memory_space<vmem>> -> memref<1x128x16xf32, #tpu.memory_space<vmem>>
      %dma_start3A_74 = tpu.memref_squeeze %dma_start3A_73 : memref<1x128x16xf32, #tpu.memory_space<vmem>> -> memref<128x16xf32, #tpu.memory_space<vmem>>
      %dma_start3A_75 = arith.constant 0 : i32
      %dma_start3A_76 = tpu.memref_slice %arg6[%dma_start3A_69, %dma_start3A_70, %dma_start3A_75] : memref<8x2x128xi32, #tpu.memory_space<vmem>> -> memref<1x1x128xi32, #tpu.memory_space<vmem>>
      %dma_start3A_77 = tpu.memref_squeeze %dma_start3A_76 : memref<1x1x128xi32, #tpu.memory_space<vmem>> -> memref<128xi32, #tpu.memory_space<vmem>>
      %dma_start3A_78 = arith.constant 0 : i32
      %dma_start3A_79 = arith.constant 0 : i32
      %dma_start3A_80 = tpu.memref_slice %arg9[%dma_start3A_78, %dma_start3A_79] : memref<10240x16xf32, #tpu.memory_space<vmem_shared>> -> memref<10240x16xf32, #tpu.memory_space<vmem_shared>>
      tpu.enqueue_indirect_dma source(%dma_start3A_74 : memref<128x16xf32, #tpu.memory_space<vmem>>) target(%dma_start3A_80 : memref<10240x16xf32, #tpu.memory_space<vmem_shared>>) offsets(%dma_start3A_77 : memref<128xi32, #tpu.memory_space<vmem>>) semaphore(%arg11 : memref<!tpu.dma_semaphore, #tpu.memory_space<semaphore_mem>>) {add = true}
      %dma_start3A_81 = arith.constant 0 : i32
      %dma_start3A_82 = arith.constant 2 : i32
      %dma_start3A_83 = arith.constant 1 : i32
      %dma_start3A_84 = arith.constant 0 : i32
      %dma_start3A_85 = arith.constant 0 : i32
      %dma_start3A_86 = tpu.memref_slice %arg7[%dma_start3A_81, %dma_start3A_84, %dma_start3A_85] : memref<1x128x16xf32, #tpu.memory_space<vmem>> -> memref<1x128x16xf32, #tpu.memory_space<vmem>>
      %dma_start3A_87 = tpu.memref_squeeze %dma_start3A_86 : memref<1x128x16xf32, #tpu.memory_space<vmem>> -> memref<128x16xf32, #tpu.memory_space<vmem>>
      %dma_start3A_88 = arith.constant 0 : i32
      %dma_start3A_89 = tpu.memref_slice %arg6[%dma_start3A_82, %dma_start3A_83, %dma_start3A_88] : memref<8x2x128xi32, #tpu.memory_space<vmem>> -> memref<1x1x128xi32, #tpu.memory_space<vmem>>
      %dma_start3A_90 = tpu.memref_squeeze %dma_start3A_89 : memref<1x1x128xi32, #tpu.memory_space<vmem>> -> memref<128xi32, #tpu.memory_space<vmem>>
      %dma_start3A_91 = arith.constant 0 : i32
      %dma_start3A_92 = arith.constant 0 : i32
      %dma_start3A_93 = tpu.memref_slice %arg9[%dma_start3A_91, %dma_start3A_92] : memref<10240x16xf32, #tpu.memory_space<vmem_shared>> -> memref<10240x16xf32, #tpu.memory_space<vmem_shared>>
      tpu.enqueue_indirect_dma source(%dma_start3A_87 : memref<128x16xf32, #tpu.memory_space<vmem>>) target(%dma_start3A_93 : memref<10240x16xf32, #tpu.memory_space<vmem_shared>>) offsets(%dma_start3A_90 : memref<128xi32, #tpu.memory_space<vmem>>) semaphore(%arg11 : memref<!tpu.dma_semaphore, #tpu.memory_space<semaphore_mem>>) {add = true}
      %dma_start3A_94 = arith.constant 0 : i32
      %dma_start3A_95 = arith.constant 3 : i32
      %dma_start3A_96 = arith.constant 1 : i32
      %dma_start3A_97 = arith.constant 0 : i32
      %dma_start3A_98 = arith.constant 0 : i32
      %dma_start3A_99 = tpu.memref_slice %arg7[%dma_start3A_94, %dma_start3A_97, %dma_start3A_98] : memref<1x128x16xf32, #tpu.memory_space<vmem>> -> memref<1x128x16xf32, #tpu.memory_space<vmem>>
      %dma_start3A_100 = tpu.memref_squeeze %dma_start3A_99 : memref<1x128x16xf32, #tpu.memory_space<vmem>> -> memref<128x16xf32, #tpu.memory_space<vmem>>
      %dma_start3A_101 = arith.constant 0 : i32
      %dma_start3A_102 = tpu.memref_slice %arg6[%dma_start3A_95, %dma_start3A_96, %dma_start3A_101] : memref<8x2x128xi32, #tpu.memory_space<vmem>> -> memref<1x1x128xi32, #tpu.memory_space<vmem>>
      %dma_start3A_103 = tpu.memref_squeeze %dma_start3A_102 : memref<1x1x128xi32, #tpu.memory_space<vmem>> -> memref<128xi32, #tpu.memory_space<vmem>>
      %dma_start3A_104 = arith.constant 0 : i32
      %dma_start3A_105 = arith.constant 0 : i32
      %dma_start3A_106 = tpu.memref_slice %arg9[%dma_start3A_104, %dma_start3A_105] : memref<10240x16xf32, #tpu.memory_space<vmem_shared>> -> memref<10240x16xf32, #tpu.memory_space<vmem_shared>>
      tpu.enqueue_indirect_dma source(%dma_start3A_100 : memref<128x16xf32, #tpu.memory_space<vmem>>) target(%dma_start3A_106 : memref<10240x16xf32, #tpu.memory_space<vmem_shared>>) offsets(%dma_start3A_103 : memref<128xi32, #tpu.memory_space<vmem>>) semaphore(%arg11 : memref<!tpu.dma_semaphore, #tpu.memory_space<semaphore_mem>>) {add = true}
      %dma_start3A_107 = arith.constant 0 : i32
      %dma_start3A_108 = arith.constant 4 : i32
      %dma_start3A_109 = arith.constant 1 : i32
      %dma_start3A_110 = arith.constant 0 : i32
      %dma_start3A_111 = arith.constant 0 : i32
      %dma_start3A_112 = tpu.memref_slice %arg7[%dma_start3A_107, %dma_start3A_110, %dma_start3A_111] : memref<1x128x16xf32, #tpu.memory_space<vmem>> -> memref<1x128x16xf32, #tpu.memory_space<vmem>>
      %dma_start3A_113 = tpu.memref_squeeze %dma_start3A_112 : memref<1x128x16xf32, #tpu.memory_space<vmem>> -> memref<128x16xf32, #tpu.memory_space<vmem>>
      %dma_start3A_114 = arith.constant 0 : i32
      %dma_start3A_115 = tpu.memref_slice %arg6[%dma_start3A_108, %dma_start3A_109, %dma_start3A_114] : memref<8x2x128xi32, #tpu.memory_space<vmem>> -> memref<1x1x128xi32, #tpu.memory_space<vmem>>
      %dma_start3A_116 = tpu.memref_squeeze %dma_start3A_115 : memref<1x1x128xi32, #tpu.memory_space<vmem>> -> memref<128xi32, #tpu.memory_space<vmem>>
      %dma_start3A_117 = arith.constant 0 : i32
      %dma_start3A_118 = arith.constant 0 : i32
      %dma_start3A_119 = tpu.memref_slice %arg9[%dma_start3A_117, %dma_start3A_118] : memref<10240x16xf32, #tpu.memory_space<vmem_shared>> -> memref<10240x16xf32, #tpu.memory_space<vmem_shared>>
      tpu.enqueue_indirect_dma source(%dma_start3A_113 : memref<128x16xf32, #tpu.memory_space<vmem>>) target(%dma_start3A_119 : memref<10240x16xf32, #tpu.memory_space<vmem_shared>>) offsets(%dma_start3A_116 : memref<128xi32, #tpu.memory_space<vmem>>) semaphore(%arg11 : memref<!tpu.dma_semaphore, #tpu.memory_space<semaphore_mem>>) {add = true}
      %dma_start3A_120 = arith.constant 0 : i32
      %dma_start3A_121 = arith.constant 5 : i32
      %dma_start3A_122 = arith.constant 1 : i32
      %dma_start3A_123 = arith.constant 0 : i32
      %dma_start3A_124 = arith.constant 0 : i32
      %dma_start3A_125 = tpu.memref_slice %arg7[%dma_start3A_120, %dma_start3A_123, %dma_start3A_124] : memref<1x128x16xf32, #tpu.memory_space<vmem>> -> memref<1x128x16xf32, #tpu.memory_space<vmem>>
      %dma_start3A_126 = tpu.memref_squeeze %dma_start3A_125 : memref<1x128x16xf32, #tpu.memory_space<vmem>> -> memref<128x16xf32, #tpu.memory_space<vmem>>
      %dma_start3A_127 = arith.constant 0 : i32
      %dma_start3A_128 = tpu.memref_slice %arg6[%dma_start3A_121, %dma_start3A_122, %dma_start3A_127] : memref<8x2x128xi32, #tpu.memory_space<vmem>> -> memref<1x1x128xi32, #tpu.memory_space<vmem>>
      %dma_start3A_129 = tpu.memref_squeeze %dma_start3A_128 : memref<1x1x128xi32, #tpu.memory_space<vmem>> -> memref<128xi32, #tpu.memory_space<vmem>>
      %dma_start3A_130 = arith.constant 0 : i32
      %dma_start3A_131 = arith.constant 0 : i32
      %dma_start3A_132 = tpu.memref_slice %arg9[%dma_start3A_130, %dma_start3A_131] : memref<10240x16xf32, #tpu.memory_space<vmem_shared>> -> memref<10240x16xf32, #tpu.memory_space<vmem_shared>>
      tpu.enqueue_indirect_dma source(%dma_start3A_126 : memref<128x16xf32, #tpu.memory_space<vmem>>) target(%dma_start3A_132 : memref<10240x16xf32, #tpu.memory_space<vmem_shared>>) offsets(%dma_start3A_129 : memref<128xi32, #tpu.memory_space<vmem>>) semaphore(%arg11 : memref<!tpu.dma_semaphore, #tpu.memory_space<semaphore_mem>>) {add = true}
      %dma_start3A_133 = arith.constant 0 : i32
      %dma_start3A_134 = arith.constant 6 : i32
      %dma_start3A_135 = arith.constant 1 : i32
      %dma_start3A_136 = arith.constant 0 : i32
      %dma_start3A_137 = arith.constant 0 : i32
      %dma_start3A_138 = tpu.memref_slice %arg7[%dma_start3A_133, %dma_start3A_136, %dma_start3A_137] : memref<1x128x16xf32, #tpu.memory_space<vmem>> -> memref<1x128x16xf32, #tpu.memory_space<vmem>>
      %dma_start3A_139 = tpu.memref_squeeze %dma_start3A_138 : memref<1x128x16xf32, #tpu.memory_space<vmem>> -> memref<128x16xf32, #tpu.memory_space<vmem>>
      %dma_start3A_140 = arith.constant 0 : i32
      %dma_start3A_141 = tpu.memref_slice %arg6[%dma_start3A_134, %dma_start3A_135, %dma_start3A_140] : memref<8x2x128xi32, #tpu.memory_space<vmem>> -> memref<1x1x128xi32, #tpu.memory_space<vmem>>
      %dma_start3A_142 = tpu.memref_squeeze %dma_start3A_141 : memref<1x1x128xi32, #tpu.memory_space<vmem>> -> memref<128xi32, #tpu.memory_space<vmem>>
      %dma_start3A_143 = arith.constant 0 : i32
      %dma_start3A_144 = arith.constant 0 : i32
      %dma_start3A_145 = tpu.memref_slice %arg9[%dma_start3A_143, %dma_start3A_144] : memref<10240x16xf32, #tpu.memory_space<vmem_shared>> -> memref<10240x16xf32, #tpu.memory_space<vmem_shared>>
      tpu.enqueue_indirect_dma source(%dma_start3A_139 : memref<128x16xf32, #tpu.memory_space<vmem>>) target(%dma_start3A_145 : memref<10240x16xf32, #tpu.memory_space<vmem_shared>>) offsets(%dma_start3A_142 : memref<128xi32, #tpu.memory_space<vmem>>) semaphore(%arg11 : memref<!tpu.dma_semaphore, #tpu.memory_space<semaphore_mem>>) {add = true}
      %dma_start3A_146 = arith.constant 0 : i32
      %dma_start3A_147 = arith.constant 7 : i32
      %dma_start3A_148 = arith.constant 1 : i32
      %dma_start3A_149 = arith.constant 0 : i32
      %dma_start3A_150 = arith.constant 0 : i32
      %dma_start3A_151 = tpu.memref_slice %arg7[%dma_start3A_146, %dma_start3A_149, %dma_start3A_150] : memref<1x128x16xf32, #tpu.memory_space<vmem>> -> memref<1x128x16xf32, #tpu.memory_space<vmem>>
      %dma_start3A_152 = tpu.memref_squeeze %dma_start3A_151 : memref<1x128x16xf32, #tpu.memory_space<vmem>> -> memref<128x16xf32, #tpu.memory_space<vmem>>
      %dma_start3A_153 = arith.constant 0 : i32
      %dma_start3A_154 = tpu.memref_slice %arg6[%dma_start3A_147, %dma_start3A_148, %dma_start3A_153] : memref<8x2x128xi32, #tpu.memory_space<vmem>> -> memref<1x1x128xi32, #tpu.memory_space<vmem>>
      %dma_start3A_155 = tpu.memref_squeeze %dma_start3A_154 : memref<1x1x128xi32, #tpu.memory_space<vmem>> -> memref<128xi32, #tpu.memory_space<vmem>>
      %dma_start3A_156 = arith.constant 0 : i32
      %dma_start3A_157 = arith.constant 0 : i32
      %dma_start3A_158 = tpu.memref_slice %arg9[%dma_start3A_156, %dma_start3A_157] : memref<10240x16xf32, #tpu.memory_space<vmem_shared>> -> memref<10240x16xf32, #tpu.memory_space<vmem_shared>>
      tpu.enqueue_indirect_dma source(%dma_start3A_152 : memref<128x16xf32, #tpu.memory_space<vmem>>) target(%dma_start3A_158 : memref<10240x16xf32, #tpu.memory_space<vmem_shared>>) offsets(%dma_start3A_155 : memref<128xi32, #tpu.memory_space<vmem>>) semaphore(%arg11 : memref<!tpu.dma_semaphore, #tpu.memory_space<semaphore_mem>>) {add = true}
      %dma_wait3A = arith.constant 0 : i32
      %dma_wait3A_159 = arith.constant 0 : i32
      %dma_wait3A_160 = arith.constant 1 : i32
      %dma_wait3A_161 = arith.constant 0 : i32
      %dma_wait3A_162 = arith.constant 0 : i32
      %dma_wait3A_163 = tpu.memref_slice %arg7[%dma_wait3A, %dma_wait3A_161, %dma_wait3A_162] : memref<1x128x16xf32, #tpu.memory_space<vmem>> -> memref<1x128x16xf32, #tpu.memory_space<vmem>>
      %dma_wait3A_164 = tpu.memref_squeeze %dma_wait3A_163 : memref<1x128x16xf32, #tpu.memory_space<vmem>> -> memref<128x16xf32, #tpu.memory_space<vmem>>
      %dma_wait3A_165 = arith.constant 0 : i32
      %dma_wait3A_166 = tpu.memref_slice %arg6[%dma_wait3A_159, %dma_wait3A_160, %dma_wait3A_165] : memref<8x2x128xi32, #tpu.memory_space<vmem>> -> memref<1x1x128xi32, #tpu.memory_space<vmem>>
      %dma_wait3A_167 = tpu.memref_squeeze %dma_wait3A_166 : memref<1x1x128xi32, #tpu.memory_space<vmem>> -> memref<128xi32, #tpu.memory_space<vmem>>
      %dma_wait3A_168 = arith.constant 0 : i32
      %dma_wait3A_169 = arith.constant 0 : i32
      %dma_wait3A_170 = tpu.memref_slice %arg9[%dma_wait3A_168, %dma_wait3A_169] : memref<10240x16xf32, #tpu.memory_space<vmem_shared>> -> memref<10240x16xf32, #tpu.memory_space<vmem_shared>>
      tpu.wait_indirect_dma semaphore(%arg11 : memref<!tpu.dma_semaphore, #tpu.memory_space<semaphore_mem>>) src(%dma_wait3A_164 : memref<128x16xf32, #tpu.memory_space<vmem>>) dst(%dma_wait3A_170 : memref<10240x16xf32, #tpu.memory_space<vmem_shared>>)
      %dma_wait3A_171 = arith.constant 0 : i32
      %dma_wait3A_172 = arith.constant 1 : i32
      %dma_wait3A_173 = arith.constant 1 : i32
      %dma_wait3A_174 = arith.constant 0 : i32
      %dma_wait3A_175 = arith.constant 0 : i32
      %dma_wait3A_176 = tpu.memref_slice %arg7[%dma_wait3A_171, %dma_wait3A_174, %dma_wait3A_175] : memref<1x128x16xf32, #tpu.memory_space<vmem>> -> memref<1x128x16xf32, #tpu.memory_space<vmem>>
      %dma_wait3A_177 = tpu.memref_squeeze %dma_wait3A_176 : memref<1x128x16xf32, #tpu.memory_space<vmem>> -> memref<128x16xf32, #tpu.memory_space<vmem>>
      %dma_wait3A_178 = arith.constant 0 : i32
      %dma_wait3A_179 = tpu.memref_slice %arg6[%dma_wait3A_172, %dma_wait3A_173, %dma_wait3A_178] : memref<8x2x128xi32, #tpu.memory_space<vmem>> -> memref<1x1x128xi32, #tpu.memory_space<vmem>>
      %dma_wait3A_180 = tpu.memref_squeeze %dma_wait3A_179 : memref<1x1x128xi32, #tpu.memory_space<vmem>> -> memref<128xi32, #tpu.memory_space<vmem>>
      %dma_wait3A_181 = arith.constant 0 : i32
      %dma_wait3A_182 = arith.constant 0 : i32
      %dma_wait3A_183 = tpu.memref_slice %arg9[%dma_wait3A_181, %dma_wait3A_182] : memref<10240x16xf32, #tpu.memory_space<vmem_shared>> -> memref<10240x16xf32, #tpu.memory_space<vmem_shared>>
      tpu.wait_indirect_dma semaphore(%arg11 : memref<!tpu.dma_semaphore, #tpu.memory_space<semaphore_mem>>) src(%dma_wait3A_177 : memref<128x16xf32, #tpu.memory_space<vmem>>) dst(%dma_wait3A_183 : memref<10240x16xf32, #tpu.memory_space<vmem_shared>>)
      %dma_wait3A_184 = arith.constant 0 : i32
      %dma_wait3A_185 = arith.constant 2 : i32
      %dma_wait3A_186 = arith.constant 1 : i32
      %dma_wait3A_187 = arith.constant 0 : i32
      %dma_wait3A_188 = arith.constant 0 : i32
      %dma_wait3A_189 = tpu.memref_slice %arg7[%dma_wait3A_184, %dma_wait3A_187, %dma_wait3A_188] : memref<1x128x16xf32, #tpu.memory_space<vmem>> -> memref<1x128x16xf32, #tpu.memory_space<vmem>>
      %dma_wait3A_190 = tpu.memref_squeeze %dma_wait3A_189 : memref<1x128x16xf32, #tpu.memory_space<vmem>> -> memref<128x16xf32, #tpu.memory_space<vmem>>
      %dma_wait3A_191 = arith.constant 0 : i32
      %dma_wait3A_192 = tpu.memref_slice %arg6[%dma_wait3A_185, %dma_wait3A_186, %dma_wait3A_191] : memref<8x2x128xi32, #tpu.memory_space<vmem>> -> memref<1x1x128xi32, #tpu.memory_space<vmem>>
      %dma_wait3A_193 = tpu.memref_squeeze %dma_wait3A_192 : memref<1x1x128xi32, #tpu.memory_space<vmem>> -> memref<128xi32, #tpu.memory_space<vmem>>
      %dma_wait3A_194 = arith.constant 0 : i32
      %dma_wait3A_195 = arith.constant 0 : i32
      %dma_wait3A_196 = tpu.memref_slice %arg9[%dma_wait3A_194, %dma_wait3A_195] : memref<10240x16xf32, #tpu.memory_space<vmem_shared>> -> memref<10240x16xf32, #tpu.memory_space<vmem_shared>>
      tpu.wait_indirect_dma semaphore(%arg11 : memref<!tpu.dma_semaphore, #tpu.memory_space<semaphore_mem>>) src(%dma_wait3A_190 : memref<128x16xf32, #tpu.memory_space<vmem>>) dst(%dma_wait3A_196 : memref<10240x16xf32, #tpu.memory_space<vmem_shared>>)
      %dma_wait3A_197 = arith.constant 0 : i32
      %dma_wait3A_198 = arith.constant 3 : i32
      %dma_wait3A_199 = arith.constant 1 : i32
      %dma_wait3A_200 = arith.constant 0 : i32
      %dma_wait3A_201 = arith.constant 0 : i32
      %dma_wait3A_202 = tpu.memref_slice %arg7[%dma_wait3A_197, %dma_wait3A_200, %dma_wait3A_201] : memref<1x128x16xf32, #tpu.memory_space<vmem>> -> memref<1x128x16xf32, #tpu.memory_space<vmem>>
      %dma_wait3A_203 = tpu.memref_squeeze %dma_wait3A_202 : memref<1x128x16xf32, #tpu.memory_space<vmem>> -> memref<128x16xf32, #tpu.memory_space<vmem>>
      %dma_wait3A_204 = arith.constant 0 : i32
      %dma_wait3A_205 = tpu.memref_slice %arg6[%dma_wait3A_198, %dma_wait3A_199, %dma_wait3A_204] : memref<8x2x128xi32, #tpu.memory_space<vmem>> -> memref<1x1x128xi32, #tpu.memory_space<vmem>>
      %dma_wait3A_206 = tpu.memref_squeeze %dma_wait3A_205 : memref<1x1x128xi32, #tpu.memory_space<vmem>> -> memref<128xi32, #tpu.memory_space<vmem>>
      %dma_wait3A_207 = arith.constant 0 : i32
      %dma_wait3A_208 = arith.constant 0 : i32
      %dma_wait3A_209 = tpu.memref_slice %arg9[%dma_wait3A_207, %dma_wait3A_208] : memref<10240x16xf32, #tpu.memory_space<vmem_shared>> -> memref<10240x16xf32, #tpu.memory_space<vmem_shared>>
      tpu.wait_indirect_dma semaphore(%arg11 : memref<!tpu.dma_semaphore, #tpu.memory_space<semaphore_mem>>) src(%dma_wait3A_203 : memref<128x16xf32, #tpu.memory_space<vmem>>) dst(%dma_wait3A_209 : memref<10240x16xf32, #tpu.memory_space<vmem_shared>>)
      %dma_wait3A_210 = arith.constant 0 : i32
      %dma_wait3A_211 = arith.constant 4 : i32
      %dma_wait3A_212 = arith.constant 1 : i32
      %dma_wait3A_213 = arith.constant 0 : i32
      %dma_wait3A_214 = arith.constant 0 : i32
      %dma_wait3A_215 = tpu.memref_slice %arg7[%dma_wait3A_210, %dma_wait3A_213, %dma_wait3A_214] : memref<1x128x16xf32, #tpu.memory_space<vmem>> -> memref<1x128x16xf32, #tpu.memory_space<vmem>>
      %dma_wait3A_216 = tpu.memref_squeeze %dma_wait3A_215 : memref<1x128x16xf32, #tpu.memory_space<vmem>> -> memref<128x16xf32, #tpu.memory_space<vmem>>
      %dma_wait3A_217 = arith.constant 0 : i32
      %dma_wait3A_218 = tpu.memref_slice %arg6[%dma_wait3A_211, %dma_wait3A_212, %dma_wait3A_217] : memref<8x2x128xi32, #tpu.memory_space<vmem>> -> memref<1x1x128xi32, #tpu.memory_space<vmem>>
      %dma_wait3A_219 = tpu.memref_squeeze %dma_wait3A_218 : memref<1x1x128xi32, #tpu.memory_space<vmem>> -> memref<128xi32, #tpu.memory_space<vmem>>
      %dma_wait3A_220 = arith.constant 0 : i32
      %dma_wait3A_221 = arith.constant 0 : i32
      %dma_wait3A_222 = tpu.memref_slice %arg9[%dma_wait3A_220, %dma_wait3A_221] : memref<10240x16xf32, #tpu.memory_space<vmem_shared>> -> memref<10240x16xf32, #tpu.memory_space<vmem_shared>>
      tpu.wait_indirect_dma semaphore(%arg11 : memref<!tpu.dma_semaphore, #tpu.memory_space<semaphore_mem>>) src(%dma_wait3A_216 : memref<128x16xf32, #tpu.memory_space<vmem>>) dst(%dma_wait3A_222 : memref<10240x16xf32, #tpu.memory_space<vmem_shared>>)
      %dma_wait3A_223 = arith.constant 0 : i32
      %dma_wait3A_224 = arith.constant 5 : i32
      %dma_wait3A_225 = arith.constant 1 : i32
      %dma_wait3A_226 = arith.constant 0 : i32
      %dma_wait3A_227 = arith.constant 0 : i32
      %dma_wait3A_228 = tpu.memref_slice %arg7[%dma_wait3A_223, %dma_wait3A_226, %dma_wait3A_227] : memref<1x128x16xf32, #tpu.memory_space<vmem>> -> memref<1x128x16xf32, #tpu.memory_space<vmem>>
      %dma_wait3A_229 = tpu.memref_squeeze %dma_wait3A_228 : memref<1x128x16xf32, #tpu.memory_space<vmem>> -> memref<128x16xf32, #tpu.memory_space<vmem>>
      %dma_wait3A_230 = arith.constant 0 : i32
      %dma_wait3A_231 = tpu.memref_slice %arg6[%dma_wait3A_224, %dma_wait3A_225, %dma_wait3A_230] : memref<8x2x128xi32, #tpu.memory_space<vmem>> -> memref<1x1x128xi32, #tpu.memory_space<vmem>>
      %dma_wait3A_232 = tpu.memref_squeeze %dma_wait3A_231 : memref<1x1x128xi32, #tpu.memory_space<vmem>> -> memref<128xi32, #tpu.memory_space<vmem>>
      %dma_wait3A_233 = arith.constant 0 : i32
      %dma_wait3A_234 = arith.constant 0 : i32
      %dma_wait3A_235 = tpu.memref_slice %arg9[%dma_wait3A_233, %dma_wait3A_234] : memref<10240x16xf32, #tpu.memory_space<vmem_shared>> -> memref<10240x16xf32, #tpu.memory_space<vmem_shared>>
      tpu.wait_indirect_dma semaphore(%arg11 : memref<!tpu.dma_semaphore, #tpu.memory_space<semaphore_mem>>) src(%dma_wait3A_229 : memref<128x16xf32, #tpu.memory_space<vmem>>) dst(%dma_wait3A_235 : memref<10240x16xf32, #tpu.memory_space<vmem_shared>>)
      %dma_wait3A_236 = arith.constant 0 : i32
      %dma_wait3A_237 = arith.constant 6 : i32
      %dma_wait3A_238 = arith.constant 1 : i32
      %dma_wait3A_239 = arith.constant 0 : i32
      %dma_wait3A_240 = arith.constant 0 : i32
      %dma_wait3A_241 = tpu.memref_slice %arg7[%dma_wait3A_236, %dma_wait3A_239, %dma_wait3A_240] : memref<1x128x16xf32, #tpu.memory_space<vmem>> -> memref<1x128x16xf32, #tpu.memory_space<vmem>>
      %dma_wait3A_242 = tpu.memref_squeeze %dma_wait3A_241 : memref<1x128x16xf32, #tpu.memory_space<vmem>> -> memref<128x16xf32, #tpu.memory_space<vmem>>
      %dma_wait3A_243 = arith.constant 0 : i32
      %dma_wait3A_244 = tpu.memref_slice %arg6[%dma_wait3A_237, %dma_wait3A_238, %dma_wait3A_243] : memref<8x2x128xi32, #tpu.memory_space<vmem>> -> memref<1x1x128xi32, #tpu.memory_space<vmem>>
      %dma_wait3A_245 = tpu.memref_squeeze %dma_wait3A_244 : memref<1x1x128xi32, #tpu.memory_space<vmem>> -> memref<128xi32, #tpu.memory_space<vmem>>
      %dma_wait3A_246 = arith.constant 0 : i32
      %dma_wait3A_247 = arith.constant 0 : i32
      %dma_wait3A_248 = tpu.memref_slice %arg9[%dma_wait3A_246, %dma_wait3A_247] : memref<10240x16xf32, #tpu.memory_space<vmem_shared>> -> memref<10240x16xf32, #tpu.memory_space<vmem_shared>>
      tpu.wait_indirect_dma semaphore(%arg11 : memref<!tpu.dma_semaphore, #tpu.memory_space<semaphore_mem>>) src(%dma_wait3A_242 : memref<128x16xf32, #tpu.memory_space<vmem>>) dst(%dma_wait3A_248 : memref<10240x16xf32, #tpu.memory_space<vmem_shared>>)
      %dma_wait3A_249 = arith.constant 0 : i32
      %dma_wait3A_250 = arith.constant 7 : i32
      %dma_wait3A_251 = arith.constant 1 : i32
      %dma_wait3A_252 = arith.constant 0 : i32
      %dma_wait3A_253 = arith.constant 0 : i32
      %dma_wait3A_254 = tpu.memref_slice %arg7[%dma_wait3A_249, %dma_wait3A_252, %dma_wait3A_253] : memref<1x128x16xf32, #tpu.memory_space<vmem>> -> memref<1x128x16xf32, #tpu.memory_space<vmem>>
      %dma_wait3A_255 = tpu.memref_squeeze %dma_wait3A_254 : memref<1x128x16xf32, #tpu.memory_space<vmem>> -> memref<128x16xf32, #tpu.memory_space<vmem>>
      %dma_wait3A_256 = arith.constant 0 : i32
      %dma_wait3A_257 = tpu.memref_slice %arg6[%dma_wait3A_250, %dma_wait3A_251, %dma_wait3A_256] : memref<8x2x128xi32, #tpu.memory_space<vmem>> -> memref<1x1x128xi32, #tpu.memory_space<vmem>>
      %dma_wait3A_258 = tpu.memref_squeeze %dma_wait3A_257 : memref<1x1x128xi32, #tpu.memory_space<vmem>> -> memref<128xi32, #tpu.memory_space<vmem>>
      %dma_wait3A_259 = arith.constant 0 : i32
      %dma_wait3A_260 = arith.constant 0 : i32
      %dma_wait3A_261 = tpu.memref_slice %arg9[%dma_wait3A_259, %dma_wait3A_260] : memref<10240x16xf32, #tpu.memory_space<vmem_shared>> -> memref<10240x16xf32, #tpu.memory_space<vmem_shared>>
      tpu.wait_indirect_dma semaphore(%arg11 : memref<!tpu.dma_semaphore, #tpu.memory_space<semaphore_mem>>) src(%dma_wait3A_255 : memref<128x16xf32, #tpu.memory_space<vmem>>) dst(%dma_wait3A_261 : memref<10240x16xf32, #tpu.memory_space<vmem_shared>>)
    }
    %barrier3A_46 = arith.constant 0 : index
    tpu.barrier barrier_id(%barrier3A_46)
    %mul3A_47 = arith.constant 10240 : i32
    %mul3A_48 = arith.muli %arg0, %mul3A_47 : i32
    %add3A_49 = arith.addi %mul3A_48, %mul3A_0 : i32
    "tpu.region"() ({
      %run_scoped3A_50 = tpu.sem_alloc : memref<!tpu.dma_semaphore, #tpu.memory_space<semaphore_mem>>
      %dma_start3A = arith.constant 0 : i32
      %dma_start3A_51 = tpu.memref_slice %arg5[%add3A_49, %dma_start3A] : memref<20480x16xf32, #tpu.memory_space<hbm>> -> memref<640x16xf32, #tpu.memory_space<hbm>>
      %dma_start3A_52 = arith.constant 0 : i32
      %dma_start3A_53 = tpu.memref_slice %arg9[%mul3A_0, %dma_start3A_52] : memref<10240x16xf32, #tpu.memory_space<vmem_shared>> -> memref<640x16xf32, #tpu.memory_space<vmem_shared>>
      tpu.enqueue_dma source(%dma_start3A_53 : memref<640x16xf32, #tpu.memory_space<vmem_shared>>) target(%dma_start3A_51 : memref<640x16xf32, #tpu.memory_space<hbm>>) target_semaphore(%run_scoped3A_50 : memref<!tpu.dma_semaphore, #tpu.memory_space<semaphore_mem>>)
      %dma_wait3A = arith.constant 0 : i32
      %dma_wait3A_54 = tpu.memref_slice %arg5[%add3A_49, %dma_wait3A] : memref<20480x16xf32, #tpu.memory_space<hbm>> -> memref<640x16xf32, #tpu.memory_space<hbm>>
      %dma_wait3A_55 = arith.constant 0 : i32
      %dma_wait3A_56 = tpu.memref_slice %arg9[%mul3A_0, %dma_wait3A_55] : memref<10240x16xf32, #tpu.memory_space<vmem_shared>> -> memref<640x16xf32, #tpu.memory_space<vmem_shared>>
      tpu.wait_dma2 semaphore(%run_scoped3A_50 : memref<!tpu.dma_semaphore, #tpu.memory_space<semaphore_mem>>) src(%dma_wait3A_56 : memref<640x16xf32, #tpu.memory_space<vmem_shared>>) dst(%dma_wait3A_54 : memref<640x16xf32, #tpu.memory_space<hbm>>)
      tpu.yield
    }) : () -> ()
    return
  }
}

#map = affine_map<(d0, d1) -> (0, 0, 0)>
#map1 = affine_map<(d0, d1) -> (0, 0)>
module attributes {stable_mosaic.version = 14 : i64} {
  func.func @k(%arg0: i32, %arg1: i32, %arg2: memref<1280x2x128xi32, #tpu.memory_space<hbm>>, %arg3: memref<10240x64xf32, #tpu.memory_space<hbm>>, %arg4: memref<10240x64xf32, #tpu.memory_space<hbm>>, %arg5: memref<64x64xf32, #tpu.memory_space<hbm>>, %arg6: memref<20480x64xf32, #tpu.memory_space<hbm>>, %arg7: memref<4x2x128xi32, #tpu.memory_space<vmem>>, %arg8: memref<4x128x64xf32, #tpu.memory_space<vmem>>, %arg9: memref<64x64xf32, #tpu.memory_space<vmem>>, %arg10: memref<10240x64xf32, #tpu.memory_space<vmem_shared>>, %arg11: memref<10240x64xf32, #tpu.memory_space<vmem_shared>>, %arg12: memref<!tpu.dma_semaphore, #tpu.memory_space<semaphore_mem>>, %arg13: memref<!tpu.dma_semaphore, #tpu.memory_space<semaphore_mem>>) attributes {dimension_semantics = [#tpu.dimension_semantics<core_parallel>, #tpu.dimension_semantics<subcore_parallel>], iteration_bounds = array<i64: 2, 16>, scalar_prefetch = 0 : i64, scratch_operands = 7 : i64, tpu.core_type = #tpu.core_type<sc_vector_subcore>, window_params = [{transform_indices = #map}, {transform_indices = #map1}, {transform_indices = #map1}, {transform_indices = #map1}, {transform_indices = #map1}]} {
    %mul3A = arith.constant 640 : i32
    %mul3A_0 = arith.muli %arg1, %mul3A : i32
    %eq3A = arith.constant 0 : i32
    %eq3A_1 = arith.cmpi eq, %arg0, %eq3A : i32
    %convert_element_type3A = arith.extui %eq3A_1 : i1 to i32
    %cond3A = arith.constant 0 : i32
    %cond3A_2 = arith.cmpi ne, %convert_element_type3A, %cond3A : i32
    scf.if %cond3A_2 {
      "tpu.region"() ({
        %run_scoped3A = tpu.sem_alloc : memref<!tpu.dma_semaphore, #tpu.memory_space<semaphore_mem>>
        %dma_start3A = arith.constant 0 : i32
        %dma_start3A_22 = tpu.memref_slice %arg10[%mul3A_0, %dma_start3A] : memref<10240x64xf32, #tpu.memory_space<vmem_shared>> -> memref<640x64xf32, #tpu.memory_space<vmem_shared>>
        %dma_start3A_23 = arith.constant 0 : i32
        %dma_start3A_24 = tpu.memref_slice %arg3[%mul3A_0, %dma_start3A_23] : memref<10240x64xf32, #tpu.memory_space<hbm>> -> memref<640x64xf32, #tpu.memory_space<hbm>>
        tpu.enqueue_dma source(%dma_start3A_24 : memref<640x64xf32, #tpu.memory_space<hbm>>) target(%dma_start3A_22 : memref<640x64xf32, #tpu.memory_space<vmem_shared>>) target_semaphore(%run_scoped3A : memref<!tpu.dma_semaphore, #tpu.memory_space<semaphore_mem>>)
        %dma_wait3A = arith.constant 0 : i32
        %dma_wait3A_25 = tpu.memref_slice %arg10[%mul3A_0, %dma_wait3A] : memref<10240x64xf32, #tpu.memory_space<vmem_shared>> -> memref<640x64xf32, #tpu.memory_space<vmem_shared>>
        %dma_wait3A_26 = arith.constant 0 : i32
        %dma_wait3A_27 = tpu.memref_slice %arg3[%mul3A_0, %dma_wait3A_26] : memref<10240x64xf32, #tpu.memory_space<hbm>> -> memref<640x64xf32, #tpu.memory_space<hbm>>
        tpu.wait_dma2 semaphore(%run_scoped3A : memref<!tpu.dma_semaphore, #tpu.memory_space<semaphore_mem>>) src(%dma_wait3A_27 : memref<640x64xf32, #tpu.memory_space<hbm>>) dst(%dma_wait3A_25 : memref<640x64xf32, #tpu.memory_space<vmem_shared>>)
        tpu.yield
      }) : () -> ()
    } else {
    }
    %eq3A_3 = arith.constant 1 : i32
    %eq3A_4 = arith.cmpi eq, %arg0, %eq3A_3 : i32
    %convert_element_type3A_5 = arith.extui %eq3A_4 : i1 to i32
    %cond3A_6 = arith.constant 0 : i32
    %cond3A_7 = arith.cmpi ne, %convert_element_type3A_5, %cond3A_6 : i32
    scf.if %cond3A_7 {
      "tpu.region"() ({
        %run_scoped3A = tpu.sem_alloc : memref<!tpu.dma_semaphore, #tpu.memory_space<semaphore_mem>>
        %dma_start3A = arith.constant 0 : i32
        %dma_start3A_22 = tpu.memref_slice %arg10[%mul3A_0, %dma_start3A] : memref<10240x64xf32, #tpu.memory_space<vmem_shared>> -> memref<640x64xf32, #tpu.memory_space<vmem_shared>>
        %dma_start3A_23 = arith.constant 0 : i32
        %dma_start3A_24 = tpu.memref_slice %arg4[%mul3A_0, %dma_start3A_23] : memref<10240x64xf32, #tpu.memory_space<hbm>> -> memref<640x64xf32, #tpu.memory_space<hbm>>
        tpu.enqueue_dma source(%dma_start3A_24 : memref<640x64xf32, #tpu.memory_space<hbm>>) target(%dma_start3A_22 : memref<640x64xf32, #tpu.memory_space<vmem_shared>>) target_semaphore(%run_scoped3A : memref<!tpu.dma_semaphore, #tpu.memory_space<semaphore_mem>>)
        %dma_wait3A = arith.constant 0 : i32
        %dma_wait3A_25 = tpu.memref_slice %arg10[%mul3A_0, %dma_wait3A] : memref<10240x64xf32, #tpu.memory_space<vmem_shared>> -> memref<640x64xf32, #tpu.memory_space<vmem_shared>>
        %dma_wait3A_26 = arith.constant 0 : i32
        %dma_wait3A_27 = tpu.memref_slice %arg4[%mul3A_0, %dma_wait3A_26] : memref<10240x64xf32, #tpu.memory_space<hbm>> -> memref<640x64xf32, #tpu.memory_space<hbm>>
        tpu.wait_dma2 semaphore(%run_scoped3A : memref<!tpu.dma_semaphore, #tpu.memory_space<semaphore_mem>>) src(%dma_wait3A_27 : memref<640x64xf32, #tpu.memory_space<hbm>>) dst(%dma_wait3A_25 : memref<640x64xf32, #tpu.memory_space<vmem_shared>>)
        tpu.yield
      }) : () -> ()
    } else {
    }
    "tpu.region"() ({
      %run_scoped3A = tpu.sem_alloc : memref<!tpu.dma_semaphore, #tpu.memory_space<semaphore_mem>>
      tpu.enqueue_dma source(%arg5 : memref<64x64xf32, #tpu.memory_space<hbm>>) target(%arg9 : memref<64x64xf32, #tpu.memory_space<vmem>>) target_semaphore(%run_scoped3A : memref<!tpu.dma_semaphore, #tpu.memory_space<semaphore_mem>>)
      tpu.wait_dma2 semaphore(%run_scoped3A : memref<!tpu.dma_semaphore, #tpu.memory_space<semaphore_mem>>) src(%arg5 : memref<64x64xf32, #tpu.memory_space<hbm>>) dst(%arg9 : memref<64x64xf32, #tpu.memory_space<vmem>>)
      tpu.yield
    }) : () -> ()
    %scan3A = arith.constant 0 : i32
    %scan3A_8 = arith.constant 10 : i32
    %scan3A_9 = arith.addi %scan3A, %scan3A_8 : i32
    %scan3A_10 = arith.constant 1 : i32
    scf.for %scan3A_22 = %scan3A to %scan3A_9 step %scan3A_10  : i32 {
      %mul3A_23 = arith.constant 1 : i32
      %mul3A_24 = arith.muli %scan3A_22, %mul3A_23 : i32
      %add3A_25 = arith.constant 0 : i32
      %add3A_26 = arith.addi %add3A_25, %mul3A_24 : i32
      %mul3A_27 = arith.constant 64 : i32
      %mul3A_28 = arith.muli %add3A_26, %mul3A_27 : i32
      %add3A_29 = arith.addi %mul3A_0, %mul3A_28 : i32
      "tpu.region"() ({
        %run_scoped3A = tpu.sem_alloc : memref<!tpu.dma_semaphore, #tpu.memory_space<semaphore_mem>>
        %dma_start3A = arith.constant 0 : i32
        %dma_start3A_30 = tpu.memref_slice %arg11[%add3A_29, %dma_start3A] : memref<10240x64xf32, #tpu.memory_space<vmem_shared>> -> memref<64x64xf32, #tpu.memory_space<vmem_shared>>
        %dma_start3A_31 = arith.constant 0 : i32
        %dma_start3A_32 = tpu.memref_slice %arg11[%add3A_29, %dma_start3A_31] : memref<10240x64xf32, #tpu.memory_space<vmem_shared>> -> memref<64x64xf32, #tpu.memory_space<vmem_shared>>
        tpu.enqueue_dma source(%arg9 : memref<64x64xf32, #tpu.memory_space<vmem>>) target(%dma_start3A_32 : memref<64x64xf32, #tpu.memory_space<vmem_shared>>) target_semaphore(%run_scoped3A : memref<!tpu.dma_semaphore, #tpu.memory_space<semaphore_mem>>)
        %dma_wait3A = arith.constant 0 : i32
        %dma_wait3A_33 = tpu.memref_slice %arg11[%add3A_29, %dma_wait3A] : memref<10240x64xf32, #tpu.memory_space<vmem_shared>> -> memref<64x64xf32, #tpu.memory_space<vmem_shared>>
        %dma_wait3A_34 = arith.constant 0 : i32
        %dma_wait3A_35 = tpu.memref_slice %arg11[%add3A_29, %dma_wait3A_34] : memref<10240x64xf32, #tpu.memory_space<vmem_shared>> -> memref<64x64xf32, #tpu.memory_space<vmem_shared>>
        tpu.wait_dma2 semaphore(%run_scoped3A : memref<!tpu.dma_semaphore, #tpu.memory_space<semaphore_mem>>) src(%arg9 : memref<64x64xf32, #tpu.memory_space<vmem>>) dst(%dma_wait3A_35 : memref<64x64xf32, #tpu.memory_space<vmem_shared>>)
        tpu.yield
      }) : () -> ()
    }
    %scan3A_11 = arith.constant 10 : i32
    %barrier3A = arith.constant 0 : index
    tpu.barrier barrier_id(%barrier3A)
    %mul3A_12 = arith.constant 80 : i32
    %mul3A_13 = arith.muli %arg1, %mul3A_12 : i32
    %scan3A_14 = arith.constant 0 : i32
    %scan3A_15 = arith.constant 20 : i32
    %scan3A_16 = arith.addi %scan3A_14, %scan3A_15 : i32
    %scan3A_17 = arith.constant 1 : i32
    scf.for %scan3A_22 = %scan3A_14 to %scan3A_16 step %scan3A_17  : i32 {
      %mul3A_23 = arith.constant 1 : i32
      %mul3A_24 = arith.muli %scan3A_22, %mul3A_23 : i32
      %add3A_25 = arith.constant 0 : i32
      %add3A_26 = arith.addi %add3A_25, %mul3A_24 : i32
      %mul3A_27 = arith.constant 4 : i32
      %mul3A_28 = arith.muli %add3A_26, %mul3A_27 : i32
      %add3A_29 = arith.addi %mul3A_13, %mul3A_28 : i32
      "tpu.region"() ({
        %run_scoped3A = tpu.sem_alloc : memref<!tpu.dma_semaphore, #tpu.memory_space<semaphore_mem>>
        %dma_start3A_236 = arith.constant 0 : i32
        %dma_start3A_237 = arith.constant 0 : i32
        %dma_start3A_238 = tpu.memref_slice %arg2[%add3A_29, %dma_start3A_236, %dma_start3A_237] : memref<1280x2x128xi32, #tpu.memory_space<hbm>> -> memref<4x2x128xi32, #tpu.memory_space<hbm>>
        %dma_start3A_239 = arith.constant 0 : i32
        %dma_start3A_240 = arith.constant 0 : i32
        %dma_start3A_241 = tpu.memref_slice %arg2[%add3A_29, %dma_start3A_239, %dma_start3A_240] : memref<1280x2x128xi32, #tpu.memory_space<hbm>> -> memref<4x2x128xi32, #tpu.memory_space<hbm>>
        tpu.enqueue_dma source(%dma_start3A_241 : memref<4x2x128xi32, #tpu.memory_space<hbm>>) target(%arg7 : memref<4x2x128xi32, #tpu.memory_space<vmem>>) target_semaphore(%run_scoped3A : memref<!tpu.dma_semaphore, #tpu.memory_space<semaphore_mem>>)
        %dma_wait3A_242 = arith.constant 0 : i32
        %dma_wait3A_243 = arith.constant 0 : i32
        %dma_wait3A_244 = tpu.memref_slice %arg2[%add3A_29, %dma_wait3A_242, %dma_wait3A_243] : memref<1280x2x128xi32, #tpu.memory_space<hbm>> -> memref<4x2x128xi32, #tpu.memory_space<hbm>>
        %dma_wait3A_245 = arith.constant 0 : i32
        %dma_wait3A_246 = arith.constant 0 : i32
        %dma_wait3A_247 = tpu.memref_slice %arg2[%add3A_29, %dma_wait3A_245, %dma_wait3A_246] : memref<1280x2x128xi32, #tpu.memory_space<hbm>> -> memref<4x2x128xi32, #tpu.memory_space<hbm>>
        tpu.wait_dma2 semaphore(%run_scoped3A : memref<!tpu.dma_semaphore, #tpu.memory_space<semaphore_mem>>) src(%dma_wait3A_247 : memref<4x2x128xi32, #tpu.memory_space<hbm>>) dst(%arg7 : memref<4x2x128xi32, #tpu.memory_space<vmem>>)
        tpu.yield
      }) : () -> ()
      %dma_start3A = arith.constant 0 : i32
      %dma_start3A_30 = arith.constant 0 : i32
      %dma_start3A_31 = arith.constant 0 : i32
      %dma_start3A_32 = arith.constant 0 : i32
      %dma_start3A_33 = arith.constant 0 : i32
      %dma_start3A_34 = tpu.memref_slice %arg8[%dma_start3A_31, %dma_start3A_32, %dma_start3A_33] : memref<4x128x64xf32, #tpu.memory_space<vmem>> -> memref<1x128x64xf32, #tpu.memory_space<vmem>>
      %dma_start3A_35 = tpu.memref_squeeze %dma_start3A_34 : memref<1x128x64xf32, #tpu.memory_space<vmem>> -> memref<128x64xf32, #tpu.memory_space<vmem>>
      %dma_start3A_36 = arith.constant 0 : i32
      %dma_start3A_37 = tpu.memref_slice %arg7[%dma_start3A, %dma_start3A_30, %dma_start3A_36] : memref<4x2x128xi32, #tpu.memory_space<vmem>> -> memref<1x1x128xi32, #tpu.memory_space<vmem>>
      %dma_start3A_38 = tpu.memref_squeeze %dma_start3A_37 : memref<1x1x128xi32, #tpu.memory_space<vmem>> -> memref<128xi32, #tpu.memory_space<vmem>>
      %dma_start3A_39 = arith.constant 0 : i32
      %dma_start3A_40 = arith.constant 0 : i32
      %dma_start3A_41 = tpu.memref_slice %arg10[%dma_start3A_39, %dma_start3A_40] : memref<10240x64xf32, #tpu.memory_space<vmem_shared>> -> memref<10240x64xf32, #tpu.memory_space<vmem_shared>>
      tpu.enqueue_indirect_dma source(%dma_start3A_41 : memref<10240x64xf32, #tpu.memory_space<vmem_shared>>) target(%dma_start3A_35 : memref<128x64xf32, #tpu.memory_space<vmem>>) offsets(%dma_start3A_38 : memref<128xi32, #tpu.memory_space<vmem>>) semaphore(%arg12 : memref<!tpu.dma_semaphore, #tpu.memory_space<semaphore_mem>>)
      %dma_start3A_42 = arith.constant 1 : i32
      %dma_start3A_43 = arith.constant 0 : i32
      %dma_start3A_44 = arith.constant 1 : i32
      %dma_start3A_45 = arith.constant 0 : i32
      %dma_start3A_46 = arith.constant 0 : i32
      %dma_start3A_47 = tpu.memref_slice %arg8[%dma_start3A_44, %dma_start3A_45, %dma_start3A_46] : memref<4x128x64xf32, #tpu.memory_space<vmem>> -> memref<1x128x64xf32, #tpu.memory_space<vmem>>
      %dma_start3A_48 = tpu.memref_squeeze %dma_start3A_47 : memref<1x128x64xf32, #tpu.memory_space<vmem>> -> memref<128x64xf32, #tpu.memory_space<vmem>>
      %dma_start3A_49 = arith.constant 0 : i32
      %dma_start3A_50 = tpu.memref_slice %arg7[%dma_start3A_42, %dma_start3A_43, %dma_start3A_49] : memref<4x2x128xi32, #tpu.memory_space<vmem>> -> memref<1x1x128xi32, #tpu.memory_space<vmem>>
      %dma_start3A_51 = tpu.memref_squeeze %dma_start3A_50 : memref<1x1x128xi32, #tpu.memory_space<vmem>> -> memref<128xi32, #tpu.memory_space<vmem>>
      %dma_start3A_52 = arith.constant 0 : i32
      %dma_start3A_53 = arith.constant 0 : i32
      %dma_start3A_54 = tpu.memref_slice %arg10[%dma_start3A_52, %dma_start3A_53] : memref<10240x64xf32, #tpu.memory_space<vmem_shared>> -> memref<10240x64xf32, #tpu.memory_space<vmem_shared>>
      tpu.enqueue_indirect_dma source(%dma_start3A_54 : memref<10240x64xf32, #tpu.memory_space<vmem_shared>>) target(%dma_start3A_48 : memref<128x64xf32, #tpu.memory_space<vmem>>) offsets(%dma_start3A_51 : memref<128xi32, #tpu.memory_space<vmem>>) semaphore(%arg12 : memref<!tpu.dma_semaphore, #tpu.memory_space<semaphore_mem>>)
      %dma_start3A_55 = arith.constant 2 : i32
      %dma_start3A_56 = arith.constant 0 : i32
      %dma_start3A_57 = arith.constant 2 : i32
      %dma_start3A_58 = arith.constant 0 : i32
      %dma_start3A_59 = arith.constant 0 : i32
      %dma_start3A_60 = tpu.memref_slice %arg8[%dma_start3A_57, %dma_start3A_58, %dma_start3A_59] : memref<4x128x64xf32, #tpu.memory_space<vmem>> -> memref<1x128x64xf32, #tpu.memory_space<vmem>>
      %dma_start3A_61 = tpu.memref_squeeze %dma_start3A_60 : memref<1x128x64xf32, #tpu.memory_space<vmem>> -> memref<128x64xf32, #tpu.memory_space<vmem>>
      %dma_start3A_62 = arith.constant 0 : i32
      %dma_start3A_63 = tpu.memref_slice %arg7[%dma_start3A_55, %dma_start3A_56, %dma_start3A_62] : memref<4x2x128xi32, #tpu.memory_space<vmem>> -> memref<1x1x128xi32, #tpu.memory_space<vmem>>
      %dma_start3A_64 = tpu.memref_squeeze %dma_start3A_63 : memref<1x1x128xi32, #tpu.memory_space<vmem>> -> memref<128xi32, #tpu.memory_space<vmem>>
      %dma_start3A_65 = arith.constant 0 : i32
      %dma_start3A_66 = arith.constant 0 : i32
      %dma_start3A_67 = tpu.memref_slice %arg10[%dma_start3A_65, %dma_start3A_66] : memref<10240x64xf32, #tpu.memory_space<vmem_shared>> -> memref<10240x64xf32, #tpu.memory_space<vmem_shared>>
      tpu.enqueue_indirect_dma source(%dma_start3A_67 : memref<10240x64xf32, #tpu.memory_space<vmem_shared>>) target(%dma_start3A_61 : memref<128x64xf32, #tpu.memory_space<vmem>>) offsets(%dma_start3A_64 : memref<128xi32, #tpu.memory_space<vmem>>) semaphore(%arg12 : memref<!tpu.dma_semaphore, #tpu.memory_space<semaphore_mem>>)
      %dma_start3A_68 = arith.constant 3 : i32
      %dma_start3A_69 = arith.constant 0 : i32
      %dma_start3A_70 = arith.constant 3 : i32
      %dma_start3A_71 = arith.constant 0 : i32
      %dma_start3A_72 = arith.constant 0 : i32
      %dma_start3A_73 = tpu.memref_slice %arg8[%dma_start3A_70, %dma_start3A_71, %dma_start3A_72] : memref<4x128x64xf32, #tpu.memory_space<vmem>> -> memref<1x128x64xf32, #tpu.memory_space<vmem>>
      %dma_start3A_74 = tpu.memref_squeeze %dma_start3A_73 : memref<1x128x64xf32, #tpu.memory_space<vmem>> -> memref<128x64xf32, #tpu.memory_space<vmem>>
      %dma_start3A_75 = arith.constant 0 : i32
      %dma_start3A_76 = tpu.memref_slice %arg7[%dma_start3A_68, %dma_start3A_69, %dma_start3A_75] : memref<4x2x128xi32, #tpu.memory_space<vmem>> -> memref<1x1x128xi32, #tpu.memory_space<vmem>>
      %dma_start3A_77 = tpu.memref_squeeze %dma_start3A_76 : memref<1x1x128xi32, #tpu.memory_space<vmem>> -> memref<128xi32, #tpu.memory_space<vmem>>
      %dma_start3A_78 = arith.constant 0 : i32
      %dma_start3A_79 = arith.constant 0 : i32
      %dma_start3A_80 = tpu.memref_slice %arg10[%dma_start3A_78, %dma_start3A_79] : memref<10240x64xf32, #tpu.memory_space<vmem_shared>> -> memref<10240x64xf32, #tpu.memory_space<vmem_shared>>
      tpu.enqueue_indirect_dma source(%dma_start3A_80 : memref<10240x64xf32, #tpu.memory_space<vmem_shared>>) target(%dma_start3A_74 : memref<128x64xf32, #tpu.memory_space<vmem>>) offsets(%dma_start3A_77 : memref<128xi32, #tpu.memory_space<vmem>>) semaphore(%arg12 : memref<!tpu.dma_semaphore, #tpu.memory_space<semaphore_mem>>)
      %dma_wait3A = arith.constant 0 : i32
      %dma_wait3A_81 = arith.constant 0 : i32
      %dma_wait3A_82 = arith.constant 0 : i32
      %dma_wait3A_83 = arith.constant 0 : i32
      %dma_wait3A_84 = arith.constant 0 : i32
      %dma_wait3A_85 = tpu.memref_slice %arg8[%dma_wait3A_82, %dma_wait3A_83, %dma_wait3A_84] : memref<4x128x64xf32, #tpu.memory_space<vmem>> -> memref<1x128x64xf32, #tpu.memory_space<vmem>>
      %dma_wait3A_86 = tpu.memref_squeeze %dma_wait3A_85 : memref<1x128x64xf32, #tpu.memory_space<vmem>> -> memref<128x64xf32, #tpu.memory_space<vmem>>
      %dma_wait3A_87 = arith.constant 0 : i32
      %dma_wait3A_88 = tpu.memref_slice %arg7[%dma_wait3A, %dma_wait3A_81, %dma_wait3A_87] : memref<4x2x128xi32, #tpu.memory_space<vmem>> -> memref<1x1x128xi32, #tpu.memory_space<vmem>>
      %dma_wait3A_89 = tpu.memref_squeeze %dma_wait3A_88 : memref<1x1x128xi32, #tpu.memory_space<vmem>> -> memref<128xi32, #tpu.memory_space<vmem>>
      %dma_wait3A_90 = arith.constant 0 : i32
      %dma_wait3A_91 = arith.constant 0 : i32
      %dma_wait3A_92 = tpu.memref_slice %arg10[%dma_wait3A_90, %dma_wait3A_91] : memref<10240x64xf32, #tpu.memory_space<vmem_shared>> -> memref<10240x64xf32, #tpu.memory_space<vmem_shared>>
      tpu.wait_indirect_dma semaphore(%arg12 : memref<!tpu.dma_semaphore, #tpu.memory_space<semaphore_mem>>) src(%dma_wait3A_92 : memref<10240x64xf32, #tpu.memory_space<vmem_shared>>) dst(%dma_wait3A_86 : memref<128x64xf32, #tpu.memory_space<vmem>>)
      %dma_start3A_93 = arith.constant 0 : i32
      %dma_start3A_94 = arith.constant 0 : i32
      %dma_start3A_95 = arith.constant 1 : i32
      %dma_start3A_96 = arith.constant 0 : i32
      %dma_start3A_97 = arith.constant 0 : i32
      %dma_start3A_98 = tpu.memref_slice %arg8[%dma_start3A_93, %dma_start3A_96, %dma_start3A_97] : memref<4x128x64xf32, #tpu.memory_space<vmem>> -> memref<1x128x64xf32, #tpu.memory_space<vmem>>
      %dma_start3A_99 = tpu.memref_squeeze %dma_start3A_98 : memref<1x128x64xf32, #tpu.memory_space<vmem>> -> memref<128x64xf32, #tpu.memory_space<vmem>>
      %dma_start3A_100 = arith.constant 0 : i32
      %dma_start3A_101 = tpu.memref_slice %arg7[%dma_start3A_94, %dma_start3A_95, %dma_start3A_100] : memref<4x2x128xi32, #tpu.memory_space<vmem>> -> memref<1x1x128xi32, #tpu.memory_space<vmem>>
      %dma_start3A_102 = tpu.memref_squeeze %dma_start3A_101 : memref<1x1x128xi32, #tpu.memory_space<vmem>> -> memref<128xi32, #tpu.memory_space<vmem>>
      %dma_start3A_103 = arith.constant 0 : i32
      %dma_start3A_104 = arith.constant 0 : i32
      %dma_start3A_105 = tpu.memref_slice %arg11[%dma_start3A_103, %dma_start3A_104] : memref<10240x64xf32, #tpu.memory_space<vmem_shared>> -> memref<10240x64xf32, #tpu.memory_space<vmem_shared>>
      tpu.enqueue_indirect_dma source(%dma_start3A_99 : memref<128x64xf32, #tpu.memory_space<vmem>>) target(%dma_start3A_105 : memref<10240x64xf32, #tpu.memory_space<vmem_shared>>) offsets(%dma_start3A_102 : memref<128xi32, #tpu.memory_space<vmem>>) semaphore(%arg13 : memref<!tpu.dma_semaphore, #tpu.memory_space<semaphore_mem>>) {add = true}
      %dma_wait3A_106 = arith.constant 1 : i32
      %dma_wait3A_107 = arith.constant 0 : i32
      %dma_wait3A_108 = arith.constant 1 : i32
      %dma_wait3A_109 = arith.constant 0 : i32
      %dma_wait3A_110 = arith.constant 0 : i32
      %dma_wait3A_111 = tpu.memref_slice %arg8[%dma_wait3A_108, %dma_wait3A_109, %dma_wait3A_110] : memref<4x128x64xf32, #tpu.memory_space<vmem>> -> memref<1x128x64xf32, #tpu.memory_space<vmem>>
      %dma_wait3A_112 = tpu.memref_squeeze %dma_wait3A_111 : memref<1x128x64xf32, #tpu.memory_space<vmem>> -> memref<128x64xf32, #tpu.memory_space<vmem>>
      %dma_wait3A_113 = arith.constant 0 : i32
      %dma_wait3A_114 = tpu.memref_slice %arg7[%dma_wait3A_106, %dma_wait3A_107, %dma_wait3A_113] : memref<4x2x128xi32, #tpu.memory_space<vmem>> -> memref<1x1x128xi32, #tpu.memory_space<vmem>>
      %dma_wait3A_115 = tpu.memref_squeeze %dma_wait3A_114 : memref<1x1x128xi32, #tpu.memory_space<vmem>> -> memref<128xi32, #tpu.memory_space<vmem>>
      %dma_wait3A_116 = arith.constant 0 : i32
      %dma_wait3A_117 = arith.constant 0 : i32
      %dma_wait3A_118 = tpu.memref_slice %arg10[%dma_wait3A_116, %dma_wait3A_117] : memref<10240x64xf32, #tpu.memory_space<vmem_shared>> -> memref<10240x64xf32, #tpu.memory_space<vmem_shared>>
      tpu.wait_indirect_dma semaphore(%arg12 : memref<!tpu.dma_semaphore, #tpu.memory_space<semaphore_mem>>) src(%dma_wait3A_118 : memref<10240x64xf32, #tpu.memory_space<vmem_shared>>) dst(%dma_wait3A_112 : memref<128x64xf32, #tpu.memory_space<vmem>>)
      %dma_start3A_119 = arith.constant 1 : i32
      %dma_start3A_120 = arith.constant 1 : i32
      %dma_start3A_121 = arith.constant 1 : i32
      %dma_start3A_122 = arith.constant 0 : i32
      %dma_start3A_123 = arith.constant 0 : i32
      %dma_start3A_124 = tpu.memref_slice %arg8[%dma_start3A_119, %dma_start3A_122, %dma_start3A_123] : memref<4x128x64xf32, #tpu.memory_space<vmem>> -> memref<1x128x64xf32, #tpu.memory_space<vmem>>
      %dma_start3A_125 = tpu.memref_squeeze %dma_start3A_124 : memref<1x128x64xf32, #tpu.memory_space<vmem>> -> memref<128x64xf32, #tpu.memory_space<vmem>>
      %dma_start3A_126 = arith.constant 0 : i32
      %dma_start3A_127 = tpu.memref_slice %arg7[%dma_start3A_120, %dma_start3A_121, %dma_start3A_126] : memref<4x2x128xi32, #tpu.memory_space<vmem>> -> memref<1x1x128xi32, #tpu.memory_space<vmem>>
      %dma_start3A_128 = tpu.memref_squeeze %dma_start3A_127 : memref<1x1x128xi32, #tpu.memory_space<vmem>> -> memref<128xi32, #tpu.memory_space<vmem>>
      %dma_start3A_129 = arith.constant 0 : i32
      %dma_start3A_130 = arith.constant 0 : i32
      %dma_start3A_131 = tpu.memref_slice %arg11[%dma_start3A_129, %dma_start3A_130] : memref<10240x64xf32, #tpu.memory_space<vmem_shared>> -> memref<10240x64xf32, #tpu.memory_space<vmem_shared>>
      tpu.enqueue_indirect_dma source(%dma_start3A_125 : memref<128x64xf32, #tpu.memory_space<vmem>>) target(%dma_start3A_131 : memref<10240x64xf32, #tpu.memory_space<vmem_shared>>) offsets(%dma_start3A_128 : memref<128xi32, #tpu.memory_space<vmem>>) semaphore(%arg13 : memref<!tpu.dma_semaphore, #tpu.memory_space<semaphore_mem>>) {add = true}
      %dma_wait3A_132 = arith.constant 2 : i32
      %dma_wait3A_133 = arith.constant 0 : i32
      %dma_wait3A_134 = arith.constant 2 : i32
      %dma_wait3A_135 = arith.constant 0 : i32
      %dma_wait3A_136 = arith.constant 0 : i32
      %dma_wait3A_137 = tpu.memref_slice %arg8[%dma_wait3A_134, %dma_wait3A_135, %dma_wait3A_136] : memref<4x128x64xf32, #tpu.memory_space<vmem>> -> memref<1x128x64xf32, #tpu.memory_space<vmem>>
      %dma_wait3A_138 = tpu.memref_squeeze %dma_wait3A_137 : memref<1x128x64xf32, #tpu.memory_space<vmem>> -> memref<128x64xf32, #tpu.memory_space<vmem>>
      %dma_wait3A_139 = arith.constant 0 : i32
      %dma_wait3A_140 = tpu.memref_slice %arg7[%dma_wait3A_132, %dma_wait3A_133, %dma_wait3A_139] : memref<4x2x128xi32, #tpu.memory_space<vmem>> -> memref<1x1x128xi32, #tpu.memory_space<vmem>>
      %dma_wait3A_141 = tpu.memref_squeeze %dma_wait3A_140 : memref<1x1x128xi32, #tpu.memory_space<vmem>> -> memref<128xi32, #tpu.memory_space<vmem>>
      %dma_wait3A_142 = arith.constant 0 : i32
      %dma_wait3A_143 = arith.constant 0 : i32
      %dma_wait3A_144 = tpu.memref_slice %arg10[%dma_wait3A_142, %dma_wait3A_143] : memref<10240x64xf32, #tpu.memory_space<vmem_shared>> -> memref<10240x64xf32, #tpu.memory_space<vmem_shared>>
      tpu.wait_indirect_dma semaphore(%arg12 : memref<!tpu.dma_semaphore, #tpu.memory_space<semaphore_mem>>) src(%dma_wait3A_144 : memref<10240x64xf32, #tpu.memory_space<vmem_shared>>) dst(%dma_wait3A_138 : memref<128x64xf32, #tpu.memory_space<vmem>>)
      %dma_start3A_145 = arith.constant 2 : i32
      %dma_start3A_146 = arith.constant 2 : i32
      %dma_start3A_147 = arith.constant 1 : i32
      %dma_start3A_148 = arith.constant 0 : i32
      %dma_start3A_149 = arith.constant 0 : i32
      %dma_start3A_150 = tpu.memref_slice %arg8[%dma_start3A_145, %dma_start3A_148, %dma_start3A_149] : memref<4x128x64xf32, #tpu.memory_space<vmem>> -> memref<1x128x64xf32, #tpu.memory_space<vmem>>
      %dma_start3A_151 = tpu.memref_squeeze %dma_start3A_150 : memref<1x128x64xf32, #tpu.memory_space<vmem>> -> memref<128x64xf32, #tpu.memory_space<vmem>>
      %dma_start3A_152 = arith.constant 0 : i32
      %dma_start3A_153 = tpu.memref_slice %arg7[%dma_start3A_146, %dma_start3A_147, %dma_start3A_152] : memref<4x2x128xi32, #tpu.memory_space<vmem>> -> memref<1x1x128xi32, #tpu.memory_space<vmem>>
      %dma_start3A_154 = tpu.memref_squeeze %dma_start3A_153 : memref<1x1x128xi32, #tpu.memory_space<vmem>> -> memref<128xi32, #tpu.memory_space<vmem>>
      %dma_start3A_155 = arith.constant 0 : i32
      %dma_start3A_156 = arith.constant 0 : i32
      %dma_start3A_157 = tpu.memref_slice %arg11[%dma_start3A_155, %dma_start3A_156] : memref<10240x64xf32, #tpu.memory_space<vmem_shared>> -> memref<10240x64xf32, #tpu.memory_space<vmem_shared>>
      tpu.enqueue_indirect_dma source(%dma_start3A_151 : memref<128x64xf32, #tpu.memory_space<vmem>>) target(%dma_start3A_157 : memref<10240x64xf32, #tpu.memory_space<vmem_shared>>) offsets(%dma_start3A_154 : memref<128xi32, #tpu.memory_space<vmem>>) semaphore(%arg13 : memref<!tpu.dma_semaphore, #tpu.memory_space<semaphore_mem>>) {add = true}
      %dma_wait3A_158 = arith.constant 3 : i32
      %dma_wait3A_159 = arith.constant 0 : i32
      %dma_wait3A_160 = arith.constant 3 : i32
      %dma_wait3A_161 = arith.constant 0 : i32
      %dma_wait3A_162 = arith.constant 0 : i32
      %dma_wait3A_163 = tpu.memref_slice %arg8[%dma_wait3A_160, %dma_wait3A_161, %dma_wait3A_162] : memref<4x128x64xf32, #tpu.memory_space<vmem>> -> memref<1x128x64xf32, #tpu.memory_space<vmem>>
      %dma_wait3A_164 = tpu.memref_squeeze %dma_wait3A_163 : memref<1x128x64xf32, #tpu.memory_space<vmem>> -> memref<128x64xf32, #tpu.memory_space<vmem>>
      %dma_wait3A_165 = arith.constant 0 : i32
      %dma_wait3A_166 = tpu.memref_slice %arg7[%dma_wait3A_158, %dma_wait3A_159, %dma_wait3A_165] : memref<4x2x128xi32, #tpu.memory_space<vmem>> -> memref<1x1x128xi32, #tpu.memory_space<vmem>>
      %dma_wait3A_167 = tpu.memref_squeeze %dma_wait3A_166 : memref<1x1x128xi32, #tpu.memory_space<vmem>> -> memref<128xi32, #tpu.memory_space<vmem>>
      %dma_wait3A_168 = arith.constant 0 : i32
      %dma_wait3A_169 = arith.constant 0 : i32
      %dma_wait3A_170 = tpu.memref_slice %arg10[%dma_wait3A_168, %dma_wait3A_169] : memref<10240x64xf32, #tpu.memory_space<vmem_shared>> -> memref<10240x64xf32, #tpu.memory_space<vmem_shared>>
      tpu.wait_indirect_dma semaphore(%arg12 : memref<!tpu.dma_semaphore, #tpu.memory_space<semaphore_mem>>) src(%dma_wait3A_170 : memref<10240x64xf32, #tpu.memory_space<vmem_shared>>) dst(%dma_wait3A_164 : memref<128x64xf32, #tpu.memory_space<vmem>>)
      %dma_start3A_171 = arith.constant 3 : i32
      %dma_start3A_172 = arith.constant 3 : i32
      %dma_start3A_173 = arith.constant 1 : i32
      %dma_start3A_174 = arith.constant 0 : i32
      %dma_start3A_175 = arith.constant 0 : i32
      %dma_start3A_176 = tpu.memref_slice %arg8[%dma_start3A_171, %dma_start3A_174, %dma_start3A_175] : memref<4x128x64xf32, #tpu.memory_space<vmem>> -> memref<1x128x64xf32, #tpu.memory_space<vmem>>
      %dma_start3A_177 = tpu.memref_squeeze %dma_start3A_176 : memref<1x128x64xf32, #tpu.memory_space<vmem>> -> memref<128x64xf32, #tpu.memory_space<vmem>>
      %dma_start3A_178 = arith.constant 0 : i32
      %dma_start3A_179 = tpu.memref_slice %arg7[%dma_start3A_172, %dma_start3A_173, %dma_start3A_178] : memref<4x2x128xi32, #tpu.memory_space<vmem>> -> memref<1x1x128xi32, #tpu.memory_space<vmem>>
      %dma_start3A_180 = tpu.memref_squeeze %dma_start3A_179 : memref<1x1x128xi32, #tpu.memory_space<vmem>> -> memref<128xi32, #tpu.memory_space<vmem>>
      %dma_start3A_181 = arith.constant 0 : i32
      %dma_start3A_182 = arith.constant 0 : i32
      %dma_start3A_183 = tpu.memref_slice %arg11[%dma_start3A_181, %dma_start3A_182] : memref<10240x64xf32, #tpu.memory_space<vmem_shared>> -> memref<10240x64xf32, #tpu.memory_space<vmem_shared>>
      tpu.enqueue_indirect_dma source(%dma_start3A_177 : memref<128x64xf32, #tpu.memory_space<vmem>>) target(%dma_start3A_183 : memref<10240x64xf32, #tpu.memory_space<vmem_shared>>) offsets(%dma_start3A_180 : memref<128xi32, #tpu.memory_space<vmem>>) semaphore(%arg13 : memref<!tpu.dma_semaphore, #tpu.memory_space<semaphore_mem>>) {add = true}
      %dma_wait3A_184 = arith.constant 0 : i32
      %dma_wait3A_185 = arith.constant 0 : i32
      %dma_wait3A_186 = arith.constant 1 : i32
      %dma_wait3A_187 = arith.constant 0 : i32
      %dma_wait3A_188 = arith.constant 0 : i32
      %dma_wait3A_189 = tpu.memref_slice %arg8[%dma_wait3A_184, %dma_wait3A_187, %dma_wait3A_188] : memref<4x128x64xf32, #tpu.memory_space<vmem>> -> memref<1x128x64xf32, #tpu.memory_space<vmem>>
      %dma_wait3A_190 = tpu.memref_squeeze %dma_wait3A_189 : memref<1x128x64xf32, #tpu.memory_space<vmem>> -> memref<128x64xf32, #tpu.memory_space<vmem>>
      %dma_wait3A_191 = arith.constant 0 : i32
      %dma_wait3A_192 = tpu.memref_slice %arg7[%dma_wait3A_185, %dma_wait3A_186, %dma_wait3A_191] : memref<4x2x128xi32, #tpu.memory_space<vmem>> -> memref<1x1x128xi32, #tpu.memory_space<vmem>>
      %dma_wait3A_193 = tpu.memref_squeeze %dma_wait3A_192 : memref<1x1x128xi32, #tpu.memory_space<vmem>> -> memref<128xi32, #tpu.memory_space<vmem>>
      %dma_wait3A_194 = arith.constant 0 : i32
      %dma_wait3A_195 = arith.constant 0 : i32
      %dma_wait3A_196 = tpu.memref_slice %arg11[%dma_wait3A_194, %dma_wait3A_195] : memref<10240x64xf32, #tpu.memory_space<vmem_shared>> -> memref<10240x64xf32, #tpu.memory_space<vmem_shared>>
      tpu.wait_indirect_dma semaphore(%arg13 : memref<!tpu.dma_semaphore, #tpu.memory_space<semaphore_mem>>) src(%dma_wait3A_190 : memref<128x64xf32, #tpu.memory_space<vmem>>) dst(%dma_wait3A_196 : memref<10240x64xf32, #tpu.memory_space<vmem_shared>>)
      %dma_wait3A_197 = arith.constant 1 : i32
      %dma_wait3A_198 = arith.constant 1 : i32
      %dma_wait3A_199 = arith.constant 1 : i32
      %dma_wait3A_200 = arith.constant 0 : i32
      %dma_wait3A_201 = arith.constant 0 : i32
      %dma_wait3A_202 = tpu.memref_slice %arg8[%dma_wait3A_197, %dma_wait3A_200, %dma_wait3A_201] : memref<4x128x64xf32, #tpu.memory_space<vmem>> -> memref<1x128x64xf32, #tpu.memory_space<vmem>>
      %dma_wait3A_203 = tpu.memref_squeeze %dma_wait3A_202 : memref<1x128x64xf32, #tpu.memory_space<vmem>> -> memref<128x64xf32, #tpu.memory_space<vmem>>
      %dma_wait3A_204 = arith.constant 0 : i32
      %dma_wait3A_205 = tpu.memref_slice %arg7[%dma_wait3A_198, %dma_wait3A_199, %dma_wait3A_204] : memref<4x2x128xi32, #tpu.memory_space<vmem>> -> memref<1x1x128xi32, #tpu.memory_space<vmem>>
      %dma_wait3A_206 = tpu.memref_squeeze %dma_wait3A_205 : memref<1x1x128xi32, #tpu.memory_space<vmem>> -> memref<128xi32, #tpu.memory_space<vmem>>
      %dma_wait3A_207 = arith.constant 0 : i32
      %dma_wait3A_208 = arith.constant 0 : i32
      %dma_wait3A_209 = tpu.memref_slice %arg11[%dma_wait3A_207, %dma_wait3A_208] : memref<10240x64xf32, #tpu.memory_space<vmem_shared>> -> memref<10240x64xf32, #tpu.memory_space<vmem_shared>>
      tpu.wait_indirect_dma semaphore(%arg13 : memref<!tpu.dma_semaphore, #tpu.memory_space<semaphore_mem>>) src(%dma_wait3A_203 : memref<128x64xf32, #tpu.memory_space<vmem>>) dst(%dma_wait3A_209 : memref<10240x64xf32, #tpu.memory_space<vmem_shared>>)
      %dma_wait3A_210 = arith.constant 2 : i32
      %dma_wait3A_211 = arith.constant 2 : i32
      %dma_wait3A_212 = arith.constant 1 : i32
      %dma_wait3A_213 = arith.constant 0 : i32
      %dma_wait3A_214 = arith.constant 0 : i32
      %dma_wait3A_215 = tpu.memref_slice %arg8[%dma_wait3A_210, %dma_wait3A_213, %dma_wait3A_214] : memref<4x128x64xf32, #tpu.memory_space<vmem>> -> memref<1x128x64xf32, #tpu.memory_space<vmem>>
      %dma_wait3A_216 = tpu.memref_squeeze %dma_wait3A_215 : memref<1x128x64xf32, #tpu.memory_space<vmem>> -> memref<128x64xf32, #tpu.memory_space<vmem>>
      %dma_wait3A_217 = arith.constant 0 : i32
      %dma_wait3A_218 = tpu.memref_slice %arg7[%dma_wait3A_211, %dma_wait3A_212, %dma_wait3A_217] : memref<4x2x128xi32, #tpu.memory_space<vmem>> -> memref<1x1x128xi32, #tpu.memory_space<vmem>>
      %dma_wait3A_219 = tpu.memref_squeeze %dma_wait3A_218 : memref<1x1x128xi32, #tpu.memory_space<vmem>> -> memref<128xi32, #tpu.memory_space<vmem>>
      %dma_wait3A_220 = arith.constant 0 : i32
      %dma_wait3A_221 = arith.constant 0 : i32
      %dma_wait3A_222 = tpu.memref_slice %arg11[%dma_wait3A_220, %dma_wait3A_221] : memref<10240x64xf32, #tpu.memory_space<vmem_shared>> -> memref<10240x64xf32, #tpu.memory_space<vmem_shared>>
      tpu.wait_indirect_dma semaphore(%arg13 : memref<!tpu.dma_semaphore, #tpu.memory_space<semaphore_mem>>) src(%dma_wait3A_216 : memref<128x64xf32, #tpu.memory_space<vmem>>) dst(%dma_wait3A_222 : memref<10240x64xf32, #tpu.memory_space<vmem_shared>>)
      %dma_wait3A_223 = arith.constant 3 : i32
      %dma_wait3A_224 = arith.constant 3 : i32
      %dma_wait3A_225 = arith.constant 1 : i32
      %dma_wait3A_226 = arith.constant 0 : i32
      %dma_wait3A_227 = arith.constant 0 : i32
      %dma_wait3A_228 = tpu.memref_slice %arg8[%dma_wait3A_223, %dma_wait3A_226, %dma_wait3A_227] : memref<4x128x64xf32, #tpu.memory_space<vmem>> -> memref<1x128x64xf32, #tpu.memory_space<vmem>>
      %dma_wait3A_229 = tpu.memref_squeeze %dma_wait3A_228 : memref<1x128x64xf32, #tpu.memory_space<vmem>> -> memref<128x64xf32, #tpu.memory_space<vmem>>
      %dma_wait3A_230 = arith.constant 0 : i32
      %dma_wait3A_231 = tpu.memref_slice %arg7[%dma_wait3A_224, %dma_wait3A_225, %dma_wait3A_230] : memref<4x2x128xi32, #tpu.memory_space<vmem>> -> memref<1x1x128xi32, #tpu.memory_space<vmem>>
      %dma_wait3A_232 = tpu.memref_squeeze %dma_wait3A_231 : memref<1x1x128xi32, #tpu.memory_space<vmem>> -> memref<128xi32, #tpu.memory_space<vmem>>
      %dma_wait3A_233 = arith.constant 0 : i32
      %dma_wait3A_234 = arith.constant 0 : i32
      %dma_wait3A_235 = tpu.memref_slice %arg11[%dma_wait3A_233, %dma_wait3A_234] : memref<10240x64xf32, #tpu.memory_space<vmem_shared>> -> memref<10240x64xf32, #tpu.memory_space<vmem_shared>>
      tpu.wait_indirect_dma semaphore(%arg13 : memref<!tpu.dma_semaphore, #tpu.memory_space<semaphore_mem>>) src(%dma_wait3A_229 : memref<128x64xf32, #tpu.memory_space<vmem>>) dst(%dma_wait3A_235 : memref<10240x64xf32, #tpu.memory_space<vmem_shared>>)
    }
    %scan3A_18 = arith.constant 20 : i32
    %barrier3A_19 = arith.constant 0 : index
    tpu.barrier barrier_id(%barrier3A_19)
    %mul3A_20 = arith.constant 10240 : i32
    %mul3A_21 = arith.muli %arg0, %mul3A_20 : i32
    %add3A = arith.addi %mul3A_21, %mul3A_0 : i32
    "tpu.region"() ({
      %run_scoped3A = tpu.sem_alloc : memref<!tpu.dma_semaphore, #tpu.memory_space<semaphore_mem>>
      %dma_start3A = arith.constant 0 : i32
      %dma_start3A_22 = tpu.memref_slice %arg6[%add3A, %dma_start3A] : memref<20480x64xf32, #tpu.memory_space<hbm>> -> memref<640x64xf32, #tpu.memory_space<hbm>>
      %dma_start3A_23 = arith.constant 0 : i32
      %dma_start3A_24 = tpu.memref_slice %arg11[%mul3A_0, %dma_start3A_23] : memref<10240x64xf32, #tpu.memory_space<vmem_shared>> -> memref<640x64xf32, #tpu.memory_space<vmem_shared>>
      tpu.enqueue_dma source(%dma_start3A_24 : memref<640x64xf32, #tpu.memory_space<vmem_shared>>) target(%dma_start3A_22 : memref<640x64xf32, #tpu.memory_space<hbm>>) target_semaphore(%run_scoped3A : memref<!tpu.dma_semaphore, #tpu.memory_space<semaphore_mem>>)
      %dma_wait3A = arith.constant 0 : i32
      %dma_wait3A_25 = tpu.memref_slice %arg6[%add3A, %dma_wait3A] : memref<20480x64xf32, #tpu.memory_space<hbm>> -> memref<640x64xf32, #tpu.memory_space<hbm>>
      %dma_wait3A_26 = arith.constant 0 : i32
      %dma_wait3A_27 = tpu.memref_slice %arg11[%mul3A_0, %dma_wait3A_26] : memref<10240x64xf32, #tpu.memory_space<vmem_shared>> -> memref<640x64xf32, #tpu.memory_space<vmem_shared>>
      tpu.wait_dma2 semaphore(%run_scoped3A : memref<!tpu.dma_semaphore, #tpu.memory_space<semaphore_mem>>) src(%dma_wait3A_27 : memref<640x64xf32, #tpu.memory_space<vmem_shared>>) dst(%dma_wait3A_25 : memref<640x64xf32, #tpu.memory_space<hbm>>)
      tpu.yield
    }) : () -> ()
    return
  }
}

#map = affine_map<(d0, d1) -> (0, 0, 0)>
#map1 = affine_map<(d0, d1) -> (0, 0)>
module attributes {stable_mosaic.version = 14 : i64} {
  func.func @k(%arg0: i32, %arg1: i32, %arg2: memref<1280x2x128xi32, #tpu.memory_space<hbm>>, %arg3: memref<10240x32xf32, #tpu.memory_space<hbm>>, %arg4: memref<10240x32xf32, #tpu.memory_space<hbm>>, %arg5: memref<64x32xf32, #tpu.memory_space<hbm>>, %arg6: memref<20480x32xf32, #tpu.memory_space<hbm>>, %arg7: memref<16x2x128xi32, #tpu.memory_space<vmem>>, %arg8: memref<16x128x32xf32, #tpu.memory_space<vmem>>, %arg9: memref<64x32xf32, #tpu.memory_space<vmem>>, %arg10: memref<10240x32xf32, #tpu.memory_space<vmem_shared>>, %arg11: memref<10240x32xf32, #tpu.memory_space<vmem_shared>>, %arg12: memref<!tpu.dma_semaphore, #tpu.memory_space<semaphore_mem>>, %arg13: memref<!tpu.dma_semaphore, #tpu.memory_space<semaphore_mem>>) attributes {dimension_semantics = [#tpu.dimension_semantics<core_parallel>, #tpu.dimension_semantics<subcore_parallel>], iteration_bounds = array<i64: 2, 16>, scalar_prefetch = 0 : i64, scratch_operands = 7 : i64, tpu.core_type = #tpu.core_type<sc_vector_subcore>, window_params = [{transform_indices = #map}, {transform_indices = #map1}, {transform_indices = #map1}, {transform_indices = #map1}, {transform_indices = #map1}]} {
    %mul3A = arith.constant 640 : i32
    %mul3A_0 = arith.muli %arg1, %mul3A : i32
    %eq3A = arith.constant 0 : i32
    %eq3A_1 = arith.cmpi eq, %arg0, %eq3A : i32
    %convert_element_type3A = arith.extui %eq3A_1 : i1 to i32
    %cond3A = arith.constant 0 : i32
    %cond3A_2 = arith.cmpi ne, %convert_element_type3A, %cond3A : i32
    scf.if %cond3A_2 {
      "tpu.region"() ({
        %run_scoped3A = tpu.sem_alloc : memref<!tpu.dma_semaphore, #tpu.memory_space<semaphore_mem>>
        %dma_start3A = arith.constant 0 : i32
        %dma_start3A_22 = tpu.memref_slice %arg10[%mul3A_0, %dma_start3A] : memref<10240x32xf32, #tpu.memory_space<vmem_shared>> -> memref<640x32xf32, #tpu.memory_space<vmem_shared>>
        %dma_start3A_23 = arith.constant 0 : i32
        %dma_start3A_24 = tpu.memref_slice %arg3[%mul3A_0, %dma_start3A_23] : memref<10240x32xf32, #tpu.memory_space<hbm>> -> memref<640x32xf32, #tpu.memory_space<hbm>>
        tpu.enqueue_dma source(%dma_start3A_24 : memref<640x32xf32, #tpu.memory_space<hbm>>) target(%dma_start3A_22 : memref<640x32xf32, #tpu.memory_space<vmem_shared>>) target_semaphore(%run_scoped3A : memref<!tpu.dma_semaphore, #tpu.memory_space<semaphore_mem>>)
        %dma_wait3A = arith.constant 0 : i32
        %dma_wait3A_25 = tpu.memref_slice %arg10[%mul3A_0, %dma_wait3A] : memref<10240x32xf32, #tpu.memory_space<vmem_shared>> -> memref<640x32xf32, #tpu.memory_space<vmem_shared>>
        %dma_wait3A_26 = arith.constant 0 : i32
        %dma_wait3A_27 = tpu.memref_slice %arg3[%mul3A_0, %dma_wait3A_26] : memref<10240x32xf32, #tpu.memory_space<hbm>> -> memref<640x32xf32, #tpu.memory_space<hbm>>
        tpu.wait_dma2 semaphore(%run_scoped3A : memref<!tpu.dma_semaphore, #tpu.memory_space<semaphore_mem>>) src(%dma_wait3A_27 : memref<640x32xf32, #tpu.memory_space<hbm>>) dst(%dma_wait3A_25 : memref<640x32xf32, #tpu.memory_space<vmem_shared>>)
        tpu.yield
      }) : () -> ()
    } else {
    }
    %eq3A_3 = arith.constant 1 : i32
    %eq3A_4 = arith.cmpi eq, %arg0, %eq3A_3 : i32
    %convert_element_type3A_5 = arith.extui %eq3A_4 : i1 to i32
    %cond3A_6 = arith.constant 0 : i32
    %cond3A_7 = arith.cmpi ne, %convert_element_type3A_5, %cond3A_6 : i32
    scf.if %cond3A_7 {
      "tpu.region"() ({
        %run_scoped3A = tpu.sem_alloc : memref<!tpu.dma_semaphore, #tpu.memory_space<semaphore_mem>>
        %dma_start3A = arith.constant 0 : i32
        %dma_start3A_22 = tpu.memref_slice %arg10[%mul3A_0, %dma_start3A] : memref<10240x32xf32, #tpu.memory_space<vmem_shared>> -> memref<640x32xf32, #tpu.memory_space<vmem_shared>>
        %dma_start3A_23 = arith.constant 0 : i32
        %dma_start3A_24 = tpu.memref_slice %arg4[%mul3A_0, %dma_start3A_23] : memref<10240x32xf32, #tpu.memory_space<hbm>> -> memref<640x32xf32, #tpu.memory_space<hbm>>
        tpu.enqueue_dma source(%dma_start3A_24 : memref<640x32xf32, #tpu.memory_space<hbm>>) target(%dma_start3A_22 : memref<640x32xf32, #tpu.memory_space<vmem_shared>>) target_semaphore(%run_scoped3A : memref<!tpu.dma_semaphore, #tpu.memory_space<semaphore_mem>>)
        %dma_wait3A = arith.constant 0 : i32
        %dma_wait3A_25 = tpu.memref_slice %arg10[%mul3A_0, %dma_wait3A] : memref<10240x32xf32, #tpu.memory_space<vmem_shared>> -> memref<640x32xf32, #tpu.memory_space<vmem_shared>>
        %dma_wait3A_26 = arith.constant 0 : i32
        %dma_wait3A_27 = tpu.memref_slice %arg4[%mul3A_0, %dma_wait3A_26] : memref<10240x32xf32, #tpu.memory_space<hbm>> -> memref<640x32xf32, #tpu.memory_space<hbm>>
        tpu.wait_dma2 semaphore(%run_scoped3A : memref<!tpu.dma_semaphore, #tpu.memory_space<semaphore_mem>>) src(%dma_wait3A_27 : memref<640x32xf32, #tpu.memory_space<hbm>>) dst(%dma_wait3A_25 : memref<640x32xf32, #tpu.memory_space<vmem_shared>>)
        tpu.yield
      }) : () -> ()
    } else {
    }
    "tpu.region"() ({
      %run_scoped3A = tpu.sem_alloc : memref<!tpu.dma_semaphore, #tpu.memory_space<semaphore_mem>>
      tpu.enqueue_dma source(%arg5 : memref<64x32xf32, #tpu.memory_space<hbm>>) target(%arg9 : memref<64x32xf32, #tpu.memory_space<vmem>>) target_semaphore(%run_scoped3A : memref<!tpu.dma_semaphore, #tpu.memory_space<semaphore_mem>>)
      tpu.wait_dma2 semaphore(%run_scoped3A : memref<!tpu.dma_semaphore, #tpu.memory_space<semaphore_mem>>) src(%arg5 : memref<64x32xf32, #tpu.memory_space<hbm>>) dst(%arg9 : memref<64x32xf32, #tpu.memory_space<vmem>>)
      tpu.yield
    }) : () -> ()
    %scan3A = arith.constant 0 : i32
    %scan3A_8 = arith.constant 10 : i32
    %scan3A_9 = arith.addi %scan3A, %scan3A_8 : i32
    %scan3A_10 = arith.constant 1 : i32
    scf.for %scan3A_22 = %scan3A to %scan3A_9 step %scan3A_10  : i32 {
      %mul3A_23 = arith.constant 1 : i32
      %mul3A_24 = arith.muli %scan3A_22, %mul3A_23 : i32
      %add3A_25 = arith.constant 0 : i32
      %add3A_26 = arith.addi %add3A_25, %mul3A_24 : i32
      %mul3A_27 = arith.constant 64 : i32
      %mul3A_28 = arith.muli %add3A_26, %mul3A_27 : i32
      %add3A_29 = arith.addi %mul3A_0, %mul3A_28 : i32
      "tpu.region"() ({
        %run_scoped3A = tpu.sem_alloc : memref<!tpu.dma_semaphore, #tpu.memory_space<semaphore_mem>>
        %dma_start3A = arith.constant 0 : i32
        %dma_start3A_30 = tpu.memref_slice %arg11[%add3A_29, %dma_start3A] : memref<10240x32xf32, #tpu.memory_space<vmem_shared>> -> memref<64x32xf32, #tpu.memory_space<vmem_shared>>
        %dma_start3A_31 = arith.constant 0 : i32
        %dma_start3A_32 = tpu.memref_slice %arg11[%add3A_29, %dma_start3A_31] : memref<10240x32xf32, #tpu.memory_space<vmem_shared>> -> memref<64x32xf32, #tpu.memory_space<vmem_shared>>
        tpu.enqueue_dma source(%arg9 : memref<64x32xf32, #tpu.memory_space<vmem>>) target(%dma_start3A_32 : memref<64x32xf32, #tpu.memory_space<vmem_shared>>) target_semaphore(%run_scoped3A : memref<!tpu.dma_semaphore, #tpu.memory_space<semaphore_mem>>)
        %dma_wait3A = arith.constant 0 : i32
        %dma_wait3A_33 = tpu.memref_slice %arg11[%add3A_29, %dma_wait3A] : memref<10240x32xf32, #tpu.memory_space<vmem_shared>> -> memref<64x32xf32, #tpu.memory_space<vmem_shared>>
        %dma_wait3A_34 = arith.constant 0 : i32
        %dma_wait3A_35 = tpu.memref_slice %arg11[%add3A_29, %dma_wait3A_34] : memref<10240x32xf32, #tpu.memory_space<vmem_shared>> -> memref<64x32xf32, #tpu.memory_space<vmem_shared>>
        tpu.wait_dma2 semaphore(%run_scoped3A : memref<!tpu.dma_semaphore, #tpu.memory_space<semaphore_mem>>) src(%arg9 : memref<64x32xf32, #tpu.memory_space<vmem>>) dst(%dma_wait3A_35 : memref<64x32xf32, #tpu.memory_space<vmem_shared>>)
        tpu.yield
      }) : () -> ()
    }
    %scan3A_11 = arith.constant 10 : i32
    %barrier3A = arith.constant 0 : index
    tpu.barrier barrier_id(%barrier3A)
    %mul3A_12 = arith.constant 80 : i32
    %mul3A_13 = arith.muli %arg1, %mul3A_12 : i32
    %scan3A_14 = arith.constant 0 : i32
    %scan3A_15 = arith.constant 5 : i32
    %scan3A_16 = arith.addi %scan3A_14, %scan3A_15 : i32
    %scan3A_17 = arith.constant 1 : i32
    scf.for %scan3A_22 = %scan3A_14 to %scan3A_16 step %scan3A_17  : i32 {
      %mul3A_23 = arith.constant 1 : i32
      %mul3A_24 = arith.muli %scan3A_22, %mul3A_23 : i32
      %add3A_25 = arith.constant 0 : i32
      %add3A_26 = arith.addi %add3A_25, %mul3A_24 : i32
      %mul3A_27 = arith.constant 16 : i32
      %mul3A_28 = arith.muli %add3A_26, %mul3A_27 : i32
      %add3A_29 = arith.addi %mul3A_13, %mul3A_28 : i32
      "tpu.region"() ({
        %run_scoped3A = tpu.sem_alloc : memref<!tpu.dma_semaphore, #tpu.memory_space<semaphore_mem>>
        %dma_start3A_860 = arith.constant 0 : i32
        %dma_start3A_861 = arith.constant 0 : i32
        %dma_start3A_862 = tpu.memref_slice %arg2[%add3A_29, %dma_start3A_860, %dma_start3A_861] : memref<1280x2x128xi32, #tpu.memory_space<hbm>> -> memref<16x2x128xi32, #tpu.memory_space<hbm>>
        %dma_start3A_863 = arith.constant 0 : i32
        %dma_start3A_864 = arith.constant 0 : i32
        %dma_start3A_865 = tpu.memref_slice %arg2[%add3A_29, %dma_start3A_863, %dma_start3A_864] : memref<1280x2x128xi32, #tpu.memory_space<hbm>> -> memref<16x2x128xi32, #tpu.memory_space<hbm>>
        tpu.enqueue_dma source(%dma_start3A_865 : memref<16x2x128xi32, #tpu.memory_space<hbm>>) target(%arg7 : memref<16x2x128xi32, #tpu.memory_space<vmem>>) target_semaphore(%run_scoped3A : memref<!tpu.dma_semaphore, #tpu.memory_space<semaphore_mem>>)
        %dma_wait3A_866 = arith.constant 0 : i32
        %dma_wait3A_867 = arith.constant 0 : i32
        %dma_wait3A_868 = tpu.memref_slice %arg2[%add3A_29, %dma_wait3A_866, %dma_wait3A_867] : memref<1280x2x128xi32, #tpu.memory_space<hbm>> -> memref<16x2x128xi32, #tpu.memory_space<hbm>>
        %dma_wait3A_869 = arith.constant 0 : i32
        %dma_wait3A_870 = arith.constant 0 : i32
        %dma_wait3A_871 = tpu.memref_slice %arg2[%add3A_29, %dma_wait3A_869, %dma_wait3A_870] : memref<1280x2x128xi32, #tpu.memory_space<hbm>> -> memref<16x2x128xi32, #tpu.memory_space<hbm>>
        tpu.wait_dma2 semaphore(%run_scoped3A : memref<!tpu.dma_semaphore, #tpu.memory_space<semaphore_mem>>) src(%dma_wait3A_871 : memref<16x2x128xi32, #tpu.memory_space<hbm>>) dst(%arg7 : memref<16x2x128xi32, #tpu.memory_space<vmem>>)
        tpu.yield
      }) : () -> ()
      %dma_start3A = arith.constant 0 : i32
      %dma_start3A_30 = arith.constant 0 : i32
      %dma_start3A_31 = arith.constant 0 : i32
      %dma_start3A_32 = arith.constant 0 : i32
      %dma_start3A_33 = arith.constant 0 : i32
      %dma_start3A_34 = tpu.memref_slice %arg8[%dma_start3A_31, %dma_start3A_32, %dma_start3A_33] : memref<16x128x32xf32, #tpu.memory_space<vmem>> -> memref<1x128x32xf32, #tpu.memory_space<vmem>>
      %dma_start3A_35 = tpu.memref_squeeze %dma_start3A_34 : memref<1x128x32xf32, #tpu.memory_space<vmem>> -> memref<128x32xf32, #tpu.memory_space<vmem>>
      %dma_start3A_36 = arith.constant 0 : i32
      %dma_start3A_37 = tpu.memref_slice %arg7[%dma_start3A, %dma_start3A_30, %dma_start3A_36] : memref<16x2x128xi32, #tpu.memory_space<vmem>> -> memref<1x1x128xi32, #tpu.memory_space<vmem>>
      %dma_start3A_38 = tpu.memref_squeeze %dma_start3A_37 : memref<1x1x128xi32, #tpu.memory_space<vmem>> -> memref<128xi32, #tpu.memory_space<vmem>>
      %dma_start3A_39 = arith.constant 0 : i32
      %dma_start3A_40 = arith.constant 0 : i32
      %dma_start3A_41 = tpu.memref_slice %arg10[%dma_start3A_39, %dma_start3A_40] : memref<10240x32xf32, #tpu.memory_space<vmem_shared>> -> memref<10240x32xf32, #tpu.memory_space<vmem_shared>>
      tpu.enqueue_indirect_dma source(%dma_start3A_41 : memref<10240x32xf32, #tpu.memory_space<vmem_shared>>) target(%dma_start3A_35 : memref<128x32xf32, #tpu.memory_space<vmem>>) offsets(%dma_start3A_38 : memref<128xi32, #tpu.memory_space<vmem>>) semaphore(%arg12 : memref<!tpu.dma_semaphore, #tpu.memory_space<semaphore_mem>>)
      %dma_start3A_42 = arith.constant 1 : i32
      %dma_start3A_43 = arith.constant 0 : i32
      %dma_start3A_44 = arith.constant 1 : i32
      %dma_start3A_45 = arith.constant 0 : i32
      %dma_start3A_46 = arith.constant 0 : i32
      %dma_start3A_47 = tpu.memref_slice %arg8[%dma_start3A_44, %dma_start3A_45, %dma_start3A_46] : memref<16x128x32xf32, #tpu.memory_space<vmem>> -> memref<1x128x32xf32, #tpu.memory_space<vmem>>
      %dma_start3A_48 = tpu.memref_squeeze %dma_start3A_47 : memref<1x128x32xf32, #tpu.memory_space<vmem>> -> memref<128x32xf32, #tpu.memory_space<vmem>>
      %dma_start3A_49 = arith.constant 0 : i32
      %dma_start3A_50 = tpu.memref_slice %arg7[%dma_start3A_42, %dma_start3A_43, %dma_start3A_49] : memref<16x2x128xi32, #tpu.memory_space<vmem>> -> memref<1x1x128xi32, #tpu.memory_space<vmem>>
      %dma_start3A_51 = tpu.memref_squeeze %dma_start3A_50 : memref<1x1x128xi32, #tpu.memory_space<vmem>> -> memref<128xi32, #tpu.memory_space<vmem>>
      %dma_start3A_52 = arith.constant 0 : i32
      %dma_start3A_53 = arith.constant 0 : i32
      %dma_start3A_54 = tpu.memref_slice %arg10[%dma_start3A_52, %dma_start3A_53] : memref<10240x32xf32, #tpu.memory_space<vmem_shared>> -> memref<10240x32xf32, #tpu.memory_space<vmem_shared>>
      tpu.enqueue_indirect_dma source(%dma_start3A_54 : memref<10240x32xf32, #tpu.memory_space<vmem_shared>>) target(%dma_start3A_48 : memref<128x32xf32, #tpu.memory_space<vmem>>) offsets(%dma_start3A_51 : memref<128xi32, #tpu.memory_space<vmem>>) semaphore(%arg12 : memref<!tpu.dma_semaphore, #tpu.memory_space<semaphore_mem>>)
      %dma_start3A_55 = arith.constant 2 : i32
      %dma_start3A_56 = arith.constant 0 : i32
      %dma_start3A_57 = arith.constant 2 : i32
      %dma_start3A_58 = arith.constant 0 : i32
      %dma_start3A_59 = arith.constant 0 : i32
      %dma_start3A_60 = tpu.memref_slice %arg8[%dma_start3A_57, %dma_start3A_58, %dma_start3A_59] : memref<16x128x32xf32, #tpu.memory_space<vmem>> -> memref<1x128x32xf32, #tpu.memory_space<vmem>>
      %dma_start3A_61 = tpu.memref_squeeze %dma_start3A_60 : memref<1x128x32xf32, #tpu.memory_space<vmem>> -> memref<128x32xf32, #tpu.memory_space<vmem>>
      %dma_start3A_62 = arith.constant 0 : i32
      %dma_start3A_63 = tpu.memref_slice %arg7[%dma_start3A_55, %dma_start3A_56, %dma_start3A_62] : memref<16x2x128xi32, #tpu.memory_space<vmem>> -> memref<1x1x128xi32, #tpu.memory_space<vmem>>
      %dma_start3A_64 = tpu.memref_squeeze %dma_start3A_63 : memref<1x1x128xi32, #tpu.memory_space<vmem>> -> memref<128xi32, #tpu.memory_space<vmem>>
      %dma_start3A_65 = arith.constant 0 : i32
      %dma_start3A_66 = arith.constant 0 : i32
      %dma_start3A_67 = tpu.memref_slice %arg10[%dma_start3A_65, %dma_start3A_66] : memref<10240x32xf32, #tpu.memory_space<vmem_shared>> -> memref<10240x32xf32, #tpu.memory_space<vmem_shared>>
      tpu.enqueue_indirect_dma source(%dma_start3A_67 : memref<10240x32xf32, #tpu.memory_space<vmem_shared>>) target(%dma_start3A_61 : memref<128x32xf32, #tpu.memory_space<vmem>>) offsets(%dma_start3A_64 : memref<128xi32, #tpu.memory_space<vmem>>) semaphore(%arg12 : memref<!tpu.dma_semaphore, #tpu.memory_space<semaphore_mem>>)
      %dma_start3A_68 = arith.constant 3 : i32
      %dma_start3A_69 = arith.constant 0 : i32
      %dma_start3A_70 = arith.constant 3 : i32
      %dma_start3A_71 = arith.constant 0 : i32
      %dma_start3A_72 = arith.constant 0 : i32
      %dma_start3A_73 = tpu.memref_slice %arg8[%dma_start3A_70, %dma_start3A_71, %dma_start3A_72] : memref<16x128x32xf32, #tpu.memory_space<vmem>> -> memref<1x128x32xf32, #tpu.memory_space<vmem>>
      %dma_start3A_74 = tpu.memref_squeeze %dma_start3A_73 : memref<1x128x32xf32, #tpu.memory_space<vmem>> -> memref<128x32xf32, #tpu.memory_space<vmem>>
      %dma_start3A_75 = arith.constant 0 : i32
      %dma_start3A_76 = tpu.memref_slice %arg7[%dma_start3A_68, %dma_start3A_69, %dma_start3A_75] : memref<16x2x128xi32, #tpu.memory_space<vmem>> -> memref<1x1x128xi32, #tpu.memory_space<vmem>>
      %dma_start3A_77 = tpu.memref_squeeze %dma_start3A_76 : memref<1x1x128xi32, #tpu.memory_space<vmem>> -> memref<128xi32, #tpu.memory_space<vmem>>
      %dma_start3A_78 = arith.constant 0 : i32
      %dma_start3A_79 = arith.constant 0 : i32
      %dma_start3A_80 = tpu.memref_slice %arg10[%dma_start3A_78, %dma_start3A_79] : memref<10240x32xf32, #tpu.memory_space<vmem_shared>> -> memref<10240x32xf32, #tpu.memory_space<vmem_shared>>
      tpu.enqueue_indirect_dma source(%dma_start3A_80 : memref<10240x32xf32, #tpu.memory_space<vmem_shared>>) target(%dma_start3A_74 : memref<128x32xf32, #tpu.memory_space<vmem>>) offsets(%dma_start3A_77 : memref<128xi32, #tpu.memory_space<vmem>>) semaphore(%arg12 : memref<!tpu.dma_semaphore, #tpu.memory_space<semaphore_mem>>)
      %dma_start3A_81 = arith.constant 4 : i32
      %dma_start3A_82 = arith.constant 0 : i32
      %dma_start3A_83 = arith.constant 4 : i32
      %dma_start3A_84 = arith.constant 0 : i32
      %dma_start3A_85 = arith.constant 0 : i32
      %dma_start3A_86 = tpu.memref_slice %arg8[%dma_start3A_83, %dma_start3A_84, %dma_start3A_85] : memref<16x128x32xf32, #tpu.memory_space<vmem>> -> memref<1x128x32xf32, #tpu.memory_space<vmem>>
      %dma_start3A_87 = tpu.memref_squeeze %dma_start3A_86 : memref<1x128x32xf32, #tpu.memory_space<vmem>> -> memref<128x32xf32, #tpu.memory_space<vmem>>
      %dma_start3A_88 = arith.constant 0 : i32
      %dma_start3A_89 = tpu.memref_slice %arg7[%dma_start3A_81, %dma_start3A_82, %dma_start3A_88] : memref<16x2x128xi32, #tpu.memory_space<vmem>> -> memref<1x1x128xi32, #tpu.memory_space<vmem>>
      %dma_start3A_90 = tpu.memref_squeeze %dma_start3A_89 : memref<1x1x128xi32, #tpu.memory_space<vmem>> -> memref<128xi32, #tpu.memory_space<vmem>>
      %dma_start3A_91 = arith.constant 0 : i32
      %dma_start3A_92 = arith.constant 0 : i32
      %dma_start3A_93 = tpu.memref_slice %arg10[%dma_start3A_91, %dma_start3A_92] : memref<10240x32xf32, #tpu.memory_space<vmem_shared>> -> memref<10240x32xf32, #tpu.memory_space<vmem_shared>>
      tpu.enqueue_indirect_dma source(%dma_start3A_93 : memref<10240x32xf32, #tpu.memory_space<vmem_shared>>) target(%dma_start3A_87 : memref<128x32xf32, #tpu.memory_space<vmem>>) offsets(%dma_start3A_90 : memref<128xi32, #tpu.memory_space<vmem>>) semaphore(%arg12 : memref<!tpu.dma_semaphore, #tpu.memory_space<semaphore_mem>>)
      %dma_start3A_94 = arith.constant 5 : i32
      %dma_start3A_95 = arith.constant 0 : i32
      %dma_start3A_96 = arith.constant 5 : i32
      %dma_start3A_97 = arith.constant 0 : i32
      %dma_start3A_98 = arith.constant 0 : i32
      %dma_start3A_99 = tpu.memref_slice %arg8[%dma_start3A_96, %dma_start3A_97, %dma_start3A_98] : memref<16x128x32xf32, #tpu.memory_space<vmem>> -> memref<1x128x32xf32, #tpu.memory_space<vmem>>
      %dma_start3A_100 = tpu.memref_squeeze %dma_start3A_99 : memref<1x128x32xf32, #tpu.memory_space<vmem>> -> memref<128x32xf32, #tpu.memory_space<vmem>>
      %dma_start3A_101 = arith.constant 0 : i32
      %dma_start3A_102 = tpu.memref_slice %arg7[%dma_start3A_94, %dma_start3A_95, %dma_start3A_101] : memref<16x2x128xi32, #tpu.memory_space<vmem>> -> memref<1x1x128xi32, #tpu.memory_space<vmem>>
      %dma_start3A_103 = tpu.memref_squeeze %dma_start3A_102 : memref<1x1x128xi32, #tpu.memory_space<vmem>> -> memref<128xi32, #tpu.memory_space<vmem>>
      %dma_start3A_104 = arith.constant 0 : i32
      %dma_start3A_105 = arith.constant 0 : i32
      %dma_start3A_106 = tpu.memref_slice %arg10[%dma_start3A_104, %dma_start3A_105] : memref<10240x32xf32, #tpu.memory_space<vmem_shared>> -> memref<10240x32xf32, #tpu.memory_space<vmem_shared>>
      tpu.enqueue_indirect_dma source(%dma_start3A_106 : memref<10240x32xf32, #tpu.memory_space<vmem_shared>>) target(%dma_start3A_100 : memref<128x32xf32, #tpu.memory_space<vmem>>) offsets(%dma_start3A_103 : memref<128xi32, #tpu.memory_space<vmem>>) semaphore(%arg12 : memref<!tpu.dma_semaphore, #tpu.memory_space<semaphore_mem>>)
      %dma_start3A_107 = arith.constant 6 : i32
      %dma_start3A_108 = arith.constant 0 : i32
      %dma_start3A_109 = arith.constant 6 : i32
      %dma_start3A_110 = arith.constant 0 : i32
      %dma_start3A_111 = arith.constant 0 : i32
      %dma_start3A_112 = tpu.memref_slice %arg8[%dma_start3A_109, %dma_start3A_110, %dma_start3A_111] : memref<16x128x32xf32, #tpu.memory_space<vmem>> -> memref<1x128x32xf32, #tpu.memory_space<vmem>>
      %dma_start3A_113 = tpu.memref_squeeze %dma_start3A_112 : memref<1x128x32xf32, #tpu.memory_space<vmem>> -> memref<128x32xf32, #tpu.memory_space<vmem>>
      %dma_start3A_114 = arith.constant 0 : i32
      %dma_start3A_115 = tpu.memref_slice %arg7[%dma_start3A_107, %dma_start3A_108, %dma_start3A_114] : memref<16x2x128xi32, #tpu.memory_space<vmem>> -> memref<1x1x128xi32, #tpu.memory_space<vmem>>
      %dma_start3A_116 = tpu.memref_squeeze %dma_start3A_115 : memref<1x1x128xi32, #tpu.memory_space<vmem>> -> memref<128xi32, #tpu.memory_space<vmem>>
      %dma_start3A_117 = arith.constant 0 : i32
      %dma_start3A_118 = arith.constant 0 : i32
      %dma_start3A_119 = tpu.memref_slice %arg10[%dma_start3A_117, %dma_start3A_118] : memref<10240x32xf32, #tpu.memory_space<vmem_shared>> -> memref<10240x32xf32, #tpu.memory_space<vmem_shared>>
      tpu.enqueue_indirect_dma source(%dma_start3A_119 : memref<10240x32xf32, #tpu.memory_space<vmem_shared>>) target(%dma_start3A_113 : memref<128x32xf32, #tpu.memory_space<vmem>>) offsets(%dma_start3A_116 : memref<128xi32, #tpu.memory_space<vmem>>) semaphore(%arg12 : memref<!tpu.dma_semaphore, #tpu.memory_space<semaphore_mem>>)
      %dma_start3A_120 = arith.constant 7 : i32
      %dma_start3A_121 = arith.constant 0 : i32
      %dma_start3A_122 = arith.constant 7 : i32
      %dma_start3A_123 = arith.constant 0 : i32
      %dma_start3A_124 = arith.constant 0 : i32
      %dma_start3A_125 = tpu.memref_slice %arg8[%dma_start3A_122, %dma_start3A_123, %dma_start3A_124] : memref<16x128x32xf32, #tpu.memory_space<vmem>> -> memref<1x128x32xf32, #tpu.memory_space<vmem>>
      %dma_start3A_126 = tpu.memref_squeeze %dma_start3A_125 : memref<1x128x32xf32, #tpu.memory_space<vmem>> -> memref<128x32xf32, #tpu.memory_space<vmem>>
      %dma_start3A_127 = arith.constant 0 : i32
      %dma_start3A_128 = tpu.memref_slice %arg7[%dma_start3A_120, %dma_start3A_121, %dma_start3A_127] : memref<16x2x128xi32, #tpu.memory_space<vmem>> -> memref<1x1x128xi32, #tpu.memory_space<vmem>>
      %dma_start3A_129 = tpu.memref_squeeze %dma_start3A_128 : memref<1x1x128xi32, #tpu.memory_space<vmem>> -> memref<128xi32, #tpu.memory_space<vmem>>
      %dma_start3A_130 = arith.constant 0 : i32
      %dma_start3A_131 = arith.constant 0 : i32
      %dma_start3A_132 = tpu.memref_slice %arg10[%dma_start3A_130, %dma_start3A_131] : memref<10240x32xf32, #tpu.memory_space<vmem_shared>> -> memref<10240x32xf32, #tpu.memory_space<vmem_shared>>
      tpu.enqueue_indirect_dma source(%dma_start3A_132 : memref<10240x32xf32, #tpu.memory_space<vmem_shared>>) target(%dma_start3A_126 : memref<128x32xf32, #tpu.memory_space<vmem>>) offsets(%dma_start3A_129 : memref<128xi32, #tpu.memory_space<vmem>>) semaphore(%arg12 : memref<!tpu.dma_semaphore, #tpu.memory_space<semaphore_mem>>)
      %dma_start3A_133 = arith.constant 8 : i32
      %dma_start3A_134 = arith.constant 0 : i32
      %dma_start3A_135 = arith.constant 8 : i32
      %dma_start3A_136 = arith.constant 0 : i32
      %dma_start3A_137 = arith.constant 0 : i32
      %dma_start3A_138 = tpu.memref_slice %arg8[%dma_start3A_135, %dma_start3A_136, %dma_start3A_137] : memref<16x128x32xf32, #tpu.memory_space<vmem>> -> memref<1x128x32xf32, #tpu.memory_space<vmem>>
      %dma_start3A_139 = tpu.memref_squeeze %dma_start3A_138 : memref<1x128x32xf32, #tpu.memory_space<vmem>> -> memref<128x32xf32, #tpu.memory_space<vmem>>
      %dma_start3A_140 = arith.constant 0 : i32
      %dma_start3A_141 = tpu.memref_slice %arg7[%dma_start3A_133, %dma_start3A_134, %dma_start3A_140] : memref<16x2x128xi32, #tpu.memory_space<vmem>> -> memref<1x1x128xi32, #tpu.memory_space<vmem>>
      %dma_start3A_142 = tpu.memref_squeeze %dma_start3A_141 : memref<1x1x128xi32, #tpu.memory_space<vmem>> -> memref<128xi32, #tpu.memory_space<vmem>>
      %dma_start3A_143 = arith.constant 0 : i32
      %dma_start3A_144 = arith.constant 0 : i32
      %dma_start3A_145 = tpu.memref_slice %arg10[%dma_start3A_143, %dma_start3A_144] : memref<10240x32xf32, #tpu.memory_space<vmem_shared>> -> memref<10240x32xf32, #tpu.memory_space<vmem_shared>>
      tpu.enqueue_indirect_dma source(%dma_start3A_145 : memref<10240x32xf32, #tpu.memory_space<vmem_shared>>) target(%dma_start3A_139 : memref<128x32xf32, #tpu.memory_space<vmem>>) offsets(%dma_start3A_142 : memref<128xi32, #tpu.memory_space<vmem>>) semaphore(%arg12 : memref<!tpu.dma_semaphore, #tpu.memory_space<semaphore_mem>>)
      %dma_start3A_146 = arith.constant 9 : i32
      %dma_start3A_147 = arith.constant 0 : i32
      %dma_start3A_148 = arith.constant 9 : i32
      %dma_start3A_149 = arith.constant 0 : i32
      %dma_start3A_150 = arith.constant 0 : i32
      %dma_start3A_151 = tpu.memref_slice %arg8[%dma_start3A_148, %dma_start3A_149, %dma_start3A_150] : memref<16x128x32xf32, #tpu.memory_space<vmem>> -> memref<1x128x32xf32, #tpu.memory_space<vmem>>
      %dma_start3A_152 = tpu.memref_squeeze %dma_start3A_151 : memref<1x128x32xf32, #tpu.memory_space<vmem>> -> memref<128x32xf32, #tpu.memory_space<vmem>>
      %dma_start3A_153 = arith.constant 0 : i32
      %dma_start3A_154 = tpu.memref_slice %arg7[%dma_start3A_146, %dma_start3A_147, %dma_start3A_153] : memref<16x2x128xi32, #tpu.memory_space<vmem>> -> memref<1x1x128xi32, #tpu.memory_space<vmem>>
      %dma_start3A_155 = tpu.memref_squeeze %dma_start3A_154 : memref<1x1x128xi32, #tpu.memory_space<vmem>> -> memref<128xi32, #tpu.memory_space<vmem>>
      %dma_start3A_156 = arith.constant 0 : i32
      %dma_start3A_157 = arith.constant 0 : i32
      %dma_start3A_158 = tpu.memref_slice %arg10[%dma_start3A_156, %dma_start3A_157] : memref<10240x32xf32, #tpu.memory_space<vmem_shared>> -> memref<10240x32xf32, #tpu.memory_space<vmem_shared>>
      tpu.enqueue_indirect_dma source(%dma_start3A_158 : memref<10240x32xf32, #tpu.memory_space<vmem_shared>>) target(%dma_start3A_152 : memref<128x32xf32, #tpu.memory_space<vmem>>) offsets(%dma_start3A_155 : memref<128xi32, #tpu.memory_space<vmem>>) semaphore(%arg12 : memref<!tpu.dma_semaphore, #tpu.memory_space<semaphore_mem>>)
      %dma_start3A_159 = arith.constant 10 : i32
      %dma_start3A_160 = arith.constant 0 : i32
      %dma_start3A_161 = arith.constant 10 : i32
      %dma_start3A_162 = arith.constant 0 : i32
      %dma_start3A_163 = arith.constant 0 : i32
      %dma_start3A_164 = tpu.memref_slice %arg8[%dma_start3A_161, %dma_start3A_162, %dma_start3A_163] : memref<16x128x32xf32, #tpu.memory_space<vmem>> -> memref<1x128x32xf32, #tpu.memory_space<vmem>>
      %dma_start3A_165 = tpu.memref_squeeze %dma_start3A_164 : memref<1x128x32xf32, #tpu.memory_space<vmem>> -> memref<128x32xf32, #tpu.memory_space<vmem>>
      %dma_start3A_166 = arith.constant 0 : i32
      %dma_start3A_167 = tpu.memref_slice %arg7[%dma_start3A_159, %dma_start3A_160, %dma_start3A_166] : memref<16x2x128xi32, #tpu.memory_space<vmem>> -> memref<1x1x128xi32, #tpu.memory_space<vmem>>
      %dma_start3A_168 = tpu.memref_squeeze %dma_start3A_167 : memref<1x1x128xi32, #tpu.memory_space<vmem>> -> memref<128xi32, #tpu.memory_space<vmem>>
      %dma_start3A_169 = arith.constant 0 : i32
      %dma_start3A_170 = arith.constant 0 : i32
      %dma_start3A_171 = tpu.memref_slice %arg10[%dma_start3A_169, %dma_start3A_170] : memref<10240x32xf32, #tpu.memory_space<vmem_shared>> -> memref<10240x32xf32, #tpu.memory_space<vmem_shared>>
      tpu.enqueue_indirect_dma source(%dma_start3A_171 : memref<10240x32xf32, #tpu.memory_space<vmem_shared>>) target(%dma_start3A_165 : memref<128x32xf32, #tpu.memory_space<vmem>>) offsets(%dma_start3A_168 : memref<128xi32, #tpu.memory_space<vmem>>) semaphore(%arg12 : memref<!tpu.dma_semaphore, #tpu.memory_space<semaphore_mem>>)
      %dma_start3A_172 = arith.constant 11 : i32
      %dma_start3A_173 = arith.constant 0 : i32
      %dma_start3A_174 = arith.constant 11 : i32
      %dma_start3A_175 = arith.constant 0 : i32
      %dma_start3A_176 = arith.constant 0 : i32
      %dma_start3A_177 = tpu.memref_slice %arg8[%dma_start3A_174, %dma_start3A_175, %dma_start3A_176] : memref<16x128x32xf32, #tpu.memory_space<vmem>> -> memref<1x128x32xf32, #tpu.memory_space<vmem>>
      %dma_start3A_178 = tpu.memref_squeeze %dma_start3A_177 : memref<1x128x32xf32, #tpu.memory_space<vmem>> -> memref<128x32xf32, #tpu.memory_space<vmem>>
      %dma_start3A_179 = arith.constant 0 : i32
      %dma_start3A_180 = tpu.memref_slice %arg7[%dma_start3A_172, %dma_start3A_173, %dma_start3A_179] : memref<16x2x128xi32, #tpu.memory_space<vmem>> -> memref<1x1x128xi32, #tpu.memory_space<vmem>>
      %dma_start3A_181 = tpu.memref_squeeze %dma_start3A_180 : memref<1x1x128xi32, #tpu.memory_space<vmem>> -> memref<128xi32, #tpu.memory_space<vmem>>
      %dma_start3A_182 = arith.constant 0 : i32
      %dma_start3A_183 = arith.constant 0 : i32
      %dma_start3A_184 = tpu.memref_slice %arg10[%dma_start3A_182, %dma_start3A_183] : memref<10240x32xf32, #tpu.memory_space<vmem_shared>> -> memref<10240x32xf32, #tpu.memory_space<vmem_shared>>
      tpu.enqueue_indirect_dma source(%dma_start3A_184 : memref<10240x32xf32, #tpu.memory_space<vmem_shared>>) target(%dma_start3A_178 : memref<128x32xf32, #tpu.memory_space<vmem>>) offsets(%dma_start3A_181 : memref<128xi32, #tpu.memory_space<vmem>>) semaphore(%arg12 : memref<!tpu.dma_semaphore, #tpu.memory_space<semaphore_mem>>)
      %dma_start3A_185 = arith.constant 12 : i32
      %dma_start3A_186 = arith.constant 0 : i32
      %dma_start3A_187 = arith.constant 12 : i32
      %dma_start3A_188 = arith.constant 0 : i32
      %dma_start3A_189 = arith.constant 0 : i32
      %dma_start3A_190 = tpu.memref_slice %arg8[%dma_start3A_187, %dma_start3A_188, %dma_start3A_189] : memref<16x128x32xf32, #tpu.memory_space<vmem>> -> memref<1x128x32xf32, #tpu.memory_space<vmem>>
      %dma_start3A_191 = tpu.memref_squeeze %dma_start3A_190 : memref<1x128x32xf32, #tpu.memory_space<vmem>> -> memref<128x32xf32, #tpu.memory_space<vmem>>
      %dma_start3A_192 = arith.constant 0 : i32
      %dma_start3A_193 = tpu.memref_slice %arg7[%dma_start3A_185, %dma_start3A_186, %dma_start3A_192] : memref<16x2x128xi32, #tpu.memory_space<vmem>> -> memref<1x1x128xi32, #tpu.memory_space<vmem>>
      %dma_start3A_194 = tpu.memref_squeeze %dma_start3A_193 : memref<1x1x128xi32, #tpu.memory_space<vmem>> -> memref<128xi32, #tpu.memory_space<vmem>>
      %dma_start3A_195 = arith.constant 0 : i32
      %dma_start3A_196 = arith.constant 0 : i32
      %dma_start3A_197 = tpu.memref_slice %arg10[%dma_start3A_195, %dma_start3A_196] : memref<10240x32xf32, #tpu.memory_space<vmem_shared>> -> memref<10240x32xf32, #tpu.memory_space<vmem_shared>>
      tpu.enqueue_indirect_dma source(%dma_start3A_197 : memref<10240x32xf32, #tpu.memory_space<vmem_shared>>) target(%dma_start3A_191 : memref<128x32xf32, #tpu.memory_space<vmem>>) offsets(%dma_start3A_194 : memref<128xi32, #tpu.memory_space<vmem>>) semaphore(%arg12 : memref<!tpu.dma_semaphore, #tpu.memory_space<semaphore_mem>>)
      %dma_start3A_198 = arith.constant 13 : i32
      %dma_start3A_199 = arith.constant 0 : i32
      %dma_start3A_200 = arith.constant 13 : i32
      %dma_start3A_201 = arith.constant 0 : i32
      %dma_start3A_202 = arith.constant 0 : i32
      %dma_start3A_203 = tpu.memref_slice %arg8[%dma_start3A_200, %dma_start3A_201, %dma_start3A_202] : memref<16x128x32xf32, #tpu.memory_space<vmem>> -> memref<1x128x32xf32, #tpu.memory_space<vmem>>
      %dma_start3A_204 = tpu.memref_squeeze %dma_start3A_203 : memref<1x128x32xf32, #tpu.memory_space<vmem>> -> memref<128x32xf32, #tpu.memory_space<vmem>>
      %dma_start3A_205 = arith.constant 0 : i32
      %dma_start3A_206 = tpu.memref_slice %arg7[%dma_start3A_198, %dma_start3A_199, %dma_start3A_205] : memref<16x2x128xi32, #tpu.memory_space<vmem>> -> memref<1x1x128xi32, #tpu.memory_space<vmem>>
      %dma_start3A_207 = tpu.memref_squeeze %dma_start3A_206 : memref<1x1x128xi32, #tpu.memory_space<vmem>> -> memref<128xi32, #tpu.memory_space<vmem>>
      %dma_start3A_208 = arith.constant 0 : i32
      %dma_start3A_209 = arith.constant 0 : i32
      %dma_start3A_210 = tpu.memref_slice %arg10[%dma_start3A_208, %dma_start3A_209] : memref<10240x32xf32, #tpu.memory_space<vmem_shared>> -> memref<10240x32xf32, #tpu.memory_space<vmem_shared>>
      tpu.enqueue_indirect_dma source(%dma_start3A_210 : memref<10240x32xf32, #tpu.memory_space<vmem_shared>>) target(%dma_start3A_204 : memref<128x32xf32, #tpu.memory_space<vmem>>) offsets(%dma_start3A_207 : memref<128xi32, #tpu.memory_space<vmem>>) semaphore(%arg12 : memref<!tpu.dma_semaphore, #tpu.memory_space<semaphore_mem>>)
      %dma_start3A_211 = arith.constant 14 : i32
      %dma_start3A_212 = arith.constant 0 : i32
      %dma_start3A_213 = arith.constant 14 : i32
      %dma_start3A_214 = arith.constant 0 : i32
      %dma_start3A_215 = arith.constant 0 : i32
      %dma_start3A_216 = tpu.memref_slice %arg8[%dma_start3A_213, %dma_start3A_214, %dma_start3A_215] : memref<16x128x32xf32, #tpu.memory_space<vmem>> -> memref<1x128x32xf32, #tpu.memory_space<vmem>>
      %dma_start3A_217 = tpu.memref_squeeze %dma_start3A_216 : memref<1x128x32xf32, #tpu.memory_space<vmem>> -> memref<128x32xf32, #tpu.memory_space<vmem>>
      %dma_start3A_218 = arith.constant 0 : i32
      %dma_start3A_219 = tpu.memref_slice %arg7[%dma_start3A_211, %dma_start3A_212, %dma_start3A_218] : memref<16x2x128xi32, #tpu.memory_space<vmem>> -> memref<1x1x128xi32, #tpu.memory_space<vmem>>
      %dma_start3A_220 = tpu.memref_squeeze %dma_start3A_219 : memref<1x1x128xi32, #tpu.memory_space<vmem>> -> memref<128xi32, #tpu.memory_space<vmem>>
      %dma_start3A_221 = arith.constant 0 : i32
      %dma_start3A_222 = arith.constant 0 : i32
      %dma_start3A_223 = tpu.memref_slice %arg10[%dma_start3A_221, %dma_start3A_222] : memref<10240x32xf32, #tpu.memory_space<vmem_shared>> -> memref<10240x32xf32, #tpu.memory_space<vmem_shared>>
      tpu.enqueue_indirect_dma source(%dma_start3A_223 : memref<10240x32xf32, #tpu.memory_space<vmem_shared>>) target(%dma_start3A_217 : memref<128x32xf32, #tpu.memory_space<vmem>>) offsets(%dma_start3A_220 : memref<128xi32, #tpu.memory_space<vmem>>) semaphore(%arg12 : memref<!tpu.dma_semaphore, #tpu.memory_space<semaphore_mem>>)
      %dma_start3A_224 = arith.constant 15 : i32
      %dma_start3A_225 = arith.constant 0 : i32
      %dma_start3A_226 = arith.constant 15 : i32
      %dma_start3A_227 = arith.constant 0 : i32
      %dma_start3A_228 = arith.constant 0 : i32
      %dma_start3A_229 = tpu.memref_slice %arg8[%dma_start3A_226, %dma_start3A_227, %dma_start3A_228] : memref<16x128x32xf32, #tpu.memory_space<vmem>> -> memref<1x128x32xf32, #tpu.memory_space<vmem>>
      %dma_start3A_230 = tpu.memref_squeeze %dma_start3A_229 : memref<1x128x32xf32, #tpu.memory_space<vmem>> -> memref<128x32xf32, #tpu.memory_space<vmem>>
      %dma_start3A_231 = arith.constant 0 : i32
      %dma_start3A_232 = tpu.memref_slice %arg7[%dma_start3A_224, %dma_start3A_225, %dma_start3A_231] : memref<16x2x128xi32, #tpu.memory_space<vmem>> -> memref<1x1x128xi32, #tpu.memory_space<vmem>>
      %dma_start3A_233 = tpu.memref_squeeze %dma_start3A_232 : memref<1x1x128xi32, #tpu.memory_space<vmem>> -> memref<128xi32, #tpu.memory_space<vmem>>
      %dma_start3A_234 = arith.constant 0 : i32
      %dma_start3A_235 = arith.constant 0 : i32
      %dma_start3A_236 = tpu.memref_slice %arg10[%dma_start3A_234, %dma_start3A_235] : memref<10240x32xf32, #tpu.memory_space<vmem_shared>> -> memref<10240x32xf32, #tpu.memory_space<vmem_shared>>
      tpu.enqueue_indirect_dma source(%dma_start3A_236 : memref<10240x32xf32, #tpu.memory_space<vmem_shared>>) target(%dma_start3A_230 : memref<128x32xf32, #tpu.memory_space<vmem>>) offsets(%dma_start3A_233 : memref<128xi32, #tpu.memory_space<vmem>>) semaphore(%arg12 : memref<!tpu.dma_semaphore, #tpu.memory_space<semaphore_mem>>)
      %dma_wait3A = arith.constant 0 : i32
      %dma_wait3A_237 = arith.constant 0 : i32
      %dma_wait3A_238 = arith.constant 0 : i32
      %dma_wait3A_239 = arith.constant 0 : i32
      %dma_wait3A_240 = arith.constant 0 : i32
      %dma_wait3A_241 = tpu.memref_slice %arg8[%dma_wait3A_238, %dma_wait3A_239, %dma_wait3A_240] : memref<16x128x32xf32, #tpu.memory_space<vmem>> -> memref<1x128x32xf32, #tpu.memory_space<vmem>>
      %dma_wait3A_242 = tpu.memref_squeeze %dma_wait3A_241 : memref<1x128x32xf32, #tpu.memory_space<vmem>> -> memref<128x32xf32, #tpu.memory_space<vmem>>
      %dma_wait3A_243 = arith.constant 0 : i32
      %dma_wait3A_244 = tpu.memref_slice %arg7[%dma_wait3A, %dma_wait3A_237, %dma_wait3A_243] : memref<16x2x128xi32, #tpu.memory_space<vmem>> -> memref<1x1x128xi32, #tpu.memory_space<vmem>>
      %dma_wait3A_245 = tpu.memref_squeeze %dma_wait3A_244 : memref<1x1x128xi32, #tpu.memory_space<vmem>> -> memref<128xi32, #tpu.memory_space<vmem>>
      %dma_wait3A_246 = arith.constant 0 : i32
      %dma_wait3A_247 = arith.constant 0 : i32
      %dma_wait3A_248 = tpu.memref_slice %arg10[%dma_wait3A_246, %dma_wait3A_247] : memref<10240x32xf32, #tpu.memory_space<vmem_shared>> -> memref<10240x32xf32, #tpu.memory_space<vmem_shared>>
      tpu.wait_indirect_dma semaphore(%arg12 : memref<!tpu.dma_semaphore, #tpu.memory_space<semaphore_mem>>) src(%dma_wait3A_248 : memref<10240x32xf32, #tpu.memory_space<vmem_shared>>) dst(%dma_wait3A_242 : memref<128x32xf32, #tpu.memory_space<vmem>>)
      %dma_start3A_249 = arith.constant 0 : i32
      %dma_start3A_250 = arith.constant 0 : i32
      %dma_start3A_251 = arith.constant 1 : i32
      %dma_start3A_252 = arith.constant 0 : i32
      %dma_start3A_253 = arith.constant 0 : i32
      %dma_start3A_254 = tpu.memref_slice %arg8[%dma_start3A_249, %dma_start3A_252, %dma_start3A_253] : memref<16x128x32xf32, #tpu.memory_space<vmem>> -> memref<1x128x32xf32, #tpu.memory_space<vmem>>
      %dma_start3A_255 = tpu.memref_squeeze %dma_start3A_254 : memref<1x128x32xf32, #tpu.memory_space<vmem>> -> memref<128x32xf32, #tpu.memory_space<vmem>>
      %dma_start3A_256 = arith.constant 0 : i32
      %dma_start3A_257 = tpu.memref_slice %arg7[%dma_start3A_250, %dma_start3A_251, %dma_start3A_256] : memref<16x2x128xi32, #tpu.memory_space<vmem>> -> memref<1x1x128xi32, #tpu.memory_space<vmem>>
      %dma_start3A_258 = tpu.memref_squeeze %dma_start3A_257 : memref<1x1x128xi32, #tpu.memory_space<vmem>> -> memref<128xi32, #tpu.memory_space<vmem>>
      %dma_start3A_259 = arith.constant 0 : i32
      %dma_start3A_260 = arith.constant 0 : i32
      %dma_start3A_261 = tpu.memref_slice %arg11[%dma_start3A_259, %dma_start3A_260] : memref<10240x32xf32, #tpu.memory_space<vmem_shared>> -> memref<10240x32xf32, #tpu.memory_space<vmem_shared>>
      tpu.enqueue_indirect_dma source(%dma_start3A_255 : memref<128x32xf32, #tpu.memory_space<vmem>>) target(%dma_start3A_261 : memref<10240x32xf32, #tpu.memory_space<vmem_shared>>) offsets(%dma_start3A_258 : memref<128xi32, #tpu.memory_space<vmem>>) semaphore(%arg13 : memref<!tpu.dma_semaphore, #tpu.memory_space<semaphore_mem>>) {add = true}
      %dma_wait3A_262 = arith.constant 1 : i32
      %dma_wait3A_263 = arith.constant 0 : i32
      %dma_wait3A_264 = arith.constant 1 : i32
      %dma_wait3A_265 = arith.constant 0 : i32
      %dma_wait3A_266 = arith.constant 0 : i32
      %dma_wait3A_267 = tpu.memref_slice %arg8[%dma_wait3A_264, %dma_wait3A_265, %dma_wait3A_266] : memref<16x128x32xf32, #tpu.memory_space<vmem>> -> memref<1x128x32xf32, #tpu.memory_space<vmem>>
      %dma_wait3A_268 = tpu.memref_squeeze %dma_wait3A_267 : memref<1x128x32xf32, #tpu.memory_space<vmem>> -> memref<128x32xf32, #tpu.memory_space<vmem>>
      %dma_wait3A_269 = arith.constant 0 : i32
      %dma_wait3A_270 = tpu.memref_slice %arg7[%dma_wait3A_262, %dma_wait3A_263, %dma_wait3A_269] : memref<16x2x128xi32, #tpu.memory_space<vmem>> -> memref<1x1x128xi32, #tpu.memory_space<vmem>>
      %dma_wait3A_271 = tpu.memref_squeeze %dma_wait3A_270 : memref<1x1x128xi32, #tpu.memory_space<vmem>> -> memref<128xi32, #tpu.memory_space<vmem>>
      %dma_wait3A_272 = arith.constant 0 : i32
      %dma_wait3A_273 = arith.constant 0 : i32
      %dma_wait3A_274 = tpu.memref_slice %arg10[%dma_wait3A_272, %dma_wait3A_273] : memref<10240x32xf32, #tpu.memory_space<vmem_shared>> -> memref<10240x32xf32, #tpu.memory_space<vmem_shared>>
      tpu.wait_indirect_dma semaphore(%arg12 : memref<!tpu.dma_semaphore, #tpu.memory_space<semaphore_mem>>) src(%dma_wait3A_274 : memref<10240x32xf32, #tpu.memory_space<vmem_shared>>) dst(%dma_wait3A_268 : memref<128x32xf32, #tpu.memory_space<vmem>>)
      %dma_start3A_275 = arith.constant 1 : i32
      %dma_start3A_276 = arith.constant 1 : i32
      %dma_start3A_277 = arith.constant 1 : i32
      %dma_start3A_278 = arith.constant 0 : i32
      %dma_start3A_279 = arith.constant 0 : i32
      %dma_start3A_280 = tpu.memref_slice %arg8[%dma_start3A_275, %dma_start3A_278, %dma_start3A_279] : memref<16x128x32xf32, #tpu.memory_space<vmem>> -> memref<1x128x32xf32, #tpu.memory_space<vmem>>
      %dma_start3A_281 = tpu.memref_squeeze %dma_start3A_280 : memref<1x128x32xf32, #tpu.memory_space<vmem>> -> memref<128x32xf32, #tpu.memory_space<vmem>>
      %dma_start3A_282 = arith.constant 0 : i32
      %dma_start3A_283 = tpu.memref_slice %arg7[%dma_start3A_276, %dma_start3A_277, %dma_start3A_282] : memref<16x2x128xi32, #tpu.memory_space<vmem>> -> memref<1x1x128xi32, #tpu.memory_space<vmem>>
      %dma_start3A_284 = tpu.memref_squeeze %dma_start3A_283 : memref<1x1x128xi32, #tpu.memory_space<vmem>> -> memref<128xi32, #tpu.memory_space<vmem>>
      %dma_start3A_285 = arith.constant 0 : i32
      %dma_start3A_286 = arith.constant 0 : i32
      %dma_start3A_287 = tpu.memref_slice %arg11[%dma_start3A_285, %dma_start3A_286] : memref<10240x32xf32, #tpu.memory_space<vmem_shared>> -> memref<10240x32xf32, #tpu.memory_space<vmem_shared>>
      tpu.enqueue_indirect_dma source(%dma_start3A_281 : memref<128x32xf32, #tpu.memory_space<vmem>>) target(%dma_start3A_287 : memref<10240x32xf32, #tpu.memory_space<vmem_shared>>) offsets(%dma_start3A_284 : memref<128xi32, #tpu.memory_space<vmem>>) semaphore(%arg13 : memref<!tpu.dma_semaphore, #tpu.memory_space<semaphore_mem>>) {add = true}
      %dma_wait3A_288 = arith.constant 2 : i32
      %dma_wait3A_289 = arith.constant 0 : i32
      %dma_wait3A_290 = arith.constant 2 : i32
      %dma_wait3A_291 = arith.constant 0 : i32
      %dma_wait3A_292 = arith.constant 0 : i32
      %dma_wait3A_293 = tpu.memref_slice %arg8[%dma_wait3A_290, %dma_wait3A_291, %dma_wait3A_292] : memref<16x128x32xf32, #tpu.memory_space<vmem>> -> memref<1x128x32xf32, #tpu.memory_space<vmem>>
      %dma_wait3A_294 = tpu.memref_squeeze %dma_wait3A_293 : memref<1x128x32xf32, #tpu.memory_space<vmem>> -> memref<128x32xf32, #tpu.memory_space<vmem>>
      %dma_wait3A_295 = arith.constant 0 : i32
      %dma_wait3A_296 = tpu.memref_slice %arg7[%dma_wait3A_288, %dma_wait3A_289, %dma_wait3A_295] : memref<16x2x128xi32, #tpu.memory_space<vmem>> -> memref<1x1x128xi32, #tpu.memory_space<vmem>>
      %dma_wait3A_297 = tpu.memref_squeeze %dma_wait3A_296 : memref<1x1x128xi32, #tpu.memory_space<vmem>> -> memref<128xi32, #tpu.memory_space<vmem>>
      %dma_wait3A_298 = arith.constant 0 : i32
      %dma_wait3A_299 = arith.constant 0 : i32
      %dma_wait3A_300 = tpu.memref_slice %arg10[%dma_wait3A_298, %dma_wait3A_299] : memref<10240x32xf32, #tpu.memory_space<vmem_shared>> -> memref<10240x32xf32, #tpu.memory_space<vmem_shared>>
      tpu.wait_indirect_dma semaphore(%arg12 : memref<!tpu.dma_semaphore, #tpu.memory_space<semaphore_mem>>) src(%dma_wait3A_300 : memref<10240x32xf32, #tpu.memory_space<vmem_shared>>) dst(%dma_wait3A_294 : memref<128x32xf32, #tpu.memory_space<vmem>>)
      %dma_start3A_301 = arith.constant 2 : i32
      %dma_start3A_302 = arith.constant 2 : i32
      %dma_start3A_303 = arith.constant 1 : i32
      %dma_start3A_304 = arith.constant 0 : i32
      %dma_start3A_305 = arith.constant 0 : i32
      %dma_start3A_306 = tpu.memref_slice %arg8[%dma_start3A_301, %dma_start3A_304, %dma_start3A_305] : memref<16x128x32xf32, #tpu.memory_space<vmem>> -> memref<1x128x32xf32, #tpu.memory_space<vmem>>
      %dma_start3A_307 = tpu.memref_squeeze %dma_start3A_306 : memref<1x128x32xf32, #tpu.memory_space<vmem>> -> memref<128x32xf32, #tpu.memory_space<vmem>>
      %dma_start3A_308 = arith.constant 0 : i32
      %dma_start3A_309 = tpu.memref_slice %arg7[%dma_start3A_302, %dma_start3A_303, %dma_start3A_308] : memref<16x2x128xi32, #tpu.memory_space<vmem>> -> memref<1x1x128xi32, #tpu.memory_space<vmem>>
      %dma_start3A_310 = tpu.memref_squeeze %dma_start3A_309 : memref<1x1x128xi32, #tpu.memory_space<vmem>> -> memref<128xi32, #tpu.memory_space<vmem>>
      %dma_start3A_311 = arith.constant 0 : i32
      %dma_start3A_312 = arith.constant 0 : i32
      %dma_start3A_313 = tpu.memref_slice %arg11[%dma_start3A_311, %dma_start3A_312] : memref<10240x32xf32, #tpu.memory_space<vmem_shared>> -> memref<10240x32xf32, #tpu.memory_space<vmem_shared>>
      tpu.enqueue_indirect_dma source(%dma_start3A_307 : memref<128x32xf32, #tpu.memory_space<vmem>>) target(%dma_start3A_313 : memref<10240x32xf32, #tpu.memory_space<vmem_shared>>) offsets(%dma_start3A_310 : memref<128xi32, #tpu.memory_space<vmem>>) semaphore(%arg13 : memref<!tpu.dma_semaphore, #tpu.memory_space<semaphore_mem>>) {add = true}
      %dma_wait3A_314 = arith.constant 3 : i32
      %dma_wait3A_315 = arith.constant 0 : i32
      %dma_wait3A_316 = arith.constant 3 : i32
      %dma_wait3A_317 = arith.constant 0 : i32
      %dma_wait3A_318 = arith.constant 0 : i32
      %dma_wait3A_319 = tpu.memref_slice %arg8[%dma_wait3A_316, %dma_wait3A_317, %dma_wait3A_318] : memref<16x128x32xf32, #tpu.memory_space<vmem>> -> memref<1x128x32xf32, #tpu.memory_space<vmem>>
      %dma_wait3A_320 = tpu.memref_squeeze %dma_wait3A_319 : memref<1x128x32xf32, #tpu.memory_space<vmem>> -> memref<128x32xf32, #tpu.memory_space<vmem>>
      %dma_wait3A_321 = arith.constant 0 : i32
      %dma_wait3A_322 = tpu.memref_slice %arg7[%dma_wait3A_314, %dma_wait3A_315, %dma_wait3A_321] : memref<16x2x128xi32, #tpu.memory_space<vmem>> -> memref<1x1x128xi32, #tpu.memory_space<vmem>>
      %dma_wait3A_323 = tpu.memref_squeeze %dma_wait3A_322 : memref<1x1x128xi32, #tpu.memory_space<vmem>> -> memref<128xi32, #tpu.memory_space<vmem>>
      %dma_wait3A_324 = arith.constant 0 : i32
      %dma_wait3A_325 = arith.constant 0 : i32
      %dma_wait3A_326 = tpu.memref_slice %arg10[%dma_wait3A_324, %dma_wait3A_325] : memref<10240x32xf32, #tpu.memory_space<vmem_shared>> -> memref<10240x32xf32, #tpu.memory_space<vmem_shared>>
      tpu.wait_indirect_dma semaphore(%arg12 : memref<!tpu.dma_semaphore, #tpu.memory_space<semaphore_mem>>) src(%dma_wait3A_326 : memref<10240x32xf32, #tpu.memory_space<vmem_shared>>) dst(%dma_wait3A_320 : memref<128x32xf32, #tpu.memory_space<vmem>>)
      %dma_start3A_327 = arith.constant 3 : i32
      %dma_start3A_328 = arith.constant 3 : i32
      %dma_start3A_329 = arith.constant 1 : i32
      %dma_start3A_330 = arith.constant 0 : i32
      %dma_start3A_331 = arith.constant 0 : i32
      %dma_start3A_332 = tpu.memref_slice %arg8[%dma_start3A_327, %dma_start3A_330, %dma_start3A_331] : memref<16x128x32xf32, #tpu.memory_space<vmem>> -> memref<1x128x32xf32, #tpu.memory_space<vmem>>
      %dma_start3A_333 = tpu.memref_squeeze %dma_start3A_332 : memref<1x128x32xf32, #tpu.memory_space<vmem>> -> memref<128x32xf32, #tpu.memory_space<vmem>>
      %dma_start3A_334 = arith.constant 0 : i32
      %dma_start3A_335 = tpu.memref_slice %arg7[%dma_start3A_328, %dma_start3A_329, %dma_start3A_334] : memref<16x2x128xi32, #tpu.memory_space<vmem>> -> memref<1x1x128xi32, #tpu.memory_space<vmem>>
      %dma_start3A_336 = tpu.memref_squeeze %dma_start3A_335 : memref<1x1x128xi32, #tpu.memory_space<vmem>> -> memref<128xi32, #tpu.memory_space<vmem>>
      %dma_start3A_337 = arith.constant 0 : i32
      %dma_start3A_338 = arith.constant 0 : i32
      %dma_start3A_339 = tpu.memref_slice %arg11[%dma_start3A_337, %dma_start3A_338] : memref<10240x32xf32, #tpu.memory_space<vmem_shared>> -> memref<10240x32xf32, #tpu.memory_space<vmem_shared>>
      tpu.enqueue_indirect_dma source(%dma_start3A_333 : memref<128x32xf32, #tpu.memory_space<vmem>>) target(%dma_start3A_339 : memref<10240x32xf32, #tpu.memory_space<vmem_shared>>) offsets(%dma_start3A_336 : memref<128xi32, #tpu.memory_space<vmem>>) semaphore(%arg13 : memref<!tpu.dma_semaphore, #tpu.memory_space<semaphore_mem>>) {add = true}
      %dma_wait3A_340 = arith.constant 4 : i32
      %dma_wait3A_341 = arith.constant 0 : i32
      %dma_wait3A_342 = arith.constant 4 : i32
      %dma_wait3A_343 = arith.constant 0 : i32
      %dma_wait3A_344 = arith.constant 0 : i32
      %dma_wait3A_345 = tpu.memref_slice %arg8[%dma_wait3A_342, %dma_wait3A_343, %dma_wait3A_344] : memref<16x128x32xf32, #tpu.memory_space<vmem>> -> memref<1x128x32xf32, #tpu.memory_space<vmem>>
      %dma_wait3A_346 = tpu.memref_squeeze %dma_wait3A_345 : memref<1x128x32xf32, #tpu.memory_space<vmem>> -> memref<128x32xf32, #tpu.memory_space<vmem>>
      %dma_wait3A_347 = arith.constant 0 : i32
      %dma_wait3A_348 = tpu.memref_slice %arg7[%dma_wait3A_340, %dma_wait3A_341, %dma_wait3A_347] : memref<16x2x128xi32, #tpu.memory_space<vmem>> -> memref<1x1x128xi32, #tpu.memory_space<vmem>>
      %dma_wait3A_349 = tpu.memref_squeeze %dma_wait3A_348 : memref<1x1x128xi32, #tpu.memory_space<vmem>> -> memref<128xi32, #tpu.memory_space<vmem>>
      %dma_wait3A_350 = arith.constant 0 : i32
      %dma_wait3A_351 = arith.constant 0 : i32
      %dma_wait3A_352 = tpu.memref_slice %arg10[%dma_wait3A_350, %dma_wait3A_351] : memref<10240x32xf32, #tpu.memory_space<vmem_shared>> -> memref<10240x32xf32, #tpu.memory_space<vmem_shared>>
      tpu.wait_indirect_dma semaphore(%arg12 : memref<!tpu.dma_semaphore, #tpu.memory_space<semaphore_mem>>) src(%dma_wait3A_352 : memref<10240x32xf32, #tpu.memory_space<vmem_shared>>) dst(%dma_wait3A_346 : memref<128x32xf32, #tpu.memory_space<vmem>>)
      %dma_start3A_353 = arith.constant 4 : i32
      %dma_start3A_354 = arith.constant 4 : i32
      %dma_start3A_355 = arith.constant 1 : i32
      %dma_start3A_356 = arith.constant 0 : i32
      %dma_start3A_357 = arith.constant 0 : i32
      %dma_start3A_358 = tpu.memref_slice %arg8[%dma_start3A_353, %dma_start3A_356, %dma_start3A_357] : memref<16x128x32xf32, #tpu.memory_space<vmem>> -> memref<1x128x32xf32, #tpu.memory_space<vmem>>
      %dma_start3A_359 = tpu.memref_squeeze %dma_start3A_358 : memref<1x128x32xf32, #tpu.memory_space<vmem>> -> memref<128x32xf32, #tpu.memory_space<vmem>>
      %dma_start3A_360 = arith.constant 0 : i32
      %dma_start3A_361 = tpu.memref_slice %arg7[%dma_start3A_354, %dma_start3A_355, %dma_start3A_360] : memref<16x2x128xi32, #tpu.memory_space<vmem>> -> memref<1x1x128xi32, #tpu.memory_space<vmem>>
      %dma_start3A_362 = tpu.memref_squeeze %dma_start3A_361 : memref<1x1x128xi32, #tpu.memory_space<vmem>> -> memref<128xi32, #tpu.memory_space<vmem>>
      %dma_start3A_363 = arith.constant 0 : i32
      %dma_start3A_364 = arith.constant 0 : i32
      %dma_start3A_365 = tpu.memref_slice %arg11[%dma_start3A_363, %dma_start3A_364] : memref<10240x32xf32, #tpu.memory_space<vmem_shared>> -> memref<10240x32xf32, #tpu.memory_space<vmem_shared>>
      tpu.enqueue_indirect_dma source(%dma_start3A_359 : memref<128x32xf32, #tpu.memory_space<vmem>>) target(%dma_start3A_365 : memref<10240x32xf32, #tpu.memory_space<vmem_shared>>) offsets(%dma_start3A_362 : memref<128xi32, #tpu.memory_space<vmem>>) semaphore(%arg13 : memref<!tpu.dma_semaphore, #tpu.memory_space<semaphore_mem>>) {add = true}
      %dma_wait3A_366 = arith.constant 5 : i32
      %dma_wait3A_367 = arith.constant 0 : i32
      %dma_wait3A_368 = arith.constant 5 : i32
      %dma_wait3A_369 = arith.constant 0 : i32
      %dma_wait3A_370 = arith.constant 0 : i32
      %dma_wait3A_371 = tpu.memref_slice %arg8[%dma_wait3A_368, %dma_wait3A_369, %dma_wait3A_370] : memref<16x128x32xf32, #tpu.memory_space<vmem>> -> memref<1x128x32xf32, #tpu.memory_space<vmem>>
      %dma_wait3A_372 = tpu.memref_squeeze %dma_wait3A_371 : memref<1x128x32xf32, #tpu.memory_space<vmem>> -> memref<128x32xf32, #tpu.memory_space<vmem>>
      %dma_wait3A_373 = arith.constant 0 : i32
      %dma_wait3A_374 = tpu.memref_slice %arg7[%dma_wait3A_366, %dma_wait3A_367, %dma_wait3A_373] : memref<16x2x128xi32, #tpu.memory_space<vmem>> -> memref<1x1x128xi32, #tpu.memory_space<vmem>>
      %dma_wait3A_375 = tpu.memref_squeeze %dma_wait3A_374 : memref<1x1x128xi32, #tpu.memory_space<vmem>> -> memref<128xi32, #tpu.memory_space<vmem>>
      %dma_wait3A_376 = arith.constant 0 : i32
      %dma_wait3A_377 = arith.constant 0 : i32
      %dma_wait3A_378 = tpu.memref_slice %arg10[%dma_wait3A_376, %dma_wait3A_377] : memref<10240x32xf32, #tpu.memory_space<vmem_shared>> -> memref<10240x32xf32, #tpu.memory_space<vmem_shared>>
      tpu.wait_indirect_dma semaphore(%arg12 : memref<!tpu.dma_semaphore, #tpu.memory_space<semaphore_mem>>) src(%dma_wait3A_378 : memref<10240x32xf32, #tpu.memory_space<vmem_shared>>) dst(%dma_wait3A_372 : memref<128x32xf32, #tpu.memory_space<vmem>>)
      %dma_start3A_379 = arith.constant 5 : i32
      %dma_start3A_380 = arith.constant 5 : i32
      %dma_start3A_381 = arith.constant 1 : i32
      %dma_start3A_382 = arith.constant 0 : i32
      %dma_start3A_383 = arith.constant 0 : i32
      %dma_start3A_384 = tpu.memref_slice %arg8[%dma_start3A_379, %dma_start3A_382, %dma_start3A_383] : memref<16x128x32xf32, #tpu.memory_space<vmem>> -> memref<1x128x32xf32, #tpu.memory_space<vmem>>
      %dma_start3A_385 = tpu.memref_squeeze %dma_start3A_384 : memref<1x128x32xf32, #tpu.memory_space<vmem>> -> memref<128x32xf32, #tpu.memory_space<vmem>>
      %dma_start3A_386 = arith.constant 0 : i32
      %dma_start3A_387 = tpu.memref_slice %arg7[%dma_start3A_380, %dma_start3A_381, %dma_start3A_386] : memref<16x2x128xi32, #tpu.memory_space<vmem>> -> memref<1x1x128xi32, #tpu.memory_space<vmem>>
      %dma_start3A_388 = tpu.memref_squeeze %dma_start3A_387 : memref<1x1x128xi32, #tpu.memory_space<vmem>> -> memref<128xi32, #tpu.memory_space<vmem>>
      %dma_start3A_389 = arith.constant 0 : i32
      %dma_start3A_390 = arith.constant 0 : i32
      %dma_start3A_391 = tpu.memref_slice %arg11[%dma_start3A_389, %dma_start3A_390] : memref<10240x32xf32, #tpu.memory_space<vmem_shared>> -> memref<10240x32xf32, #tpu.memory_space<vmem_shared>>
      tpu.enqueue_indirect_dma source(%dma_start3A_385 : memref<128x32xf32, #tpu.memory_space<vmem>>) target(%dma_start3A_391 : memref<10240x32xf32, #tpu.memory_space<vmem_shared>>) offsets(%dma_start3A_388 : memref<128xi32, #tpu.memory_space<vmem>>) semaphore(%arg13 : memref<!tpu.dma_semaphore, #tpu.memory_space<semaphore_mem>>) {add = true}
      %dma_wait3A_392 = arith.constant 6 : i32
      %dma_wait3A_393 = arith.constant 0 : i32
      %dma_wait3A_394 = arith.constant 6 : i32
      %dma_wait3A_395 = arith.constant 0 : i32
      %dma_wait3A_396 = arith.constant 0 : i32
      %dma_wait3A_397 = tpu.memref_slice %arg8[%dma_wait3A_394, %dma_wait3A_395, %dma_wait3A_396] : memref<16x128x32xf32, #tpu.memory_space<vmem>> -> memref<1x128x32xf32, #tpu.memory_space<vmem>>
      %dma_wait3A_398 = tpu.memref_squeeze %dma_wait3A_397 : memref<1x128x32xf32, #tpu.memory_space<vmem>> -> memref<128x32xf32, #tpu.memory_space<vmem>>
      %dma_wait3A_399 = arith.constant 0 : i32
      %dma_wait3A_400 = tpu.memref_slice %arg7[%dma_wait3A_392, %dma_wait3A_393, %dma_wait3A_399] : memref<16x2x128xi32, #tpu.memory_space<vmem>> -> memref<1x1x128xi32, #tpu.memory_space<vmem>>
      %dma_wait3A_401 = tpu.memref_squeeze %dma_wait3A_400 : memref<1x1x128xi32, #tpu.memory_space<vmem>> -> memref<128xi32, #tpu.memory_space<vmem>>
      %dma_wait3A_402 = arith.constant 0 : i32
      %dma_wait3A_403 = arith.constant 0 : i32
      %dma_wait3A_404 = tpu.memref_slice %arg10[%dma_wait3A_402, %dma_wait3A_403] : memref<10240x32xf32, #tpu.memory_space<vmem_shared>> -> memref<10240x32xf32, #tpu.memory_space<vmem_shared>>
      tpu.wait_indirect_dma semaphore(%arg12 : memref<!tpu.dma_semaphore, #tpu.memory_space<semaphore_mem>>) src(%dma_wait3A_404 : memref<10240x32xf32, #tpu.memory_space<vmem_shared>>) dst(%dma_wait3A_398 : memref<128x32xf32, #tpu.memory_space<vmem>>)
      %dma_start3A_405 = arith.constant 6 : i32
      %dma_start3A_406 = arith.constant 6 : i32
      %dma_start3A_407 = arith.constant 1 : i32
      %dma_start3A_408 = arith.constant 0 : i32
      %dma_start3A_409 = arith.constant 0 : i32
      %dma_start3A_410 = tpu.memref_slice %arg8[%dma_start3A_405, %dma_start3A_408, %dma_start3A_409] : memref<16x128x32xf32, #tpu.memory_space<vmem>> -> memref<1x128x32xf32, #tpu.memory_space<vmem>>
      %dma_start3A_411 = tpu.memref_squeeze %dma_start3A_410 : memref<1x128x32xf32, #tpu.memory_space<vmem>> -> memref<128x32xf32, #tpu.memory_space<vmem>>
      %dma_start3A_412 = arith.constant 0 : i32
      %dma_start3A_413 = tpu.memref_slice %arg7[%dma_start3A_406, %dma_start3A_407, %dma_start3A_412] : memref<16x2x128xi32, #tpu.memory_space<vmem>> -> memref<1x1x128xi32, #tpu.memory_space<vmem>>
      %dma_start3A_414 = tpu.memref_squeeze %dma_start3A_413 : memref<1x1x128xi32, #tpu.memory_space<vmem>> -> memref<128xi32, #tpu.memory_space<vmem>>
      %dma_start3A_415 = arith.constant 0 : i32
      %dma_start3A_416 = arith.constant 0 : i32
      %dma_start3A_417 = tpu.memref_slice %arg11[%dma_start3A_415, %dma_start3A_416] : memref<10240x32xf32, #tpu.memory_space<vmem_shared>> -> memref<10240x32xf32, #tpu.memory_space<vmem_shared>>
      tpu.enqueue_indirect_dma source(%dma_start3A_411 : memref<128x32xf32, #tpu.memory_space<vmem>>) target(%dma_start3A_417 : memref<10240x32xf32, #tpu.memory_space<vmem_shared>>) offsets(%dma_start3A_414 : memref<128xi32, #tpu.memory_space<vmem>>) semaphore(%arg13 : memref<!tpu.dma_semaphore, #tpu.memory_space<semaphore_mem>>) {add = true}
      %dma_wait3A_418 = arith.constant 7 : i32
      %dma_wait3A_419 = arith.constant 0 : i32
      %dma_wait3A_420 = arith.constant 7 : i32
      %dma_wait3A_421 = arith.constant 0 : i32
      %dma_wait3A_422 = arith.constant 0 : i32
      %dma_wait3A_423 = tpu.memref_slice %arg8[%dma_wait3A_420, %dma_wait3A_421, %dma_wait3A_422] : memref<16x128x32xf32, #tpu.memory_space<vmem>> -> memref<1x128x32xf32, #tpu.memory_space<vmem>>
      %dma_wait3A_424 = tpu.memref_squeeze %dma_wait3A_423 : memref<1x128x32xf32, #tpu.memory_space<vmem>> -> memref<128x32xf32, #tpu.memory_space<vmem>>
      %dma_wait3A_425 = arith.constant 0 : i32
      %dma_wait3A_426 = tpu.memref_slice %arg7[%dma_wait3A_418, %dma_wait3A_419, %dma_wait3A_425] : memref<16x2x128xi32, #tpu.memory_space<vmem>> -> memref<1x1x128xi32, #tpu.memory_space<vmem>>
      %dma_wait3A_427 = tpu.memref_squeeze %dma_wait3A_426 : memref<1x1x128xi32, #tpu.memory_space<vmem>> -> memref<128xi32, #tpu.memory_space<vmem>>
      %dma_wait3A_428 = arith.constant 0 : i32
      %dma_wait3A_429 = arith.constant 0 : i32
      %dma_wait3A_430 = tpu.memref_slice %arg10[%dma_wait3A_428, %dma_wait3A_429] : memref<10240x32xf32, #tpu.memory_space<vmem_shared>> -> memref<10240x32xf32, #tpu.memory_space<vmem_shared>>
      tpu.wait_indirect_dma semaphore(%arg12 : memref<!tpu.dma_semaphore, #tpu.memory_space<semaphore_mem>>) src(%dma_wait3A_430 : memref<10240x32xf32, #tpu.memory_space<vmem_shared>>) dst(%dma_wait3A_424 : memref<128x32xf32, #tpu.memory_space<vmem>>)
      %dma_start3A_431 = arith.constant 7 : i32
      %dma_start3A_432 = arith.constant 7 : i32
      %dma_start3A_433 = arith.constant 1 : i32
      %dma_start3A_434 = arith.constant 0 : i32
      %dma_start3A_435 = arith.constant 0 : i32
      %dma_start3A_436 = tpu.memref_slice %arg8[%dma_start3A_431, %dma_start3A_434, %dma_start3A_435] : memref<16x128x32xf32, #tpu.memory_space<vmem>> -> memref<1x128x32xf32, #tpu.memory_space<vmem>>
      %dma_start3A_437 = tpu.memref_squeeze %dma_start3A_436 : memref<1x128x32xf32, #tpu.memory_space<vmem>> -> memref<128x32xf32, #tpu.memory_space<vmem>>
      %dma_start3A_438 = arith.constant 0 : i32
      %dma_start3A_439 = tpu.memref_slice %arg7[%dma_start3A_432, %dma_start3A_433, %dma_start3A_438] : memref<16x2x128xi32, #tpu.memory_space<vmem>> -> memref<1x1x128xi32, #tpu.memory_space<vmem>>
      %dma_start3A_440 = tpu.memref_squeeze %dma_start3A_439 : memref<1x1x128xi32, #tpu.memory_space<vmem>> -> memref<128xi32, #tpu.memory_space<vmem>>
      %dma_start3A_441 = arith.constant 0 : i32
      %dma_start3A_442 = arith.constant 0 : i32
      %dma_start3A_443 = tpu.memref_slice %arg11[%dma_start3A_441, %dma_start3A_442] : memref<10240x32xf32, #tpu.memory_space<vmem_shared>> -> memref<10240x32xf32, #tpu.memory_space<vmem_shared>>
      tpu.enqueue_indirect_dma source(%dma_start3A_437 : memref<128x32xf32, #tpu.memory_space<vmem>>) target(%dma_start3A_443 : memref<10240x32xf32, #tpu.memory_space<vmem_shared>>) offsets(%dma_start3A_440 : memref<128xi32, #tpu.memory_space<vmem>>) semaphore(%arg13 : memref<!tpu.dma_semaphore, #tpu.memory_space<semaphore_mem>>) {add = true}
      %dma_wait3A_444 = arith.constant 8 : i32
      %dma_wait3A_445 = arith.constant 0 : i32
      %dma_wait3A_446 = arith.constant 8 : i32
      %dma_wait3A_447 = arith.constant 0 : i32
      %dma_wait3A_448 = arith.constant 0 : i32
      %dma_wait3A_449 = tpu.memref_slice %arg8[%dma_wait3A_446, %dma_wait3A_447, %dma_wait3A_448] : memref<16x128x32xf32, #tpu.memory_space<vmem>> -> memref<1x128x32xf32, #tpu.memory_space<vmem>>
      %dma_wait3A_450 = tpu.memref_squeeze %dma_wait3A_449 : memref<1x128x32xf32, #tpu.memory_space<vmem>> -> memref<128x32xf32, #tpu.memory_space<vmem>>
      %dma_wait3A_451 = arith.constant 0 : i32
      %dma_wait3A_452 = tpu.memref_slice %arg7[%dma_wait3A_444, %dma_wait3A_445, %dma_wait3A_451] : memref<16x2x128xi32, #tpu.memory_space<vmem>> -> memref<1x1x128xi32, #tpu.memory_space<vmem>>
      %dma_wait3A_453 = tpu.memref_squeeze %dma_wait3A_452 : memref<1x1x128xi32, #tpu.memory_space<vmem>> -> memref<128xi32, #tpu.memory_space<vmem>>
      %dma_wait3A_454 = arith.constant 0 : i32
      %dma_wait3A_455 = arith.constant 0 : i32
      %dma_wait3A_456 = tpu.memref_slice %arg10[%dma_wait3A_454, %dma_wait3A_455] : memref<10240x32xf32, #tpu.memory_space<vmem_shared>> -> memref<10240x32xf32, #tpu.memory_space<vmem_shared>>
      tpu.wait_indirect_dma semaphore(%arg12 : memref<!tpu.dma_semaphore, #tpu.memory_space<semaphore_mem>>) src(%dma_wait3A_456 : memref<10240x32xf32, #tpu.memory_space<vmem_shared>>) dst(%dma_wait3A_450 : memref<128x32xf32, #tpu.memory_space<vmem>>)
      %dma_start3A_457 = arith.constant 8 : i32
      %dma_start3A_458 = arith.constant 8 : i32
      %dma_start3A_459 = arith.constant 1 : i32
      %dma_start3A_460 = arith.constant 0 : i32
      %dma_start3A_461 = arith.constant 0 : i32
      %dma_start3A_462 = tpu.memref_slice %arg8[%dma_start3A_457, %dma_start3A_460, %dma_start3A_461] : memref<16x128x32xf32, #tpu.memory_space<vmem>> -> memref<1x128x32xf32, #tpu.memory_space<vmem>>
      %dma_start3A_463 = tpu.memref_squeeze %dma_start3A_462 : memref<1x128x32xf32, #tpu.memory_space<vmem>> -> memref<128x32xf32, #tpu.memory_space<vmem>>
      %dma_start3A_464 = arith.constant 0 : i32
      %dma_start3A_465 = tpu.memref_slice %arg7[%dma_start3A_458, %dma_start3A_459, %dma_start3A_464] : memref<16x2x128xi32, #tpu.memory_space<vmem>> -> memref<1x1x128xi32, #tpu.memory_space<vmem>>
      %dma_start3A_466 = tpu.memref_squeeze %dma_start3A_465 : memref<1x1x128xi32, #tpu.memory_space<vmem>> -> memref<128xi32, #tpu.memory_space<vmem>>
      %dma_start3A_467 = arith.constant 0 : i32
      %dma_start3A_468 = arith.constant 0 : i32
      %dma_start3A_469 = tpu.memref_slice %arg11[%dma_start3A_467, %dma_start3A_468] : memref<10240x32xf32, #tpu.memory_space<vmem_shared>> -> memref<10240x32xf32, #tpu.memory_space<vmem_shared>>
      tpu.enqueue_indirect_dma source(%dma_start3A_463 : memref<128x32xf32, #tpu.memory_space<vmem>>) target(%dma_start3A_469 : memref<10240x32xf32, #tpu.memory_space<vmem_shared>>) offsets(%dma_start3A_466 : memref<128xi32, #tpu.memory_space<vmem>>) semaphore(%arg13 : memref<!tpu.dma_semaphore, #tpu.memory_space<semaphore_mem>>) {add = true}
      %dma_wait3A_470 = arith.constant 9 : i32
      %dma_wait3A_471 = arith.constant 0 : i32
      %dma_wait3A_472 = arith.constant 9 : i32
      %dma_wait3A_473 = arith.constant 0 : i32
      %dma_wait3A_474 = arith.constant 0 : i32
      %dma_wait3A_475 = tpu.memref_slice %arg8[%dma_wait3A_472, %dma_wait3A_473, %dma_wait3A_474] : memref<16x128x32xf32, #tpu.memory_space<vmem>> -> memref<1x128x32xf32, #tpu.memory_space<vmem>>
      %dma_wait3A_476 = tpu.memref_squeeze %dma_wait3A_475 : memref<1x128x32xf32, #tpu.memory_space<vmem>> -> memref<128x32xf32, #tpu.memory_space<vmem>>
      %dma_wait3A_477 = arith.constant 0 : i32
      %dma_wait3A_478 = tpu.memref_slice %arg7[%dma_wait3A_470, %dma_wait3A_471, %dma_wait3A_477] : memref<16x2x128xi32, #tpu.memory_space<vmem>> -> memref<1x1x128xi32, #tpu.memory_space<vmem>>
      %dma_wait3A_479 = tpu.memref_squeeze %dma_wait3A_478 : memref<1x1x128xi32, #tpu.memory_space<vmem>> -> memref<128xi32, #tpu.memory_space<vmem>>
      %dma_wait3A_480 = arith.constant 0 : i32
      %dma_wait3A_481 = arith.constant 0 : i32
      %dma_wait3A_482 = tpu.memref_slice %arg10[%dma_wait3A_480, %dma_wait3A_481] : memref<10240x32xf32, #tpu.memory_space<vmem_shared>> -> memref<10240x32xf32, #tpu.memory_space<vmem_shared>>
      tpu.wait_indirect_dma semaphore(%arg12 : memref<!tpu.dma_semaphore, #tpu.memory_space<semaphore_mem>>) src(%dma_wait3A_482 : memref<10240x32xf32, #tpu.memory_space<vmem_shared>>) dst(%dma_wait3A_476 : memref<128x32xf32, #tpu.memory_space<vmem>>)
      %dma_start3A_483 = arith.constant 9 : i32
      %dma_start3A_484 = arith.constant 9 : i32
      %dma_start3A_485 = arith.constant 1 : i32
      %dma_start3A_486 = arith.constant 0 : i32
      %dma_start3A_487 = arith.constant 0 : i32
      %dma_start3A_488 = tpu.memref_slice %arg8[%dma_start3A_483, %dma_start3A_486, %dma_start3A_487] : memref<16x128x32xf32, #tpu.memory_space<vmem>> -> memref<1x128x32xf32, #tpu.memory_space<vmem>>
      %dma_start3A_489 = tpu.memref_squeeze %dma_start3A_488 : memref<1x128x32xf32, #tpu.memory_space<vmem>> -> memref<128x32xf32, #tpu.memory_space<vmem>>
      %dma_start3A_490 = arith.constant 0 : i32
      %dma_start3A_491 = tpu.memref_slice %arg7[%dma_start3A_484, %dma_start3A_485, %dma_start3A_490] : memref<16x2x128xi32, #tpu.memory_space<vmem>> -> memref<1x1x128xi32, #tpu.memory_space<vmem>>
      %dma_start3A_492 = tpu.memref_squeeze %dma_start3A_491 : memref<1x1x128xi32, #tpu.memory_space<vmem>> -> memref<128xi32, #tpu.memory_space<vmem>>
      %dma_start3A_493 = arith.constant 0 : i32
      %dma_start3A_494 = arith.constant 0 : i32
      %dma_start3A_495 = tpu.memref_slice %arg11[%dma_start3A_493, %dma_start3A_494] : memref<10240x32xf32, #tpu.memory_space<vmem_shared>> -> memref<10240x32xf32, #tpu.memory_space<vmem_shared>>
      tpu.enqueue_indirect_dma source(%dma_start3A_489 : memref<128x32xf32, #tpu.memory_space<vmem>>) target(%dma_start3A_495 : memref<10240x32xf32, #tpu.memory_space<vmem_shared>>) offsets(%dma_start3A_492 : memref<128xi32, #tpu.memory_space<vmem>>) semaphore(%arg13 : memref<!tpu.dma_semaphore, #tpu.memory_space<semaphore_mem>>) {add = true}
      %dma_wait3A_496 = arith.constant 10 : i32
      %dma_wait3A_497 = arith.constant 0 : i32
      %dma_wait3A_498 = arith.constant 10 : i32
      %dma_wait3A_499 = arith.constant 0 : i32
      %dma_wait3A_500 = arith.constant 0 : i32
      %dma_wait3A_501 = tpu.memref_slice %arg8[%dma_wait3A_498, %dma_wait3A_499, %dma_wait3A_500] : memref<16x128x32xf32, #tpu.memory_space<vmem>> -> memref<1x128x32xf32, #tpu.memory_space<vmem>>
      %dma_wait3A_502 = tpu.memref_squeeze %dma_wait3A_501 : memref<1x128x32xf32, #tpu.memory_space<vmem>> -> memref<128x32xf32, #tpu.memory_space<vmem>>
      %dma_wait3A_503 = arith.constant 0 : i32
      %dma_wait3A_504 = tpu.memref_slice %arg7[%dma_wait3A_496, %dma_wait3A_497, %dma_wait3A_503] : memref<16x2x128xi32, #tpu.memory_space<vmem>> -> memref<1x1x128xi32, #tpu.memory_space<vmem>>
      %dma_wait3A_505 = tpu.memref_squeeze %dma_wait3A_504 : memref<1x1x128xi32, #tpu.memory_space<vmem>> -> memref<128xi32, #tpu.memory_space<vmem>>
      %dma_wait3A_506 = arith.constant 0 : i32
      %dma_wait3A_507 = arith.constant 0 : i32
      %dma_wait3A_508 = tpu.memref_slice %arg10[%dma_wait3A_506, %dma_wait3A_507] : memref<10240x32xf32, #tpu.memory_space<vmem_shared>> -> memref<10240x32xf32, #tpu.memory_space<vmem_shared>>
      tpu.wait_indirect_dma semaphore(%arg12 : memref<!tpu.dma_semaphore, #tpu.memory_space<semaphore_mem>>) src(%dma_wait3A_508 : memref<10240x32xf32, #tpu.memory_space<vmem_shared>>) dst(%dma_wait3A_502 : memref<128x32xf32, #tpu.memory_space<vmem>>)
      %dma_start3A_509 = arith.constant 10 : i32
      %dma_start3A_510 = arith.constant 10 : i32
      %dma_start3A_511 = arith.constant 1 : i32
      %dma_start3A_512 = arith.constant 0 : i32
      %dma_start3A_513 = arith.constant 0 : i32
      %dma_start3A_514 = tpu.memref_slice %arg8[%dma_start3A_509, %dma_start3A_512, %dma_start3A_513] : memref<16x128x32xf32, #tpu.memory_space<vmem>> -> memref<1x128x32xf32, #tpu.memory_space<vmem>>
      %dma_start3A_515 = tpu.memref_squeeze %dma_start3A_514 : memref<1x128x32xf32, #tpu.memory_space<vmem>> -> memref<128x32xf32, #tpu.memory_space<vmem>>
      %dma_start3A_516 = arith.constant 0 : i32
      %dma_start3A_517 = tpu.memref_slice %arg7[%dma_start3A_510, %dma_start3A_511, %dma_start3A_516] : memref<16x2x128xi32, #tpu.memory_space<vmem>> -> memref<1x1x128xi32, #tpu.memory_space<vmem>>
      %dma_start3A_518 = tpu.memref_squeeze %dma_start3A_517 : memref<1x1x128xi32, #tpu.memory_space<vmem>> -> memref<128xi32, #tpu.memory_space<vmem>>
      %dma_start3A_519 = arith.constant 0 : i32
      %dma_start3A_520 = arith.constant 0 : i32
      %dma_start3A_521 = tpu.memref_slice %arg11[%dma_start3A_519, %dma_start3A_520] : memref<10240x32xf32, #tpu.memory_space<vmem_shared>> -> memref<10240x32xf32, #tpu.memory_space<vmem_shared>>
      tpu.enqueue_indirect_dma source(%dma_start3A_515 : memref<128x32xf32, #tpu.memory_space<vmem>>) target(%dma_start3A_521 : memref<10240x32xf32, #tpu.memory_space<vmem_shared>>) offsets(%dma_start3A_518 : memref<128xi32, #tpu.memory_space<vmem>>) semaphore(%arg13 : memref<!tpu.dma_semaphore, #tpu.memory_space<semaphore_mem>>) {add = true}
      %dma_wait3A_522 = arith.constant 11 : i32
      %dma_wait3A_523 = arith.constant 0 : i32
      %dma_wait3A_524 = arith.constant 11 : i32
      %dma_wait3A_525 = arith.constant 0 : i32
      %dma_wait3A_526 = arith.constant 0 : i32
      %dma_wait3A_527 = tpu.memref_slice %arg8[%dma_wait3A_524, %dma_wait3A_525, %dma_wait3A_526] : memref<16x128x32xf32, #tpu.memory_space<vmem>> -> memref<1x128x32xf32, #tpu.memory_space<vmem>>
      %dma_wait3A_528 = tpu.memref_squeeze %dma_wait3A_527 : memref<1x128x32xf32, #tpu.memory_space<vmem>> -> memref<128x32xf32, #tpu.memory_space<vmem>>
      %dma_wait3A_529 = arith.constant 0 : i32
      %dma_wait3A_530 = tpu.memref_slice %arg7[%dma_wait3A_522, %dma_wait3A_523, %dma_wait3A_529] : memref<16x2x128xi32, #tpu.memory_space<vmem>> -> memref<1x1x128xi32, #tpu.memory_space<vmem>>
      %dma_wait3A_531 = tpu.memref_squeeze %dma_wait3A_530 : memref<1x1x128xi32, #tpu.memory_space<vmem>> -> memref<128xi32, #tpu.memory_space<vmem>>
      %dma_wait3A_532 = arith.constant 0 : i32
      %dma_wait3A_533 = arith.constant 0 : i32
      %dma_wait3A_534 = tpu.memref_slice %arg10[%dma_wait3A_532, %dma_wait3A_533] : memref<10240x32xf32, #tpu.memory_space<vmem_shared>> -> memref<10240x32xf32, #tpu.memory_space<vmem_shared>>
      tpu.wait_indirect_dma semaphore(%arg12 : memref<!tpu.dma_semaphore, #tpu.memory_space<semaphore_mem>>) src(%dma_wait3A_534 : memref<10240x32xf32, #tpu.memory_space<vmem_shared>>) dst(%dma_wait3A_528 : memref<128x32xf32, #tpu.memory_space<vmem>>)
      %dma_start3A_535 = arith.constant 11 : i32
      %dma_start3A_536 = arith.constant 11 : i32
      %dma_start3A_537 = arith.constant 1 : i32
      %dma_start3A_538 = arith.constant 0 : i32
      %dma_start3A_539 = arith.constant 0 : i32
      %dma_start3A_540 = tpu.memref_slice %arg8[%dma_start3A_535, %dma_start3A_538, %dma_start3A_539] : memref<16x128x32xf32, #tpu.memory_space<vmem>> -> memref<1x128x32xf32, #tpu.memory_space<vmem>>
      %dma_start3A_541 = tpu.memref_squeeze %dma_start3A_540 : memref<1x128x32xf32, #tpu.memory_space<vmem>> -> memref<128x32xf32, #tpu.memory_space<vmem>>
      %dma_start3A_542 = arith.constant 0 : i32
      %dma_start3A_543 = tpu.memref_slice %arg7[%dma_start3A_536, %dma_start3A_537, %dma_start3A_542] : memref<16x2x128xi32, #tpu.memory_space<vmem>> -> memref<1x1x128xi32, #tpu.memory_space<vmem>>
      %dma_start3A_544 = tpu.memref_squeeze %dma_start3A_543 : memref<1x1x128xi32, #tpu.memory_space<vmem>> -> memref<128xi32, #tpu.memory_space<vmem>>
      %dma_start3A_545 = arith.constant 0 : i32
      %dma_start3A_546 = arith.constant 0 : i32
      %dma_start3A_547 = tpu.memref_slice %arg11[%dma_start3A_545, %dma_start3A_546] : memref<10240x32xf32, #tpu.memory_space<vmem_shared>> -> memref<10240x32xf32, #tpu.memory_space<vmem_shared>>
      tpu.enqueue_indirect_dma source(%dma_start3A_541 : memref<128x32xf32, #tpu.memory_space<vmem>>) target(%dma_start3A_547 : memref<10240x32xf32, #tpu.memory_space<vmem_shared>>) offsets(%dma_start3A_544 : memref<128xi32, #tpu.memory_space<vmem>>) semaphore(%arg13 : memref<!tpu.dma_semaphore, #tpu.memory_space<semaphore_mem>>) {add = true}
      %dma_wait3A_548 = arith.constant 12 : i32
      %dma_wait3A_549 = arith.constant 0 : i32
      %dma_wait3A_550 = arith.constant 12 : i32
      %dma_wait3A_551 = arith.constant 0 : i32
      %dma_wait3A_552 = arith.constant 0 : i32
      %dma_wait3A_553 = tpu.memref_slice %arg8[%dma_wait3A_550, %dma_wait3A_551, %dma_wait3A_552] : memref<16x128x32xf32, #tpu.memory_space<vmem>> -> memref<1x128x32xf32, #tpu.memory_space<vmem>>
      %dma_wait3A_554 = tpu.memref_squeeze %dma_wait3A_553 : memref<1x128x32xf32, #tpu.memory_space<vmem>> -> memref<128x32xf32, #tpu.memory_space<vmem>>
      %dma_wait3A_555 = arith.constant 0 : i32
      %dma_wait3A_556 = tpu.memref_slice %arg7[%dma_wait3A_548, %dma_wait3A_549, %dma_wait3A_555] : memref<16x2x128xi32, #tpu.memory_space<vmem>> -> memref<1x1x128xi32, #tpu.memory_space<vmem>>
      %dma_wait3A_557 = tpu.memref_squeeze %dma_wait3A_556 : memref<1x1x128xi32, #tpu.memory_space<vmem>> -> memref<128xi32, #tpu.memory_space<vmem>>
      %dma_wait3A_558 = arith.constant 0 : i32
      %dma_wait3A_559 = arith.constant 0 : i32
      %dma_wait3A_560 = tpu.memref_slice %arg10[%dma_wait3A_558, %dma_wait3A_559] : memref<10240x32xf32, #tpu.memory_space<vmem_shared>> -> memref<10240x32xf32, #tpu.memory_space<vmem_shared>>
      tpu.wait_indirect_dma semaphore(%arg12 : memref<!tpu.dma_semaphore, #tpu.memory_space<semaphore_mem>>) src(%dma_wait3A_560 : memref<10240x32xf32, #tpu.memory_space<vmem_shared>>) dst(%dma_wait3A_554 : memref<128x32xf32, #tpu.memory_space<vmem>>)
      %dma_start3A_561 = arith.constant 12 : i32
      %dma_start3A_562 = arith.constant 12 : i32
      %dma_start3A_563 = arith.constant 1 : i32
      %dma_start3A_564 = arith.constant 0 : i32
      %dma_start3A_565 = arith.constant 0 : i32
      %dma_start3A_566 = tpu.memref_slice %arg8[%dma_start3A_561, %dma_start3A_564, %dma_start3A_565] : memref<16x128x32xf32, #tpu.memory_space<vmem>> -> memref<1x128x32xf32, #tpu.memory_space<vmem>>
      %dma_start3A_567 = tpu.memref_squeeze %dma_start3A_566 : memref<1x128x32xf32, #tpu.memory_space<vmem>> -> memref<128x32xf32, #tpu.memory_space<vmem>>
      %dma_start3A_568 = arith.constant 0 : i32
      %dma_start3A_569 = tpu.memref_slice %arg7[%dma_start3A_562, %dma_start3A_563, %dma_start3A_568] : memref<16x2x128xi32, #tpu.memory_space<vmem>> -> memref<1x1x128xi32, #tpu.memory_space<vmem>>
      %dma_start3A_570 = tpu.memref_squeeze %dma_start3A_569 : memref<1x1x128xi32, #tpu.memory_space<vmem>> -> memref<128xi32, #tpu.memory_space<vmem>>
      %dma_start3A_571 = arith.constant 0 : i32
      %dma_start3A_572 = arith.constant 0 : i32
      %dma_start3A_573 = tpu.memref_slice %arg11[%dma_start3A_571, %dma_start3A_572] : memref<10240x32xf32, #tpu.memory_space<vmem_shared>> -> memref<10240x32xf32, #tpu.memory_space<vmem_shared>>
      tpu.enqueue_indirect_dma source(%dma_start3A_567 : memref<128x32xf32, #tpu.memory_space<vmem>>) target(%dma_start3A_573 : memref<10240x32xf32, #tpu.memory_space<vmem_shared>>) offsets(%dma_start3A_570 : memref<128xi32, #tpu.memory_space<vmem>>) semaphore(%arg13 : memref<!tpu.dma_semaphore, #tpu.memory_space<semaphore_mem>>) {add = true}
      %dma_wait3A_574 = arith.constant 13 : i32
      %dma_wait3A_575 = arith.constant 0 : i32
      %dma_wait3A_576 = arith.constant 13 : i32
      %dma_wait3A_577 = arith.constant 0 : i32
      %dma_wait3A_578 = arith.constant 0 : i32
      %dma_wait3A_579 = tpu.memref_slice %arg8[%dma_wait3A_576, %dma_wait3A_577, %dma_wait3A_578] : memref<16x128x32xf32, #tpu.memory_space<vmem>> -> memref<1x128x32xf32, #tpu.memory_space<vmem>>
      %dma_wait3A_580 = tpu.memref_squeeze %dma_wait3A_579 : memref<1x128x32xf32, #tpu.memory_space<vmem>> -> memref<128x32xf32, #tpu.memory_space<vmem>>
      %dma_wait3A_581 = arith.constant 0 : i32
      %dma_wait3A_582 = tpu.memref_slice %arg7[%dma_wait3A_574, %dma_wait3A_575, %dma_wait3A_581] : memref<16x2x128xi32, #tpu.memory_space<vmem>> -> memref<1x1x128xi32, #tpu.memory_space<vmem>>
      %dma_wait3A_583 = tpu.memref_squeeze %dma_wait3A_582 : memref<1x1x128xi32, #tpu.memory_space<vmem>> -> memref<128xi32, #tpu.memory_space<vmem>>
      %dma_wait3A_584 = arith.constant 0 : i32
      %dma_wait3A_585 = arith.constant 0 : i32
      %dma_wait3A_586 = tpu.memref_slice %arg10[%dma_wait3A_584, %dma_wait3A_585] : memref<10240x32xf32, #tpu.memory_space<vmem_shared>> -> memref<10240x32xf32, #tpu.memory_space<vmem_shared>>
      tpu.wait_indirect_dma semaphore(%arg12 : memref<!tpu.dma_semaphore, #tpu.memory_space<semaphore_mem>>) src(%dma_wait3A_586 : memref<10240x32xf32, #tpu.memory_space<vmem_shared>>) dst(%dma_wait3A_580 : memref<128x32xf32, #tpu.memory_space<vmem>>)
      %dma_start3A_587 = arith.constant 13 : i32
      %dma_start3A_588 = arith.constant 13 : i32
      %dma_start3A_589 = arith.constant 1 : i32
      %dma_start3A_590 = arith.constant 0 : i32
      %dma_start3A_591 = arith.constant 0 : i32
      %dma_start3A_592 = tpu.memref_slice %arg8[%dma_start3A_587, %dma_start3A_590, %dma_start3A_591] : memref<16x128x32xf32, #tpu.memory_space<vmem>> -> memref<1x128x32xf32, #tpu.memory_space<vmem>>
      %dma_start3A_593 = tpu.memref_squeeze %dma_start3A_592 : memref<1x128x32xf32, #tpu.memory_space<vmem>> -> memref<128x32xf32, #tpu.memory_space<vmem>>
      %dma_start3A_594 = arith.constant 0 : i32
      %dma_start3A_595 = tpu.memref_slice %arg7[%dma_start3A_588, %dma_start3A_589, %dma_start3A_594] : memref<16x2x128xi32, #tpu.memory_space<vmem>> -> memref<1x1x128xi32, #tpu.memory_space<vmem>>
      %dma_start3A_596 = tpu.memref_squeeze %dma_start3A_595 : memref<1x1x128xi32, #tpu.memory_space<vmem>> -> memref<128xi32, #tpu.memory_space<vmem>>
      %dma_start3A_597 = arith.constant 0 : i32
      %dma_start3A_598 = arith.constant 0 : i32
      %dma_start3A_599 = tpu.memref_slice %arg11[%dma_start3A_597, %dma_start3A_598] : memref<10240x32xf32, #tpu.memory_space<vmem_shared>> -> memref<10240x32xf32, #tpu.memory_space<vmem_shared>>
      tpu.enqueue_indirect_dma source(%dma_start3A_593 : memref<128x32xf32, #tpu.memory_space<vmem>>) target(%dma_start3A_599 : memref<10240x32xf32, #tpu.memory_space<vmem_shared>>) offsets(%dma_start3A_596 : memref<128xi32, #tpu.memory_space<vmem>>) semaphore(%arg13 : memref<!tpu.dma_semaphore, #tpu.memory_space<semaphore_mem>>) {add = true}
      %dma_wait3A_600 = arith.constant 14 : i32
      %dma_wait3A_601 = arith.constant 0 : i32
      %dma_wait3A_602 = arith.constant 14 : i32
      %dma_wait3A_603 = arith.constant 0 : i32
      %dma_wait3A_604 = arith.constant 0 : i32
      %dma_wait3A_605 = tpu.memref_slice %arg8[%dma_wait3A_602, %dma_wait3A_603, %dma_wait3A_604] : memref<16x128x32xf32, #tpu.memory_space<vmem>> -> memref<1x128x32xf32, #tpu.memory_space<vmem>>
      %dma_wait3A_606 = tpu.memref_squeeze %dma_wait3A_605 : memref<1x128x32xf32, #tpu.memory_space<vmem>> -> memref<128x32xf32, #tpu.memory_space<vmem>>
      %dma_wait3A_607 = arith.constant 0 : i32
      %dma_wait3A_608 = tpu.memref_slice %arg7[%dma_wait3A_600, %dma_wait3A_601, %dma_wait3A_607] : memref<16x2x128xi32, #tpu.memory_space<vmem>> -> memref<1x1x128xi32, #tpu.memory_space<vmem>>
      %dma_wait3A_609 = tpu.memref_squeeze %dma_wait3A_608 : memref<1x1x128xi32, #tpu.memory_space<vmem>> -> memref<128xi32, #tpu.memory_space<vmem>>
      %dma_wait3A_610 = arith.constant 0 : i32
      %dma_wait3A_611 = arith.constant 0 : i32
      %dma_wait3A_612 = tpu.memref_slice %arg10[%dma_wait3A_610, %dma_wait3A_611] : memref<10240x32xf32, #tpu.memory_space<vmem_shared>> -> memref<10240x32xf32, #tpu.memory_space<vmem_shared>>
      tpu.wait_indirect_dma semaphore(%arg12 : memref<!tpu.dma_semaphore, #tpu.memory_space<semaphore_mem>>) src(%dma_wait3A_612 : memref<10240x32xf32, #tpu.memory_space<vmem_shared>>) dst(%dma_wait3A_606 : memref<128x32xf32, #tpu.memory_space<vmem>>)
      %dma_start3A_613 = arith.constant 14 : i32
      %dma_start3A_614 = arith.constant 14 : i32
      %dma_start3A_615 = arith.constant 1 : i32
      %dma_start3A_616 = arith.constant 0 : i32
      %dma_start3A_617 = arith.constant 0 : i32
      %dma_start3A_618 = tpu.memref_slice %arg8[%dma_start3A_613, %dma_start3A_616, %dma_start3A_617] : memref<16x128x32xf32, #tpu.memory_space<vmem>> -> memref<1x128x32xf32, #tpu.memory_space<vmem>>
      %dma_start3A_619 = tpu.memref_squeeze %dma_start3A_618 : memref<1x128x32xf32, #tpu.memory_space<vmem>> -> memref<128x32xf32, #tpu.memory_space<vmem>>
      %dma_start3A_620 = arith.constant 0 : i32
      %dma_start3A_621 = tpu.memref_slice %arg7[%dma_start3A_614, %dma_start3A_615, %dma_start3A_620] : memref<16x2x128xi32, #tpu.memory_space<vmem>> -> memref<1x1x128xi32, #tpu.memory_space<vmem>>
      %dma_start3A_622 = tpu.memref_squeeze %dma_start3A_621 : memref<1x1x128xi32, #tpu.memory_space<vmem>> -> memref<128xi32, #tpu.memory_space<vmem>>
      %dma_start3A_623 = arith.constant 0 : i32
      %dma_start3A_624 = arith.constant 0 : i32
      %dma_start3A_625 = tpu.memref_slice %arg11[%dma_start3A_623, %dma_start3A_624] : memref<10240x32xf32, #tpu.memory_space<vmem_shared>> -> memref<10240x32xf32, #tpu.memory_space<vmem_shared>>
      tpu.enqueue_indirect_dma source(%dma_start3A_619 : memref<128x32xf32, #tpu.memory_space<vmem>>) target(%dma_start3A_625 : memref<10240x32xf32, #tpu.memory_space<vmem_shared>>) offsets(%dma_start3A_622 : memref<128xi32, #tpu.memory_space<vmem>>) semaphore(%arg13 : memref<!tpu.dma_semaphore, #tpu.memory_space<semaphore_mem>>) {add = true}
      %dma_wait3A_626 = arith.constant 15 : i32
      %dma_wait3A_627 = arith.constant 0 : i32
      %dma_wait3A_628 = arith.constant 15 : i32
      %dma_wait3A_629 = arith.constant 0 : i32
      %dma_wait3A_630 = arith.constant 0 : i32
      %dma_wait3A_631 = tpu.memref_slice %arg8[%dma_wait3A_628, %dma_wait3A_629, %dma_wait3A_630] : memref<16x128x32xf32, #tpu.memory_space<vmem>> -> memref<1x128x32xf32, #tpu.memory_space<vmem>>
      %dma_wait3A_632 = tpu.memref_squeeze %dma_wait3A_631 : memref<1x128x32xf32, #tpu.memory_space<vmem>> -> memref<128x32xf32, #tpu.memory_space<vmem>>
      %dma_wait3A_633 = arith.constant 0 : i32
      %dma_wait3A_634 = tpu.memref_slice %arg7[%dma_wait3A_626, %dma_wait3A_627, %dma_wait3A_633] : memref<16x2x128xi32, #tpu.memory_space<vmem>> -> memref<1x1x128xi32, #tpu.memory_space<vmem>>
      %dma_wait3A_635 = tpu.memref_squeeze %dma_wait3A_634 : memref<1x1x128xi32, #tpu.memory_space<vmem>> -> memref<128xi32, #tpu.memory_space<vmem>>
      %dma_wait3A_636 = arith.constant 0 : i32
      %dma_wait3A_637 = arith.constant 0 : i32
      %dma_wait3A_638 = tpu.memref_slice %arg10[%dma_wait3A_636, %dma_wait3A_637] : memref<10240x32xf32, #tpu.memory_space<vmem_shared>> -> memref<10240x32xf32, #tpu.memory_space<vmem_shared>>
      tpu.wait_indirect_dma semaphore(%arg12 : memref<!tpu.dma_semaphore, #tpu.memory_space<semaphore_mem>>) src(%dma_wait3A_638 : memref<10240x32xf32, #tpu.memory_space<vmem_shared>>) dst(%dma_wait3A_632 : memref<128x32xf32, #tpu.memory_space<vmem>>)
      %dma_start3A_639 = arith.constant 15 : i32
      %dma_start3A_640 = arith.constant 15 : i32
      %dma_start3A_641 = arith.constant 1 : i32
      %dma_start3A_642 = arith.constant 0 : i32
      %dma_start3A_643 = arith.constant 0 : i32
      %dma_start3A_644 = tpu.memref_slice %arg8[%dma_start3A_639, %dma_start3A_642, %dma_start3A_643] : memref<16x128x32xf32, #tpu.memory_space<vmem>> -> memref<1x128x32xf32, #tpu.memory_space<vmem>>
      %dma_start3A_645 = tpu.memref_squeeze %dma_start3A_644 : memref<1x128x32xf32, #tpu.memory_space<vmem>> -> memref<128x32xf32, #tpu.memory_space<vmem>>
      %dma_start3A_646 = arith.constant 0 : i32
      %dma_start3A_647 = tpu.memref_slice %arg7[%dma_start3A_640, %dma_start3A_641, %dma_start3A_646] : memref<16x2x128xi32, #tpu.memory_space<vmem>> -> memref<1x1x128xi32, #tpu.memory_space<vmem>>
      %dma_start3A_648 = tpu.memref_squeeze %dma_start3A_647 : memref<1x1x128xi32, #tpu.memory_space<vmem>> -> memref<128xi32, #tpu.memory_space<vmem>>
      %dma_start3A_649 = arith.constant 0 : i32
      %dma_start3A_650 = arith.constant 0 : i32
      %dma_start3A_651 = tpu.memref_slice %arg11[%dma_start3A_649, %dma_start3A_650] : memref<10240x32xf32, #tpu.memory_space<vmem_shared>> -> memref<10240x32xf32, #tpu.memory_space<vmem_shared>>
      tpu.enqueue_indirect_dma source(%dma_start3A_645 : memref<128x32xf32, #tpu.memory_space<vmem>>) target(%dma_start3A_651 : memref<10240x32xf32, #tpu.memory_space<vmem_shared>>) offsets(%dma_start3A_648 : memref<128xi32, #tpu.memory_space<vmem>>) semaphore(%arg13 : memref<!tpu.dma_semaphore, #tpu.memory_space<semaphore_mem>>) {add = true}
      %dma_wait3A_652 = arith.constant 0 : i32
      %dma_wait3A_653 = arith.constant 0 : i32
      %dma_wait3A_654 = arith.constant 1 : i32
      %dma_wait3A_655 = arith.constant 0 : i32
      %dma_wait3A_656 = arith.constant 0 : i32
      %dma_wait3A_657 = tpu.memref_slice %arg8[%dma_wait3A_652, %dma_wait3A_655, %dma_wait3A_656] : memref<16x128x32xf32, #tpu.memory_space<vmem>> -> memref<1x128x32xf32, #tpu.memory_space<vmem>>
      %dma_wait3A_658 = tpu.memref_squeeze %dma_wait3A_657 : memref<1x128x32xf32, #tpu.memory_space<vmem>> -> memref<128x32xf32, #tpu.memory_space<vmem>>
      %dma_wait3A_659 = arith.constant 0 : i32
      %dma_wait3A_660 = tpu.memref_slice %arg7[%dma_wait3A_653, %dma_wait3A_654, %dma_wait3A_659] : memref<16x2x128xi32, #tpu.memory_space<vmem>> -> memref<1x1x128xi32, #tpu.memory_space<vmem>>
      %dma_wait3A_661 = tpu.memref_squeeze %dma_wait3A_660 : memref<1x1x128xi32, #tpu.memory_space<vmem>> -> memref<128xi32, #tpu.memory_space<vmem>>
      %dma_wait3A_662 = arith.constant 0 : i32
      %dma_wait3A_663 = arith.constant 0 : i32
      %dma_wait3A_664 = tpu.memref_slice %arg11[%dma_wait3A_662, %dma_wait3A_663] : memref<10240x32xf32, #tpu.memory_space<vmem_shared>> -> memref<10240x32xf32, #tpu.memory_space<vmem_shared>>
      tpu.wait_indirect_dma semaphore(%arg13 : memref<!tpu.dma_semaphore, #tpu.memory_space<semaphore_mem>>) src(%dma_wait3A_658 : memref<128x32xf32, #tpu.memory_space<vmem>>) dst(%dma_wait3A_664 : memref<10240x32xf32, #tpu.memory_space<vmem_shared>>)
      %dma_wait3A_665 = arith.constant 1 : i32
      %dma_wait3A_666 = arith.constant 1 : i32
      %dma_wait3A_667 = arith.constant 1 : i32
      %dma_wait3A_668 = arith.constant 0 : i32
      %dma_wait3A_669 = arith.constant 0 : i32
      %dma_wait3A_670 = tpu.memref_slice %arg8[%dma_wait3A_665, %dma_wait3A_668, %dma_wait3A_669] : memref<16x128x32xf32, #tpu.memory_space<vmem>> -> memref<1x128x32xf32, #tpu.memory_space<vmem>>
      %dma_wait3A_671 = tpu.memref_squeeze %dma_wait3A_670 : memref<1x128x32xf32, #tpu.memory_space<vmem>> -> memref<128x32xf32, #tpu.memory_space<vmem>>
      %dma_wait3A_672 = arith.constant 0 : i32
      %dma_wait3A_673 = tpu.memref_slice %arg7[%dma_wait3A_666, %dma_wait3A_667, %dma_wait3A_672] : memref<16x2x128xi32, #tpu.memory_space<vmem>> -> memref<1x1x128xi32, #tpu.memory_space<vmem>>
      %dma_wait3A_674 = tpu.memref_squeeze %dma_wait3A_673 : memref<1x1x128xi32, #tpu.memory_space<vmem>> -> memref<128xi32, #tpu.memory_space<vmem>>
      %dma_wait3A_675 = arith.constant 0 : i32
      %dma_wait3A_676 = arith.constant 0 : i32
      %dma_wait3A_677 = tpu.memref_slice %arg11[%dma_wait3A_675, %dma_wait3A_676] : memref<10240x32xf32, #tpu.memory_space<vmem_shared>> -> memref<10240x32xf32, #tpu.memory_space<vmem_shared>>
      tpu.wait_indirect_dma semaphore(%arg13 : memref<!tpu.dma_semaphore, #tpu.memory_space<semaphore_mem>>) src(%dma_wait3A_671 : memref<128x32xf32, #tpu.memory_space<vmem>>) dst(%dma_wait3A_677 : memref<10240x32xf32, #tpu.memory_space<vmem_shared>>)
      %dma_wait3A_678 = arith.constant 2 : i32
      %dma_wait3A_679 = arith.constant 2 : i32
      %dma_wait3A_680 = arith.constant 1 : i32
      %dma_wait3A_681 = arith.constant 0 : i32
      %dma_wait3A_682 = arith.constant 0 : i32
      %dma_wait3A_683 = tpu.memref_slice %arg8[%dma_wait3A_678, %dma_wait3A_681, %dma_wait3A_682] : memref<16x128x32xf32, #tpu.memory_space<vmem>> -> memref<1x128x32xf32, #tpu.memory_space<vmem>>
      %dma_wait3A_684 = tpu.memref_squeeze %dma_wait3A_683 : memref<1x128x32xf32, #tpu.memory_space<vmem>> -> memref<128x32xf32, #tpu.memory_space<vmem>>
      %dma_wait3A_685 = arith.constant 0 : i32
      %dma_wait3A_686 = tpu.memref_slice %arg7[%dma_wait3A_679, %dma_wait3A_680, %dma_wait3A_685] : memref<16x2x128xi32, #tpu.memory_space<vmem>> -> memref<1x1x128xi32, #tpu.memory_space<vmem>>
      %dma_wait3A_687 = tpu.memref_squeeze %dma_wait3A_686 : memref<1x1x128xi32, #tpu.memory_space<vmem>> -> memref<128xi32, #tpu.memory_space<vmem>>
      %dma_wait3A_688 = arith.constant 0 : i32
      %dma_wait3A_689 = arith.constant 0 : i32
      %dma_wait3A_690 = tpu.memref_slice %arg11[%dma_wait3A_688, %dma_wait3A_689] : memref<10240x32xf32, #tpu.memory_space<vmem_shared>> -> memref<10240x32xf32, #tpu.memory_space<vmem_shared>>
      tpu.wait_indirect_dma semaphore(%arg13 : memref<!tpu.dma_semaphore, #tpu.memory_space<semaphore_mem>>) src(%dma_wait3A_684 : memref<128x32xf32, #tpu.memory_space<vmem>>) dst(%dma_wait3A_690 : memref<10240x32xf32, #tpu.memory_space<vmem_shared>>)
      %dma_wait3A_691 = arith.constant 3 : i32
      %dma_wait3A_692 = arith.constant 3 : i32
      %dma_wait3A_693 = arith.constant 1 : i32
      %dma_wait3A_694 = arith.constant 0 : i32
      %dma_wait3A_695 = arith.constant 0 : i32
      %dma_wait3A_696 = tpu.memref_slice %arg8[%dma_wait3A_691, %dma_wait3A_694, %dma_wait3A_695] : memref<16x128x32xf32, #tpu.memory_space<vmem>> -> memref<1x128x32xf32, #tpu.memory_space<vmem>>
      %dma_wait3A_697 = tpu.memref_squeeze %dma_wait3A_696 : memref<1x128x32xf32, #tpu.memory_space<vmem>> -> memref<128x32xf32, #tpu.memory_space<vmem>>
      %dma_wait3A_698 = arith.constant 0 : i32
      %dma_wait3A_699 = tpu.memref_slice %arg7[%dma_wait3A_692, %dma_wait3A_693, %dma_wait3A_698] : memref<16x2x128xi32, #tpu.memory_space<vmem>> -> memref<1x1x128xi32, #tpu.memory_space<vmem>>
      %dma_wait3A_700 = tpu.memref_squeeze %dma_wait3A_699 : memref<1x1x128xi32, #tpu.memory_space<vmem>> -> memref<128xi32, #tpu.memory_space<vmem>>
      %dma_wait3A_701 = arith.constant 0 : i32
      %dma_wait3A_702 = arith.constant 0 : i32
      %dma_wait3A_703 = tpu.memref_slice %arg11[%dma_wait3A_701, %dma_wait3A_702] : memref<10240x32xf32, #tpu.memory_space<vmem_shared>> -> memref<10240x32xf32, #tpu.memory_space<vmem_shared>>
      tpu.wait_indirect_dma semaphore(%arg13 : memref<!tpu.dma_semaphore, #tpu.memory_space<semaphore_mem>>) src(%dma_wait3A_697 : memref<128x32xf32, #tpu.memory_space<vmem>>) dst(%dma_wait3A_703 : memref<10240x32xf32, #tpu.memory_space<vmem_shared>>)
      %dma_wait3A_704 = arith.constant 4 : i32
      %dma_wait3A_705 = arith.constant 4 : i32
      %dma_wait3A_706 = arith.constant 1 : i32
      %dma_wait3A_707 = arith.constant 0 : i32
      %dma_wait3A_708 = arith.constant 0 : i32
      %dma_wait3A_709 = tpu.memref_slice %arg8[%dma_wait3A_704, %dma_wait3A_707, %dma_wait3A_708] : memref<16x128x32xf32, #tpu.memory_space<vmem>> -> memref<1x128x32xf32, #tpu.memory_space<vmem>>
      %dma_wait3A_710 = tpu.memref_squeeze %dma_wait3A_709 : memref<1x128x32xf32, #tpu.memory_space<vmem>> -> memref<128x32xf32, #tpu.memory_space<vmem>>
      %dma_wait3A_711 = arith.constant 0 : i32
      %dma_wait3A_712 = tpu.memref_slice %arg7[%dma_wait3A_705, %dma_wait3A_706, %dma_wait3A_711] : memref<16x2x128xi32, #tpu.memory_space<vmem>> -> memref<1x1x128xi32, #tpu.memory_space<vmem>>
      %dma_wait3A_713 = tpu.memref_squeeze %dma_wait3A_712 : memref<1x1x128xi32, #tpu.memory_space<vmem>> -> memref<128xi32, #tpu.memory_space<vmem>>
      %dma_wait3A_714 = arith.constant 0 : i32
      %dma_wait3A_715 = arith.constant 0 : i32
      %dma_wait3A_716 = tpu.memref_slice %arg11[%dma_wait3A_714, %dma_wait3A_715] : memref<10240x32xf32, #tpu.memory_space<vmem_shared>> -> memref<10240x32xf32, #tpu.memory_space<vmem_shared>>
      tpu.wait_indirect_dma semaphore(%arg13 : memref<!tpu.dma_semaphore, #tpu.memory_space<semaphore_mem>>) src(%dma_wait3A_710 : memref<128x32xf32, #tpu.memory_space<vmem>>) dst(%dma_wait3A_716 : memref<10240x32xf32, #tpu.memory_space<vmem_shared>>)
      %dma_wait3A_717 = arith.constant 5 : i32
      %dma_wait3A_718 = arith.constant 5 : i32
      %dma_wait3A_719 = arith.constant 1 : i32
      %dma_wait3A_720 = arith.constant 0 : i32
      %dma_wait3A_721 = arith.constant 0 : i32
      %dma_wait3A_722 = tpu.memref_slice %arg8[%dma_wait3A_717, %dma_wait3A_720, %dma_wait3A_721] : memref<16x128x32xf32, #tpu.memory_space<vmem>> -> memref<1x128x32xf32, #tpu.memory_space<vmem>>
      %dma_wait3A_723 = tpu.memref_squeeze %dma_wait3A_722 : memref<1x128x32xf32, #tpu.memory_space<vmem>> -> memref<128x32xf32, #tpu.memory_space<vmem>>
      %dma_wait3A_724 = arith.constant 0 : i32
      %dma_wait3A_725 = tpu.memref_slice %arg7[%dma_wait3A_718, %dma_wait3A_719, %dma_wait3A_724] : memref<16x2x128xi32, #tpu.memory_space<vmem>> -> memref<1x1x128xi32, #tpu.memory_space<vmem>>
      %dma_wait3A_726 = tpu.memref_squeeze %dma_wait3A_725 : memref<1x1x128xi32, #tpu.memory_space<vmem>> -> memref<128xi32, #tpu.memory_space<vmem>>
      %dma_wait3A_727 = arith.constant 0 : i32
      %dma_wait3A_728 = arith.constant 0 : i32
      %dma_wait3A_729 = tpu.memref_slice %arg11[%dma_wait3A_727, %dma_wait3A_728] : memref<10240x32xf32, #tpu.memory_space<vmem_shared>> -> memref<10240x32xf32, #tpu.memory_space<vmem_shared>>
      tpu.wait_indirect_dma semaphore(%arg13 : memref<!tpu.dma_semaphore, #tpu.memory_space<semaphore_mem>>) src(%dma_wait3A_723 : memref<128x32xf32, #tpu.memory_space<vmem>>) dst(%dma_wait3A_729 : memref<10240x32xf32, #tpu.memory_space<vmem_shared>>)
      %dma_wait3A_730 = arith.constant 6 : i32
      %dma_wait3A_731 = arith.constant 6 : i32
      %dma_wait3A_732 = arith.constant 1 : i32
      %dma_wait3A_733 = arith.constant 0 : i32
      %dma_wait3A_734 = arith.constant 0 : i32
      %dma_wait3A_735 = tpu.memref_slice %arg8[%dma_wait3A_730, %dma_wait3A_733, %dma_wait3A_734] : memref<16x128x32xf32, #tpu.memory_space<vmem>> -> memref<1x128x32xf32, #tpu.memory_space<vmem>>
      %dma_wait3A_736 = tpu.memref_squeeze %dma_wait3A_735 : memref<1x128x32xf32, #tpu.memory_space<vmem>> -> memref<128x32xf32, #tpu.memory_space<vmem>>
      %dma_wait3A_737 = arith.constant 0 : i32
      %dma_wait3A_738 = tpu.memref_slice %arg7[%dma_wait3A_731, %dma_wait3A_732, %dma_wait3A_737] : memref<16x2x128xi32, #tpu.memory_space<vmem>> -> memref<1x1x128xi32, #tpu.memory_space<vmem>>
      %dma_wait3A_739 = tpu.memref_squeeze %dma_wait3A_738 : memref<1x1x128xi32, #tpu.memory_space<vmem>> -> memref<128xi32, #tpu.memory_space<vmem>>
      %dma_wait3A_740 = arith.constant 0 : i32
      %dma_wait3A_741 = arith.constant 0 : i32
      %dma_wait3A_742 = tpu.memref_slice %arg11[%dma_wait3A_740, %dma_wait3A_741] : memref<10240x32xf32, #tpu.memory_space<vmem_shared>> -> memref<10240x32xf32, #tpu.memory_space<vmem_shared>>
      tpu.wait_indirect_dma semaphore(%arg13 : memref<!tpu.dma_semaphore, #tpu.memory_space<semaphore_mem>>) src(%dma_wait3A_736 : memref<128x32xf32, #tpu.memory_space<vmem>>) dst(%dma_wait3A_742 : memref<10240x32xf32, #tpu.memory_space<vmem_shared>>)
      %dma_wait3A_743 = arith.constant 7 : i32
      %dma_wait3A_744 = arith.constant 7 : i32
      %dma_wait3A_745 = arith.constant 1 : i32
      %dma_wait3A_746 = arith.constant 0 : i32
      %dma_wait3A_747 = arith.constant 0 : i32
      %dma_wait3A_748 = tpu.memref_slice %arg8[%dma_wait3A_743, %dma_wait3A_746, %dma_wait3A_747] : memref<16x128x32xf32, #tpu.memory_space<vmem>> -> memref<1x128x32xf32, #tpu.memory_space<vmem>>
      %dma_wait3A_749 = tpu.memref_squeeze %dma_wait3A_748 : memref<1x128x32xf32, #tpu.memory_space<vmem>> -> memref<128x32xf32, #tpu.memory_space<vmem>>
      %dma_wait3A_750 = arith.constant 0 : i32
      %dma_wait3A_751 = tpu.memref_slice %arg7[%dma_wait3A_744, %dma_wait3A_745, %dma_wait3A_750] : memref<16x2x128xi32, #tpu.memory_space<vmem>> -> memref<1x1x128xi32, #tpu.memory_space<vmem>>
      %dma_wait3A_752 = tpu.memref_squeeze %dma_wait3A_751 : memref<1x1x128xi32, #tpu.memory_space<vmem>> -> memref<128xi32, #tpu.memory_space<vmem>>
      %dma_wait3A_753 = arith.constant 0 : i32
      %dma_wait3A_754 = arith.constant 0 : i32
      %dma_wait3A_755 = tpu.memref_slice %arg11[%dma_wait3A_753, %dma_wait3A_754] : memref<10240x32xf32, #tpu.memory_space<vmem_shared>> -> memref<10240x32xf32, #tpu.memory_space<vmem_shared>>
      tpu.wait_indirect_dma semaphore(%arg13 : memref<!tpu.dma_semaphore, #tpu.memory_space<semaphore_mem>>) src(%dma_wait3A_749 : memref<128x32xf32, #tpu.memory_space<vmem>>) dst(%dma_wait3A_755 : memref<10240x32xf32, #tpu.memory_space<vmem_shared>>)
      %dma_wait3A_756 = arith.constant 8 : i32
      %dma_wait3A_757 = arith.constant 8 : i32
      %dma_wait3A_758 = arith.constant 1 : i32
      %dma_wait3A_759 = arith.constant 0 : i32
      %dma_wait3A_760 = arith.constant 0 : i32
      %dma_wait3A_761 = tpu.memref_slice %arg8[%dma_wait3A_756, %dma_wait3A_759, %dma_wait3A_760] : memref<16x128x32xf32, #tpu.memory_space<vmem>> -> memref<1x128x32xf32, #tpu.memory_space<vmem>>
      %dma_wait3A_762 = tpu.memref_squeeze %dma_wait3A_761 : memref<1x128x32xf32, #tpu.memory_space<vmem>> -> memref<128x32xf32, #tpu.memory_space<vmem>>
      %dma_wait3A_763 = arith.constant 0 : i32
      %dma_wait3A_764 = tpu.memref_slice %arg7[%dma_wait3A_757, %dma_wait3A_758, %dma_wait3A_763] : memref<16x2x128xi32, #tpu.memory_space<vmem>> -> memref<1x1x128xi32, #tpu.memory_space<vmem>>
      %dma_wait3A_765 = tpu.memref_squeeze %dma_wait3A_764 : memref<1x1x128xi32, #tpu.memory_space<vmem>> -> memref<128xi32, #tpu.memory_space<vmem>>
      %dma_wait3A_766 = arith.constant 0 : i32
      %dma_wait3A_767 = arith.constant 0 : i32
      %dma_wait3A_768 = tpu.memref_slice %arg11[%dma_wait3A_766, %dma_wait3A_767] : memref<10240x32xf32, #tpu.memory_space<vmem_shared>> -> memref<10240x32xf32, #tpu.memory_space<vmem_shared>>
      tpu.wait_indirect_dma semaphore(%arg13 : memref<!tpu.dma_semaphore, #tpu.memory_space<semaphore_mem>>) src(%dma_wait3A_762 : memref<128x32xf32, #tpu.memory_space<vmem>>) dst(%dma_wait3A_768 : memref<10240x32xf32, #tpu.memory_space<vmem_shared>>)
      %dma_wait3A_769 = arith.constant 9 : i32
      %dma_wait3A_770 = arith.constant 9 : i32
      %dma_wait3A_771 = arith.constant 1 : i32
      %dma_wait3A_772 = arith.constant 0 : i32
      %dma_wait3A_773 = arith.constant 0 : i32
      %dma_wait3A_774 = tpu.memref_slice %arg8[%dma_wait3A_769, %dma_wait3A_772, %dma_wait3A_773] : memref<16x128x32xf32, #tpu.memory_space<vmem>> -> memref<1x128x32xf32, #tpu.memory_space<vmem>>
      %dma_wait3A_775 = tpu.memref_squeeze %dma_wait3A_774 : memref<1x128x32xf32, #tpu.memory_space<vmem>> -> memref<128x32xf32, #tpu.memory_space<vmem>>
      %dma_wait3A_776 = arith.constant 0 : i32
      %dma_wait3A_777 = tpu.memref_slice %arg7[%dma_wait3A_770, %dma_wait3A_771, %dma_wait3A_776] : memref<16x2x128xi32, #tpu.memory_space<vmem>> -> memref<1x1x128xi32, #tpu.memory_space<vmem>>
      %dma_wait3A_778 = tpu.memref_squeeze %dma_wait3A_777 : memref<1x1x128xi32, #tpu.memory_space<vmem>> -> memref<128xi32, #tpu.memory_space<vmem>>
      %dma_wait3A_779 = arith.constant 0 : i32
      %dma_wait3A_780 = arith.constant 0 : i32
      %dma_wait3A_781 = tpu.memref_slice %arg11[%dma_wait3A_779, %dma_wait3A_780] : memref<10240x32xf32, #tpu.memory_space<vmem_shared>> -> memref<10240x32xf32, #tpu.memory_space<vmem_shared>>
      tpu.wait_indirect_dma semaphore(%arg13 : memref<!tpu.dma_semaphore, #tpu.memory_space<semaphore_mem>>) src(%dma_wait3A_775 : memref<128x32xf32, #tpu.memory_space<vmem>>) dst(%dma_wait3A_781 : memref<10240x32xf32, #tpu.memory_space<vmem_shared>>)
      %dma_wait3A_782 = arith.constant 10 : i32
      %dma_wait3A_783 = arith.constant 10 : i32
      %dma_wait3A_784 = arith.constant 1 : i32
      %dma_wait3A_785 = arith.constant 0 : i32
      %dma_wait3A_786 = arith.constant 0 : i32
      %dma_wait3A_787 = tpu.memref_slice %arg8[%dma_wait3A_782, %dma_wait3A_785, %dma_wait3A_786] : memref<16x128x32xf32, #tpu.memory_space<vmem>> -> memref<1x128x32xf32, #tpu.memory_space<vmem>>
      %dma_wait3A_788 = tpu.memref_squeeze %dma_wait3A_787 : memref<1x128x32xf32, #tpu.memory_space<vmem>> -> memref<128x32xf32, #tpu.memory_space<vmem>>
      %dma_wait3A_789 = arith.constant 0 : i32
      %dma_wait3A_790 = tpu.memref_slice %arg7[%dma_wait3A_783, %dma_wait3A_784, %dma_wait3A_789] : memref<16x2x128xi32, #tpu.memory_space<vmem>> -> memref<1x1x128xi32, #tpu.memory_space<vmem>>
      %dma_wait3A_791 = tpu.memref_squeeze %dma_wait3A_790 : memref<1x1x128xi32, #tpu.memory_space<vmem>> -> memref<128xi32, #tpu.memory_space<vmem>>
      %dma_wait3A_792 = arith.constant 0 : i32
      %dma_wait3A_793 = arith.constant 0 : i32
      %dma_wait3A_794 = tpu.memref_slice %arg11[%dma_wait3A_792, %dma_wait3A_793] : memref<10240x32xf32, #tpu.memory_space<vmem_shared>> -> memref<10240x32xf32, #tpu.memory_space<vmem_shared>>
      tpu.wait_indirect_dma semaphore(%arg13 : memref<!tpu.dma_semaphore, #tpu.memory_space<semaphore_mem>>) src(%dma_wait3A_788 : memref<128x32xf32, #tpu.memory_space<vmem>>) dst(%dma_wait3A_794 : memref<10240x32xf32, #tpu.memory_space<vmem_shared>>)
      %dma_wait3A_795 = arith.constant 11 : i32
      %dma_wait3A_796 = arith.constant 11 : i32
      %dma_wait3A_797 = arith.constant 1 : i32
      %dma_wait3A_798 = arith.constant 0 : i32
      %dma_wait3A_799 = arith.constant 0 : i32
      %dma_wait3A_800 = tpu.memref_slice %arg8[%dma_wait3A_795, %dma_wait3A_798, %dma_wait3A_799] : memref<16x128x32xf32, #tpu.memory_space<vmem>> -> memref<1x128x32xf32, #tpu.memory_space<vmem>>
      %dma_wait3A_801 = tpu.memref_squeeze %dma_wait3A_800 : memref<1x128x32xf32, #tpu.memory_space<vmem>> -> memref<128x32xf32, #tpu.memory_space<vmem>>
      %dma_wait3A_802 = arith.constant 0 : i32
      %dma_wait3A_803 = tpu.memref_slice %arg7[%dma_wait3A_796, %dma_wait3A_797, %dma_wait3A_802] : memref<16x2x128xi32, #tpu.memory_space<vmem>> -> memref<1x1x128xi32, #tpu.memory_space<vmem>>
      %dma_wait3A_804 = tpu.memref_squeeze %dma_wait3A_803 : memref<1x1x128xi32, #tpu.memory_space<vmem>> -> memref<128xi32, #tpu.memory_space<vmem>>
      %dma_wait3A_805 = arith.constant 0 : i32
      %dma_wait3A_806 = arith.constant 0 : i32
      %dma_wait3A_807 = tpu.memref_slice %arg11[%dma_wait3A_805, %dma_wait3A_806] : memref<10240x32xf32, #tpu.memory_space<vmem_shared>> -> memref<10240x32xf32, #tpu.memory_space<vmem_shared>>
      tpu.wait_indirect_dma semaphore(%arg13 : memref<!tpu.dma_semaphore, #tpu.memory_space<semaphore_mem>>) src(%dma_wait3A_801 : memref<128x32xf32, #tpu.memory_space<vmem>>) dst(%dma_wait3A_807 : memref<10240x32xf32, #tpu.memory_space<vmem_shared>>)
      %dma_wait3A_808 = arith.constant 12 : i32
      %dma_wait3A_809 = arith.constant 12 : i32
      %dma_wait3A_810 = arith.constant 1 : i32
      %dma_wait3A_811 = arith.constant 0 : i32
      %dma_wait3A_812 = arith.constant 0 : i32
      %dma_wait3A_813 = tpu.memref_slice %arg8[%dma_wait3A_808, %dma_wait3A_811, %dma_wait3A_812] : memref<16x128x32xf32, #tpu.memory_space<vmem>> -> memref<1x128x32xf32, #tpu.memory_space<vmem>>
      %dma_wait3A_814 = tpu.memref_squeeze %dma_wait3A_813 : memref<1x128x32xf32, #tpu.memory_space<vmem>> -> memref<128x32xf32, #tpu.memory_space<vmem>>
      %dma_wait3A_815 = arith.constant 0 : i32
      %dma_wait3A_816 = tpu.memref_slice %arg7[%dma_wait3A_809, %dma_wait3A_810, %dma_wait3A_815] : memref<16x2x128xi32, #tpu.memory_space<vmem>> -> memref<1x1x128xi32, #tpu.memory_space<vmem>>
      %dma_wait3A_817 = tpu.memref_squeeze %dma_wait3A_816 : memref<1x1x128xi32, #tpu.memory_space<vmem>> -> memref<128xi32, #tpu.memory_space<vmem>>
      %dma_wait3A_818 = arith.constant 0 : i32
      %dma_wait3A_819 = arith.constant 0 : i32
      %dma_wait3A_820 = tpu.memref_slice %arg11[%dma_wait3A_818, %dma_wait3A_819] : memref<10240x32xf32, #tpu.memory_space<vmem_shared>> -> memref<10240x32xf32, #tpu.memory_space<vmem_shared>>
      tpu.wait_indirect_dma semaphore(%arg13 : memref<!tpu.dma_semaphore, #tpu.memory_space<semaphore_mem>>) src(%dma_wait3A_814 : memref<128x32xf32, #tpu.memory_space<vmem>>) dst(%dma_wait3A_820 : memref<10240x32xf32, #tpu.memory_space<vmem_shared>>)
      %dma_wait3A_821 = arith.constant 13 : i32
      %dma_wait3A_822 = arith.constant 13 : i32
      %dma_wait3A_823 = arith.constant 1 : i32
      %dma_wait3A_824 = arith.constant 0 : i32
      %dma_wait3A_825 = arith.constant 0 : i32
      %dma_wait3A_826 = tpu.memref_slice %arg8[%dma_wait3A_821, %dma_wait3A_824, %dma_wait3A_825] : memref<16x128x32xf32, #tpu.memory_space<vmem>> -> memref<1x128x32xf32, #tpu.memory_space<vmem>>
      %dma_wait3A_827 = tpu.memref_squeeze %dma_wait3A_826 : memref<1x128x32xf32, #tpu.memory_space<vmem>> -> memref<128x32xf32, #tpu.memory_space<vmem>>
      %dma_wait3A_828 = arith.constant 0 : i32
      %dma_wait3A_829 = tpu.memref_slice %arg7[%dma_wait3A_822, %dma_wait3A_823, %dma_wait3A_828] : memref<16x2x128xi32, #tpu.memory_space<vmem>> -> memref<1x1x128xi32, #tpu.memory_space<vmem>>
      %dma_wait3A_830 = tpu.memref_squeeze %dma_wait3A_829 : memref<1x1x128xi32, #tpu.memory_space<vmem>> -> memref<128xi32, #tpu.memory_space<vmem>>
      %dma_wait3A_831 = arith.constant 0 : i32
      %dma_wait3A_832 = arith.constant 0 : i32
      %dma_wait3A_833 = tpu.memref_slice %arg11[%dma_wait3A_831, %dma_wait3A_832] : memref<10240x32xf32, #tpu.memory_space<vmem_shared>> -> memref<10240x32xf32, #tpu.memory_space<vmem_shared>>
      tpu.wait_indirect_dma semaphore(%arg13 : memref<!tpu.dma_semaphore, #tpu.memory_space<semaphore_mem>>) src(%dma_wait3A_827 : memref<128x32xf32, #tpu.memory_space<vmem>>) dst(%dma_wait3A_833 : memref<10240x32xf32, #tpu.memory_space<vmem_shared>>)
      %dma_wait3A_834 = arith.constant 14 : i32
      %dma_wait3A_835 = arith.constant 14 : i32
      %dma_wait3A_836 = arith.constant 1 : i32
      %dma_wait3A_837 = arith.constant 0 : i32
      %dma_wait3A_838 = arith.constant 0 : i32
      %dma_wait3A_839 = tpu.memref_slice %arg8[%dma_wait3A_834, %dma_wait3A_837, %dma_wait3A_838] : memref<16x128x32xf32, #tpu.memory_space<vmem>> -> memref<1x128x32xf32, #tpu.memory_space<vmem>>
      %dma_wait3A_840 = tpu.memref_squeeze %dma_wait3A_839 : memref<1x128x32xf32, #tpu.memory_space<vmem>> -> memref<128x32xf32, #tpu.memory_space<vmem>>
      %dma_wait3A_841 = arith.constant 0 : i32
      %dma_wait3A_842 = tpu.memref_slice %arg7[%dma_wait3A_835, %dma_wait3A_836, %dma_wait3A_841] : memref<16x2x128xi32, #tpu.memory_space<vmem>> -> memref<1x1x128xi32, #tpu.memory_space<vmem>>
      %dma_wait3A_843 = tpu.memref_squeeze %dma_wait3A_842 : memref<1x1x128xi32, #tpu.memory_space<vmem>> -> memref<128xi32, #tpu.memory_space<vmem>>
      %dma_wait3A_844 = arith.constant 0 : i32
      %dma_wait3A_845 = arith.constant 0 : i32
      %dma_wait3A_846 = tpu.memref_slice %arg11[%dma_wait3A_844, %dma_wait3A_845] : memref<10240x32xf32, #tpu.memory_space<vmem_shared>> -> memref<10240x32xf32, #tpu.memory_space<vmem_shared>>
      tpu.wait_indirect_dma semaphore(%arg13 : memref<!tpu.dma_semaphore, #tpu.memory_space<semaphore_mem>>) src(%dma_wait3A_840 : memref<128x32xf32, #tpu.memory_space<vmem>>) dst(%dma_wait3A_846 : memref<10240x32xf32, #tpu.memory_space<vmem_shared>>)
      %dma_wait3A_847 = arith.constant 15 : i32
      %dma_wait3A_848 = arith.constant 15 : i32
      %dma_wait3A_849 = arith.constant 1 : i32
      %dma_wait3A_850 = arith.constant 0 : i32
      %dma_wait3A_851 = arith.constant 0 : i32
      %dma_wait3A_852 = tpu.memref_slice %arg8[%dma_wait3A_847, %dma_wait3A_850, %dma_wait3A_851] : memref<16x128x32xf32, #tpu.memory_space<vmem>> -> memref<1x128x32xf32, #tpu.memory_space<vmem>>
      %dma_wait3A_853 = tpu.memref_squeeze %dma_wait3A_852 : memref<1x128x32xf32, #tpu.memory_space<vmem>> -> memref<128x32xf32, #tpu.memory_space<vmem>>
      %dma_wait3A_854 = arith.constant 0 : i32
      %dma_wait3A_855 = tpu.memref_slice %arg7[%dma_wait3A_848, %dma_wait3A_849, %dma_wait3A_854] : memref<16x2x128xi32, #tpu.memory_space<vmem>> -> memref<1x1x128xi32, #tpu.memory_space<vmem>>
      %dma_wait3A_856 = tpu.memref_squeeze %dma_wait3A_855 : memref<1x1x128xi32, #tpu.memory_space<vmem>> -> memref<128xi32, #tpu.memory_space<vmem>>
      %dma_wait3A_857 = arith.constant 0 : i32
      %dma_wait3A_858 = arith.constant 0 : i32
      %dma_wait3A_859 = tpu.memref_slice %arg11[%dma_wait3A_857, %dma_wait3A_858] : memref<10240x32xf32, #tpu.memory_space<vmem_shared>> -> memref<10240x32xf32, #tpu.memory_space<vmem_shared>>
      tpu.wait_indirect_dma semaphore(%arg13 : memref<!tpu.dma_semaphore, #tpu.memory_space<semaphore_mem>>) src(%dma_wait3A_853 : memref<128x32xf32, #tpu.memory_space<vmem>>) dst(%dma_wait3A_859 : memref<10240x32xf32, #tpu.memory_space<vmem_shared>>)
    }
    %scan3A_18 = arith.constant 5 : i32
    %barrier3A_19 = arith.constant 0 : index
    tpu.barrier barrier_id(%barrier3A_19)
    %mul3A_20 = arith.constant 10240 : i32
    %mul3A_21 = arith.muli %arg0, %mul3A_20 : i32
    %add3A = arith.addi %mul3A_21, %mul3A_0 : i32
    "tpu.region"() ({
      %run_scoped3A = tpu.sem_alloc : memref<!tpu.dma_semaphore, #tpu.memory_space<semaphore_mem>>
      %dma_start3A = arith.constant 0 : i32
      %dma_start3A_22 = tpu.memref_slice %arg6[%add3A, %dma_start3A] : memref<20480x32xf32, #tpu.memory_space<hbm>> -> memref<640x32xf32, #tpu.memory_space<hbm>>
      %dma_start3A_23 = arith.constant 0 : i32
      %dma_start3A_24 = tpu.memref_slice %arg11[%mul3A_0, %dma_start3A_23] : memref<10240x32xf32, #tpu.memory_space<vmem_shared>> -> memref<640x32xf32, #tpu.memory_space<vmem_shared>>
      tpu.enqueue_dma source(%dma_start3A_24 : memref<640x32xf32, #tpu.memory_space<vmem_shared>>) target(%dma_start3A_22 : memref<640x32xf32, #tpu.memory_space<hbm>>) target_semaphore(%run_scoped3A : memref<!tpu.dma_semaphore, #tpu.memory_space<semaphore_mem>>)
      %dma_wait3A = arith.constant 0 : i32
      %dma_wait3A_25 = tpu.memref_slice %arg6[%add3A, %dma_wait3A] : memref<20480x32xf32, #tpu.memory_space<hbm>> -> memref<640x32xf32, #tpu.memory_space<hbm>>
      %dma_wait3A_26 = arith.constant 0 : i32
      %dma_wait3A_27 = tpu.memref_slice %arg11[%mul3A_0, %dma_wait3A_26] : memref<10240x32xf32, #tpu.memory_space<vmem_shared>> -> memref<640x32xf32, #tpu.memory_space<vmem_shared>>
      tpu.wait_dma2 semaphore(%run_scoped3A : memref<!tpu.dma_semaphore, #tpu.memory_space<semaphore_mem>>) src(%dma_wait3A_27 : memref<640x32xf32, #tpu.memory_space<vmem_shared>>) dst(%dma_wait3A_25 : memref<640x32xf32, #tpu.memory_space<hbm>>)
      tpu.yield
    }) : () -> ()
    return
  }
}

module attributes {stable_mosaic.version = 14 : i64} {
  func.func @body(%arg0: i32, %arg1: memref<512x128xf32, #tpu.memory_space<vmem>>, %arg2: memref<128x64xf32, #tpu.memory_space<vmem>>, %arg3: memref<512x64xf32, #tpu.memory_space<vmem>>) attributes {dimension_semantics = [#tpu.dimension_semantics<arbitrary>], iteration_bounds = array<i64: 20>, scalar_prefetch = 0 : i64, scratch_operands = 0 : i64, tpu.core_type = #tpu.core_type<tc>, window_params = [{transform_indices = @transform_0, window_bounds = array<i64: 512, 128>}, {pipeline_mode = #tpu.pipeline_mode<synchronous>, transform_indices = @transform_1, window_bounds = array<i64: 128, 64>}, {transform_indices = @transform_2, window_bounds = array<i64: 512, 64>}]} {
    %get3A = arith.constant 0 : index
    %get3A_0 = arith.constant 0 : index
    %get3A_1 = vector.load %arg1[%get3A, %get3A_0] : memref<512x128xf32, #tpu.memory_space<vmem>>, vector<512x128xf32>
    %get3A_2 = arith.constant 0 : index
    %get3A_3 = arith.constant 0 : index
    %get3A_4 = vector.load %arg2[%get3A_2, %get3A_3] : memref<128x64xf32, #tpu.memory_space<vmem>>, vector<128x64xf32>
    %dot_general3A = arith.constant dense<0.000000e+00> : vector<512x64xf32>
    %dot_general3A_5 = tpu.matmul %get3A_1, %get3A_4, %dot_general3A {dimension_numbers = #tpu.dot_dimension_numbers<[1], [0], [0], [1], [0, 0, 1, 1], [], []>, transpose_lhs_hint = false} : vector<512x128xf32>, vector<128x64xf32>, vector<512x64xf32> -> vector<512x64xf32>
    %swap3A = arith.constant 0 : index
    %swap3A_6 = arith.constant 0 : index
    %swap3A_7 = vector.load %arg3[%swap3A, %swap3A_6] : memref<512x64xf32, #tpu.memory_space<vmem>>, vector<512x64xf32>
    tpu.vector_store %arg3[%swap3A, %swap3A_6], %dot_general3A_5 {strides = array<i32>} : memref<512x64xf32, #tpu.memory_space<vmem>>, vector<512x64xf32>,
    return
  }
  func.func @transform_0(%arg0: i32) -> (i32, i32) {
    %c0_i32 = arith.constant 0 : i32
    %c0_i32_0 = arith.constant 0 : i32
    return %arg0, %c0_i32 : i32, i32
  }
  func.func @transform_1(%arg0: i32) -> (i32, i32) {
    %c0_i32 = arith.constant 0 : i32
    %c0_i32_0 = arith.constant 0 : i32
    %c0_i32_1 = arith.constant 0 : i32
    return %c0_i32, %c0_i32_0 : i32, i32
  }
  func.func @transform_2(%arg0: i32) -> (i32, i32) {
    %c0_i32 = arith.constant 0 : i32
    %c0_i32_0 = arith.constant 0 : i32
    return %arg0, %c0_i32 : i32, i32
  }
}

module attributes {stable_mosaic.version = 14 : i64} {
  func.func @body(%arg0: i32, %arg1: memref<512x64xf32, #tpu.memory_space<vmem>>, %arg2: memref<512x16xf32, #tpu.memory_space<vmem>>, %arg3: memref<512x16xf32, #tpu.memory_space<vmem>>, %arg4: memref<512x32xf32, #tpu.memory_space<vmem>>, %arg5: memref<512x32xf32, #tpu.memory_space<vmem>>) attributes {dimension_semantics = [#tpu.dimension_semantics<arbitrary>], iteration_bounds = array<i64: 20>, scalar_prefetch = 0 : i64, scratch_operands = 0 : i64, tpu.core_type = #tpu.core_type<tc>, window_params = [{transform_indices = @transform_0, window_bounds = array<i64: 512, 64>}, {transform_indices = @transform_1, window_bounds = array<i64: 512, 16>}, {transform_indices = @transform_2, window_bounds = array<i64: 512, 16>}, {transform_indices = @transform_3, window_bounds = array<i64: 512, 32>}, {transform_indices = @transform_4, window_bounds = array<i64: 512, 32>}]} {
    %get3A = arith.constant 0 : index
    %get3A_0 = arith.constant 0 : index
    %get3A_1 = vector.load %arg2[%get3A, %get3A_0] : memref<512x16xf32, #tpu.memory_space<vmem>>, vector<512x1xf32>
    %add3A = arith.constant 1.000000e+00 : f32
    %add3A_2 = vector.broadcast %add3A : f32 to vector<512x1xf32>
    %add3A_3 = arith.addf %add3A_2, %get3A_1 : vector<512x1xf32>
    %get3A_4 = arith.constant 0 : index
    %get3A_5 = arith.constant 0 : index
    %get3A_6 = vector.load %arg3[%get3A_4, %get3A_5] : memref<512x16xf32, #tpu.memory_space<vmem>>, vector<512x1xf32>
    %add3A_7 = arith.addf %add3A_3, %get3A_6 : vector<512x1xf32>
    %rsqrt3A = math.rsqrt %add3A_7 : vector<512x1xf32>
    %get3A_8 = arith.constant 0 : index
    %get3A_9 = arith.constant 0 : index
    %get3A_10 = vector.load %arg1[%get3A_8, %get3A_9] : memref<512x64xf32, #tpu.memory_space<vmem>>, vector<512x64xf32>
    %mul3A = vector.broadcast %rsqrt3A : vector<512x1xf32> to vector<512x64xf32>
    %mul3A_11 = arith.mulf %get3A_10, %mul3A : vector<512x64xf32>
    %slice3A = vector.extract_strided_slice %mul3A_11 {offsets = [0, 0], sizes = [512, 32], strides = [1, 1]} : vector<512x64xf32> to vector<512x32xf32>
    %swap3A = arith.constant 0 : index
    %swap3A_12 = arith.constant 0 : index
    %swap3A_13 = vector.load %arg4[%swap3A, %swap3A_12] : memref<512x32xf32, #tpu.memory_space<vmem>>, vector<512x32xf32>
    tpu.vector_store %arg4[%swap3A, %swap3A_12], %slice3A {strides = array<i32>} : memref<512x32xf32, #tpu.memory_space<vmem>>, vector<512x32xf32>,
    %slice3A_14 = vector.extract_strided_slice %mul3A_11 {offsets = [0, 32], sizes = [512, 32], strides = [1, 1]} : vector<512x64xf32> to vector<512x32xf32>
    %swap3A_15 = arith.constant 0 : index
    %swap3A_16 = arith.constant 0 : index
    %swap3A_17 = vector.load %arg5[%swap3A_15, %swap3A_16] : memref<512x32xf32, #tpu.memory_space<vmem>>, vector<512x32xf32>
    tpu.vector_store %arg5[%swap3A_15, %swap3A_16], %slice3A_14 {strides = array<i32>} : memref<512x32xf32, #tpu.memory_space<vmem>>, vector<512x32xf32>,
    return
  }
  func.func @transform_0(%arg0: i32) -> (i32, i32) {
    %c0_i32 = arith.constant 0 : i32
    %c0_i32_0 = arith.constant 0 : i32
    return %arg0, %c0_i32 : i32, i32
  }
  func.func @transform_1(%arg0: i32) -> (i32, i32) {
    %c0_i32 = arith.constant 0 : i32
    %c0_i32_0 = arith.constant 0 : i32
    return %arg0, %c0_i32 : i32, i32
  }
  func.func @transform_2(%arg0: i32) -> (i32, i32) {
    %add3A = arith.constant 20 : i32
    %add3A_0 = arith.addi %add3A, %arg0 : i32
    %c0_i32 = arith.constant 0 : i32
    %c0_i32_1 = arith.constant 0 : i32
    return %add3A_0, %c0_i32 : i32, i32
  }
  func.func @transform_3(%arg0: i32) -> (i32, i32) {
    %c0_i32 = arith.constant 0 : i32
    %c0_i32_0 = arith.constant 0 : i32
    return %arg0, %c0_i32 : i32, i32
  }
  func.func @transform_4(%arg0: i32) -> (i32, i32) {
    %c0_i32 = arith.constant 0 : i32
    %c0_i32_0 = arith.constant 0 : i32
    return %arg0, %c0_i32 : i32, i32
  }
}

module attributes {stable_mosaic.version = 14 : i64} {
  func.func @body(%arg0: i32, %arg1: memref<512x32xf32, #tpu.memory_space<vmem>>, %arg2: memref<512x32xf32, #tpu.memory_space<vmem>>, %arg3: memref<512x32xf32, #tpu.memory_space<vmem>>, %arg4: memref<512x32xf32, #tpu.memory_space<vmem>>, %arg5: memref<512x16xf32, #tpu.memory_space<vmem>>, %arg6: memref<512x16xf32, #tpu.memory_space<vmem>>, %arg7: memref<1x64xf32, #tpu.memory_space<vmem>>, %arg8: memref<1x64xf32, #tpu.memory_space<vmem>>, %arg9: memref<1x64xf32, #tpu.memory_space<vmem>>, %arg10: memref<64x64xf32, #tpu.memory_space<vmem>>, %arg11: memref<64x64xf32, #tpu.memory_space<vmem>>, %arg12: memref<512x64xf32, #tpu.memory_space<vmem>>, %arg13: memref<512x64xf32, #tpu.memory_space<vmem>>) attributes {dimension_semantics = [#tpu.dimension_semantics<arbitrary>], iteration_bounds = array<i64: 20>, scalar_prefetch = 0 : i64, scratch_operands = 0 : i64, tpu.core_type = #tpu.core_type<tc>, window_params = [{transform_indices = @transform_0, window_bounds = array<i64: 512, 32>}, {transform_indices = @transform_1, window_bounds = array<i64: 512, 32>}, {transform_indices = @transform_2, window_bounds = array<i64: 512, 32>}, {transform_indices = @transform_3, window_bounds = array<i64: 512, 32>}, {transform_indices = @transform_4, window_bounds = array<i64: 512, 16>}, {transform_indices = @transform_5, window_bounds = array<i64: 512, 16>}, {pipeline_mode = #tpu.pipeline_mode<synchronous>, transform_indices = @transform_6, window_bounds = array<i64: 1, 64>}, {pipeline_mode = #tpu.pipeline_mode<synchronous>, transform_indices = @transform_7, window_bounds = array<i64: 1, 64>}, {pipeline_mode = #tpu.pipeline_mode<synchronous>, transform_indices = @transform_8, window_bounds = array<i64: 1, 64>}, {pipeline_mode = #tpu.pipeline_mode<synchronous>, transform_indices = @transform_9, window_bounds = array<i64: 64, 64>}, {pipeline_mode = #tpu.pipeline_mode<synchronous>, transform_indices = @transform_10, window_bounds = array<i64: 64, 64>}, {transform_indices = @transform_11, window_bounds = array<i64: 512, 64>}, {transform_indices = @transform_12, window_bounds = array<i64: 512, 64>}]} {
    %get3A = arith.constant 0 : index
    %get3A_0 = arith.constant 0 : index
    %get3A_1 = vector.load %arg5[%get3A, %get3A_0] : memref<512x16xf32, #tpu.memory_space<vmem>>, vector<512x1xf32>
    %add3A = arith.constant 1.000000e+00 : f32
    %add3A_2 = vector.broadcast %add3A : f32 to vector<512x1xf32>
    %add3A_3 = arith.addf %add3A_2, %get3A_1 : vector<512x1xf32>
    %get3A_4 = arith.constant 0 : index
    %get3A_5 = arith.constant 0 : index
    %get3A_6 = vector.load %arg6[%get3A_4, %get3A_5] : memref<512x16xf32, #tpu.memory_space<vmem>>, vector<512x1xf32>
    %add3A_7 = arith.addf %add3A_3, %get3A_6 : vector<512x1xf32>
    %rsqrt3A = math.rsqrt %add3A_7 : vector<512x1xf32>
    %get3A_8 = arith.constant 0 : index
    %get3A_9 = arith.constant 0 : index
    %get3A_10 = vector.load %arg1[%get3A_8, %get3A_9] : memref<512x32xf32, #tpu.memory_space<vmem>>, vector<512x32xf32>
    %get3A_11 = arith.constant 0 : index
    %get3A_12 = arith.constant 0 : index
    %get3A_13 = vector.load %arg3[%get3A_11, %get3A_12] : memref<512x32xf32, #tpu.memory_space<vmem>>, vector<512x32xf32>
    %add3A_14 = arith.addf %get3A_10, %get3A_13 : vector<512x32xf32>
    %get3A_15 = arith.constant 0 : index
    %get3A_16 = arith.constant 0 : index
    %get3A_17 = vector.load %arg2[%get3A_15, %get3A_16] : memref<512x32xf32, #tpu.memory_space<vmem>>, vector<512x32xf32>
    %get3A_18 = arith.constant 0 : index
    %get3A_19 = arith.constant 0 : index
    %get3A_20 = vector.load %arg4[%get3A_18, %get3A_19] : memref<512x32xf32, #tpu.memory_space<vmem>>, vector<512x32xf32>
    %add3A_21 = arith.addf %get3A_17, %get3A_20 : vector<512x32xf32>
    %concatenate3A = tpu.concatenate %add3A_14, %add3A_21 in 1 : vector<512x32xf32>, vector<512x32xf32> -> vector<512x64xf32>
    %mul3A = vector.broadcast %rsqrt3A : vector<512x1xf32> to vector<512x64xf32>
    %mul3A_22 = arith.mulf %mul3A, %concatenate3A : vector<512x64xf32>
    %get3A_23 = arith.constant 0 : index
    %get3A_24 = arith.constant 0 : index
    %get3A_25 = vector.load %arg7[%get3A_23, %get3A_24] : memref<1x64xf32, #tpu.memory_space<vmem>>, vector<1x64xf32>
    %add3A_26 = vector.broadcast %get3A_25 : vector<1x64xf32> to vector<512x64xf32>
    %add3A_27 = arith.addf %mul3A_22, %add3A_26 : vector<512x64xf32>
    %logistic3A = arith.negf %add3A_27 : vector<512x64xf32>
    %logistic3A_28 = math.exp %logistic3A : vector<512x64xf32>
    %logistic3A_29 = arith.constant 1.000000e+00 : f32
    %logistic3A_30 = vector.broadcast %logistic3A_29 : f32 to vector<512x64xf32>
    %logistic3A_31 = arith.addf %logistic3A_30, %logistic3A_28 : vector<512x64xf32>
    %logistic3A_32 = arith.divf %logistic3A_30, %logistic3A_31 : vector<512x64xf32>
    %get3A_33 = arith.constant 0 : index
    %get3A_34 = arith.constant 0 : index
    %get3A_35 = vector.load %arg8[%get3A_33, %get3A_34] : memref<1x64xf32, #tpu.memory_space<vmem>>, vector<1x64xf32>
    %mul3A_36 = vector.broadcast %get3A_35 : vector<1x64xf32> to vector<512x64xf32>
    %mul3A_37 = arith.mulf %logistic3A_32, %mul3A_36 : vector<512x64xf32>
    %get3A_38 = arith.constant 0 : index
    %get3A_39 = arith.constant 0 : index
    %get3A_40 = vector.load %arg9[%get3A_38, %get3A_39] : memref<1x64xf32, #tpu.memory_space<vmem>>, vector<1x64xf32>
    %add3A_41 = vector.broadcast %get3A_40 : vector<1x64xf32> to vector<512x64xf32>
    %add3A_42 = arith.addf %mul3A_37, %add3A_41 : vector<512x64xf32>
    %get3A_43 = arith.constant 0 : index
    %get3A_44 = arith.constant 0 : index
    %get3A_45 = vector.load %arg10[%get3A_43, %get3A_44] : memref<64x64xf32, #tpu.memory_space<vmem>>, vector<64x64xf32>
    %dot_general3A = arith.constant dense<0.000000e+00> : vector<512x64xf32>
    %dot_general3A_46 = tpu.matmul %add3A_42, %get3A_45, %dot_general3A {dimension_numbers = #tpu.dot_dimension_numbers<[1], [0], [0], [1], [0, 0, 1, 1], [], []>, transpose_lhs_hint = false} : vector<512x64xf32>, vector<64x64xf32>, vector<512x64xf32> -> vector<512x64xf32>
    %mul3A_47 = vector.broadcast %rsqrt3A : vector<512x1xf32> to vector<512x64xf32>
    %mul3A_48 = arith.mulf %dot_general3A_46, %mul3A_47 : vector<512x64xf32>
    %swap3A = arith.constant 0 : index
    %swap3A_49 = arith.constant 0 : index
    %swap3A_50 = vector.load %arg12[%swap3A, %swap3A_49] : memref<512x64xf32, #tpu.memory_space<vmem>>, vector<512x64xf32>
    tpu.vector_store %arg12[%swap3A, %swap3A_49], %mul3A_48 {strides = array<i32>} : memref<512x64xf32, #tpu.memory_space<vmem>>, vector<512x64xf32>,
    %get3A_51 = arith.constant 0 : index
    %get3A_52 = arith.constant 0 : index
    %get3A_53 = vector.load %arg11[%get3A_51, %get3A_52] : memref<64x64xf32, #tpu.memory_space<vmem>>, vector<64x64xf32>
    %dot_general3A_54 = arith.constant dense<0.000000e+00> : vector<512x64xf32>
    %dot_general3A_55 = tpu.matmul %add3A_42, %get3A_53, %dot_general3A_54 {dimension_numbers = #tpu.dot_dimension_numbers<[1], [0], [0], [1], [0, 0, 1, 1], [], []>, transpose_lhs_hint = false} : vector<512x64xf32>, vector<64x64xf32>, vector<512x64xf32> -> vector<512x64xf32>
    %mul3A_56 = vector.broadcast %rsqrt3A : vector<512x1xf32> to vector<512x64xf32>
    %mul3A_57 = arith.mulf %dot_general3A_55, %mul3A_56 : vector<512x64xf32>
    %swap3A_58 = arith.constant 0 : index
    %swap3A_59 = arith.constant 0 : index
    %swap3A_60 = vector.load %arg13[%swap3A_58, %swap3A_59] : memref<512x64xf32, #tpu.memory_space<vmem>>, vector<512x64xf32>
    tpu.vector_store %arg13[%swap3A_58, %swap3A_59], %mul3A_57 {strides = array<i32>} : memref<512x64xf32, #tpu.memory_space<vmem>>, vector<512x64xf32>,
    return
  }
  func.func @transform_0(%arg0: i32) -> (i32, i32) {
    %c0_i32 = arith.constant 0 : i32
    %c0_i32_0 = arith.constant 0 : i32
    return %arg0, %c0_i32 : i32, i32
  }
  func.func @transform_1(%arg0: i32) -> (i32, i32) {
    %add3A = arith.constant 20 : i32
    %add3A_0 = arith.addi %add3A, %arg0 : i32
    %c0_i32 = arith.constant 0 : i32
    %c0_i32_1 = arith.constant 0 : i32
    return %add3A_0, %c0_i32 : i32, i32
  }
  func.func @transform_2(%arg0: i32) -> (i32, i32) {
    %c0_i32 = arith.constant 0 : i32
    %c0_i32_0 = arith.constant 0 : i32
    return %arg0, %c0_i32 : i32, i32
  }
  func.func @transform_3(%arg0: i32) -> (i32, i32) {
    %c0_i32 = arith.constant 0 : i32
    %c0_i32_0 = arith.constant 0 : i32
    return %arg0, %c0_i32 : i32, i32
  }
  func.func @transform_4(%arg0: i32) -> (i32, i32) {
    %c0_i32 = arith.constant 0 : i32
    %c0_i32_0 = arith.constant 0 : i32
    return %arg0, %c0_i32 : i32, i32
  }
  func.func @transform_5(%arg0: i32) -> (i32, i32) {
    %add3A = arith.constant 20 : i32
    %add3A_0 = arith.addi %add3A, %arg0 : i32
    %c0_i32 = arith.constant 0 : i32
    %c0_i32_1 = arith.constant 0 : i32
    return %add3A_0, %c0_i32 : i32, i32
  }
  func.func @transform_6(%arg0: i32) -> (i32, i32) {
    %c0_i32 = arith.constant 0 : i32
    %c0_i32_0 = arith.constant 0 : i32
    %c0_i32_1 = arith.constant 0 : i32
    return %c0_i32, %c0_i32_0 : i32, i32
  }
  func.func @transform_7(%arg0: i32) -> (i32, i32) {
    %c0_i32 = arith.constant 0 : i32
    %c0_i32_0 = arith.constant 0 : i32
    %c0_i32_1 = arith.constant 0 : i32
    return %c0_i32, %c0_i32_0 : i32, i32
  }
  func.func @transform_8(%arg0: i32) -> (i32, i32) {
    %c0_i32 = arith.constant 0 : i32
    %c0_i32_0 = arith.constant 0 : i32
    %c0_i32_1 = arith.constant 0 : i32
    return %c0_i32, %c0_i32_0 : i32, i32
  }
  func.func @transform_9(%arg0: i32) -> (i32, i32) {
    %c0_i32 = arith.constant 0 : i32
    %c0_i32_0 = arith.constant 0 : i32
    %c0_i32_1 = arith.constant 0 : i32
    return %c0_i32, %c0_i32_0 : i32, i32
  }
  func.func @transform_10(%arg0: i32) -> (i32, i32) {
    %c0_i32 = arith.constant 0 : i32
    %c0_i32_0 = arith.constant 0 : i32
    %c0_i32_1 = arith.constant 0 : i32
    return %c0_i32, %c0_i32_0 : i32, i32
  }
  func.func @transform_11(%arg0: i32) -> (i32, i32) {
    %c0_i32 = arith.constant 0 : i32
    %c0_i32_0 = arith.constant 0 : i32
    return %arg0, %c0_i32 : i32, i32
  }
  func.func @transform_12(%arg0: i32) -> (i32, i32) {
    %c0_i32 = arith.constant 0 : i32
    %c0_i32_0 = arith.constant 0 : i32
    return %arg0, %c0_i32 : i32, i32
  }
}

module attributes {stable_mosaic.version = 14 : i64} {
  func.func @body(%arg0: i32, %arg1: memref<512x64xf32, #tpu.memory_space<vmem>>, %arg2: memref<512x64xf32, #tpu.memory_space<vmem>>, %arg3: memref<512x64xf32, #tpu.memory_space<vmem>>, %arg4: memref<512x64xf32, #tpu.memory_space<vmem>>, %arg5: memref<512x16xf32, #tpu.memory_space<vmem>>, %arg6: memref<512x16xf32, #tpu.memory_space<vmem>>, %arg7: memref<512x64xf32, #tpu.memory_space<vmem>>, %arg8: memref<1x64xf32, #tpu.memory_space<vmem>>, %arg9: memref<1x64xf32, #tpu.memory_space<vmem>>, %arg10: memref<1x64xf32, #tpu.memory_space<vmem>>, %arg11: memref<1x64xf32, #tpu.memory_space<vmem>>, %arg12: memref<1x64xf32, #tpu.memory_space<vmem>>, %arg13: memref<1x64xf32, #tpu.memory_space<vmem>>, %arg14: memref<64x64xf32, #tpu.memory_space<vmem>>, %arg15: memref<1x64xf32, #tpu.memory_space<vmem>>, %arg16: memref<64x128xf32, #tpu.memory_space<vmem>>, %arg17: memref<1x128xf32, #tpu.memory_space<vmem>>, %arg18: memref<512x64xf32, #tpu.memory_space<vmem>>, %arg19: memref<512x128xf32, #tpu.memory_space<vmem>>) attributes {dimension_semantics = [#tpu.dimension_semantics<arbitrary>], iteration_bounds = array<i64: 20>, scalar_prefetch = 0 : i64, scratch_operands = 0 : i64, tpu.core_type = #tpu.core_type<tc>, window_params = [{transform_indices = @transform_0, window_bounds = array<i64: 512, 64>}, {transform_indices = @transform_1, window_bounds = array<i64: 512, 64>}, {transform_indices = @transform_2, window_bounds = array<i64: 512, 64>}, {transform_indices = @transform_3, window_bounds = array<i64: 512, 64>}, {transform_indices = @transform_4, window_bounds = array<i64: 512, 16>}, {transform_indices = @transform_5, window_bounds = array<i64: 512, 16>}, {transform_indices = @transform_6, window_bounds = array<i64: 512, 64>}, {pipeline_mode = #tpu.pipeline_mode<synchronous>, transform_indices = @transform_7, window_bounds = array<i64: 1, 64>}, {pipeline_mode = #tpu.pipeline_mode<synchronous>, transform_indices = @transform_8, window_bounds = array<i64: 1, 64>}, {pipeline_mode = #tpu.pipeline_mode<synchronous>, transform_indices = @transform_9, window_bounds = array<i64: 1, 64>}, {pipeline_mode = #tpu.pipeline_mode<synchronous>, transform_indices = @transform_10, window_bounds = array<i64: 1, 64>}, {pipeline_mode = #tpu.pipeline_mode<synchronous>, transform_indices = @transform_11, window_bounds = array<i64: 1, 64>}, {pipeline_mode = #tpu.pipeline_mode<synchronous>, transform_indices = @transform_12, window_bounds = array<i64: 1, 64>}, {pipeline_mode = #tpu.pipeline_mode<synchronous>, transform_indices = @transform_13, window_bounds = array<i64: 64, 64>}, {pipeline_mode = #tpu.pipeline_mode<synchronous>, transform_indices = @transform_14, window_bounds = array<i64: 1, 64>}, {pipeline_mode = #tpu.pipeline_mode<synchronous>, transform_indices = @transform_15, window_bounds = array<i64: 64, 128>}, {pipeline_mode = #tpu.pipeline_mode<synchronous>, transform_indices = @transform_16, window_bounds = array<i64: 1, 128>}, {transform_indices = @transform_17, window_bounds = array<i64: 512, 64>}, {transform_indices = @transform_18, window_bounds = array<i64: 512, 128>}]} {
    %get3A = arith.constant 0 : index
    %get3A_0 = arith.constant 0 : index
    %get3A_1 = vector.load %arg5[%get3A, %get3A_0] : memref<512x16xf32, #tpu.memory_space<vmem>>, vector<512x1xf32>
    %add3A = arith.constant 1.000000e+00 : f32
    %add3A_2 = vector.broadcast %add3A : f32 to vector<512x1xf32>
    %add3A_3 = arith.addf %add3A_2, %get3A_1 : vector<512x1xf32>
    %get3A_4 = arith.constant 0 : index
    %get3A_5 = arith.constant 0 : index
    %get3A_6 = vector.load %arg6[%get3A_4, %get3A_5] : memref<512x16xf32, #tpu.memory_space<vmem>>, vector<512x1xf32>
    %add3A_7 = arith.addf %add3A_3, %get3A_6 : vector<512x1xf32>
    %rsqrt3A = math.rsqrt %add3A_7 : vector<512x1xf32>
    %get3A_8 = arith.constant 0 : index
    %get3A_9 = arith.constant 0 : index
    %get3A_10 = vector.load %arg1[%get3A_8, %get3A_9] : memref<512x64xf32, #tpu.memory_space<vmem>>, vector<512x64xf32>
    %get3A_11 = arith.constant 0 : index
    %get3A_12 = arith.constant 0 : index
    %get3A_13 = vector.load %arg3[%get3A_11, %get3A_12] : memref<512x64xf32, #tpu.memory_space<vmem>>, vector<512x64xf32>
    %add3A_14 = arith.addf %get3A_10, %get3A_13 : vector<512x64xf32>
    %mul3A = vector.broadcast %rsqrt3A : vector<512x1xf32> to vector<512x64xf32>
    %mul3A_15 = arith.mulf %mul3A, %add3A_14 : vector<512x64xf32>
    %get3A_16 = arith.constant 0 : index
    %get3A_17 = arith.constant 0 : index
    %get3A_18 = vector.load %arg2[%get3A_16, %get3A_17] : memref<512x64xf32, #tpu.memory_space<vmem>>, vector<512x64xf32>
    %get3A_19 = arith.constant 0 : index
    %get3A_20 = arith.constant 0 : index
    %get3A_21 = vector.load %arg4[%get3A_19, %get3A_20] : memref<512x64xf32, #tpu.memory_space<vmem>>, vector<512x64xf32>
    %add3A_22 = arith.addf %get3A_18, %get3A_21 : vector<512x64xf32>
    %mul3A_23 = vector.broadcast %rsqrt3A : vector<512x1xf32> to vector<512x64xf32>
    %mul3A_24 = arith.mulf %mul3A_23, %add3A_22 : vector<512x64xf32>
    %get3A_25 = arith.constant 0 : index
    %get3A_26 = arith.constant 0 : index
    %get3A_27 = vector.load %arg8[%get3A_25, %get3A_26] : memref<1x64xf32, #tpu.memory_space<vmem>>, vector<1x64xf32>
    %add3A_28 = vector.broadcast %get3A_27 : vector<1x64xf32> to vector<512x64xf32>
    %add3A_29 = arith.addf %mul3A_15, %add3A_28 : vector<512x64xf32>
    %logistic3A = arith.negf %add3A_29 : vector<512x64xf32>
    %logistic3A_30 = math.exp %logistic3A : vector<512x64xf32>
    %logistic3A_31 = arith.constant 1.000000e+00 : f32
    %logistic3A_32 = vector.broadcast %logistic3A_31 : f32 to vector<512x64xf32>
    %logistic3A_33 = arith.addf %logistic3A_32, %logistic3A_30 : vector<512x64xf32>
    %logistic3A_34 = arith.divf %logistic3A_32, %logistic3A_33 : vector<512x64xf32>
    %get3A_35 = arith.constant 0 : index
    %get3A_36 = arith.constant 0 : index
    %get3A_37 = vector.load %arg9[%get3A_35, %get3A_36] : memref<1x64xf32, #tpu.memory_space<vmem>>, vector<1x64xf32>
    %mul3A_38 = vector.broadcast %get3A_37 : vector<1x64xf32> to vector<512x64xf32>
    %mul3A_39 = arith.mulf %logistic3A_34, %mul3A_38 : vector<512x64xf32>
    %get3A_40 = arith.constant 0 : index
    %get3A_41 = arith.constant 0 : index
    %get3A_42 = vector.load %arg10[%get3A_40, %get3A_41] : memref<1x64xf32, #tpu.memory_space<vmem>>, vector<1x64xf32>
    %add3A_43 = vector.broadcast %get3A_42 : vector<1x64xf32> to vector<512x64xf32>
    %add3A_44 = arith.addf %mul3A_39, %add3A_43 : vector<512x64xf32>
    %get3A_45 = arith.constant 0 : index
    %get3A_46 = arith.constant 0 : index
    %get3A_47 = vector.load %arg11[%get3A_45, %get3A_46] : memref<1x64xf32, #tpu.memory_space<vmem>>, vector<1x64xf32>
    %add3A_48 = vector.broadcast %get3A_47 : vector<1x64xf32> to vector<512x64xf32>
    %add3A_49 = arith.addf %mul3A_24, %add3A_48 : vector<512x64xf32>
    %logistic3A_50 = arith.negf %add3A_49 : vector<512x64xf32>
    %logistic3A_51 = math.exp %logistic3A_50 : vector<512x64xf32>
    %logistic3A_52 = arith.constant 1.000000e+00 : f32
    %logistic3A_53 = vector.broadcast %logistic3A_52 : f32 to vector<512x64xf32>
    %logistic3A_54 = arith.addf %logistic3A_53, %logistic3A_51 : vector<512x64xf32>
    %logistic3A_55 = arith.divf %logistic3A_53, %logistic3A_54 : vector<512x64xf32>
    %get3A_56 = arith.constant 0 : index
    %get3A_57 = arith.constant 0 : index
    %get3A_58 = vector.load %arg12[%get3A_56, %get3A_57] : memref<1x64xf32, #tpu.memory_space<vmem>>, vector<1x64xf32>
    %mul3A_59 = vector.broadcast %get3A_58 : vector<1x64xf32> to vector<512x64xf32>
    %mul3A_60 = arith.mulf %logistic3A_55, %mul3A_59 : vector<512x64xf32>
    %get3A_61 = arith.constant 0 : index
    %get3A_62 = arith.constant 0 : index
    %get3A_63 = vector.load %arg13[%get3A_61, %get3A_62] : memref<1x64xf32, #tpu.memory_space<vmem>>, vector<1x64xf32>
    %add3A_64 = vector.broadcast %get3A_63 : vector<1x64xf32> to vector<512x64xf32>
    %add3A_65 = arith.addf %mul3A_60, %add3A_64 : vector<512x64xf32>
    %get3A_66 = arith.constant 0 : index
    %get3A_67 = arith.constant 0 : index
    %get3A_68 = vector.load %arg7[%get3A_66, %get3A_67] : memref<512x64xf32, #tpu.memory_space<vmem>>, vector<512x64xf32>
    %exp3A = math.exp %add3A_65 : vector<512x64xf32>
    %mul3A_69 = arith.mulf %get3A_68, %exp3A : vector<512x64xf32>
    %add3A_70 = arith.addf %mul3A_69, %add3A_44 : vector<512x64xf32>
    %swap3A = arith.constant 0 : index
    %swap3A_71 = arith.constant 0 : index
    %swap3A_72 = vector.load %arg18[%swap3A, %swap3A_71] : memref<512x64xf32, #tpu.memory_space<vmem>>, vector<512x64xf32>
    tpu.vector_store %arg18[%swap3A, %swap3A_71], %add3A_70 {strides = array<i32>} : memref<512x64xf32, #tpu.memory_space<vmem>>, vector<512x64xf32>,
    %get3A_73 = arith.constant 0 : index
    %get3A_74 = arith.constant 0 : index
    %get3A_75 = vector.load %arg14[%get3A_73, %get3A_74] : memref<64x64xf32, #tpu.memory_space<vmem>>, vector<64x64xf32>
    %dot_general3A = arith.constant dense<0.000000e+00> : vector<512x64xf32>
    %dot_general3A_76 = tpu.matmul %add3A_70, %get3A_75, %dot_general3A {dimension_numbers = #tpu.dot_dimension_numbers<[1], [0], [0], [1], [0, 0, 1, 1], [], []>, transpose_lhs_hint = false} : vector<512x64xf32>, vector<64x64xf32>, vector<512x64xf32> -> vector<512x64xf32>
    %get3A_77 = arith.constant 0 : index
    %get3A_78 = arith.constant 0 : index
    %get3A_79 = vector.load %arg15[%get3A_77, %get3A_78] : memref<1x64xf32, #tpu.memory_space<vmem>>, vector<1x64xf32>
    %add3A_80 = vector.broadcast %get3A_79 : vector<1x64xf32> to vector<512x64xf32>
    %add3A_81 = arith.addf %dot_general3A_76, %add3A_80 : vector<512x64xf32>
    %gt3A = arith.constant 0.000000e+00 : f32
    %gt3A_82 = vector.broadcast %gt3A : f32 to vector<512x64xf32>
    %gt3A_83 = arith.cmpf ogt, %add3A_81, %gt3A_82 : vector<512x64xf32>
    %mul3A_84 = arith.constant 0.00999999977 : f32
    %mul3A_85 = vector.broadcast %mul3A_84 : f32 to vector<512x64xf32>
    %mul3A_86 = arith.mulf %mul3A_85, %add3A_81 : vector<512x64xf32>
    %select_n3A = arith.select %gt3A_83, %add3A_81, %mul3A_86 : vector<512x64xi1>, vector<512x64xf32>
    %get3A_87 = arith.constant 0 : index
    %get3A_88 = arith.constant 0 : index
    %get3A_89 = vector.load %arg16[%get3A_87, %get3A_88] : memref<64x128xf32, #tpu.memory_space<vmem>>, vector<64x128xf32>
    %dot_general3A_90 = arith.constant dense<0.000000e+00> : vector<512x128xf32>
    %dot_general3A_91 = tpu.matmul %select_n3A, %get3A_89, %dot_general3A_90 {dimension_numbers = #tpu.dot_dimension_numbers<[1], [0], [0], [1], [0, 0, 1, 1], [], []>, transpose_lhs_hint = false} : vector<512x64xf32>, vector<64x128xf32>, vector<512x128xf32> -> vector<512x128xf32>
    %get3A_92 = arith.constant 0 : index
    %get3A_93 = arith.constant 0 : index
    %get3A_94 = vector.load %arg17[%get3A_92, %get3A_93] : memref<1x128xf32, #tpu.memory_space<vmem>>, vector<1x128xf32>
    %add3A_95 = vector.broadcast %get3A_94 : vector<1x128xf32> to vector<512x128xf32>
    %add3A_96 = arith.addf %dot_general3A_91, %add3A_95 : vector<512x128xf32>
    %swap3A_97 = arith.constant 0 : index
    %swap3A_98 = arith.constant 0 : index
    %swap3A_99 = vector.load %arg19[%swap3A_97, %swap3A_98] : memref<512x128xf32, #tpu.memory_space<vmem>>, vector<512x128xf32>
    tpu.vector_store %arg19[%swap3A_97, %swap3A_98], %add3A_96 {strides = array<i32>} : memref<512x128xf32, #tpu.memory_space<vmem>>, vector<512x128xf32>,
    return
  }
  func.func @transform_0(%arg0: i32) -> (i32, i32) {
    %c0_i32 = arith.constant 0 : i32
    %c0_i32_0 = arith.constant 0 : i32
    return %arg0, %c0_i32 : i32, i32
  }
  func.func @transform_1(%arg0: i32) -> (i32, i32) {
    %add3A = arith.constant 20 : i32
    %add3A_0 = arith.addi %add3A, %arg0 : i32
    %c0_i32 = arith.constant 0 : i32
    %c0_i32_1 = arith.constant 0 : i32
    return %add3A_0, %c0_i32 : i32, i32
  }
  func.func @transform_2(%arg0: i32) -> (i32, i32) {
    %c0_i32 = arith.constant 0 : i32
    %c0_i32_0 = arith.constant 0 : i32
    return %arg0, %c0_i32 : i32, i32
  }
  func.func @transform_3(%arg0: i32) -> (i32, i32) {
    %c0_i32 = arith.constant 0 : i32
    %c0_i32_0 = arith.constant 0 : i32
    return %arg0, %c0_i32 : i32, i32
  }
  func.func @transform_4(%arg0: i32) -> (i32, i32) {
    %c0_i32 = arith.constant 0 : i32
    %c0_i32_0 = arith.constant 0 : i32
    return %arg0, %c0_i32 : i32, i32
  }
  func.func @transform_5(%arg0: i32) -> (i32, i32) {
    %add3A = arith.constant 20 : i32
    %add3A_0 = arith.addi %add3A, %arg0 : i32
    %c0_i32 = arith.constant 0 : i32
    %c0_i32_1 = arith.constant 0 : i32
    return %add3A_0, %c0_i32 : i32, i32
  }
  func.func @transform_6(%arg0: i32) -> (i32, i32) {
    %c0_i32 = arith.constant 0 : i32
    %c0_i32_0 = arith.constant 0 : i32
    return %arg0, %c0_i32 : i32, i32
  }
  func.func @transform_7(%arg0: i32) -> (i32, i32) {
    %c0_i32 = arith.constant 0 : i32
    %c0_i32_0 = arith.constant 0 : i32
    %c0_i32_1 = arith.constant 0 : i32
    return %c0_i32, %c0_i32_0 : i32, i32
  }
  func.func @transform_8(%arg0: i32) -> (i32, i32) {
    %c0_i32 = arith.constant 0 : i32
    %c0_i32_0 = arith.constant 0 : i32
    %c0_i32_1 = arith.constant 0 : i32
    return %c0_i32, %c0_i32_0 : i32, i32
  }
  func.func @transform_9(%arg0: i32) -> (i32, i32) {
    %c0_i32 = arith.constant 0 : i32
    %c0_i32_0 = arith.constant 0 : i32
    %c0_i32_1 = arith.constant 0 : i32
    return %c0_i32, %c0_i32_0 : i32, i32
  }
  func.func @transform_10(%arg0: i32) -> (i32, i32) {
    %c0_i32 = arith.constant 0 : i32
    %c0_i32_0 = arith.constant 0 : i32
    %c0_i32_1 = arith.constant 0 : i32
    return %c0_i32, %c0_i32_0 : i32, i32
  }
  func.func @transform_11(%arg0: i32) -> (i32, i32) {
    %c0_i32 = arith.constant 0 : i32
    %c0_i32_0 = arith.constant 0 : i32
    %c0_i32_1 = arith.constant 0 : i32
    return %c0_i32, %c0_i32_0 : i32, i32
  }
  func.func @transform_12(%arg0: i32) -> (i32, i32) {
    %c0_i32 = arith.constant 0 : i32
    %c0_i32_0 = arith.constant 0 : i32
    %c0_i32_1 = arith.constant 0 : i32
    return %c0_i32, %c0_i32_0 : i32, i32
  }
  func.func @transform_13(%arg0: i32) -> (i32, i32) {
    %c0_i32 = arith.constant 0 : i32
    %c0_i32_0 = arith.constant 0 : i32
    %c0_i32_1 = arith.constant 0 : i32
    return %c0_i32, %c0_i32_0 : i32, i32
  }
  func.func @transform_14(%arg0: i32) -> (i32, i32) {
    %c0_i32 = arith.constant 0 : i32
    %c0_i32_0 = arith.constant 0 : i32
    %c0_i32_1 = arith.constant 0 : i32
    return %c0_i32, %c0_i32_0 : i32, i32
  }
  func.func @transform_15(%arg0: i32) -> (i32, i32) {
    %c0_i32 = arith.constant 0 : i32
    %c0_i32_0 = arith.constant 0 : i32
    %c0_i32_1 = arith.constant 0 : i32
    return %c0_i32, %c0_i32_0 : i32, i32
  }
  func.func @transform_16(%arg0: i32) -> (i32, i32) {
    %c0_i32 = arith.constant 0 : i32
    %c0_i32_0 = arith.constant 0 : i32
    %c0_i32_1 = arith.constant 0 : i32
    return %c0_i32, %c0_i32_0 : i32, i32
  }
  func.func @transform_17(%arg0: i32) -> (i32, i32) {
    %c0_i32 = arith.constant 0 : i32
    %c0_i32_0 = arith.constant 0 : i32
    return %arg0, %c0_i32 : i32, i32
  }
  func.func @transform_18(%arg0: i32) -> (i32, i32) {
    %c0_i32 = arith.constant 0 : i32
    %c0_i32_0 = arith.constant 0 : i32
    return %arg0, %c0_i32 : i32, i32
  }
}

module attributes {stable_mosaic.version = 14 : i64} {
  func.func @body(%arg0: i32, %arg1: memref<400x64xf32, #tpu.memory_space<vmem>>, %arg2: memref<64x10000xf32, #tpu.memory_space<vmem>>, %arg3: memref<400x10000xf32, #tpu.memory_space<vmem>>) attributes {dimension_semantics = [#tpu.dimension_semantics<arbitrary>], iteration_bounds = array<i64: 25>, scalar_prefetch = 0 : i64, scratch_operands = 0 : i64, tpu.core_type = #tpu.core_type<tc>, window_params = [{transform_indices = @transform_0, window_bounds = array<i64: 400, 64>}, {pipeline_mode = #tpu.pipeline_mode<synchronous>, transform_indices = @transform_1, window_bounds = array<i64: 64, 10000>}, {transform_indices = @transform_2, window_bounds = array<i64: 400, 10000>}]} {
    %get3A = arith.constant 0 : index
    %get3A_0 = arith.constant 0 : index
    %get3A_1 = vector.load %arg1[%get3A, %get3A_0] : memref<400x64xf32, #tpu.memory_space<vmem>>, vector<400x64xf32>
    %get3A_2 = arith.constant 0 : index
    %get3A_3 = arith.constant 0 : index
    %get3A_4 = vector.load %arg2[%get3A_2, %get3A_3] : memref<64x10000xf32, #tpu.memory_space<vmem>>, vector<64x10000xf32>
    %dot_general3A = arith.constant dense<0.000000e+00> : vector<400x10000xf32>
    %dot_general3A_5 = tpu.matmul %get3A_1, %get3A_4, %dot_general3A {dimension_numbers = #tpu.dot_dimension_numbers<[1], [0], [0], [1], [0, 0, 1, 1], [], []>, transpose_lhs_hint = false} : vector<400x64xf32>, vector<64x10000xf32>, vector<400x10000xf32> -> vector<400x10000xf32>
    %logistic3A = arith.negf %dot_general3A_5 : vector<400x10000xf32>
    %logistic3A_6 = math.exp %logistic3A : vector<400x10000xf32>
    %logistic3A_7 = arith.constant 1.000000e+00 : f32
    %logistic3A_8 = vector.broadcast %logistic3A_7 : f32 to vector<400x10000xf32>
    %logistic3A_9 = arith.addf %logistic3A_8, %logistic3A_6 : vector<400x10000xf32>
    %logistic3A_10 = arith.divf %logistic3A_8, %logistic3A_9 : vector<400x10000xf32>
    %swap3A = arith.constant 0 : index
    %swap3A_11 = arith.constant 0 : index
    %swap3A_12 = vector.load %arg3[%swap3A, %swap3A_11] : memref<400x10000xf32, #tpu.memory_space<vmem>>, vector<400x10000xf32>
    tpu.vector_store %arg3[%swap3A, %swap3A_11], %logistic3A_10 {strides = array<i32>} : memref<400x10000xf32, #tpu.memory_space<vmem>>, vector<400x10000xf32>,
    return
  }
  func.func @transform_0(%arg0: i32) -> (i32, i32) {
    %c0_i32 = arith.constant 0 : i32
    %c0_i32_0 = arith.constant 0 : i32
    return %arg0, %c0_i32 : i32, i32
  }
  func.func @transform_1(%arg0: i32) -> (i32, i32) {
    %c0_i32 = arith.constant 0 : i32
    %c0_i32_0 = arith.constant 0 : i32
    %c0_i32_1 = arith.constant 0 : i32
    return %c0_i32, %c0_i32_0 : i32, i32
  }
  func.func @transform_2(%arg0: i32) -> (i32, i32) {
    %c0_i32 = arith.constant 0 : i32
    %c0_i32_0 = arith.constant 0 : i32
    return %arg0, %c0_i32 : i32, i32
  }
}

</mosaic_0001>

<sc_bundles>
// kernel: kernel.10.cloned.1.call-start
scs
__scs_entry_jumppad:
0x0: {  	(pc) =	sbr.rel $0x88, $3  }
0x1: {  	(tag) =	ssettag $0x0;
	lr =	simm.s32 $0x1  }
0x2: {  	[smem:$0x3F8F] =	sst lr;
	_ =	strace $0xD0000000  }
0x3: {  	_ = 	snop  }
0x4: {  	_ = 	snop  }
0x5: {  	_ = 	snop  }
0x6: {  	_ = 	snop  }
0x7: {  	_ = 	snop  }
__scs_overlays_trampoline_lowered:
0x8: {  	[smem:$0x3F9E] =	sst s0  }
0x9: {  	[smem:$0x3F9F] =	sst s1  }
0xa: {  	[smem:$0x3FA0] =	sst s2  }
0xb: {  	[smem:$0x3FA1] =	sst s3  }
0xc: {  	[smem:$0x3FA2] =	sst s4  }
0xd: {  	[smem:$0x3FA3] =	sst s5  }
0xe: {  	[smem:$0x3FA4] =	sst s6  }
0xf: {  	[smem:$0x3FA5] =	sst s7  }
0x10: {  	[smem:$0x3FA6] =	sst s8  }
0x11: {  	[smem:$0x3FA7] =	sst s9;
	s0 =	simm.s32 @!p0 $0x0  }
0x12: {  	s1 =	sld [smem:$0x3F8D];
	s0 =	simm.s32 @p0 $0x1  }
0x13: {  	[smem:$0x3FA8] =	sst s0;
	s0 =	simm.s32 @!p1 $0x0  }
0x14: {  	s2 =	sld [smem:$0x3F8C];
	s0 =	simm.s32 @p1 $0x1  }
0x15: {  	[smem:$0x3FA9] =	sst s0;
	s0 =	simm.s32 @!p2 $0x0  }
0x16: {  	s3 =	sld [smem:$0x3FDB];
	s0 =	simm.s32 @p2 $0x1  }
0x17: {  	s4 =	simm.s32 $0x1BF5;
	[smem:$0x3FAB] =	sst s0  }
0x18: {  	s0 =	sld [smem:$0x3F8E];
	_ =	swait.ge [sflag:s4], $0x0  }
0x19: {  	s7 =	sld [smem:$0x3F8F]  }
0x1a: {  	s8 =	sadd.s32 $0xFFFFE003, lr  }
0x1b: {  	s9 =	sadd.s32 $0xFFFFFEF7, lr;
	s5 =	simm.s32 $0xFFFFFFFF;
	p2 =	slt.u32 s8, $0xFFFFF086  }
0x1c: {  	p1 =	slt.u32 s9, $0xF7A;
	s5 =	simm.s32 @!p2 $0x0  }
0x1d: {  	s5 =	simm.s32 @p1 $0x1;
	p0 =	seq.s32 s7, s2  }
0x1e: {  	s7 =	smul.u32 @!p0 $0xF7A, s2;
	p2 =	seq.s32 @!p0 s5, $0x0  }
0x1f: {  	s9 =	smul.u32 $0xF7A, s1;
	s8 =	simm.s32 @!p0 $0x1BF5;
	p2 =	por !p2, p0  }
0x20: {  	[sflag:s8] =	ssyncset.s32 @!p0 $0xFFFFF086;
	s6 =	sadd.s32 @!p0 s3, s7;
	s7 =	simm.s32 @!p0 $0x108  }
0x21: {  	s3 =	sadd.s32 s3, s9;
	s6 =	sadd.s32 @!p0 $0x88, s6;
	s7 =	simm.s32 @p2 $0x1082  }
0x22: {  	[simem:s7], [sflag:s8] =	dma.local @!p0 [hbm:s6], $0xF7A  }
0x23: {  	s9 =	sor.u32 $0xD0000000, s2;
	s6 =	simm.s32 $0x108;
	_ =	swait.ge @!p0 [sflag:s8], $0x0  }
0x24: {  	s3 =	sadd.s32 $0x88, s3;
	s6 =	simm.s32 @!p1 $0x1082;
	[sflag:s4] =	ssyncset.s32 $0xFFFFF086  }
0x25: {  	[simem:s6], [sflag:s4] =	dma.local [hbm:s3], $0xF7A  }
0x26: {  	[smem:$0x3F8F] =	sst s1;
	(tag) =	ssettag s2;
	_ =	strace s9  }
0x27: {  	s1 =	sld [smem:$0x3F9F]  }
0x28: {  	s2 =	sld [smem:$0x3FA0]  }
0x29: {  	s4 =	sld [smem:$0x3FA2]  }
0x2a: {  	p0 =	seq.s32 s5, $0x0;
	s5 =	sld [smem:$0x3FA3]  }
0x2b: {  	s6 =	sld [smem:$0x3FA4]  }
0x2c: {  	s7 =	sld [smem:$0x3FA5]  }
0x2d: {  	s3 =	simm.s32 $0x108;
	s8 =	sld [smem:$0x3FA6]  }
0x2e: {  	s3 =	simm.s32 @!p0 $0x1082;
	s9 =	sld [smem:$0x3FA7]  }
0x2f: {  	lr =	sadd.s32 s0, s3;
	s0 =	sld [smem:$0x3F9E]  }
0x30: {  	s3 =	sld [smem:$0x3FA1]  }
0x31: {  	[smem:$0x3FAA] =	sst s10  }
0x32: {  	s10 =	sld [smem:$0x3FA8];
	_ =	sdelay $0x3  }
0x33: {  	p0 =	seq.s32 s10, $0x1;
	s10 =	sld [smem:$0x3FAA];
	_ =	sdelay $0x3  }
0x34: {  	[smem:$0x3FAA] =	sst s10  }
0x35: {  	s10 =	sld [smem:$0x3FA9];
	_ =	sdelay $0x3  }
0x36: {  	p1 =	seq.s32 s10, $0x1;
	s10 =	sld [smem:$0x3FAA];
	_ =	sdelay $0x3  }
0x37: {  	[smem:$0x3FAA] =	sst s10  }
0x38: {  	s10 =	sld [smem:$0x3FAB]  }
0x39: {  	_ = 	snop;
	(pc) =	sbr.ind lr, $3  }
0x3a: {  	_ = 	snop  }
0x3b: {  	_ = 	snop  }
0x3c: {  	p2 =	seq.s32 s10, $0x1;
	s10 =	sld [smem:$0x3FAA]  }
0x3d: {  	_ =	shalt  }
0x3e: {  	_ =	shalt  }
0x3f: {  	_ =	shalt  }
0x40: {  	_ =	shalt  }
0x41: {  	_ =	shalt  }
0x42: {  	_ =	shalt  }
0x43: {  	_ =	shalt  }
0x44: {  	_ =	shalt  }
0x45: {  	_ =	shalt  }
0x46: {  	_ =	shalt  }
0x47: {  	_ =	shalt  }
0x48: {  	_ =	shalt  }
0x49: {  	_ =	shalt  }
0x4a: {  	_ =	shalt  }
0x4b: {  	_ =	shalt  }
0x4c: {  	_ =	shalt  }
0x4d: {  	_ =	shalt  }
0x4e: {  	_ =	shalt  }
0x4f: {  	_ =	shalt  }
0x50: {  	_ =	shalt  }
0x51: {  	_ =	shalt  }
0x52: {  	_ =	shalt  }
0x53: {  	_ =	shalt  }
0x54: {  	_ =	shalt  }
0x55: {  	_ =	shalt  }
0x56: {  	_ =	shalt  }
0x57: {  	_ =	shalt  }
0x58: {  	_ =	shalt  }
0x59: {  	_ =	shalt  }
0x5a: {  	_ =	shalt  }
0x5b: {  	_ =	shalt  }
0x5c: {  	_ =	shalt  }
0x5d: {  	_ =	shalt  }
0x5e: {  	_ =	shalt  }
0x5f: {  	_ =	shalt  }
0x60: {  	_ =	shalt  }
0x61: {  	_ =	shalt  }
0x62: {  	_ =	shalt  }
0x63: {  	_ =	shalt  }
0x64: {  	_ =	shalt  }
0x65: {  	_ =	shalt  }
0x66: {  	_ =	shalt  }
0x67: {  	_ =	shalt  }
0x68: {  	_ =	shalt  }
0x69: {  	_ =	shalt  }
0x6a: {  	_ =	shalt  }
0x6b: {  	_ =	shalt  }
0x6c: {  	_ =	shalt  }
0x6d: {  	_ =	shalt  }
0x6e: {  	_ =	shalt  }
0x6f: {  	_ =	shalt  }
0x70: {  	_ =	shalt  }
0x71: {  	_ =	shalt  }
0x72: {  	_ =	shalt  }
0x73: {  	_ =	shalt  }
0x74: {  	_ =	shalt  }
0x75: {  	_ =	shalt  }
0x76: {  	_ =	shalt  }
0x77: {  	_ =	shalt  }
0x78: {  	_ =	shalt  }
0x79: {  	_ =	shalt  }
0x7a: {  	_ =	shalt  }
0x7b: {  	_ =	shalt  }
0x7c: {  	_ =	shalt  }
0x7d: {  	_ =	shalt  }
0x7e: {  	_ =	shalt  }
0x7f: {  	_ =	shalt  }
0x80: {  	_ =	shalt  }
0x81: {  	_ =	shalt  }
0x82: {  	_ =	shalt  }
0x83: {  	_ =	shalt  }
0x84: {  	_ =	shalt  }
0x85: {  	_ =	shalt  }
0x86: {  	_ =	shalt  }
0x87: {  	_ =	shalt  }
.Lfunc_end0:
.L_simem_size_0:
called_computation_lowered:
.L_overlay_start_0:
0x88: {  	s2 =	sld [smem:$0x3FD9]  }
0x89: {  	s3 =	sld [smem:$0x3FFE];
	_ =	sdelay $0x1  }
0x8a: {  	s1 =	srdreg.scid  }
0x8b: {  	s0 =	sand.u32 $0x1, s1  }
0x8c: {  	s14 =	sshll.u32 s0, $0xA;
	s2 =	sadd.s32 s3, s2  }
0x8d: {  	s2 =	sadd.s32 s2, s14  }
0x8e: {  	[smem:$0x3FB6] =	sst s2  }
0x8f: {  	_ = 	snop  }
0x90: {  	s2 =	sld [smem:$0x3FD0];
	_ =	sdelay $0x2  }
0x91: {  	s15 =	simm.s32 $0xA;
	s4 =	simm.s32 $0x10  }
0x92: {  	[smem:s4], [sflag:s15] =	dma.local [hbm:s2], $0x1  }
0x93: {  	_ =	swait.eq [sflag:s15], $0x1  }
0x94: {  	[sflag:s15] =	ssyncset.done $0x0  }
0x95: {  	s16 =	sld [smem:$0x10];
	[sflag:s15] =	ssyncadd.s32 $0xFFFFFFFF  }
0x96: {  	s17 =	sld [smem:$0x11];
	(tm) =	ssettm $0x1  }
0x97: {  	s18 =	sld [smem:$0x3FFB];
	_ =	sdelay $0x3  }
0x98: {  	_ =	strace s18  }
0x99: {  	s4 =	sld [smem:$0x3FFC];
	_ =	sdelay $0x3  }
0x9a: {  	_ =	strace s4  }
0x9b: {  	s4 =	sld [smem:$0x3FFD];
	_ =	sdelay $0x3  }
0x9c: {  	_ =	strace s4  }
0x9d: {  	_ =	strace $0x8FFFFFFF  }
0x9e: {  	s19 =	sld [smem:$0x3FDB];
	_ =	sdelay $0x1  }
0x9f: {  	s5 =	simm.s32 $_scs_section_size  }
0xa0: {  	s6 =	simm.s32 $_size__tile_overlayer_lowered;
	s7 =	simm.s32 $_tile_overlayer_lowered  }
0xa1: {  	s22 =	simm.s32 $0x1BFF;
	s21 =	sshll.u32 s7, $0x1;
	s4 =	sadd.s32 s5, s19  }
0xa2: {  	s8 =	simm.s32 $0x0;
	s20 =	sshll.u32 s6, $0x1;
	s6 =	sadd.s32 s21, s4  }
0xa3: {  	[timem:s8], [sflag:s22] =	dma.local [hbm:s6], s20  }
0xa4: {  	_ =	swait.ge [sflag:s22], s20  }
0xa5: {  	s5 =	ssub.s32 $0x0, s20;
	[sflag:s22] =	ssyncset.done $0x0  }
0xa6: {  	[sflag:s22] =	ssyncadd.s32 s5;
	_ =	sdelay $0x1  }
0xa7: {  	s23 =	simm.s32 $0x1B8B  }
0xa8: {  	_ =	swait.ge [sflag:s23], $0x1  }
0xa9: {  	[sflag:s23] =	ssyncset.done $0x0  }
0xaa: {  	s25 =	simm.s32 $0x1B8E;
	s24 =	sld [smem:$0x3FFE];
	[sflag:s23] =	ssyncadd.s32 $0xFFFFFFFF  }
0xab: {  	s26 =	simm.s32 $execute0_lowered;
	[smem:$0x3FD2] =	sst s25  }
0xac: {  	s6 =	sshll.u32 s26, $0x1;
	_ =	strace $0x80000046;
	[dreg:$0x1] =	wrdreg $0xFFFFFFFF  }
0xad: {  	s28 =	simm.s32 $_size_execute0_lowered;
	s4 =	sadd.s32 s4, s6;
	[dreg:$0x0] =	wrdreg $0x0  }
0xae: {  	s6 =	sshll.u32 s28, $0x1;
	[dreg:$0x2] =	wrdreg s4  }
0xaf: {  	[dreg:$0x3] =	wrdreg s6  }
0xb0: {  	[dreg:$0x4] =	wrdreg $0xC0  }
0xb1: {  	_ =	task [dreg:s8], $0x5FFFF  }
0xb2: {  	[dreg:$0x1] =	wrdreg $0xFFFFFFFF  }
0xb3: {  	[dreg:$0x0] =	wrdreg $0x60  }
0xb4: {  	[dreg:$0x2] =	wrdreg s24  }
0xb5: {  	[dreg:$0x3] =	wrdreg s17  }
0xb6: {  	[dreg:$0x4] =	wrdreg s16  }
0xb7: {  	[dreg:$0x5] =	wrdreg $0x14000  }
0xb8: {  	[dreg:$0x6] =	wrdreg $0x9  }
0xb9: {  	_ =	task.clear_ibuf [dreg:s8], $0x7FFFF;
	_ =	strace $0x90000046  }
0xba: {  	s29 =	simm.s32 $0x9;
	_ =	strace $0x80000048  }
0xbb: {  	_ =	swait.ge [sflag:s29], $0x1  }
0xbc: {  	[sflag:s29] =	ssyncadd.s32 $0xFFFFFFFF  }
0xbd: {  	_ =	strace $0x90000048  }
0xbe: {  	_ =	sfence  }
0xbf: {  	s30 =	sld [smem:$0x0];
	_ =	sdelay $0x2  }
0xc0: {  	s31 =	sshll.u32 s1, $0xD;
	s1 =	sshrl.u32 s1, $0x2  }
0xc1: {  	s3 =	sand.u32 $0x4000, s31;
	s1 =	sadd.s32 s1, s30  }
0xc2: {  	s0 =	sor.u32 s3, s0;
	s1 =	sshll.u32 s1, $0x11  }
0xc3: {  	s0 =	sor.u32 s1, s0  }
0xc4: {  	s0 =	sadd.s32 $0x8F2B, s0  }
0xc5: {  	[sflag:s0] =	ssyncadd.remote.s32 $0x1  }
0xc6: {  	_ =	sfence.sel $0xFFFF  }
0xc7: {  	[dreg:$0x0] =	wrdreg $0xFFFFFFFF;
	(pc) =	sbr.abs _section_cstart, $3  }
0xc8: {  	[dreg:$0x1] =	wrdreg $0xFFFFFFFF  }
0xc9: {  	_ =	task.clear_ibuf [dreg:s8], $0x2FFFF;
	_ =	strace $0x9FFFFFFF  }
0xca: {  	(tm) =	ssettm $0x7FFFFFFF  }
0xcb: {  	_ =	shalt  }
tec
execute0_lowered:
.L_overlay_start_1:
0x0: {  	(tag) =	ssettag $0x1  }
0x1: {  	s0 =	rddreg [dreg:$0x0]  }
0x2: {  	s1 =	srdreg.scid;
	s2 =	rddreg [dreg:$0x2]  }
0x3: {  	s7 =	stileid.u32;
	s3 =	rddreg [dreg:$0x3]  }
0x4: {  	s4 =	simm.s32 $0x0;
	s19 =	simm.s32 $0x1000;
	s20 =	simm.s32 $0x2  }
0x5: {  	s21 =	simm.s32 $0x800;
	s22 =	simm.s32 $0x80;
	s23 =	simm.s32 $0x180  }
0x6: {  	s28 =	simm.s32 $0x580;
	s29 =	simm.s32 $0x680;
	s5 =	smul.u32 $0x500, s7  }
0x7: {  	s30 =	simm.s32 $0x780;
	s1 =	sand.u32 $0x1, s1;
	s24 =	smul.u32 $0xA000, s7  }
0x8: {  	[smem:$0x7FF] =	sst s4;
	s6 =	smul.u32 $0x5000, s1;
	s1 =	ssub.s32 $0x2, s1  }
0x9: {  	s31 =	simm.s32 $0x1;
	_ =	strace $0x80000047;
	s25 =	sshrl.u32 s1, $0x1  }
0xa: {  	s5 =	sadd.s32 s5, s6;
	s6 =	sshrl.u32 s24, $0x2;
	s24 =	simm.s32 $0x280  }
0xb: {  	s18 =	sadd.s32 s5, s0;
	s0 =	sadd.s32 $0xEA00, s0;
	s6 =	sadd.s32 s6, s3  }
0xc: {  	s26 =	sadd.s32 s2, s5;
	s2 =	simm.s32 $0x0;
	[dreg:$0x5] =	wrdreg s0  }
0xd: {  	s0 =	ssub.s32 s1, s25;
	[dreg:$0x6] =	wrdreg s26;
	s9 =	sadd.s32 $0x400, s6  }
0xe: {  	s10 =	sadd.s32 $0x800, s6;
	s11 =	sadd.s32 $0xC00, s6;
	s12 =	sadd.s32 $0x1000, s6  }
0xf: {  	s13 =	sadd.s32 $0x1400, s6;
	s14 =	sadd.s32 $0x1800, s6;
	s15 =	sadd.s32 $0x1C00, s6  }
0x10: {  	s16 =	sadd.s32 $0x2000, s6;
	s17 =	sadd.s32 $0x2400, s6;
	s18 =	sadd.s32 $0x4A00, s18  }
0x11: {  	s25 =	simm.s32 $0x380;
	s26 =	simm.s32 $0x480;
	s8 =	smax.u32 s0, $0x1  }
.LBB2_1:
0x12: {  	s0 =	rddreg [dreg:$0x5]  }
0x13: {  	[tilespmem:s19], [sflag:$0x2] =	stream.linear.gather [hbm4b:s0+s4], $0x400, $0x38;
	[tilespmem:$0x3C00] =	vst v63  }
0x14: {  	_ =	swait.ge [sflag:s20], $0x400  }
0x15: {  	[sflag:s20] =	ssyncset.done $0x0  }
0x16: {  	[sflag:s20] =	ssyncadd.s32 $0xFFFFFC00  }
0x17: {  	[spmem:s6] =	stream.linear.scatter [tilespmem:s19], [sflag:$0x2], $0x400, $0x38;
	[tilespmem:$0x3C00] =	vst v63  }
0x18: {  	_ =	swait.ge [sflag:s20], $0x400  }
0x19: {  	[sflag:s20] =	ssyncset.done $0x0  }
0x1a: {  	[sflag:s20] =	ssyncadd.s32 $0xFFFFFC00  }
0x1b: {  	[spmem:s9] =	stream.linear.scatter [tilespmem:s19], [sflag:$0x2], $0x400, $0x38;
	[tilespmem:$0x3C00] =	vst v63  }
0x1c: {  	_ =	swait.ge [sflag:s20], $0x400  }
0x1d: {  	[sflag:s20] =	ssyncset.done $0x0  }
0x1e: {  	[sflag:s20] =	ssyncadd.s32 $0xFFFFFC00  }
0x1f: {  	[spmem:s10] =	stream.linear.scatter [tilespmem:s19], [sflag:$0x2], $0x400, $0x38;
	[tilespmem:$0x3C00] =	vst v63  }
0x20: {  	_ =	swait.ge [sflag:s20], $0x400  }
0x21: {  	[sflag:s20] =	ssyncset.done $0x0  }
0x22: {  	[sflag:s20] =	ssyncadd.s32 $0xFFFFFC00  }
0x23: {  	[spmem:s11] =	stream.linear.scatter [tilespmem:s19], [sflag:$0x2], $0x400, $0x38;
	[tilespmem:$0x3C00] =	vst v63  }
0x24: {  	_ =	swait.ge [sflag:s20], $0x400  }
0x25: {  	[sflag:s20] =	ssyncset.done $0x0  }
0x26: {  	[sflag:s20] =	ssyncadd.s32 $0xFFFFFC00  }
0x27: {  	[spmem:s12] =	stream.linear.scatter [tilespmem:s19], [sflag:$0x2], $0x400, $0x38;
	[tilespmem:$0x3C00] =	vst v63  }
0x28: {  	_ =	swait.ge [sflag:s20], $0x400  }
0x29: {  	[sflag:s20] =	ssyncset.done $0x0  }
0x2a: {  	[sflag:s20] =	ssyncadd.s32 $0xFFFFFC00  }
0x2b: {  	[spmem:s13] =	stream.linear.scatter [tilespmem:s19], [sflag:$0x2], $0x400, $0x38;
	[tilespmem:$0x3C00] =	vst v63  }
0x2c: {  	_ =	swait.ge [sflag:s20], $0x400  }
0x2d: {  	[sflag:s20] =	ssyncset.done $0x0  }
0x2e: {  	[sflag:s20] =	ssyncadd.s32 $0xFFFFFC00  }
0x2f: {  	[spmem:s14] =	stream.linear.scatter [tilespmem:s19], [sflag:$0x2], $0x400, $0x38;
	[tilespmem:$0x3C00] =	vst v63  }
0x30: {  	_ =	swait.ge [sflag:s20], $0x400  }
0x31: {  	[sflag:s20] =	ssyncset.done $0x0  }
0x32: {  	[sflag:s20] =	ssyncadd.s32 $0xFFFFFC00  }
0x33: {  	[spmem:s15] =	stream.linear.scatter [tilespmem:s19], [sflag:$0x2], $0x400, $0x38;
	[tilespmem:$0x3C00] =	vst v63  }
0x34: {  	_ =	swait.ge [sflag:s20], $0x400  }
0x35: {  	[sflag:s20] =	ssyncset.done $0x0  }
0x36: {  	[sflag:s20] =	ssyncadd.s32 $0xFFFFFC00  }
0x37: {  	[spmem:s16] =	stream.linear.scatter [tilespmem:s19], [sflag:$0x2], $0x400, $0x38;
	[tilespmem:$0x3C00] =	vst v63  }
0x38: {  	_ =	swait.ge [sflag:s20], $0x400  }
0x39: {  	[sflag:s20] =	ssyncset.done $0x0  }
0x3a: {  	[sflag:s20] =	ssyncadd.s32 $0xFFFFFC00  }
0x3b: {  	[spmem:s17] =	stream.linear.scatter [tilespmem:s19], [sflag:$0x2], $0x400, $0x38;
	[tilespmem:$0x3C00] =	vst v63  }
0x3c: {  	_ =	swait.ge [sflag:s20], $0x400  }
0x3d: {  	[sflag:s20] =	ssyncset.done $0x0  }
0x3e: {  	[sflag:s20] =	ssyncadd.s32 $0xFFFFFC00  }
0x3f: {  	s5 =	rddreg [dreg:$0x1]  }
0x40: {  	[tilespmem:s21], [sflag:$0x2] =	stream.linear.gather [hbm4b:s5+s4], $0x800, $0x38;
	[tilespmem:$0x3C00] =	vst v63  }
0x41: {  	_ =	swait.ge [sflag:s20], $0x800  }
0x42: {  	[sflag:s20] =	ssyncset.done $0x0  }
0x43: {  	[sflag:s20] =	ssyncadd.s32 $0xFFFFF800  }
0x44: {  	s7 =	sadd.s32 $0x0, s18;
	[bflag:$0x0] =	sbarrier.arrive $0xFFFF  }
0x45: {  	[tilespmem:s4], [sflag:$0x2] =	stream.linear.gather [hbm4b:s7+s4], $0x800, $0x38;
	[tilespmem:$0x3C00] =	vst v63  }
0x46: {  	_ =	swait.ge [sflag:s20], $0x800  }
0x47: {  	[sflag:s20] =	ssyncset.done $0x0  }
0x48: {  	[sflag:s20] =	ssyncadd.s32 $0xFFFFF800  }
0x49: {  	[spmem:s3] =	stream.indirect.scatter.add.f32 [tilespmem:s21], [sflag:$0x1], $0x10, s22, s22, $0xb8;
	[tilespmem:$0x3C00] =	vst v63  }
0x4a: {  	_ = 	snop  }
0x4b: {  	[spmem:s3] =	stream.indirect.scatter.add.f32 [tilespmem:s21], [sflag:$0x1], $0x10, s23, s22, $0xb8;
	[tilespmem:$0x3C00] =	vst v63  }
0x4c: {  	_ = 	snop  }
0x4d: {  	[spmem:s3] =	stream.indirect.scatter.add.f32 [tilespmem:s21], [sflag:$0x1], $0x10, s24, s22, $0xb8;
	[tilespmem:$0x3C00] =	vst v63  }
0x4e: {  	_ = 	snop  }
0x4f: {  	[spmem:s3] =	stream.indirect.scatter.add.f32 [tilespmem:s21], [sflag:$0x1], $0x10, s25, s22, $0xb8;
	[tilespmem:$0x3C00] =	vst v63  }
0x50: {  	_ = 	snop  }
0x51: {  	[spmem:s3] =	stream.indirect.scatter.add.f32 [tilespmem:s21], [sflag:$0x1], $0x10, s26, s22, $0xb8;
	[tilespmem:$0x3C00] =	vst v63  }
0x52: {  	_ = 	snop  }
0x53: {  	[spmem:s3] =	stream.indirect.scatter.add.f32 [tilespmem:s21], [sflag:$0x1], $0x10, s28, s22, $0xb8;
	[tilespmem:$0x3C00] =	vst v63  }
0x54: {  	_ = 	snop  }
0x55: {  	[spmem:s3] =	stream.indirect.scatter.add.f32 [tilespmem:s21], [sflag:$0x1], $0x10, s29, s22, $0xb8;
	[tilespmem:$0x3C00] =	vst v63  }
0x56: {  	_ = 	snop  }
0x57: {  	[spmem:s3] =	stream.indirect.scatter.add.f32 [tilespmem:s21], [sflag:$0x1], $0x10, s30, s22, $0xb8;
	[tilespmem:$0x3C00] =	vst v63  }
0x58: {  	_ =	swait.ge [sflag:s31], $0x800  }
0x59: {  	[sflag:s31] =	ssyncset.done $0x0  }
0x5a: {  	[sflag:s31] =	ssyncadd.s32 $0xFFFFF800  }
0x5b: {  	_ =	swait.ge [sflag:s31], $0x800  }
0x5c: {  	[sflag:s31] =	ssyncset.done $0x0  }
0x5d: {  	[sflag:s31] =	ssyncadd.s32 $0xFFFFF800  }
0x5e: {  	_ =	swait.ge [sflag:s31], $0x800  }
0x5f: {  	[sflag:s31] =	ssyncset.done $0x0  }
0x60: {  	[sflag:s31] =	ssyncadd.s32 $0xFFFFF800  }
0x61: {  	_ =	swait.ge [sflag:s31], $0x800  }
0x62: {  	[sflag:s31] =	ssyncset.done $0x0  }
0x63: {  	[sflag:s31] =	ssyncadd.s32 $0xFFFFF800  }
0x64: {  	_ =	swait.ge [sflag:s31], $0x800  }
0x65: {  	[sflag:s31] =	ssyncset.done $0x0  }
0x66: {  	[sflag:s31] =	ssyncadd.s32 $0xFFFFF800  }
0x67: {  	_ =	swait.ge [sflag:s31], $0x800  }
0x68: {  	[sflag:s31] =	ssyncset.done $0x0  }
0x69: {  	[sflag:s31] =	ssyncadd.s32 $0xFFFFF800  }
0x6a: {  	_ =	swait.ge [sflag:s31], $0x800  }
0x6b: {  	[sflag:s31] =	ssyncset.done $0x0  }
0x6c: {  	[sflag:s31] =	ssyncadd.s32 $0xFFFFF800  }
0x6d: {  	_ =	swait.ge [sflag:s31], $0x800  }
0x6e: {  	s1 =	simm.s32 $0x100;
	s0 =	simm.s32 $0x200;
	[sflag:s31] =	ssyncset.done $0x0  }
.LBB2_2:
0x6f: {  	s7 =	sadd.s32 s1, s18  }
0x70: {  	[sflag:s31] =	ssyncadd.s32 $0xFFFFF800;
	s1 =	smov.u32 s0;
	s5 =	sadd.s32 $0x100, s0  }
0x71: {  	[tilespmem:s4], [sflag:$0x2] =	stream.linear.gather [hbm4b:s7+s4], $0x800, $0x38;
	[tilespmem:$0x3C00] =	vst v63  }
0x72: {  	p0 =	sne.s32 s0, $0x400;
	_ =	swait.ge [sflag:s20], $0x800  }
0x73: {  	[sflag:s20] =	ssyncset.done $0x0  }
0x74: {  	[sflag:s20] =	ssyncadd.s32 $0xFFFFF800  }
0x75: {  	[spmem:s3] =	stream.indirect.scatter.add.f32 [tilespmem:s21], [sflag:$0x1], $0x10, s22, s22, $0xb8;
	[tilespmem:$0x3C00] =	vst v63  }
0x76: {  	_ = 	snop  }
0x77: {  	[spmem:s3] =	stream.indirect.scatter.add.f32 [tilespmem:s21], [sflag:$0x1], $0x10, s23, s22, $0xb8;
	[tilespmem:$0x3C00] =	vst v63  }
0x78: {  	_ = 	snop  }
0x79: {  	[spmem:s3] =	stream.indirect.scatter.add.f32 [tilespmem:s21], [sflag:$0x1], $0x10, s24, s22, $0xb8;
	[tilespmem:$0x3C00] =	vst v63  }
0x7a: {  	_ = 	snop  }
0x7b: {  	[spmem:s3] =	stream.indirect.scatter.add.f32 [tilespmem:s21], [sflag:$0x1], $0x10, s25, s22, $0xb8;
	[tilespmem:$0x3C00] =	vst v63  }
0x7c: {  	_ = 	snop  }
0x7d: {  	[spmem:s3] =	stream.indirect.scatter.add.f32 [tilespmem:s21], [sflag:$0x1], $0x10, s26, s22, $0xb8;
	[tilespmem:$0x3C00] =	vst v63  }
0x7e: {  	_ = 	snop  }
0x7f: {  	[spmem:s3] =	stream.indirect.scatter.add.f32 [tilespmem:s21], [sflag:$0x1], $0x10, s28, s22, $0xb8;
	[tilespmem:$0x3C00] =	vst v63  }
0x80: {  	_ = 	snop  }
0x81: {  	[spmem:s3] =	stream.indirect.scatter.add.f32 [tilespmem:s21], [sflag:$0x1], $0x10, s29, s22, $0xb8;
	[tilespmem:$0x3C00] =	vst v63  }
0x82: {  	_ = 	snop  }
0x83: {  	[spmem:s3] =	stream.indirect.scatter.add.f32 [tilespmem:s21], [sflag:$0x1], $0x10, s30, s22, $0xb8;
	[tilespmem:$0x3C00] =	vst v63  }
0x84: {  	_ =	swait.ge [sflag:s31], $0x800  }
0x85: {  	[sflag:s31] =	ssyncset.done $0x0  }
0x86: {  	[sflag:s31] =	ssyncadd.s32 $0xFFFFF800  }
0x87: {  	_ =	swait.ge [sflag:s31], $0x800  }
0x88: {  	[sflag:s31] =	ssyncset.done $0x0  }
0x89: {  	[sflag:s31] =	ssyncadd.s32 $0xFFFFF800  }
0x8a: {  	_ =	swait.ge [sflag:s31], $0x800  }
0x8b: {  	[sflag:s31] =	ssyncset.done $0x0  }
0x8c: {  	[sflag:s31] =	ssyncadd.s32 $0xFFFFF800  }
0x8d: {  	_ =	swait.ge [sflag:s31], $0x800  }
0x8e: {  	[sflag:s31] =	ssyncset.done $0x0  }
0x8f: {  	[sflag:s31] =	ssyncadd.s32 $0xFFFFF800  }
0x90: {  	_ =	swait.ge [sflag:s31], $0x800  }
0x91: {  	[sflag:s31] =	ssyncset.done $0x0  }
0x92: {  	[sflag:s31] =	ssyncadd.s32 $0xFFFFF800  }
0x93: {  	_ =	swait.ge [sflag:s31], $0x800  }
0x94: {  	[sflag:s31] =	ssyncset.done $0x0  }
0x95: {  	[sflag:s31] =	ssyncadd.s32 $0xFFFFF800  }
.Ltmp0:
0x96: {  	_ =	swait.ge [sflag:s31], $0x800;
	(pc) =	sbr.rel @p0 .LBB2_2-.Ltmp0, $4  }
0x97: {  	[sflag:s31] =	ssyncset.done $0x0  }
0x98: {  	[sflag:s31] =	ssyncadd.s32 $0xFFFFF800  }
0x99: {  	_ =	swait.ge [sflag:s31], $0x800  }
0x9a: {  	s0 =	smov.u32 s5;
	[sflag:s31] =	ssyncset.done $0x0  }
0x9b: {  	s0 =	sadd.s32 s1, s18;
	[sflag:s31] =	ssyncadd.s32 $0xFFFFF800  }
0x9c: {  	[tilespmem:s4], [sflag:$0x2] =	stream.linear.gather [hbm4b:s0+s4], $0x800, $0x38;
	[tilespmem:$0x3C00] =	vst v63  }
0x9d: {  	_ =	swait.ge [sflag:s20], $0x800  }
0x9e: {  	[sflag:s20] =	ssyncset.done $0x0  }
0x9f: {  	[sflag:s20] =	ssyncadd.s32 $0xFFFFF800  }
0xa0: {  	[spmem:s3] =	stream.indirect.scatter.add.f32 [tilespmem:s21], [sflag:$0x1], $0x10, s22, s22, $0xb8;
	[tilespmem:$0x3C00] =	vst v63  }
0xa1: {  	_ = 	snop  }
0xa2: {  	[spmem:s3] =	stream.indirect.scatter.add.f32 [tilespmem:s21], [sflag:$0x1], $0x10, s23, s22, $0xb8;
	[tilespmem:$0x3C00] =	vst v63  }
0xa3: {  	_ = 	snop  }
0xa4: {  	[spmem:s3] =	stream.indirect.scatter.add.f32 [tilespmem:s21], [sflag:$0x1], $0x10, s24, s22, $0xb8;
	[tilespmem:$0x3C00] =	vst v63  }
0xa5: {  	_ = 	snop  }
0xa6: {  	[spmem:s3] =	stream.indirect.scatter.add.f32 [tilespmem:s21], [sflag:$0x1], $0x10, s25, s22, $0xb8;
	[tilespmem:$0x3C00] =	vst v63  }
0xa7: {  	_ = 	snop  }
0xa8: {  	[spmem:s3] =	stream.indirect.scatter.add.f32 [tilespmem:s21], [sflag:$0x1], $0x10, s26, s22, $0xb8;
	[tilespmem:$0x3C00] =	vst v63  }
0xa9: {  	_ = 	snop  }
0xaa: {  	[spmem:s3] =	stream.indirect.scatter.add.f32 [tilespmem:s21], [sflag:$0x1], $0x10, s28, s22, $0xb8;
	[tilespmem:$0x3C00] =	vst v63  }
0xab: {  	_ = 	snop  }
0xac: {  	[spmem:s3] =	stream.indirect.scatter.add.f32 [tilespmem:s21], [sflag:$0x1], $0x10, s29, s22, $0xb8;
	[tilespmem:$0x3C00] =	vst v63  }
0xad: {  	_ = 	snop  }
0xae: {  	[spmem:s3] =	stream.indirect.scatter.add.f32 [tilespmem:s21], [sflag:$0x1], $0x10, s30, s22, $0xb8;
	[tilespmem:$0x3C00] =	vst v63  }
0xaf: {  	_ =	swait.ge [sflag:s31], $0x800  }
0xb0: {  	[sflag:s31] =	ssyncset.done $0x0  }
0xb1: {  	[sflag:s31] =	ssyncadd.s32 $0xFFFFF800  }
0xb2: {  	_ =	swait.ge [sflag:s31], $0x800  }
0xb3: {  	[sflag:s31] =	ssyncset.done $0x0  }
0xb4: {  	[sflag:s31] =	ssyncadd.s32 $0xFFFFF800  }
0xb5: {  	_ =	swait.ge [sflag:s31], $0x800  }
0xb6: {  	[sflag:s31] =	ssyncset.done $0x0  }
0xb7: {  	[sflag:s31] =	ssyncadd.s32 $0xFFFFF800  }
0xb8: {  	_ =	swait.ge [sflag:s31], $0x800  }
0xb9: {  	[sflag:s31] =	ssyncset.done $0x0  }
0xba: {  	[sflag:s31] =	ssyncadd.s32 $0xFFFFF800  }
0xbb: {  	_ =	swait.ge [sflag:s31], $0x800  }
0xbc: {  	[sflag:s31] =	ssyncset.done $0x0  }
0xbd: {  	[sflag:s31] =	ssyncadd.s32 $0xFFFFF800  }
0xbe: {  	_ =	swait.ge [sflag:s31], $0x800  }
0xbf: {  	[sflag:s31] =	ssyncset.done $0x0  }
0xc0: {  	[sflag:s31] =	ssyncadd.s32 $0xFFFFF800  }
0xc1: {  	_ =	swait.ge [sflag:s31], $0x800  }
0xc2: {  	[sflag:s31] =	ssyncset.done $0x0  }
0xc3: {  	[sflag:s31] =	ssyncadd.s32 $0xFFFFF800  }
0xc4: {  	_ =	swait.ge [sflag:s31], $0x800  }
0xc5: {  	s5 =	stileid.u32;
	[sflag:s31] =	ssyncset.done $0x0  }
0xc6: {  	s7 =	sshrl.u32 s6, $0x3;
	s2 =	sadd.s32 $0x1, s2;
	[sflag:s31] =	ssyncadd.s32 $0xFFFFF800  }
0xc7: {  	s0 =	sshll.u32 s5, $0x6;
	p0 =	sne.s32 s2, s8;
	[bflag:$0x0] =	sbarrier.arrive $0xFFFF  }
.Ltmp1:
0xc8: {  	s0 =	sor.u32 $0x1C02, s0;
	s5 =	rddreg [dreg:$0x6];
	(pc) =	sbr.rel @p0 .LBB2_1-.Ltmp1, $4  }
0xc9: {  	[hbm:s5], [sflag:s0] =	dma.local [spmem:s7], $0x500  }
0xca: {  	_ =	swait.ge [sflag:s20], $0x500  }
0xcb: {  	[sflag:s20] =	ssyncset.done $0x0  }
0xcc: {  	[sflag:s20] =	ssyncadd.s32 $0xFFFFFB00  }
0xcd: {  	_ =	sfence.sel $0x180000  }
0xce: {  	[bflag:$0x0] =	sbarrier.arrive $0xFFFF  }
0xcf: {  	_ =	strace $0x90000047  }
0xd0: {  	s0 =	stileid.u32;
	[bflag:$0x2] =	sbarrier.arrive $0xFFFF  }
0xd1: {  	p0 =	sne.s32 s0, $0x0;
	s0 =	rddreg [dreg:$0x4]  }
0xd2: {  	s0 =	sadd.s32 @!p0 $0x100000, s0  }
0xd3: {  	[sflag:s0] =	ssyncadd.tile.s32 @!p0 $0x1;
	_ =	shalt  }
.Lfunc_end2:
_tile_overlayer_lowered:
.L_overlay_start_2:
0xd4: {  	(tag) =	ssettag $0x2  }
0xd5: {  	s0 =	rddreg [dreg:$0x0];
	s2 =	stileid.u32  }
0xd6: {  	s1 =	rddreg [dreg:$0x1];
	p0 =	sne.s32 s2, $0x0  }
0xd7: {  	s3 =	rddreg [dreg:$0x2];
	[bflag:$0x3] =	sbarrier.arrive $0xFFFF;
	s2 =	simm.s32 @!p0 $0x1C02  }
0xd8: {  	[timem:s3], [sflag:s2] =	dma.local @!p0 [hbm:s0], s1  }
0xd9: {  	s0 =	simm.s32 @!p0 $0x2  }
0xda: {  	_ =	swait.ge @!p0 [sflag:s0], s1  }
0xdb: {  	s1 =	ssub.s32 @!p0 $0x0, s1;
	[sflag:s0] =	ssyncset.done @!p0 $0x0  }
0xdc: {  	[sflag:s0] =	ssyncadd.s32 @!p0 s1  }
0xdd: {  	[bflag:$0x3] =	sbarrier.arrive $0xFFFF  }
0xde: {  	_ =	shalt  }

// kernel: kernel.13.cloned.1.call-start
scs
__scs_entry_jumppad:
0x0: {  	(pc) =	sbr.rel $0x88, $3  }
0x1: {  	(tag) =	ssettag $0x0;
	lr =	simm.s32 $0x1  }
0x2: {  	[smem:$0x3F8F] =	sst lr;
	_ =	strace $0xD0000000  }
0x3: {  	_ = 	snop  }
0x4: {  	_ = 	snop  }
0x5: {  	_ = 	snop  }
0x6: {  	_ = 	snop  }
0x7: {  	_ = 	snop  }
__scs_overlays_trampoline_lowered:
0x8: {  	[smem:$0x3F9E] =	sst s0  }
0x9: {  	[smem:$0x3F9F] =	sst s1  }
0xa: {  	[smem:$0x3FA0] =	sst s2  }
0xb: {  	[smem:$0x3FA1] =	sst s3  }
0xc: {  	[smem:$0x3FA2] =	sst s4  }
0xd: {  	[smem:$0x3FA3] =	sst s5  }
0xe: {  	[smem:$0x3FA4] =	sst s6  }
0xf: {  	[smem:$0x3FA5] =	sst s7  }
0x10: {  	[smem:$0x3FA6] =	sst s8  }
0x11: {  	[smem:$0x3FA7] =	sst s9;
	s0 =	simm.s32 @!p0 $0x0  }
0x12: {  	s1 =	sld [smem:$0x3F8D];
	s0 =	simm.s32 @p0 $0x1  }
0x13: {  	[smem:$0x3FA8] =	sst s0;
	s0 =	simm.s32 @!p1 $0x0  }
0x14: {  	s2 =	sld [smem:$0x3F8C];
	s0 =	simm.s32 @p1 $0x1  }
0x15: {  	[smem:$0x3FA9] =	sst s0;
	s0 =	simm.s32 @!p2 $0x0  }
0x16: {  	s3 =	sld [smem:$0x3FDB];
	s0 =	simm.s32 @p2 $0x1  }
0x17: {  	s4 =	simm.s32 $0x1BF5;
	[smem:$0x3FAB] =	sst s0  }
0x18: {  	s0 =	sld [smem:$0x3F8E];
	_ =	swait.ge [sflag:s4], $0x0  }
0x19: {  	s7 =	sld [smem:$0x3F8F]  }
0x1a: {  	s8 =	sadd.s32 $0xFFFFE003, lr  }
0x1b: {  	s9 =	sadd.s32 $0xFFFFFEF7, lr;
	s5 =	simm.s32 $0xFFFFFFFF;
	p2 =	slt.u32 s8, $0xFFFFF086  }
0x1c: {  	p1 =	slt.u32 s9, $0xF7A;
	s5 =	simm.s32 @!p2 $0x0  }
0x1d: {  	s5 =	simm.s32 @p1 $0x1;
	p0 =	seq.s32 s7, s2  }
0x1e: {  	s7 =	smul.u32 @!p0 $0xF7A, s2;
	p2 =	seq.s32 @!p0 s5, $0x0  }
0x1f: {  	s9 =	smul.u32 $0xF7A, s1;
	s8 =	simm.s32 @!p0 $0x1BF5;
	p2 =	por !p2, p0  }
0x20: {  	[sflag:s8] =	ssyncset.s32 @!p0 $0xFFFFF086;
	s6 =	sadd.s32 @!p0 s3, s7;
	s7 =	simm.s32 @!p0 $0x108  }
0x21: {  	s3 =	sadd.s32 s3, s9;
	s6 =	sadd.s32 @!p0 $0x88, s6;
	s7 =	simm.s32 @p2 $0x1082  }
0x22: {  	[simem:s7], [sflag:s8] =	dma.local @!p0 [hbm:s6], $0xF7A  }
0x23: {  	s9 =	sor.u32 $0xD0000000, s2;
	s6 =	simm.s32 $0x108;
	_ =	swait.ge @!p0 [sflag:s8], $0x0  }
0x24: {  	s3 =	sadd.s32 $0x88, s3;
	s6 =	simm.s32 @!p1 $0x1082;
	[sflag:s4] =	ssyncset.s32 $0xFFFFF086  }
0x25: {  	[simem:s6], [sflag:s4] =	dma.local [hbm:s3], $0xF7A  }
0x26: {  	[smem:$0x3F8F] =	sst s1;
	(tag) =	ssettag s2;
	_ =	strace s9  }
0x27: {  	s1 =	sld [smem:$0x3F9F]  }
0x28: {  	s2 =	sld [smem:$0x3FA0]  }
0x29: {  	s4 =	sld [smem:$0x3FA2]  }
0x2a: {  	p0 =	seq.s32 s5, $0x0;
	s5 =	sld [smem:$0x3FA3]  }
0x2b: {  	s6 =	sld [smem:$0x3FA4]  }
0x2c: {  	s7 =	sld [smem:$0x3FA5]  }
0x2d: {  	s3 =	simm.s32 $0x108;
	s8 =	sld [smem:$0x3FA6]  }
0x2e: {  	s3 =	simm.s32 @!p0 $0x1082;
	s9 =	sld [smem:$0x3FA7]  }
0x2f: {  	lr =	sadd.s32 s0, s3;
	s0 =	sld [smem:$0x3F9E]  }
0x30: {  	s3 =	sld [smem:$0x3FA1]  }
0x31: {  	[smem:$0x3FAA] =	sst s10  }
0x32: {  	s10 =	sld [smem:$0x3FA8];
	_ =	sdelay $0x3  }
0x33: {  	p0 =	seq.s32 s10, $0x1;
	s10 =	sld [smem:$0x3FAA];
	_ =	sdelay $0x3  }
0x34: {  	[smem:$0x3FAA] =	sst s10  }
0x35: {  	s10 =	sld [smem:$0x3FA9];
	_ =	sdelay $0x3  }
0x36: {  	p1 =	seq.s32 s10, $0x1;
	s10 =	sld [smem:$0x3FAA];
	_ =	sdelay $0x3  }
0x37: {  	[smem:$0x3FAA] =	sst s10  }
0x38: {  	s10 =	sld [smem:$0x3FAB]  }
0x39: {  	_ = 	snop;
	(pc) =	sbr.ind lr, $3  }
0x3a: {  	_ = 	snop  }
0x3b: {  	_ = 	snop  }
0x3c: {  	p2 =	seq.s32 s10, $0x1;
	s10 =	sld [smem:$0x3FAA]  }
0x3d: {  	_ =	shalt  }
0x3e: {  	_ =	shalt  }
0x3f: {  	_ =	shalt  }
0x40: {  	_ =	shalt  }
0x41: {  	_ =	shalt  }
0x42: {  	_ =	shalt  }
0x43: {  	_ =	shalt  }
0x44: {  	_ =	shalt  }
0x45: {  	_ =	shalt  }
0x46: {  	_ =	shalt  }
0x47: {  	_ =	shalt  }
0x48: {  	_ =	shalt  }
0x49: {  	_ =	shalt  }
0x4a: {  	_ =	shalt  }
0x4b: {  	_ =	shalt  }
0x4c: {  	_ =	shalt  }
0x4d: {  	_ =	shalt  }
0x4e: {  	_ =	shalt  }
0x4f: {  	_ =	shalt  }
0x50: {  	_ =	shalt  }
0x51: {  	_ =	shalt  }
0x52: {  	_ =	shalt  }
0x53: {  	_ =	shalt  }
0x54: {  	_ =	shalt  }
0x55: {  	_ =	shalt  }
0x56: {  	_ =	shalt  }
0x57: {  	_ =	shalt  }
0x58: {  	_ =	shalt  }
0x59: {  	_ =	shalt  }
0x5a: {  	_ =	shalt  }
0x5b: {  	_ =	shalt  }
0x5c: {  	_ =	shalt  }
0x5d: {  	_ =	shalt  }
0x5e: {  	_ =	shalt  }
0x5f: {  	_ =	shalt  }
0x60: {  	_ =	shalt  }
0x61: {  	_ =	shalt  }
0x62: {  	_ =	shalt  }
0x63: {  	_ =	shalt  }
0x64: {  	_ =	shalt  }
0x65: {  	_ =	shalt  }
0x66: {  	_ =	shalt  }
0x67: {  	_ =	shalt  }
0x68: {  	_ =	shalt  }
0x69: {  	_ =	shalt  }
0x6a: {  	_ =	shalt  }
0x6b: {  	_ =	shalt  }
0x6c: {  	_ =	shalt  }
0x6d: {  	_ =	shalt  }
0x6e: {  	_ =	shalt  }
0x6f: {  	_ =	shalt  }
0x70: {  	_ =	shalt  }
0x71: {  	_ =	shalt  }
0x72: {  	_ =	shalt  }
0x73: {  	_ =	shalt  }
0x74: {  	_ =	shalt  }
0x75: {  	_ =	shalt  }
0x76: {  	_ =	shalt  }
0x77: {  	_ =	shalt  }
0x78: {  	_ =	shalt  }
0x79: {  	_ =	shalt  }
0x7a: {  	_ =	shalt  }
0x7b: {  	_ =	shalt  }
0x7c: {  	_ =	shalt  }
0x7d: {  	_ =	shalt  }
0x7e: {  	_ =	shalt  }
0x7f: {  	_ =	shalt  }
0x80: {  	_ =	shalt  }
0x81: {  	_ =	shalt  }
0x82: {  	_ =	shalt  }
0x83: {  	_ =	shalt  }
0x84: {  	_ =	shalt  }
0x85: {  	_ =	shalt  }
0x86: {  	_ =	shalt  }
0x87: {  	_ =	shalt  }
.Lfunc_end0:
.L_simem_size_0:
called_computation.1_lowered:
.L_overlay_start_0:
0x88: {  	s2 =	sld [smem:$0x3FD9]  }
0x89: {  	s3 =	sld [smem:$0x3FFE];
	_ =	sdelay $0x1  }
0x8a: {  	s1 =	srdreg.scid  }
0x8b: {  	s0 =	sand.u32 $0x1, s1  }
0x8c: {  	s14 =	sshll.u32 s0, $0xA;
	s2 =	sadd.s32 s3, s2  }
0x8d: {  	s2 =	sadd.s32 s2, s14  }
0x8e: {  	[smem:$0x3FB6] =	sst s2  }
0x8f: {  	_ = 	snop  }
0x90: {  	s2 =	sld [smem:$0x3FD0];
	_ =	sdelay $0x2  }
0x91: {  	s15 =	simm.s32 $0xA;
	s4 =	simm.s32 $0x10  }
0x92: {  	[smem:s4], [sflag:s15] =	dma.local [hbm:s2], $0x1  }
0x93: {  	_ =	swait.eq [sflag:s15], $0x1  }
0x94: {  	[sflag:s15] =	ssyncset.done $0x0  }
0x95: {  	[sflag:s15] =	ssyncadd.s32 $0xFFFFFFFF  }
0x96: {  	s16 =	sld [smem:$0x10];
	(tm) =	ssettm $0x1  }
0x97: {  	s17 =	sld [smem:$0x3FFB];
	_ =	sdelay $0x3  }
0x98: {  	_ =	strace s17  }
0x99: {  	s3 =	sld [smem:$0x3FFC];
	_ =	sdelay $0x3  }
0x9a: {  	_ =	strace s3  }
0x9b: {  	s3 =	sld [smem:$0x3FFD];
	_ =	sdelay $0x3  }
0x9c: {  	_ =	strace s3  }
0x9d: {  	_ =	strace $0x8FFFFFFF  }
0x9e: {  	s18 =	sld [smem:$0x3FDB];
	_ =	sdelay $0x1  }
0x9f: {  	s19 =	simm.s32 $_scs_section_size  }
0xa0: {  	s5 =	simm.s32 $_size__tile_overlayer_lowered;
	s6 =	simm.s32 $_tile_overlayer_lowered  }
0xa1: {  	s22 =	simm.s32 $0x1BFF;
	s21 =	sshll.u32 s6, $0x1;
	s3 =	sadd.s32 s19, s18  }
0xa2: {  	s7 =	simm.s32 $0x0;
	s20 =	sshll.u32 s5, $0x1;
	s5 =	sadd.s32 s21, s3  }
0xa3: {  	[timem:s7], [sflag:s22] =	dma.local [hbm:s5], s20  }
0xa4: {  	_ =	swait.ge [sflag:s22], s20  }
0xa5: {  	s4 =	ssub.s32 $0x0, s20;
	[sflag:s22] =	ssyncset.done $0x0  }
0xa6: {  	[sflag:s22] =	ssyncadd.s32 s4;
	_ =	sdelay $0x1  }
0xa7: {  	s23 =	simm.s32 $0x1B8B  }
0xa8: {  	_ =	swait.ge [sflag:s23], $0x1  }
0xa9: {  	[sflag:s23] =	ssyncset.done $0x0  }
0xaa: {  	s25 =	simm.s32 $0x1B8E;
	s24 =	sld [smem:$0x3FFE];
	[sflag:s23] =	ssyncadd.s32 $0xFFFFFFFF  }
0xab: {  	s26 =	simm.s32 $execute0_lowered;
	[smem:$0x3FD2] =	sst s25  }
0xac: {  	s5 =	sshll.u32 s26, $0x1;
	_ =	strace $0x80000049;
	[dreg:$0x1] =	wrdreg $0xFFFFFFFF  }
0xad: {  	s28 =	simm.s32 $_size_execute0_lowered;
	s3 =	sadd.s32 s3, s5;
	[dreg:$0x0] =	wrdreg $0x0  }
0xae: {  	s5 =	sshll.u32 s28, $0x1;
	[dreg:$0x2] =	wrdreg s3  }
0xaf: {  	[dreg:$0x3] =	wrdreg s5  }
0xb0: {  	[dreg:$0x4] =	wrdreg $0xC0  }
0xb1: {  	_ =	task [dreg:s7], $0x5FFFF  }
0xb2: {  	[dreg:$0x1] =	wrdreg $0xFFFFFFFF  }
0xb3: {  	[dreg:$0x0] =	wrdreg $0x60  }
0xb4: {  	[dreg:$0x2] =	wrdreg s24  }
0xb5: {  	[dreg:$0x3] =	wrdreg s16  }
0xb6: {  	[dreg:$0x4] =	wrdreg $0x118000  }
0xb7: {  	[dreg:$0x5] =	wrdreg $0x168000  }
0xb8: {  	[dreg:$0x6] =	wrdreg $0x9  }
0xb9: {  	_ =	task.clear_ibuf [dreg:s7], $0x7FFFF;
	_ =	strace $0x90000049  }
0xba: {  	s29 =	simm.s32 $0x9;
	_ =	strace $0x8000004B  }
0xbb: {  	_ =	swait.ge [sflag:s29], $0x1  }
0xbc: {  	[sflag:s29] =	ssyncadd.s32 $0xFFFFFFFF  }
0xbd: {  	_ =	strace $0x9000004B  }
0xbe: {  	_ =	sfence  }
0xbf: {  	s30 =	sld [smem:$0x0];
	_ =	sdelay $0x2  }
0xc0: {  	s31 =	sshll.u32 s1, $0xD;
	s1 =	sshrl.u32 s1, $0x2  }
0xc1: {  	s3 =	sand.u32 $0x4000, s31;
	s1 =	sadd.s32 s1, s30  }
0xc2: {  	s0 =	sor.u32 s3, s0;
	s1 =	sshll.u32 s1, $0x11  }
0xc3: {  	s0 =	sor.u32 s1, s0  }
0xc4: {  	s0 =	sadd.s32 $0x8F2B, s0  }
0xc5: {  	[sflag:s0] =	ssyncadd.remote.s32 $0x1  }
0xc6: {  	_ =	sfence.sel $0xFFFF  }
0xc7: {  	[dreg:$0x0] =	wrdreg $0xFFFFFFFF;
	(pc) =	sbr.abs _section_cstart, $3  }
0xc8: {  	[dreg:$0x1] =	wrdreg $0xFFFFFFFF  }
0xc9: {  	_ =	task.clear_ibuf [dreg:s7], $0x2FFFF;
	_ =	strace $0x9FFFFFFF  }
0xca: {  	(tm) =	ssettm $0x7FFFFFFF  }
0xcb: {  	_ =	shalt  }
tec
execute0_lowered:
.L_overlay_start_1:
0x0: {  	(tag) =	ssettag $0x1  }
0x1: {  	s0 =	rddreg [dreg:$0x0]  }
0x2: {  	s5 =	rddreg [dreg:$0x1]  }
0x3: {  	s1 =	rddreg [dreg:$0x2]  }
0x4: {  	s3 =	rddreg [dreg:$0x3];
	s4 =	simm.s32 $0x0  }
0x5: {  	[smem:$0x7FF] =	sst s4;
	s10 =	sadd.s32 $0x22A00, s0  }
0x6: {  	s24 =	simm.s32 $0x100;
	_ =	strace $0x8000004A;
	[dreg:$0x1f] =	wrdreg s10  }
0x7: {  	s25 =	simm.s32 $0x200;
	[dreg:$0x6] =	wrdreg s24  }
0x8: {  	s12 =	stileid.u32;
	s26 =	simm.s32 $0x300;
	[dreg:$0x7] =	wrdreg s25  }
0x9: {  	s2 =	srdreg.scid;
	s15 =	simm.s32 $0x600;
	[dreg:$0x8] =	wrdreg s26  }
0xa: {  	s17 =	simm.s32 $0x700;
	s19 =	simm.s32 $0x800;
	[dreg:$0xb] =	wrdreg s15  }
0xb: {  	s21 =	simm.s32 $0x900;
	s6 =	smul.u32 $0xA00, s12;
	[dreg:$0xc] =	wrdreg s17  }
0xc: {  	s7 =	sand.u32 $0x1, s2;
	s11 =	smul.u32 $0x14000, s12;
	[dreg:$0xd] =	wrdreg s19  }
0xd: {  	s2 =	ssub.s32 $0x2, s7;
	[dreg:$0xe] =	wrdreg s21;
	s25 =	simm.s32 $0xB00  }
0xe: {  	p0 =	seq.s32 s7, $0x1;
	s15 =	simm.s32 $0xF00;
	[dreg:$0x10] =	wrdreg s25  }
0xf: {  	s7 =	smul.u32 $0xA000, s7;
	s17 =	simm.s32 $0x280;
	[dreg:$0x14] =	wrdreg s15  }
0x10: {  	s19 =	sshll.u32 s12, $0x6;
	s21 =	simm.s32 $0x580;
	[dreg:$0x16] =	wrdreg s17  }
0x11: {  	s8 =	sadd.s32 s6, s0;
	[dreg:$0x19] =	wrdreg s21;
	s25 =	simm.s32 $0x980  }
0x12: {  	s23 =	sshrl.u32 s2, $0x1;
	s19 =	sor.u32 $0x1C03, s19;
	[dreg:$0x1d] =	wrdreg s25  }
0x13: {  	s11 =	sshrl.u32 s11, $0x2;
	s8 =	sadd.s32 $0x4A00, s8;
	[smem:$0x7FD] =	sst s19  }
0x14: {  	s14 =	sadd.s32 s11, s3;
	s11 =	simm.s32 $0x500;
	[dreg:$0x5] =	wrdreg s8  }
0x15: {  	s10 =	ssub.s32 s2, s23;
	s23 =	simm.s32 $0xA00;
	[dreg:$0xa] =	wrdreg s11  }
0x16: {  	s6 =	sadd.s32 s6, s7;
	s7 =	simm.s32 $0xC00;
	[dreg:$0xf] =	wrdreg s23  }
0x17: {  	[dreg:$0x11] =	wrdreg s7  }
0x18: {  	s5 =	sadd.s32 s5, s6;
	[smem:$0x7FC] =	sst s14  }
0x19: {  	s10 =	smax.u32 s10, $0x1;
	[smem:$0x7EF] =	sst s5  }
0x1a: {  	s8 =	simm.s32 $0x400;
	[smem:$0x7F0] =	sst s10  }
0x1b: {  	s28 =	simm.s32 $0x4000;
	s13 =	sadd.s32 $0x800, s14;
	[dreg:$0x9] =	wrdreg s8  }
0x1c: {  	s29 =	simm.s32 $0x5000;
	s16 =	sadd.s32 $0x1000, s14;
	[smem:$0x7F1] =	sst s13  }
0x1d: {  	s30 =	simm.s32 $0x6000;
	s18 =	sadd.s32 $0x1800, s14;
	[smem:$0x7F2] =	sst s16  }
0x1e: {  	s31 =	simm.s32 $0x7000;
	s20 =	sadd.s32 $0x2000, s14;
	[smem:$0x7F3] =	sst s18  }
0x1f: {  	s9 =	smul.u32 $0x5000, s12;
	s22 =	sadd.s32 $0x2800, s14;
	[smem:$0x7F4] =	sst s20  }
0x20: {  	s12 =	simm.s32 $0x10000;
	s24 =	sadd.s32 $0x3000, s14;
	[smem:$0x7F5] =	sst s22  }
0x21: {  	s21 =	simm.s32 $0x3;
	s26 =	sadd.s32 $0x3800, s14;
	[smem:$0x7F6] =	sst s24  }
0x22: {  	s2 =	sadd.s32 s9, s1;
	s11 =	sadd.s32 $0x4800, s14;
	[smem:$0x7F7] =	sst s26  }
0x23: {  	s15 =	simm.s32 $0xC80;
	s2 =	sshrl.u32 s2, $0x3;
	[smem:$0x7F9] =	sst s11  }
0x24: {  	s17 =	simm.s32 $0xE80;
	s23 =	simm.s32 $0x780;
	[smem:$0x7FB] =	sst s2  }
0x25: {  	s9 =	sshrl.u32 s9, $0x3;
	s8 =	sadd.s32 $0x4000, s14;
	[dreg:$0x1b] =	wrdreg s23  }
0x26: {  	s25 =	simm.s32 $0x2000;
	s10 =	simm.s32 $0xD00;
	[smem:$0x7F8] =	sst s8  }
0x27: {  	s6 =	simm.s32 $0x18A00;
	s13 =	simm.s32 $0xE00;
	[dreg:$0x12] =	wrdreg s10  }
0x28: {  	s7 =	simm.s32 $0xB000;
	s16 =	simm.s32 $0x180;
	[dreg:$0x13] =	wrdreg s13  }
0x29: {  	s6 =	simm.s32 @!p0 $0xEA00;
	s18 =	simm.s32 $0x380;
	[dreg:$0x15] =	wrdreg s16  }
0x2a: {  	s20 =	simm.s32 $0x480;
	s22 =	simm.s32 $0x680;
	[dreg:$0x17] =	wrdreg s18  }
0x2b: {  	s24 =	simm.s32 $0x880;
	s23 =	simm.s32 $0x80;
	[dreg:$0x18] =	wrdreg s20  }
0x2c: {  	s26 =	simm.s32 $0xA80;
	s2 =	simm.s32 $0x9000;
	[dreg:$0x1a] =	wrdreg s22  }
0x2d: {  	s5 =	simm.s32 $0xA000;
	s11 =	simm.s32 $0xF000;
	[dreg:$0x1c] =	wrdreg s24  }
0x2e: {  	s0 =	sadd.s32 s6, s0;
	s24 =	simm.s32 $0x1000;
	[dreg:$0x1e] =	wrdreg s26  }
0x2f: {  	s26 =	simm.s32 $0x3000;
	s8 =	simm.s32 $0xC000;
	s10 =	simm.s32 $0xE000  }
0x30: {  	s13 =	simm.s32 $0x1;
	s16 =	simm.s32 $0xD80;
	s18 =	simm.s32 $0xF80  }
0x31: {  	s20 =	simm.s32 $0x2;
	s22 =	simm.s32 $0x0;
	s0 =	sadd.s32 s0, s9  }
0x32: {  	s9 =	simm.s32 $0xD000;
	[smem:$0x7FA] =	sst s0;
	s0 =	simm.s32 $0x8000  }
.LBB2_1:
0x33: {  	[smem:$0x7EE] =	sst s22  }
0x34: {  	s6 =	sld [smem:$0x7FA]  }
0x35: {  	s22 =	sld [smem:$0x7FB];
	_ =	sdelay $0x2  }
0x36: {  	[spmem:s22], [sflag:s19] =	dma.local [hbm:s6], $0xA00  }
0x37: {  	_ =	swait.ge [sflag:s21], $0xA00  }
0x38: {  	[sflag:s21] =	ssyncset.done $0x0  }
0x39: {  	s19 =	simm.s32 $0x11000;
	s22 =	rddreg [dreg:$0x1f];
	[sflag:s21] =	ssyncadd.s32 $0xFFFFF600  }
0x3a: {  	[tilespmem:s19], [sflag:$0x3] =	stream.linear.gather [hbm4b:s22+s4], $0x800, $0x38;
	[tilespmem:$0x1B800] =	vst v63  }
0x3b: {  	_ =	swait.ge [sflag:s21], $0x800  }
0x3c: {  	[sflag:s21] =	ssyncset.done $0x0  }
0x3d: {  	[sflag:s21] =	ssyncadd.s32 $0xFFFFF800  }
0x3e: {  	[spmem:s14] =	stream.linear.scatter [tilespmem:s19], [sflag:$0x3], $0x800, $0x38;
	[tilespmem:$0x1B800] =	vst v63  }
0x3f: {  	_ =	swait.ge [sflag:s21], $0x800  }
0x40: {  	s22 =	sld [smem:$0x7F1]  }
0x41: {  	[sflag:s21] =	ssyncset.done $0x0  }
0x42: {  	[sflag:s21] =	ssyncadd.s32 $0xFFFFF800  }
0x43: {  	[spmem:s22] =	stream.linear.scatter [tilespmem:s19], [sflag:$0x3], $0x800, $0x38;
	[tilespmem:$0x1B800] =	vst v63  }
0x44: {  	_ =	swait.ge [sflag:s21], $0x800  }
0x45: {  	s14 =	sld [smem:$0x7F2]  }
0x46: {  	[sflag:s21] =	ssyncset.done $0x0  }
0x47: {  	[sflag:s21] =	ssyncadd.s32 $0xFFFFF800  }
0x48: {  	[spmem:s14] =	stream.linear.scatter [tilespmem:s19], [sflag:$0x3], $0x800, $0x38;
	[tilespmem:$0x1B800] =	vst v63  }
0x49: {  	_ =	swait.ge [sflag:s21], $0x800  }
0x4a: {  	s22 =	sld [smem:$0x7F3]  }
0x4b: {  	[sflag:s21] =	ssyncset.done $0x0  }
0x4c: {  	[sflag:s21] =	ssyncadd.s32 $0xFFFFF800  }
0x4d: {  	[spmem:s22] =	stream.linear.scatter [tilespmem:s19], [sflag:$0x3], $0x800, $0x38;
	[tilespmem:$0x1B800] =	vst v63  }
0x4e: {  	_ =	swait.ge [sflag:s21], $0x800  }
0x4f: {  	s14 =	sld [smem:$0x7F4]  }
0x50: {  	[sflag:s21] =	ssyncset.done $0x0  }
0x51: {  	[sflag:s21] =	ssyncadd.s32 $0xFFFFF800  }
0x52: {  	[spmem:s14] =	stream.linear.scatter [tilespmem:s19], [sflag:$0x3], $0x800, $0x38;
	[tilespmem:$0x1B800] =	vst v63  }
0x53: {  	_ =	swait.ge [sflag:s21], $0x800  }
0x54: {  	s22 =	sld [smem:$0x7F5]  }
0x55: {  	[sflag:s21] =	ssyncset.done $0x0  }
0x56: {  	[sflag:s21] =	ssyncadd.s32 $0xFFFFF800  }
0x57: {  	[spmem:s22] =	stream.linear.scatter [tilespmem:s19], [sflag:$0x3], $0x800, $0x38;
	[tilespmem:$0x1B800] =	vst v63  }
0x58: {  	_ =	swait.ge [sflag:s21], $0x800  }
0x59: {  	s14 =	sld [smem:$0x7F6]  }
0x5a: {  	[sflag:s21] =	ssyncset.done $0x0  }
0x5b: {  	[sflag:s21] =	ssyncadd.s32 $0xFFFFF800  }
0x5c: {  	[spmem:s14] =	stream.linear.scatter [tilespmem:s19], [sflag:$0x3], $0x800, $0x38;
	[tilespmem:$0x1B800] =	vst v63  }
0x5d: {  	_ =	swait.ge [sflag:s21], $0x800  }
0x5e: {  	s22 =	sld [smem:$0x7F7]  }
0x5f: {  	[sflag:s21] =	ssyncset.done $0x0  }
0x60: {  	[sflag:s21] =	ssyncadd.s32 $0xFFFFF800  }
0x61: {  	[spmem:s22] =	stream.linear.scatter [tilespmem:s19], [sflag:$0x3], $0x800, $0x38;
	[tilespmem:$0x1B800] =	vst v63  }
0x62: {  	_ =	swait.ge [sflag:s21], $0x800  }
0x63: {  	s14 =	sld [smem:$0x7F8]  }
0x64: {  	[sflag:s21] =	ssyncset.done $0x0  }
0x65: {  	[sflag:s21] =	ssyncadd.s32 $0xFFFFF800  }
0x66: {  	[spmem:s14] =	stream.linear.scatter [tilespmem:s19], [sflag:$0x3], $0x800, $0x38;
	[tilespmem:$0x1B800] =	vst v63  }
0x67: {  	_ =	swait.ge [sflag:s21], $0x800  }
0x68: {  	s22 =	sld [smem:$0x7F9]  }
0x69: {  	[sflag:s21] =	ssyncset.done $0x0  }
0x6a: {  	[sflag:s21] =	ssyncadd.s32 $0xFFFFF800  }
0x6b: {  	[spmem:s22] =	stream.linear.scatter [tilespmem:s19], [sflag:$0x3], $0x800, $0x38;
	[tilespmem:$0x1B800] =	vst v63  }
0x6c: {  	_ =	swait.ge [sflag:s21], $0x800  }
0x6d: {  	[sflag:s21] =	ssyncset.done $0x0  }
0x6e: {  	[sflag:s21] =	ssyncadd.s32 $0xFFFFF800  }
0x6f: {  	[bflag:$0x0] =	sbarrier.arrive $0xFFFF  }
0x70: {  	s14 =	rddreg [dreg:$0x5]  }
0x71: {  	s6 =	sadd.s32 $0x0, s14  }
0x72: {  	[tilespmem:s4], [sflag:$0x3] =	stream.linear.gather [hbm4b:s6+s4], $0x1000, $0x38;
	[tilespmem:$0x1B800] =	vst v63  }
0x73: {  	_ =	swait.ge [sflag:s21], $0x1000  }
0x74: {  	[sflag:s21] =	ssyncset.done $0x0  }
0x75: {  	[sflag:s21] =	ssyncadd.s32 $0xFFFFF000  }
0x76: {  	[tilespmem:s24], [sflag:$0x1] =	stream.indirect.gather [spmem:s1], $0x20, s4, s23, $0xb8;
	[tilespmem:$0x1B800] =	vst v63  }
0x77: {  	s19 =	rddreg [dreg:$0x6]  }
0x78: {  	[tilespmem:s25], [sflag:$0x1] =	stream.indirect.gather [spmem:s1], $0x20, s19, s23, $0xb8;
	[tilespmem:$0x1B800] =	vst v63  }
0x79: {  	s22 =	rddreg [dreg:$0x7]  }
0x7a: {  	[tilespmem:s26], [sflag:$0x1] =	stream.indirect.gather [spmem:s1], $0x20, s22, s23, $0xb8;
	[tilespmem:$0x1B800] =	vst v63  }
0x7b: {  	s14 =	rddreg [dreg:$0x8]  }
0x7c: {  	[tilespmem:s28], [sflag:$0x1] =	stream.indirect.gather [spmem:s1], $0x20, s14, s23, $0xb8;
	[tilespmem:$0x1B800] =	vst v63  }
0x7d: {  	s22 =	rddreg [dreg:$0x9]  }
0x7e: {  	[tilespmem:s29], [sflag:$0x1] =	stream.indirect.gather [spmem:s1], $0x20, s22, s23, $0xb8;
	[tilespmem:$0x1B800] =	vst v63  }
0x7f: {  	s14 =	rddreg [dreg:$0xa]  }
0x80: {  	[tilespmem:s30], [sflag:$0x1] =	stream.indirect.gather [spmem:s1], $0x20, s14, s23, $0xb8;
	[tilespmem:$0x1B800] =	vst v63  }
0x81: {  	s22 =	rddreg [dreg:$0xb]  }
0x82: {  	[tilespmem:s31], [sflag:$0x1] =	stream.indirect.gather [spmem:s1], $0x20, s22, s23, $0xb8;
	[tilespmem:$0x1B800] =	vst v63  }
0x83: {  	s14 =	rddreg [dreg:$0xc]  }
0x84: {  	[tilespmem:s0], [sflag:$0x1] =	stream.indirect.gather [spmem:s1], $0x20, s14, s23, $0xb8;
	[tilespmem:$0x1B800] =	vst v63  }
0x85: {  	s22 =	rddreg [dreg:$0xd]  }
0x86: {  	[tilespmem:s2], [sflag:$0x1] =	stream.indirect.gather [spmem:s1], $0x20, s22, s23, $0xb8;
	[tilespmem:$0x1B800] =	vst v63  }
0x87: {  	s14 =	rddreg [dreg:$0xe]  }
0x88: {  	[tilespmem:s5], [sflag:$0x1] =	stream.indirect.gather [spmem:s1], $0x20, s14, s23, $0xb8;
	[tilespmem:$0x1B800] =	vst v63  }
0x89: {  	s22 =	rddreg [dreg:$0xf]  }
0x8a: {  	[tilespmem:s7], [sflag:$0x1] =	stream.indirect.gather [spmem:s1], $0x20, s22, s23, $0xb8;
	[tilespmem:$0x1B800] =	vst v63  }
0x8b: {  	s14 =	rddreg [dreg:$0x10]  }
0x8c: {  	[tilespmem:s8], [sflag:$0x1] =	stream.indirect.gather [spmem:s1], $0x20, s14, s23, $0xb8;
	[tilespmem:$0x1B800] =	vst v63  }
0x8d: {  	s22 =	rddreg [dreg:$0x11]  }
0x8e: {  	[tilespmem:s9], [sflag:$0x1] =	stream.indirect.gather [spmem:s1], $0x20, s22, s23, $0xb8;
	[tilespmem:$0x1B800] =	vst v63  }
0x8f: {  	s14 =	rddreg [dreg:$0x12]  }
0x90: {  	[tilespmem:s10], [sflag:$0x1] =	stream.indirect.gather [spmem:s1], $0x20, s14, s23, $0xb8;
	[tilespmem:$0x1B800] =	vst v63  }
0x91: {  	s22 =	rddreg [dreg:$0x13]  }
0x92: {  	[tilespmem:s11], [sflag:$0x1] =	stream.indirect.gather [spmem:s1], $0x20, s22, s23, $0xb8;
	[tilespmem:$0x1B800] =	vst v63  }
0x93: {  	s14 =	rddreg [dreg:$0x14]  }
0x94: {  	[tilespmem:s12], [sflag:$0x1] =	stream.indirect.gather [spmem:s1], $0x20, s14, s23, $0xb8;
	[tilespmem:$0x1B800] =	vst v63  }
0x95: {  	_ =	swait.ge [sflag:s13], $0x1000  }
0x96: {  	[sflag:s13] =	ssyncset.done $0x0  }
0x97: {  	[sflag:s13] =	ssyncadd.s32 $0xFFFFF000  }
0x98: {  	[spmem:s3] =	stream.indirect.scatter.add.f32 [tilespmem:s24], [sflag:$0x2], $0x20, s23, s23, $0xb8;
	[tilespmem:$0x1B800] =	vst v63  }
0x99: {  	_ =	swait.ge [sflag:s13], $0x1000  }
0x9a: {  	[sflag:s13] =	ssyncset.done $0x0  }
0x9b: {  	s19 =	rddreg [dreg:$0x15];
	[sflag:s13] =	ssyncadd.s32 $0xFFFFF000  }
0x9c: {  	[spmem:s3] =	stream.indirect.scatter.add.f32 [tilespmem:s25], [sflag:$0x2], $0x20, s19, s23, $0xb8;
	[tilespmem:$0x1B800] =	vst v63  }
0x9d: {  	_ =	swait.ge [sflag:s13], $0x1000  }
0x9e: {  	[sflag:s13] =	ssyncset.done $0x0  }
0x9f: {  	s22 =	rddreg [dreg:$0x16];
	[sflag:s13] =	ssyncadd.s32 $0xFFFFF000  }
0xa0: {  	[spmem:s3] =	stream.indirect.scatter.add.f32 [tilespmem:s26], [sflag:$0x2], $0x20, s22, s23, $0xb8;
	[tilespmem:$0x1B800] =	vst v63  }
0xa1: {  	_ =	swait.ge [sflag:s13], $0x1000  }
0xa2: {  	[sflag:s13] =	ssyncset.done $0x0  }
0xa3: {  	s14 =	rddreg [dreg:$0x17];
	[sflag:s13] =	ssyncadd.s32 $0xFFFFF000  }
0xa4: {  	[spmem:s3] =	stream.indirect.scatter.add.f32 [tilespmem:s28], [sflag:$0x2], $0x20, s14, s23, $0xb8;
	[tilespmem:$0x1B800] =	vst v63  }
0xa5: {  	_ =	swait.ge [sflag:s13], $0x1000  }
0xa6: {  	[sflag:s13] =	ssyncset.done $0x0  }
0xa7: {  	s19 =	rddreg [dreg:$0x18];
	[sflag:s13] =	ssyncadd.s32 $0xFFFFF000  }
0xa8: {  	[spmem:s3] =	stream.indirect.scatter.add.f32 [tilespmem:s29], [sflag:$0x2], $0x20, s19, s23, $0xb8;
	[tilespmem:$0x1B800] =	vst v63  }
0xa9: {  	_ =	swait.ge [sflag:s13], $0x1000  }
0xaa: {  	[sflag:s13] =	ssyncset.done $0x0  }
0xab: {  	s22 =	rddreg [dreg:$0x19];
	[sflag:s13] =	ssyncadd.s32 $0xFFFFF000  }
0xac: {  	[spmem:s3] =	stream.indirect.scatter.add.f32 [tilespmem:s30], [sflag:$0x2], $0x20, s22, s23, $0xb8;
	[tilespmem:$0x1B800] =	vst v63  }
0xad: {  	_ =	swait.ge [sflag:s13], $0x1000  }
0xae: {  	[sflag:s13] =	ssyncset.done $0x0  }
0xaf: {  	s14 =	rddreg [dreg:$0x1a];
	[sflag:s13] =	ssyncadd.s32 $0xFFFFF000  }
0xb0: {  	[spmem:s3] =	stream.indirect.scatter.add.f32 [tilespmem:s31], [sflag:$0x2], $0x20, s14, s23, $0xb8;
	[tilespmem:$0x1B800] =	vst v63  }
0xb1: {  	_ =	swait.ge [sflag:s13], $0x1000  }
0xb2: {  	[sflag:s13] =	ssyncset.done $0x0  }
0xb3: {  	s19 =	rddreg [dreg:$0x1b];
	[sflag:s13] =	ssyncadd.s32 $0xFFFFF000  }
0xb4: {  	[spmem:s3] =	stream.indirect.scatter.add.f32 [tilespmem:s0], [sflag:$0x2], $0x20, s19, s23, $0xb8;
	[tilespmem:$0x1B800] =	vst v63  }
0xb5: {  	_ =	swait.ge [sflag:s13], $0x1000  }
0xb6: {  	[sflag:s13] =	ssyncset.done $0x0  }
0xb7: {  	s22 =	rddreg [dreg:$0x1c];
	[sflag:s13] =	ssyncadd.s32 $0xFFFFF000  }
0xb8: {  	[spmem:s3] =	stream.indirect.scatter.add.f32 [tilespmem:s2], [sflag:$0x2], $0x20, s22, s23, $0xb8;
	[tilespmem:$0x1B800] =	vst v63  }
0xb9: {  	_ =	swait.ge [sflag:s13], $0x1000  }
0xba: {  	[sflag:s13] =	ssyncset.done $0x0  }
0xbb: {  	s14 =	rddreg [dreg:$0x1d];
	[sflag:s13] =	ssyncadd.s32 $0xFFFFF000  }
0xbc: {  	[spmem:s3] =	stream.indirect.scatter.add.f32 [tilespmem:s5], [sflag:$0x2], $0x20, s14, s23, $0xb8;
	[tilespmem:$0x1B800] =	vst v63  }
0xbd: {  	_ =	swait.ge [sflag:s13], $0x1000  }
0xbe: {  	[sflag:s13] =	ssyncset.done $0x0  }
0xbf: {  	s19 =	rddreg [dreg:$0x1e];
	[sflag:s13] =	ssyncadd.s32 $0xFFFFF000  }
0xc0: {  	[spmem:s3] =	stream.indirect.scatter.add.f32 [tilespmem:s7], [sflag:$0x2], $0x20, s19, s23, $0xb8;
	[tilespmem:$0x1B800] =	vst v63  }
0xc1: {  	_ =	swait.ge [sflag:s13], $0x1000  }
0xc2: {  	[sflag:s13] =	ssyncset.done $0x0  }
0xc3: {  	s22 =	simm.s32 $0xB80;
	[sflag:s13] =	ssyncadd.s32 $0xFFFFF000  }
0xc4: {  	[spmem:s3] =	stream.indirect.scatter.add.f32 [tilespmem:s8], [sflag:$0x2], $0x20, s22, s23, $0xb8;
	[tilespmem:$0x1B800] =	vst v63  }
0xc5: {  	_ =	swait.ge [sflag:s13], $0x1000  }
0xc6: {  	[sflag:s13] =	ssyncset.done $0x0  }
0xc7: {  	[sflag:s13] =	ssyncadd.s32 $0xFFFFF000  }
0xc8: {  	[spmem:s3] =	stream.indirect.scatter.add.f32 [tilespmem:s9], [sflag:$0x2], $0x20, s15, s23, $0xb8;
	[tilespmem:$0x1B800] =	vst v63  }
0xc9: {  	_ =	swait.ge [sflag:s13], $0x1000  }
0xca: {  	[sflag:s13] =	ssyncset.done $0x0  }
0xcb: {  	[sflag:s13] =	ssyncadd.s32 $0xFFFFF000  }
0xcc: {  	[spmem:s3] =	stream.indirect.scatter.add.f32 [tilespmem:s10], [sflag:$0x2], $0x20, s16, s23, $0xb8;
	[tilespmem:$0x1B800] =	vst v63  }
0xcd: {  	_ =	swait.ge [sflag:s13], $0x1000  }
0xce: {  	[sflag:s13] =	ssyncset.done $0x0  }
0xcf: {  	[sflag:s13] =	ssyncadd.s32 $0xFFFFF000  }
0xd0: {  	[spmem:s3] =	stream.indirect.scatter.add.f32 [tilespmem:s11], [sflag:$0x2], $0x20, s17, s23, $0xb8;
	[tilespmem:$0x1B800] =	vst v63  }
0xd1: {  	_ =	swait.ge [sflag:s13], $0x1000  }
0xd2: {  	[sflag:s13] =	ssyncset.done $0x0  }
0xd3: {  	[sflag:s13] =	ssyncadd.s32 $0xFFFFF000  }
0xd4: {  	[spmem:s3] =	stream.indirect.scatter.add.f32 [tilespmem:s12], [sflag:$0x2], $0x20, s18, s23, $0xb8;
	[tilespmem:$0x1B800] =	vst v63  }
0xd5: {  	_ =	swait.ge [sflag:s20], $0x1000  }
0xd6: {  	[sflag:s20] =	ssyncset.done $0x0  }
0xd7: {  	[sflag:s20] =	ssyncadd.s32 $0xFFFFF000  }
0xd8: {  	_ =	swait.ge [sflag:s20], $0x1000  }
0xd9: {  	[sflag:s20] =	ssyncset.done $0x0  }
0xda: {  	[sflag:s20] =	ssyncadd.s32 $0xFFFFF000  }
0xdb: {  	_ =	swait.ge [sflag:s20], $0x1000  }
0xdc: {  	[sflag:s20] =	ssyncset.done $0x0  }
0xdd: {  	[sflag:s20] =	ssyncadd.s32 $0xFFFFF000  }
0xde: {  	_ =	swait.ge [sflag:s20], $0x1000  }
0xdf: {  	[sflag:s20] =	ssyncset.done $0x0  }
0xe0: {  	[sflag:s20] =	ssyncadd.s32 $0xFFFFF000  }
0xe1: {  	_ =	swait.ge [sflag:s20], $0x1000  }
0xe2: {  	[sflag:s20] =	ssyncset.done $0x0  }
0xe3: {  	[sflag:s20] =	ssyncadd.s32 $0xFFFFF000  }
0xe4: {  	_ =	swait.ge [sflag:s20], $0x1000  }
0xe5: {  	[sflag:s20] =	ssyncset.done $0x0  }
0xe6: {  	[sflag:s20] =	ssyncadd.s32 $0xFFFFF000  }
0xe7: {  	_ =	swait.ge [sflag:s20], $0x1000  }
0xe8: {  	[sflag:s20] =	ssyncset.done $0x0  }
0xe9: {  	[sflag:s20] =	ssyncadd.s32 $0xFFFFF000  }
0xea: {  	_ =	swait.ge [sflag:s20], $0x1000  }
0xeb: {  	[sflag:s20] =	ssyncset.done $0x0  }
0xec: {  	[sflag:s20] =	ssyncadd.s32 $0xFFFFF000  }
0xed: {  	_ =	swait.ge [sflag:s20], $0x1000  }
0xee: {  	[sflag:s20] =	ssyncset.done $0x0  }
0xef: {  	[sflag:s20] =	ssyncadd.s32 $0xFFFFF000  }
0xf0: {  	_ =	swait.ge [sflag:s20], $0x1000  }
0xf1: {  	[sflag:s20] =	ssyncset.done $0x0  }
0xf2: {  	[sflag:s20] =	ssyncadd.s32 $0xFFFFF000  }
0xf3: {  	_ =	swait.ge [sflag:s20], $0x1000  }
0xf4: {  	[sflag:s20] =	ssyncset.done $0x0  }
0xf5: {  	[sflag:s20] =	ssyncadd.s32 $0xFFFFF000  }
0xf6: {  	_ =	swait.ge [sflag:s20], $0x1000  }
0xf7: {  	[sflag:s20] =	ssyncset.done $0x0  }
0xf8: {  	[sflag:s20] =	ssyncadd.s32 $0xFFFFF000  }
0xf9: {  	_ =	swait.ge [sflag:s20], $0x1000  }
0xfa: {  	[sflag:s20] =	ssyncset.done $0x0  }
0xfb: {  	[sflag:s20] =	ssyncadd.s32 $0xFFFFF000  }
0xfc: {  	_ =	swait.ge [sflag:s20], $0x1000  }
0xfd: {  	[sflag:s20] =	ssyncset.done $0x0  }
0xfe: {  	[sflag:s20] =	ssyncadd.s32 $0xFFFFF000  }
0xff: {  	_ =	swait.ge [sflag:s20], $0x1000  }
0x100: {  	[sflag:s20] =	ssyncset.done $0x0  }
0x101: {  	[sflag:s20] =	ssyncadd.s32 $0xFFFFF000  }
0x102: {  	s6 =	simm.s32 $0x200;
	_ =	swait.ge [sflag:s20], $0x1000  }
0x103: {  	s22 =	simm.s32 $0x400;
	s19 =	rddreg [dreg:$0x5];
	[sflag:s20] =	ssyncset.done $0x0  }
.LBB2_2:
0x104: {  	[sflag:s20] =	ssyncadd.s32 $0xFFFFF000;
	s19 =	sadd.s32 s6, s19  }
0x105: {  	[tilespmem:s4], [sflag:$0x3] =	stream.linear.gather [hbm4b:s19+s4], $0x1000, $0x38;
	[tilespmem:$0x1B800] =	vst v63  }
0x106: {  	_ =	swait.ge [sflag:s21], $0x1000  }
0x107: {  	[sflag:s21] =	ssyncset.done $0x0  }
0x108: {  	s14 =	smov.u32 s22;
	[sflag:s21] =	ssyncadd.s32 $0xFFFFF000  }
0x109: {  	[tilespmem:s24], [sflag:$0x1] =	stream.indirect.gather [spmem:s1], $0x20, s4, s23, $0xb8;
	[tilespmem:$0x1B800] =	vst v63  }
0x10a: {  	s6 =	smov.u32 s14;
	s14 =	rddreg [dreg:$0x6]  }
0x10b: {  	[tilespmem:s25], [sflag:$0x1] =	stream.indirect.gather [spmem:s1], $0x20, s14, s23, $0xb8;
	[tilespmem:$0x1B800] =	vst v63  }
0x10c: {  	s19 =	rddreg [dreg:$0x7]  }
0x10d: {  	[tilespmem:s26], [sflag:$0x1] =	stream.indirect.gather [spmem:s1], $0x20, s19, s23, $0xb8;
	[tilespmem:$0x1B800] =	vst v63  }
0x10e: {  	s14 =	rddreg [dreg:$0x8]  }
0x10f: {  	[tilespmem:s28], [sflag:$0x1] =	stream.indirect.gather [spmem:s1], $0x20, s14, s23, $0xb8;
	[tilespmem:$0x1B800] =	vst v63  }
0x110: {  	s19 =	rddreg [dreg:$0x9]  }
0x111: {  	[tilespmem:s29], [sflag:$0x1] =	stream.indirect.gather [spmem:s1], $0x20, s19, s23, $0xb8;
	[tilespmem:$0x1B800] =	vst v63  }
0x112: {  	s14 =	rddreg [dreg:$0xa]  }
0x113: {  	[tilespmem:s30], [sflag:$0x1] =	stream.indirect.gather [spmem:s1], $0x20, s14, s23, $0xb8;
	[tilespmem:$0x1B800] =	vst v63  }
0x114: {  	s19 =	rddreg [dreg:$0xb]  }
0x115: {  	[tilespmem:s31], [sflag:$0x1] =	stream.indirect.gather [spmem:s1], $0x20, s19, s23, $0xb8;
	[tilespmem:$0x1B800] =	vst v63  }
0x116: {  	s14 =	rddreg [dreg:$0xc]  }
0x117: {  	[tilespmem:s0], [sflag:$0x1] =	stream.indirect.gather [spmem:s1], $0x20, s14, s23, $0xb8;
	[tilespmem:$0x1B800] =	vst v63  }
0x118: {  	s19 =	rddreg [dreg:$0xd]  }
0x119: {  	[tilespmem:s2], [sflag:$0x1] =	stream.indirect.gather [spmem:s1], $0x20, s19, s23, $0xb8;
	[tilespmem:$0x1B800] =	vst v63  }
0x11a: {  	s14 =	rddreg [dreg:$0xe]  }
0x11b: {  	[tilespmem:s5], [sflag:$0x1] =	stream.indirect.gather [spmem:s1], $0x20, s14, s23, $0xb8;
	[tilespmem:$0x1B800] =	vst v63  }
0x11c: {  	s19 =	rddreg [dreg:$0xf]  }
0x11d: {  	[tilespmem:s7], [sflag:$0x1] =	stream.indirect.gather [spmem:s1], $0x20, s19, s23, $0xb8;
	[tilespmem:$0x1B800] =	vst v63  }
0x11e: {  	s14 =	rddreg [dreg:$0x10]  }
0x11f: {  	[tilespmem:s8], [sflag:$0x1] =	stream.indirect.gather [spmem:s1], $0x20, s14, s23, $0xb8;
	[tilespmem:$0x1B800] =	vst v63  }
0x120: {  	s19 =	rddreg [dreg:$0x11]  }
0x121: {  	[tilespmem:s9], [sflag:$0x1] =	stream.indirect.gather [spmem:s1], $0x20, s19, s23, $0xb8;
	[tilespmem:$0x1B800] =	vst v63  }
0x122: {  	s14 =	rddreg [dreg:$0x12]  }
0x123: {  	[tilespmem:s10], [sflag:$0x1] =	stream.indirect.gather [spmem:s1], $0x20, s14, s23, $0xb8;
	[tilespmem:$0x1B800] =	vst v63  }
0x124: {  	s19 =	rddreg [dreg:$0x13]  }
0x125: {  	[tilespmem:s11], [sflag:$0x1] =	stream.indirect.gather [spmem:s1], $0x20, s19, s23, $0xb8;
	[tilespmem:$0x1B800] =	vst v63  }
0x126: {  	s14 =	rddreg [dreg:$0x14]  }
0x127: {  	[tilespmem:s12], [sflag:$0x1] =	stream.indirect.gather [spmem:s1], $0x20, s14, s23, $0xb8;
	[tilespmem:$0x1B800] =	vst v63  }
0x128: {  	_ =	swait.ge [sflag:s13], $0x1000  }
0x129: {  	[sflag:s13] =	ssyncset.done $0x0  }
0x12a: {  	[sflag:s13] =	ssyncadd.s32 $0xFFFFF000  }
0x12b: {  	[spmem:s3] =	stream.indirect.scatter.add.f32 [tilespmem:s24], [sflag:$0x2], $0x20, s23, s23, $0xb8;
	[tilespmem:$0x1B800] =	vst v63  }
0x12c: {  	_ =	swait.ge [sflag:s13], $0x1000  }
0x12d: {  	[sflag:s13] =	ssyncset.done $0x0  }
0x12e: {  	s19 =	rddreg [dreg:$0x15];
	[sflag:s13] =	ssyncadd.s32 $0xFFFFF000  }
0x12f: {  	[spmem:s3] =	stream.indirect.scatter.add.f32 [tilespmem:s25], [sflag:$0x2], $0x20, s19, s23, $0xb8;
	[tilespmem:$0x1B800] =	vst v63  }
0x130: {  	_ =	swait.ge [sflag:s13], $0x1000  }
0x131: {  	[sflag:s13] =	ssyncset.done $0x0  }
0x132: {  	s19 =	rddreg [dreg:$0x16];
	[sflag:s13] =	ssyncadd.s32 $0xFFFFF000  }
0x133: {  	[spmem:s3] =	stream.indirect.scatter.add.f32 [tilespmem:s26], [sflag:$0x2], $0x20, s19, s23, $0xb8;
	[tilespmem:$0x1B800] =	vst v63  }
0x134: {  	_ =	swait.ge [sflag:s13], $0x1000  }
0x135: {  	[sflag:s13] =	ssyncset.done $0x0  }
0x136: {  	s19 =	rddreg [dreg:$0x17];
	[sflag:s13] =	ssyncadd.s32 $0xFFFFF000  }
0x137: {  	[spmem:s3] =	stream.indirect.scatter.add.f32 [tilespmem:s28], [sflag:$0x2], $0x20, s19, s23, $0xb8;
	[tilespmem:$0x1B800] =	vst v63  }
0x138: {  	_ =	swait.ge [sflag:s13], $0x1000  }
0x139: {  	[sflag:s13] =	ssyncset.done $0x0  }
0x13a: {  	s19 =	rddreg [dreg:$0x18];
	[sflag:s13] =	ssyncadd.s32 $0xFFFFF000  }
0x13b: {  	[spmem:s3] =	stream.indirect.scatter.add.f32 [tilespmem:s29], [sflag:$0x2], $0x20, s19, s23, $0xb8;
	[tilespmem:$0x1B800] =	vst v63  }
0x13c: {  	_ =	swait.ge [sflag:s13], $0x1000  }
0x13d: {  	[sflag:s13] =	ssyncset.done $0x0  }
0x13e: {  	s19 =	rddreg [dreg:$0x19];
	[sflag:s13] =	ssyncadd.s32 $0xFFFFF000  }
0x13f: {  	[spmem:s3] =	stream.indirect.scatter.add.f32 [tilespmem:s30], [sflag:$0x2], $0x20, s19, s23, $0xb8;
	[tilespmem:$0x1B800] =	vst v63  }
0x140: {  	_ =	swait.ge [sflag:s13], $0x1000  }
0x141: {  	[sflag:s13] =	ssyncset.done $0x0  }
0x142: {  	s19 =	rddreg [dreg:$0x1a];
	[sflag:s13] =	ssyncadd.s32 $0xFFFFF000  }
0x143: {  	[spmem:s3] =	stream.indirect.scatter.add.f32 [tilespmem:s31], [sflag:$0x2], $0x20, s19, s23, $0xb8;
	[tilespmem:$0x1B800] =	vst v63  }
0x144: {  	_ =	swait.ge [sflag:s13], $0x1000  }
0x145: {  	[sflag:s13] =	ssyncset.done $0x0  }
0x146: {  	s19 =	rddreg [dreg:$0x1b];
	[sflag:s13] =	ssyncadd.s32 $0xFFFFF000  }
0x147: {  	[spmem:s3] =	stream.indirect.scatter.add.f32 [tilespmem:s0], [sflag:$0x2], $0x20, s19, s23, $0xb8;
	[tilespmem:$0x1B800] =	vst v63  }
0x148: {  	_ =	swait.ge [sflag:s13], $0x1000  }
0x149: {  	[sflag:s13] =	ssyncset.done $0x0  }
0x14a: {  	s19 =	rddreg [dreg:$0x1c];
	[sflag:s13] =	ssyncadd.s32 $0xFFFFF000  }
0x14b: {  	[spmem:s3] =	stream.indirect.scatter.add.f32 [tilespmem:s2], [sflag:$0x2], $0x20, s19, s23, $0xb8;
	[tilespmem:$0x1B800] =	vst v63  }
0x14c: {  	_ =	swait.ge [sflag:s13], $0x1000  }
0x14d: {  	[sflag:s13] =	ssyncset.done $0x0  }
0x14e: {  	s19 =	rddreg [dreg:$0x1d];
	[sflag:s13] =	ssyncadd.s32 $0xFFFFF000  }
0x14f: {  	[spmem:s3] =	stream.indirect.scatter.add.f32 [tilespmem:s5], [sflag:$0x2], $0x20, s19, s23, $0xb8;
	[tilespmem:$0x1B800] =	vst v63  }
0x150: {  	_ =	swait.ge [sflag:s13], $0x1000  }
0x151: {  	[sflag:s13] =	ssyncset.done $0x0  }
0x152: {  	s19 =	rddreg [dreg:$0x1e];
	[sflag:s13] =	ssyncadd.s32 $0xFFFFF000  }
0x153: {  	[spmem:s3] =	stream.indirect.scatter.add.f32 [tilespmem:s7], [sflag:$0x2], $0x20, s19, s23, $0xb8;
	[tilespmem:$0x1B800] =	vst v63  }
0x154: {  	_ =	swait.ge [sflag:s13], $0x1000  }
0x155: {  	[sflag:s13] =	ssyncset.done $0x0  }
0x156: {  	s19 =	simm.s32 $0xB80;
	[sflag:s13] =	ssyncadd.s32 $0xFFFFF000  }
0x157: {  	[spmem:s3] =	stream.indirect.scatter.add.f32 [tilespmem:s8], [sflag:$0x2], $0x20, s19, s23, $0xb8;
	[tilespmem:$0x1B800] =	vst v63  }
0x158: {  	_ =	swait.ge [sflag:s13], $0x1000  }
0x159: {  	[sflag:s13] =	ssyncset.done $0x0  }
0x15a: {  	[sflag:s13] =	ssyncadd.s32 $0xFFFFF000  }
0x15b: {  	[spmem:s3] =	stream.indirect.scatter.add.f32 [tilespmem:s9], [sflag:$0x2], $0x20, s15, s23, $0xb8;
	[tilespmem:$0x1B800] =	vst v63  }
0x15c: {  	_ =	swait.ge [sflag:s13], $0x1000  }
0x15d: {  	[sflag:s13] =	ssyncset.done $0x0  }
0x15e: {  	[sflag:s13] =	ssyncadd.s32 $0xFFFFF000  }
0x15f: {  	[spmem:s3] =	stream.indirect.scatter.add.f32 [tilespmem:s10], [sflag:$0x2], $0x20, s16, s23, $0xb8;
	[tilespmem:$0x1B800] =	vst v63  }
0x160: {  	_ =	swait.ge [sflag:s13], $0x1000  }
0x161: {  	[sflag:s13] =	ssyncset.done $0x0  }
0x162: {  	[sflag:s13] =	ssyncadd.s32 $0xFFFFF000  }
0x163: {  	[spmem:s3] =	stream.indirect.scatter.add.f32 [tilespmem:s11], [sflag:$0x2], $0x20, s17, s23, $0xb8;
	[tilespmem:$0x1B800] =	vst v63  }
0x164: {  	_ =	swait.ge [sflag:s13], $0x1000  }
0x165: {  	[sflag:s13] =	ssyncset.done $0x0  }
0x166: {  	[sflag:s13] =	ssyncadd.s32 $0xFFFFF000  }
0x167: {  	[spmem:s3] =	stream.indirect.scatter.add.f32 [tilespmem:s12], [sflag:$0x2], $0x20, s18, s23, $0xb8;
	[tilespmem:$0x1B800] =	vst v63  }
0x168: {  	_ =	swait.ge [sflag:s20], $0x1000  }
0x169: {  	[sflag:s20] =	ssyncset.done $0x0  }
0x16a: {  	[sflag:s20] =	ssyncadd.s32 $0xFFFFF000  }
0x16b: {  	_ =	swait.ge [sflag:s20], $0x1000  }
0x16c: {  	[sflag:s20] =	ssyncset.done $0x0  }
0x16d: {  	[sflag:s20] =	ssyncadd.s32 $0xFFFFF000  }
0x16e: {  	_ =	swait.ge [sflag:s20], $0x1000  }
0x16f: {  	[sflag:s20] =	ssyncset.done $0x0  }
0x170: {  	[sflag:s20] =	ssyncadd.s32 $0xFFFFF000  }
0x171: {  	_ =	swait.ge [sflag:s20], $0x1000  }
0x172: {  	[sflag:s20] =	ssyncset.done $0x0  }
0x173: {  	[sflag:s20] =	ssyncadd.s32 $0xFFFFF000  }
0x174: {  	_ =	swait.ge [sflag:s20], $0x1000  }
0x175: {  	[sflag:s20] =	ssyncset.done $0x0  }
0x176: {  	[sflag:s20] =	ssyncadd.s32 $0xFFFFF000  }
0x177: {  	_ =	swait.ge [sflag:s20], $0x1000  }
0x178: {  	[sflag:s20] =	ssyncset.done $0x0  }
0x179: {  	[sflag:s20] =	ssyncadd.s32 $0xFFFFF000  }
0x17a: {  	_ =	swait.ge [sflag:s20], $0x1000  }
0x17b: {  	[sflag:s20] =	ssyncset.done $0x0  }
0x17c: {  	[sflag:s20] =	ssyncadd.s32 $0xFFFFF000  }
0x17d: {  	_ =	swait.ge [sflag:s20], $0x1000  }
0x17e: {  	[sflag:s20] =	ssyncset.done $0x0  }
0x17f: {  	[sflag:s20] =	ssyncadd.s32 $0xFFFFF000  }
0x180: {  	_ =	swait.ge [sflag:s20], $0x1000  }
0x181: {  	[sflag:s20] =	ssyncset.done $0x0  }
0x182: {  	[sflag:s20] =	ssyncadd.s32 $0xFFFFF000  }
0x183: {  	_ =	swait.ge [sflag:s20], $0x1000  }
0x184: {  	[sflag:s20] =	ssyncset.done $0x0  }
0x185: {  	[sflag:s20] =	ssyncadd.s32 $0xFFFFF000  }
0x186: {  	_ =	swait.ge [sflag:s20], $0x1000  }
0x187: {  	[sflag:s20] =	ssyncset.done $0x0  }
0x188: {  	[sflag:s20] =	ssyncadd.s32 $0xFFFFF000  }
0x189: {  	_ =	swait.ge [sflag:s20], $0x1000  }
0x18a: {  	[sflag:s20] =	ssyncset.done $0x0  }
0x18b: {  	[sflag:s20] =	ssyncadd.s32 $0xFFFFF000  }
0x18c: {  	_ =	swait.ge [sflag:s20], $0x1000  }
0x18d: {  	[sflag:s20] =	ssyncset.done $0x0  }
0x18e: {  	[sflag:s20] =	ssyncadd.s32 $0xFFFFF000  }
0x18f: {  	_ =	swait.ge [sflag:s20], $0x1000  }
0x190: {  	[sflag:s20] =	ssyncset.done $0x0  }
0x191: {  	p0 =	sne.s32 s22, $0x800;
	[sflag:s20] =	ssyncadd.s32 $0xFFFFF000  }
.Ltmp0:
0x192: {  	_ =	swait.ge [sflag:s20], $0x1000;
	(pc) =	sbr.rel @p0 .LBB2_2-.Ltmp0, $4  }
0x193: {  	[sflag:s20] =	ssyncset.done $0x0  }
0x194: {  	[sflag:s20] =	ssyncadd.s32 $0xFFFFF000  }
0x195: {  	_ =	swait.ge [sflag:s20], $0x1000  }
0x196: {  	s22 =	sadd.s32 $0x200, s22;
	s19 =	rddreg [dreg:$0x5];
	[sflag:s20] =	ssyncset.done $0x0  }
0x197: {  	[sflag:s20] =	ssyncadd.s32 $0xFFFFF000;
	s6 =	sadd.s32 s6, s19  }
0x198: {  	[tilespmem:s4], [sflag:$0x3] =	stream.linear.gather [hbm4b:s6+s4], $0x1000, $0x38;
	[tilespmem:$0x1B800] =	vst v63  }
0x199: {  	_ =	swait.ge [sflag:s21], $0x1000  }
0x19a: {  	[sflag:s21] =	ssyncset.done $0x0  }
0x19b: {  	[sflag:s21] =	ssyncadd.s32 $0xFFFFF000  }
0x19c: {  	[tilespmem:s24], [sflag:$0x1] =	stream.indirect.gather [spmem:s1], $0x20, s4, s23, $0xb8;
	[tilespmem:$0x1B800] =	vst v63  }
0x19d: {  	s19 =	rddreg [dreg:$0x6]  }
0x19e: {  	[tilespmem:s25], [sflag:$0x1] =	stream.indirect.gather [spmem:s1], $0x20, s19, s23, $0xb8;
	[tilespmem:$0x1B800] =	vst v63  }
0x19f: {  	s14 =	rddreg [dreg:$0x7]  }
0x1a0: {  	[tilespmem:s26], [sflag:$0x1] =	stream.indirect.gather [spmem:s1], $0x20, s14, s23, $0xb8;
	[tilespmem:$0x1B800] =	vst v63  }
0x1a1: {  	s22 =	rddreg [dreg:$0x8]  }
0x1a2: {  	[tilespmem:s28], [sflag:$0x1] =	stream.indirect.gather [spmem:s1], $0x20, s22, s23, $0xb8;
	[tilespmem:$0x1B800] =	vst v63  }
0x1a3: {  	s19 =	rddreg [dreg:$0x9]  }
0x1a4: {  	[tilespmem:s29], [sflag:$0x1] =	stream.indirect.gather [spmem:s1], $0x20, s19, s23, $0xb8;
	[tilespmem:$0x1B800] =	vst v63  }
0x1a5: {  	s22 =	rddreg [dreg:$0xa]  }
0x1a6: {  	[tilespmem:s30], [sflag:$0x1] =	stream.indirect.gather [spmem:s1], $0x20, s22, s23, $0xb8;
	[tilespmem:$0x1B800] =	vst v63  }
0x1a7: {  	s19 =	rddreg [dreg:$0xb]  }
0x1a8: {  	[tilespmem:s31], [sflag:$0x1] =	stream.indirect.gather [spmem:s1], $0x20, s19, s23, $0xb8;
	[tilespmem:$0x1B800] =	vst v63  }
0x1a9: {  	s22 =	rddreg [dreg:$0xc]  }
0x1aa: {  	[tilespmem:s0], [sflag:$0x1] =	stream.indirect.gather [spmem:s1], $0x20, s22, s23, $0xb8;
	[tilespmem:$0x1B800] =	vst v63  }
0x1ab: {  	s19 =	rddreg [dreg:$0xd]  }
0x1ac: {  	[tilespmem:s2], [sflag:$0x1] =	stream.indirect.gather [spmem:s1], $0x20, s19, s23, $0xb8;
	[tilespmem:$0x1B800] =	vst v63  }
0x1ad: {  	s22 =	rddreg [dreg:$0xe]  }
0x1ae: {  	[tilespmem:s5], [sflag:$0x1] =	stream.indirect.gather [spmem:s1], $0x20, s22, s23, $0xb8;
	[tilespmem:$0x1B800] =	vst v63  }
0x1af: {  	s19 =	rddreg [dreg:$0xf]  }
0x1b0: {  	[tilespmem:s7], [sflag:$0x1] =	stream.indirect.gather [spmem:s1], $0x20, s19, s23, $0xb8;
	[tilespmem:$0x1B800] =	vst v63  }
0x1b1: {  	s22 =	rddreg [dreg:$0x10]  }
0x1b2: {  	[tilespmem:s8], [sflag:$0x1] =	stream.indirect.gather [spmem:s1], $0x20, s22, s23, $0xb8;
	[tilespmem:$0x1B800] =	vst v63  }
0x1b3: {  	s19 =	rddreg [dreg:$0x11]  }
0x1b4: {  	[tilespmem:s9], [sflag:$0x1] =	stream.indirect.gather [spmem:s1], $0x20, s19, s23, $0xb8;
	[tilespmem:$0x1B800] =	vst v63  }
0x1b5: {  	s22 =	rddreg [dreg:$0x12]  }
0x1b6: {  	[tilespmem:s10], [sflag:$0x1] =	stream.indirect.gather [spmem:s1], $0x20, s22, s23, $0xb8;
	[tilespmem:$0x1B800] =	vst v63  }
0x1b7: {  	s19 =	rddreg [dreg:$0x13]  }
0x1b8: {  	[tilespmem:s11], [sflag:$0x1] =	stream.indirect.gather [spmem:s1], $0x20, s19, s23, $0xb8;
	[tilespmem:$0x1B800] =	vst v63  }
0x1b9: {  	s22 =	rddreg [dreg:$0x14]  }
0x1ba: {  	[tilespmem:s12], [sflag:$0x1] =	stream.indirect.gather [spmem:s1], $0x20, s22, s23, $0xb8;
	[tilespmem:$0x1B800] =	vst v63  }
0x1bb: {  	_ =	swait.ge [sflag:s13], $0x1000  }
0x1bc: {  	[sflag:s13] =	ssyncset.done $0x0  }
0x1bd: {  	[sflag:s13] =	ssyncadd.s32 $0xFFFFF000  }
0x1be: {  	[spmem:s3] =	stream.indirect.scatter.add.f32 [tilespmem:s24], [sflag:$0x2], $0x20, s23, s23, $0xb8;
	[tilespmem:$0x1B800] =	vst v63  }
0x1bf: {  	_ =	swait.ge [sflag:s13], $0x1000  }
0x1c0: {  	[sflag:s13] =	ssyncset.done $0x0  }
0x1c1: {  	s19 =	rddreg [dreg:$0x15];
	[sflag:s13] =	ssyncadd.s32 $0xFFFFF000  }
0x1c2: {  	[spmem:s3] =	stream.indirect.scatter.add.f32 [tilespmem:s25], [sflag:$0x2], $0x20, s19, s23, $0xb8;
	[tilespmem:$0x1B800] =	vst v63  }
0x1c3: {  	_ =	swait.ge [sflag:s13], $0x1000  }
0x1c4: {  	[sflag:s13] =	ssyncset.done $0x0  }
0x1c5: {  	s22 =	rddreg [dreg:$0x16];
	[sflag:s13] =	ssyncadd.s32 $0xFFFFF000  }
0x1c6: {  	[spmem:s3] =	stream.indirect.scatter.add.f32 [tilespmem:s26], [sflag:$0x2], $0x20, s22, s23, $0xb8;
	[tilespmem:$0x1B800] =	vst v63  }
0x1c7: {  	_ =	swait.ge [sflag:s13], $0x1000  }
0x1c8: {  	[sflag:s13] =	ssyncset.done $0x0  }
0x1c9: {  	s14 =	rddreg [dreg:$0x17];
	[sflag:s13] =	ssyncadd.s32 $0xFFFFF000  }
0x1ca: {  	[spmem:s3] =	stream.indirect.scatter.add.f32 [tilespmem:s28], [sflag:$0x2], $0x20, s14, s23, $0xb8;
	[tilespmem:$0x1B800] =	vst v63  }
0x1cb: {  	_ =	swait.ge [sflag:s13], $0x1000  }
0x1cc: {  	[sflag:s13] =	ssyncset.done $0x0  }
0x1cd: {  	s19 =	rddreg [dreg:$0x18];
	[sflag:s13] =	ssyncadd.s32 $0xFFFFF000  }
0x1ce: {  	[spmem:s3] =	stream.indirect.scatter.add.f32 [tilespmem:s29], [sflag:$0x2], $0x20, s19, s23, $0xb8;
	[tilespmem:$0x1B800] =	vst v63  }
0x1cf: {  	_ =	swait.ge [sflag:s13], $0x1000  }
0x1d0: {  	[sflag:s13] =	ssyncset.done $0x0  }
0x1d1: {  	s22 =	rddreg [dreg:$0x19];
	[sflag:s13] =	ssyncadd.s32 $0xFFFFF000  }
0x1d2: {  	[spmem:s3] =	stream.indirect.scatter.add.f32 [tilespmem:s30], [sflag:$0x2], $0x20, s22, s23, $0xb8;
	[tilespmem:$0x1B800] =	vst v63  }
0x1d3: {  	_ =	swait.ge [sflag:s13], $0x1000  }
0x1d4: {  	[sflag:s13] =	ssyncset.done $0x0  }
0x1d5: {  	s14 =	rddreg [dreg:$0x1a];
	[sflag:s13] =	ssyncadd.s32 $0xFFFFF000  }
0x1d6: {  	[spmem:s3] =	stream.indirect.scatter.add.f32 [tilespmem:s31], [sflag:$0x2], $0x20, s14, s23, $0xb8;
	[tilespmem:$0x1B800] =	vst v63  }
0x1d7: {  	_ =	swait.ge [sflag:s13], $0x1000  }
0x1d8: {  	[sflag:s13] =	ssyncset.done $0x0  }
0x1d9: {  	s19 =	rddreg [dreg:$0x1b];
	[sflag:s13] =	ssyncadd.s32 $0xFFFFF000  }
0x1da: {  	[spmem:s3] =	stream.indirect.scatter.add.f32 [tilespmem:s0], [sflag:$0x2], $0x20, s19, s23, $0xb8;
	[tilespmem:$0x1B800] =	vst v63  }
0x1db: {  	_ =	swait.ge [sflag:s13], $0x1000  }
0x1dc: {  	[sflag:s13] =	ssyncset.done $0x0  }
0x1dd: {  	s22 =	rddreg [dreg:$0x1c];
	[sflag:s13] =	ssyncadd.s32 $0xFFFFF000  }
0x1de: {  	[spmem:s3] =	stream.indirect.scatter.add.f32 [tilespmem:s2], [sflag:$0x2], $0x20, s22, s23, $0xb8;
	[tilespmem:$0x1B800] =	vst v63  }
0x1df: {  	_ =	swait.ge [sflag:s13], $0x1000  }
0x1e0: {  	[sflag:s13] =	ssyncset.done $0x0  }
0x1e1: {  	s14 =	rddreg [dreg:$0x1d];
	[sflag:s13] =	ssyncadd.s32 $0xFFFFF000  }
0x1e2: {  	[spmem:s3] =	stream.indirect.scatter.add.f32 [tilespmem:s5], [sflag:$0x2], $0x20, s14, s23, $0xb8;
	[tilespmem:$0x1B800] =	vst v63  }
0x1e3: {  	_ =	swait.ge [sflag:s13], $0x1000  }
0x1e4: {  	[sflag:s13] =	ssyncset.done $0x0  }
0x1e5: {  	s19 =	rddreg [dreg:$0x1e];
	[sflag:s13] =	ssyncadd.s32 $0xFFFFF000  }
0x1e6: {  	[spmem:s3] =	stream.indirect.scatter.add.f32 [tilespmem:s7], [sflag:$0x2], $0x20, s19, s23, $0xb8;
	[tilespmem:$0x1B800] =	vst v63  }
0x1e7: {  	_ =	swait.ge [sflag:s13], $0x1000  }
0x1e8: {  	[sflag:s13] =	ssyncset.done $0x0  }
0x1e9: {  	s22 =	simm.s32 $0xB80;
	[sflag:s13] =	ssyncadd.s32 $0xFFFFF000  }
0x1ea: {  	[spmem:s3] =	stream.indirect.scatter.add.f32 [tilespmem:s8], [sflag:$0x2], $0x20, s22, s23, $0xb8;
	[tilespmem:$0x1B800] =	vst v63  }
0x1eb: {  	_ =	swait.ge [sflag:s13], $0x1000  }
0x1ec: {  	[sflag:s13] =	ssyncset.done $0x0  }
0x1ed: {  	[sflag:s13] =	ssyncadd.s32 $0xFFFFF000  }
0x1ee: {  	[spmem:s3] =	stream.indirect.scatter.add.f32 [tilespmem:s9], [sflag:$0x2], $0x20, s15, s23, $0xb8;
	[tilespmem:$0x1B800] =	vst v63  }
0x1ef: {  	_ =	swait.ge [sflag:s13], $0x1000  }
0x1f0: {  	[sflag:s13] =	ssyncset.done $0x0  }
0x1f1: {  	[sflag:s13] =	ssyncadd.s32 $0xFFFFF000  }
0x1f2: {  	[spmem:s3] =	stream.indirect.scatter.add.f32 [tilespmem:s10], [sflag:$0x2], $0x20, s16, s23, $0xb8;
	[tilespmem:$0x1B800] =	vst v63  }
0x1f3: {  	_ =	swait.ge [sflag:s13], $0x1000  }
0x1f4: {  	[sflag:s13] =	ssyncset.done $0x0  }
0x1f5: {  	[sflag:s13] =	ssyncadd.s32 $0xFFFFF000  }
0x1f6: {  	[spmem:s3] =	stream.indirect.scatter.add.f32 [tilespmem:s11], [sflag:$0x2], $0x20, s17, s23, $0xb8;
	[tilespmem:$0x1B800] =	vst v63  }
0x1f7: {  	_ =	swait.ge [sflag:s13], $0x1000  }
0x1f8: {  	[sflag:s13] =	ssyncset.done $0x0  }
0x1f9: {  	[sflag:s13] =	ssyncadd.s32 $0xFFFFF000  }
0x1fa: {  	[spmem:s3] =	stream.indirect.scatter.add.f32 [tilespmem:s12], [sflag:$0x2], $0x20, s18, s23, $0xb8;
	[tilespmem:$0x1B800] =	vst v63  }
0x1fb: {  	_ =	swait.ge [sflag:s20], $0x1000  }
0x1fc: {  	[sflag:s20] =	ssyncset.done $0x0  }
0x1fd: {  	[sflag:s20] =	ssyncadd.s32 $0xFFFFF000  }
0x1fe: {  	_ =	swait.ge [sflag:s20], $0x1000  }
0x1ff: {  	[sflag:s20] =	ssyncset.done $0x0  }
0x200: {  	[sflag:s20] =	ssyncadd.s32 $0xFFFFF000  }
0x201: {  	_ =	swait.ge [sflag:s20], $0x1000  }
0x202: {  	[sflag:s20] =	ssyncset.done $0x0  }
0x203: {  	[sflag:s20] =	ssyncadd.s32 $0xFFFFF000  }
0x204: {  	_ =	swait.ge [sflag:s20], $0x1000  }
0x205: {  	[sflag:s20] =	ssyncset.done $0x0  }
0x206: {  	[sflag:s20] =	ssyncadd.s32 $0xFFFFF000  }
0x207: {  	_ =	swait.ge [sflag:s20], $0x1000  }
0x208: {  	[sflag:s20] =	ssyncset.done $0x0  }
0x209: {  	[sflag:s20] =	ssyncadd.s32 $0xFFFFF000  }
0x20a: {  	_ =	swait.ge [sflag:s20], $0x1000  }
0x20b: {  	[sflag:s20] =	ssyncset.done $0x0  }
0x20c: {  	[sflag:s20] =	ssyncadd.s32 $0xFFFFF000  }
0x20d: {  	_ =	swait.ge [sflag:s20], $0x1000  }
0x20e: {  	[sflag:s20] =	ssyncset.done $0x0  }
0x20f: {  	[sflag:s20] =	ssyncadd.s32 $0xFFFFF000  }
0x210: {  	_ =	swait.ge [sflag:s20], $0x1000  }
0x211: {  	[sflag:s20] =	ssyncset.done $0x0  }
0x212: {  	[sflag:s20] =	ssyncadd.s32 $0xFFFFF000  }
0x213: {  	_ =	swait.ge [sflag:s20], $0x1000  }
0x214: {  	[sflag:s20] =	ssyncset.done $0x0  }
0x215: {  	[sflag:s20] =	ssyncadd.s32 $0xFFFFF000  }
0x216: {  	_ =	swait.ge [sflag:s20], $0x1000  }
0x217: {  	[sflag:s20] =	ssyncset.done $0x0  }
0x218: {  	[sflag:s20] =	ssyncadd.s32 $0xFFFFF000  }
0x219: {  	_ =	swait.ge [sflag:s20], $0x1000  }
0x21a: {  	[sflag:s20] =	ssyncset.done $0x0  }
0x21b: {  	[sflag:s20] =	ssyncadd.s32 $0xFFFFF000  }
0x21c: {  	_ =	swait.ge [sflag:s20], $0x1000  }
0x21d: {  	[sflag:s20] =	ssyncset.done $0x0  }
0x21e: {  	[sflag:s20] =	ssyncadd.s32 $0xFFFFF000  }
0x21f: {  	_ =	swait.ge [sflag:s20], $0x1000  }
0x220: {  	[sflag:s20] =	ssyncset.done $0x0  }
0x221: {  	[sflag:s20] =	ssyncadd.s32 $0xFFFFF000  }
0x222: {  	_ =	swait.ge [sflag:s20], $0x1000  }
0x223: {  	[sflag:s20] =	ssyncset.done $0x0  }
0x224: {  	[sflag:s20] =	ssyncadd.s32 $0xFFFFF000  }
0x225: {  	_ =	swait.ge [sflag:s20], $0x1000  }
0x226: {  	[sflag:s20] =	ssyncset.done $0x0  }
0x227: {  	[sflag:s20] =	ssyncadd.s32 $0xFFFFF000  }
0x228: {  	_ =	swait.ge [sflag:s20], $0x1000  }
0x229: {  	[sflag:s20] =	ssyncset.done $0x0  }
0x22a: {  	[sflag:s20] =	ssyncadd.s32 $0xFFFFF000  }
0x22b: {  	[bflag:$0x0] =	sbarrier.arrive $0xFFFF  }
0x22c: {  	s14 =	sld [smem:$0x7FC]  }
0x22d: {  	s19 =	sld [smem:$0x7EF]  }
0x22e: {  	s22 =	sld [smem:$0x7FD];
	_ =	sdelay $0x1  }
0x22f: {  	s6 =	sshrl.u32 s14, $0x3  }
0x230: {  	[hbm:s19], [sflag:s22] =	dma.local [spmem:s6], $0xA00  }
0x231: {  	_ =	swait.ge [sflag:s21], $0xA00  }
0x232: {  	s6 =	sld [smem:$0x7EE];
	_ =	sdelay $0x2  }
0x233: {  	s19 =	smov.u32 s22;
	s22 =	sadd.s32 $0x1, s6;
	s6 =	sld [smem:$0x7F0]  }
0x234: {  	_ =	sdelay $0x1  }
0x235: {  	p0 =	sne.s32 s22, s6  }
.Ltmp1:
0x236: {  	_ = 	snop;
	(pc) =	sbr.rel @p0 .LBB2_1-.Ltmp1, $3  }
0x237: {  	_ =	sdelay $0x1  }
0x238: {  	[sflag:s21] =	ssyncset.done $0x0  }
0x239: {  	[sflag:s21] =	ssyncadd.s32 $0xFFFFF600  }
0x23a: {  	_ =	sfence.sel $0x180000  }
0x23b: {  	[bflag:$0x0] =	sbarrier.arrive $0xFFFF  }
0x23c: {  	_ =	strace $0x9000004A  }
0x23d: {  	s0 =	stileid.u32;
	[bflag:$0x2] =	sbarrier.arrive $0xFFFF  }
0x23e: {  	p0 =	sne.s32 s0, $0x0;
	s0 =	rddreg [dreg:$0x4]  }
0x23f: {  	s0 =	sadd.s32 @!p0 $0x100000, s0  }
0x240: {  	[sflag:s0] =	ssyncadd.tile.s32 @!p0 $0x1;
	_ =	shalt  }
.Lfunc_end2:
_tile_overlayer_lowered:
.L_overlay_start_2:
0x241: {  	(tag) =	ssettag $0x2  }
0x242: {  	s0 =	rddreg [dreg:$0x0];
	s2 =	stileid.u32  }
0x243: {  	s1 =	rddreg [dreg:$0x1];
	p0 =	sne.s32 s2, $0x0  }
0x244: {  	s3 =	rddreg [dreg:$0x2];
	[bflag:$0x3] =	sbarrier.arrive $0xFFFF;
	s2 =	simm.s32 @!p0 $0x1C03  }
0x245: {  	[timem:s3], [sflag:s2] =	dma.local @!p0 [hbm:s0], s1  }
0x246: {  	s0 =	simm.s32 @!p0 $0x3  }
0x247: {  	_ =	swait.ge @!p0 [sflag:s0], s1  }
0x248: {  	s1 =	ssub.s32 @!p0 $0x0, s1;
	[sflag:s0] =	ssyncset.done @!p0 $0x0  }
0x249: {  	[sflag:s0] =	ssyncadd.s32 @!p0 s1  }
0x24a: {  	[bflag:$0x3] =	sbarrier.arrive $0xFFFF  }
0x24b: {  	_ =	shalt  }

// kernel: kernel.16.cloned.1.call-start
scs
__scs_entry_jumppad:
0x0: {  	(pc) =	sbr.rel $0x88, $3  }
0x1: {  	(tag) =	ssettag $0x0;
	lr =	simm.s32 $0x1  }
0x2: {  	[smem:$0x3F8F] =	sst lr;
	_ =	strace $0xD0000000  }
0x3: {  	_ = 	snop  }
0x4: {  	_ = 	snop  }
0x5: {  	_ = 	snop  }
0x6: {  	_ = 	snop  }
0x7: {  	_ = 	snop  }
__scs_overlays_trampoline_lowered:
0x8: {  	[smem:$0x3F9E] =	sst s0  }
0x9: {  	[smem:$0x3F9F] =	sst s1  }
0xa: {  	[smem:$0x3FA0] =	sst s2  }
0xb: {  	[smem:$0x3FA1] =	sst s3  }
0xc: {  	[smem:$0x3FA2] =	sst s4  }
0xd: {  	[smem:$0x3FA3] =	sst s5  }
0xe: {  	[smem:$0x3FA4] =	sst s6  }
0xf: {  	[smem:$0x3FA5] =	sst s7  }
0x10: {  	[smem:$0x3FA6] =	sst s8  }
0x11: {  	[smem:$0x3FA7] =	sst s9;
	s0 =	simm.s32 @!p0 $0x0  }
0x12: {  	s1 =	sld [smem:$0x3F8D];
	s0 =	simm.s32 @p0 $0x1  }
0x13: {  	[smem:$0x3FA8] =	sst s0;
	s0 =	simm.s32 @!p1 $0x0  }
0x14: {  	s2 =	sld [smem:$0x3F8C];
	s0 =	simm.s32 @p1 $0x1  }
0x15: {  	[smem:$0x3FA9] =	sst s0;
	s0 =	simm.s32 @!p2 $0x0  }
0x16: {  	s3 =	sld [smem:$0x3FDB];
	s0 =	simm.s32 @p2 $0x1  }
0x17: {  	s4 =	simm.s32 $0x1BF5;
	[smem:$0x3FAB] =	sst s0  }
0x18: {  	s0 =	sld [smem:$0x3F8E];
	_ =	swait.ge [sflag:s4], $0x0  }
0x19: {  	s7 =	sld [smem:$0x3F8F]  }
0x1a: {  	s8 =	sadd.s32 $0xFFFFE003, lr  }
0x1b: {  	s9 =	sadd.s32 $0xFFFFFEF7, lr;
	s5 =	simm.s32 $0xFFFFFFFF;
	p2 =	slt.u32 s8, $0xFFFFF086  }
0x1c: {  	p1 =	slt.u32 s9, $0xF7A;
	s5 =	simm.s32 @!p2 $0x0  }
0x1d: {  	s5 =	simm.s32 @p1 $0x1;
	p0 =	seq.s32 s7, s2  }
0x1e: {  	s7 =	smul.u32 @!p0 $0xF7A, s2;
	p2 =	seq.s32 @!p0 s5, $0x0  }
0x1f: {  	s9 =	smul.u32 $0xF7A, s1;
	s8 =	simm.s32 @!p0 $0x1BF5;
	p2 =	por !p2, p0  }
0x20: {  	[sflag:s8] =	ssyncset.s32 @!p0 $0xFFFFF086;
	s6 =	sadd.s32 @!p0 s3, s7;
	s7 =	simm.s32 @!p0 $0x108  }
0x21: {  	s3 =	sadd.s32 s3, s9;
	s6 =	sadd.s32 @!p0 $0x88, s6;
	s7 =	simm.s32 @p2 $0x1082  }
0x22: {  	[simem:s7], [sflag:s8] =	dma.local @!p0 [hbm:s6], $0xF7A  }
0x23: {  	s9 =	sor.u32 $0xD0000000, s2;
	s6 =	simm.s32 $0x108;
	_ =	swait.ge @!p0 [sflag:s8], $0x0  }
0x24: {  	s3 =	sadd.s32 $0x88, s3;
	s6 =	simm.s32 @!p1 $0x1082;
	[sflag:s4] =	ssyncset.s32 $0xFFFFF086  }
0x25: {  	[simem:s6], [sflag:s4] =	dma.local [hbm:s3], $0xF7A  }
0x26: {  	[smem:$0x3F8F] =	sst s1;
	(tag) =	ssettag s2;
	_ =	strace s9  }
0x27: {  	s1 =	sld [smem:$0x3F9F]  }
0x28: {  	s2 =	sld [smem:$0x3FA0]  }
0x29: {  	s4 =	sld [smem:$0x3FA2]  }
0x2a: {  	p0 =	seq.s32 s5, $0x0;
	s5 =	sld [smem:$0x3FA3]  }
0x2b: {  	s6 =	sld [smem:$0x3FA4]  }
0x2c: {  	s7 =	sld [smem:$0x3FA5]  }
0x2d: {  	s3 =	simm.s32 $0x108;
	s8 =	sld [smem:$0x3FA6]  }
0x2e: {  	s3 =	simm.s32 @!p0 $0x1082;
	s9 =	sld [smem:$0x3FA7]  }
0x2f: {  	lr =	sadd.s32 s0, s3;
	s0 =	sld [smem:$0x3F9E]  }
0x30: {  	s3 =	sld [smem:$0x3FA1]  }
0x31: {  	[smem:$0x3FAA] =	sst s10  }
0x32: {  	s10 =	sld [smem:$0x3FA8];
	_ =	sdelay $0x3  }
0x33: {  	p0 =	seq.s32 s10, $0x1;
	s10 =	sld [smem:$0x3FAA];
	_ =	sdelay $0x3  }
0x34: {  	[smem:$0x3FAA] =	sst s10  }
0x35: {  	s10 =	sld [smem:$0x3FA9];
	_ =	sdelay $0x3  }
0x36: {  	p1 =	seq.s32 s10, $0x1;
	s10 =	sld [smem:$0x3FAA];
	_ =	sdelay $0x3  }
0x37: {  	[smem:$0x3FAA] =	sst s10  }
0x38: {  	s10 =	sld [smem:$0x3FAB]  }
0x39: {  	_ = 	snop;
	(pc) =	sbr.ind lr, $3  }
0x3a: {  	_ = 	snop  }
0x3b: {  	_ = 	snop  }
0x3c: {  	p2 =	seq.s32 s10, $0x1;
	s10 =	sld [smem:$0x3FAA]  }
0x3d: {  	_ =	shalt  }
0x3e: {  	_ =	shalt  }
0x3f: {  	_ =	shalt  }
0x40: {  	_ =	shalt  }
0x41: {  	_ =	shalt  }
0x42: {  	_ =	shalt  }
0x43: {  	_ =	shalt  }
0x44: {  	_ =	shalt  }
0x45: {  	_ =	shalt  }
0x46: {  	_ =	shalt  }
0x47: {  	_ =	shalt  }
0x48: {  	_ =	shalt  }
0x49: {  	_ =	shalt  }
0x4a: {  	_ =	shalt  }
0x4b: {  	_ =	shalt  }
0x4c: {  	_ =	shalt  }
0x4d: {  	_ =	shalt  }
0x4e: {  	_ =	shalt  }
0x4f: {  	_ =	shalt  }
0x50: {  	_ =	shalt  }
0x51: {  	_ =	shalt  }
0x52: {  	_ =	shalt  }
0x53: {  	_ =	shalt  }
0x54: {  	_ =	shalt  }
0x55: {  	_ =	shalt  }
0x56: {  	_ =	shalt  }
0x57: {  	_ =	shalt  }
0x58: {  	_ =	shalt  }
0x59: {  	_ =	shalt  }
0x5a: {  	_ =	shalt  }
0x5b: {  	_ =	shalt  }
0x5c: {  	_ =	shalt  }
0x5d: {  	_ =	shalt  }
0x5e: {  	_ =	shalt  }
0x5f: {  	_ =	shalt  }
0x60: {  	_ =	shalt  }
0x61: {  	_ =	shalt  }
0x62: {  	_ =	shalt  }
0x63: {  	_ =	shalt  }
0x64: {  	_ =	shalt  }
0x65: {  	_ =	shalt  }
0x66: {  	_ =	shalt  }
0x67: {  	_ =	shalt  }
0x68: {  	_ =	shalt  }
0x69: {  	_ =	shalt  }
0x6a: {  	_ =	shalt  }
0x6b: {  	_ =	shalt  }
0x6c: {  	_ =	shalt  }
0x6d: {  	_ =	shalt  }
0x6e: {  	_ =	shalt  }
0x6f: {  	_ =	shalt  }
0x70: {  	_ =	shalt  }
0x71: {  	_ =	shalt  }
0x72: {  	_ =	shalt  }
0x73: {  	_ =	shalt  }
0x74: {  	_ =	shalt  }
0x75: {  	_ =	shalt  }
0x76: {  	_ =	shalt  }
0x77: {  	_ =	shalt  }
0x78: {  	_ =	shalt  }
0x79: {  	_ =	shalt  }
0x7a: {  	_ =	shalt  }
0x7b: {  	_ =	shalt  }
0x7c: {  	_ =	shalt  }
0x7d: {  	_ =	shalt  }
0x7e: {  	_ =	shalt  }
0x7f: {  	_ =	shalt  }
0x80: {  	_ =	shalt  }
0x81: {  	_ =	shalt  }
0x82: {  	_ =	shalt  }
0x83: {  	_ =	shalt  }
0x84: {  	_ =	shalt  }
0x85: {  	_ =	shalt  }
0x86: {  	_ =	shalt  }
0x87: {  	_ =	shalt  }
.Lfunc_end0:
.L_simem_size_0:
called_computation.2_lowered:
.L_overlay_start_0:
0x88: {  	s2 =	sld [smem:$0x3FD9]  }
0x89: {  	s3 =	sld [smem:$0x3FFE];
	_ =	sdelay $0x1  }
0x8a: {  	s1 =	srdreg.scid  }
0x8b: {  	s0 =	sand.u32 $0x1, s1  }
0x8c: {  	s14 =	sshll.u32 s0, $0xA;
	s2 =	sadd.s32 s3, s2  }
0x8d: {  	s2 =	sadd.s32 s2, s14  }
0x8e: {  	[smem:$0x3FB6] =	sst s2  }
0x8f: {  	_ = 	snop  }
0x90: {  	s2 =	sld [smem:$0x3FD0];
	_ =	sdelay $0x2  }
0x91: {  	s15 =	simm.s32 $0xA;
	s4 =	simm.s32 $0x10  }
0x92: {  	[smem:s4], [sflag:s15] =	dma.local [hbm:s2], $0x1  }
0x93: {  	_ =	swait.eq [sflag:s15], $0x1  }
0x94: {  	[sflag:s15] =	ssyncset.done $0x0  }
0x95: {  	[sflag:s15] =	ssyncadd.s32 $0xFFFFFFFF  }
0x96: {  	s16 =	sld [smem:$0x10];
	(tm) =	ssettm $0x1  }
0x97: {  	s17 =	sld [smem:$0x3FFB];
	_ =	sdelay $0x3  }
0x98: {  	_ =	strace s17  }
0x99: {  	s3 =	sld [smem:$0x3FFC];
	_ =	sdelay $0x3  }
0x9a: {  	_ =	strace s3  }
0x9b: {  	s3 =	sld [smem:$0x3FFD];
	_ =	sdelay $0x3  }
0x9c: {  	_ =	strace s3  }
0x9d: {  	_ =	strace $0x8FFFFFFF  }
0x9e: {  	s18 =	sld [smem:$0x3FDB];
	_ =	sdelay $0x1  }
0x9f: {  	s19 =	simm.s32 $_scs_section_size  }
0xa0: {  	s5 =	simm.s32 $_size__tile_overlayer_lowered;
	s6 =	simm.s32 $_tile_overlayer_lowered  }
0xa1: {  	s22 =	simm.s32 $0x1BFF;
	s21 =	sshll.u32 s6, $0x1;
	s3 =	sadd.s32 s19, s18  }
0xa2: {  	s7 =	simm.s32 $0x0;
	s20 =	sshll.u32 s5, $0x1;
	s5 =	sadd.s32 s21, s3  }
0xa3: {  	[timem:s7], [sflag:s22] =	dma.local [hbm:s5], s20  }
0xa4: {  	_ =	swait.ge [sflag:s22], s20  }
0xa5: {  	s4 =	ssub.s32 $0x0, s20;
	[sflag:s22] =	ssyncset.done $0x0  }
0xa6: {  	[sflag:s22] =	ssyncadd.s32 s4;
	_ =	sdelay $0x1  }
0xa7: {  	s23 =	simm.s32 $0x1B8B  }
0xa8: {  	_ =	swait.ge [sflag:s23], $0x1  }
0xa9: {  	[sflag:s23] =	ssyncset.done $0x0  }
0xaa: {  	s25 =	simm.s32 $0x1B8E;
	s24 =	sld [smem:$0x3FFE];
	[sflag:s23] =	ssyncadd.s32 $0xFFFFFFFF  }
0xab: {  	s26 =	simm.s32 $execute0_lowered;
	[smem:$0x3FD2] =	sst s25  }
0xac: {  	s5 =	sshll.u32 s26, $0x1;
	_ =	strace $0x8000004C;
	[dreg:$0x1] =	wrdreg $0xFFFFFFFF  }
0xad: {  	s28 =	simm.s32 $_size_execute0_lowered;
	s3 =	sadd.s32 s3, s5;
	[dreg:$0x0] =	wrdreg $0x0  }
0xae: {  	s5 =	sshll.u32 s28, $0x1;
	[dreg:$0x2] =	wrdreg s3  }
0xaf: {  	[dreg:$0x3] =	wrdreg s5  }
0xb0: {  	[dreg:$0x4] =	wrdreg $0xC0  }
0xb1: {  	_ =	task [dreg:s7], $0x5FFFF  }
0xb2: {  	[dreg:$0x1] =	wrdreg $0xFFFFFFFF  }
0xb3: {  	[dreg:$0x0] =	wrdreg $0x60  }
0xb4: {  	[dreg:$0x2] =	wrdreg s24  }
0xb5: {  	[dreg:$0x3] =	wrdreg s16  }
0xb6: {  	[dreg:$0x4] =	wrdreg $0x94000  }
0xb7: {  	[dreg:$0x5] =	wrdreg $0x134000  }
0xb8: {  	[dreg:$0x6] =	wrdreg $0x9  }
0xb9: {  	_ =	task.clear_ibuf [dreg:s7], $0x7FFFF;
	_ =	strace $0x9000004C  }
0xba: {  	s29 =	simm.s32 $0x9;
	_ =	strace $0x8000004E  }
0xbb: {  	_ =	swait.ge [sflag:s29], $0x1  }
0xbc: {  	[sflag:s29] =	ssyncadd.s32 $0xFFFFFFFF  }
0xbd: {  	_ =	strace $0x9000004E  }
0xbe: {  	_ =	sfence  }
0xbf: {  	s30 =	sld [smem:$0x0];
	_ =	sdelay $0x2  }
0xc0: {  	s31 =	sshll.u32 s1, $0xD;
	s1 =	sshrl.u32 s1, $0x2  }
0xc1: {  	s3 =	sand.u32 $0x4000, s31;
	s1 =	sadd.s32 s1, s30  }
0xc2: {  	s0 =	sor.u32 s3, s0;
	s1 =	sshll.u32 s1, $0x11  }
0xc3: {  	s0 =	sor.u32 s1, s0  }
0xc4: {  	s0 =	sadd.s32 $0x8F2B, s0  }
0xc5: {  	[sflag:s0] =	ssyncadd.remote.s32 $0x1  }
0xc6: {  	_ =	sfence.sel $0xFFFF  }
0xc7: {  	[dreg:$0x0] =	wrdreg $0xFFFFFFFF;
	(pc) =	sbr.abs _section_cstart, $3  }
0xc8: {  	[dreg:$0x1] =	wrdreg $0xFFFFFFFF  }
0xc9: {  	_ =	task.clear_ibuf [dreg:s7], $0x2FFFF;
	_ =	strace $0x9FFFFFFF  }
0xca: {  	(tm) =	ssettm $0x7FFFFFFF  }
0xcb: {  	_ =	shalt  }
tec
execute0_lowered:
.L_overlay_start_1:
0x0: {  	(tag) =	ssettag $0x1  }
0x1: {  	s0 =	rddreg [dreg:$0x0]  }
0x2: {  	s1 =	rddreg [dreg:$0x1]  }
0x3: {  	s2 =	rddreg [dreg:$0x2]  }
0x4: {  	s3 =	rddreg [dreg:$0x3]  }
0x5: {  	s12 =	stileid.u32;
	s4 =	simm.s32 $0x0;
	s6 =	srdreg.scid  }
0x6: {  	s28 =	simm.s32 $0x2400;
	s29 =	simm.s32 $0x200;
	s5 =	smul.u32 $0xA00, s12  }
0x7: {  	s30 =	simm.s32 $0x4400;
	s31 =	simm.s32 $0x300;
	s7 =	smul.u32 $0x1400, s12  }
0x8: {  	[smem:$0x7FF] =	sst s4;
	s6 =	sand.u32 $0x1, s6;
	s25 =	smul.u32 $0x28000, s12  }
0x9: {  	s9 =	sadd.s32 $0x5EA00, s0;
	s10 =	sadd.s32 $0x72A00, s0;
	s11 =	smul.u32 $0xA000, s12  }
0xa: {  	_ =	strace $0x8000004D;
	s8 =	smul.u32 $0x14000, s6;
	[dreg:$0x5] =	wrdreg s10  }
0xb: {  	s24 =	ssub.s32 $0x2, s6;
	p0 =	seq.s32 s6, $0x1;
	s10 =	simm.s32 $0x0  }
0xc: {  	s5 =	sadd.s32 s5, s0;
	s26 =	sshrl.u32 s24, $0x1;
	s13 =	sshrl.u32 s25, $0x2  }
0xd: {  	s14 =	sadd.s32 s11, s2;
	s18 =	sshrl.u32 s11, $0x3;
	s1 =	smov.u32 @p0 s9  }
0xe: {  	s9 =	simm.s32 $0x2;
	s7 =	sadd.s32 s7, s8;
	s6 =	sadd.s32 s13, s3  }
0xf: {  	s18 =	sadd.s32 s1, s18;
	s1 =	simm.s32 $0x1;
	s8 =	simm.s32 $0x380  }
0x10: {  	s0 =	sadd.s32 s7, s0;
	s7 =	ssub.s32 s24, s26;
	s20 =	sadd.s32 $0x1000, s6  }
0x11: {  	s21 =	sadd.s32 $0x2000, s6;
	s22 =	sadd.s32 $0x3000, s6;
	[dreg:$0x8] =	wrdreg s20  }
0x12: {  	s23 =	sadd.s32 $0x4000, s6;
	s24 =	sadd.s32 $0x5000, s6;
	[dreg:$0x9] =	wrdreg s21  }
0x13: {  	s25 =	sadd.s32 $0x6000, s6;
	s15 =	sadd.s32 $0x7000, s6;
	[dreg:$0xa] =	wrdreg s22  }
0x14: {  	s16 =	sadd.s32 $0x8000, s6;
	s26 =	sshll.u32 s12, $0x6;
	[dreg:$0xb] =	wrdreg s23  }
0x15: {  	s17 =	sadd.s32 $0x9000, s6;
	s0 =	sadd.s32 $0x72C00, s0;
	[dreg:$0xc] =	wrdreg s24  }
0x16: {  	s19 =	smax.u32 s7, $0x1;
	[dreg:$0xd] =	wrdreg s25;
	s20 =	sadd.s32 $0x4A00, s5  }
0x17: {  	s21 =	sshrl.u32 s14, $0x3;
	s22 =	simm.s32 $0x3;
	s23 =	simm.s32 $0x8400  }
0x18: {  	s24 =	simm.s32 $0x80;
	s25 =	simm.s32 $0x400;
	[dreg:$0x6] =	wrdreg s0  }
0x19: {  	s5 =	simm.s32 $0x180;
	s7 =	simm.s32 $0x280;
	[dreg:$0x7] =	wrdreg s19  }
0x1a: {  	s19 =	sor.u32 $0x1C03, s26;
	s26 =	simm.s32 $0x100;
	s0 =	simm.s32 $0x6400  }
.LBB2_1:
0x1b: {  	[spmem:s21], [sflag:s19] =	dma.local [hbm:s18], $0x1400  }
0x1c: {  	_ =	swait.ge [sflag:s22], $0x1400  }
0x1d: {  	[sflag:s22] =	ssyncset.done $0x0  }
0x1e: {  	s11 =	rddreg [dreg:$0x5];
	[sflag:s22] =	ssyncadd.s32 $0xFFFFEC00  }
0x1f: {  	[tilespmem:s23], [sflag:$0x3] =	stream.linear.gather [hbm4b:s11+s4], $0x1000, $0x38;
	[tilespmem:$0x1D400] =	vst v63  }
0x20: {  	_ =	swait.ge [sflag:s22], $0x1000  }
0x21: {  	[sflag:s22] =	ssyncset.done $0x0  }
0x22: {  	[sflag:s22] =	ssyncadd.s32 $0xFFFFF000  }
0x23: {  	[spmem:s6] =	stream.linear.scatter [tilespmem:s23], [sflag:$0x3], $0x1000, $0x38;
	[tilespmem:$0x1D400] =	vst v63  }
0x24: {  	_ =	swait.ge [sflag:s22], $0x1000  }
0x25: {  	[sflag:s22] =	ssyncset.done $0x0  }
0x26: {  	s14 =	rddreg [dreg:$0x8];
	[sflag:s22] =	ssyncadd.s32 $0xFFFFF000  }
0x27: {  	[spmem:s14] =	stream.linear.scatter [tilespmem:s23], [sflag:$0x3], $0x1000, $0x38;
	[tilespmem:$0x1D400] =	vst v63  }
0x28: {  	_ =	swait.ge [sflag:s22], $0x1000  }
0x29: {  	[sflag:s22] =	ssyncset.done $0x0  }
0x2a: {  	s12 =	rddreg [dreg:$0x9];
	[sflag:s22] =	ssyncadd.s32 $0xFFFFF000  }
0x2b: {  	[spmem:s12] =	stream.linear.scatter [tilespmem:s23], [sflag:$0x3], $0x1000, $0x38;
	[tilespmem:$0x1D400] =	vst v63  }
0x2c: {  	_ =	swait.ge [sflag:s22], $0x1000  }
0x2d: {  	[sflag:s22] =	ssyncset.done $0x0  }
0x2e: {  	s13 =	rddreg [dreg:$0xa];
	[sflag:s22] =	ssyncadd.s32 $0xFFFFF000  }
0x2f: {  	[spmem:s13] =	stream.linear.scatter [tilespmem:s23], [sflag:$0x3], $0x1000, $0x38;
	[tilespmem:$0x1D400] =	vst v63  }
0x30: {  	_ =	swait.ge [sflag:s22], $0x1000  }
0x31: {  	[sflag:s22] =	ssyncset.done $0x0  }
0x32: {  	s14 =	rddreg [dreg:$0xb];
	[sflag:s22] =	ssyncadd.s32 $0xFFFFF000  }
0x33: {  	[spmem:s14] =	stream.linear.scatter [tilespmem:s23], [sflag:$0x3], $0x1000, $0x38;
	[tilespmem:$0x1D400] =	vst v63  }
0x34: {  	_ =	swait.ge [sflag:s22], $0x1000  }
0x35: {  	[sflag:s22] =	ssyncset.done $0x0  }
0x36: {  	s12 =	rddreg [dreg:$0xc];
	[sflag:s22] =	ssyncadd.s32 $0xFFFFF000  }
0x37: {  	[spmem:s12] =	stream.linear.scatter [tilespmem:s23], [sflag:$0x3], $0x1000, $0x38;
	[tilespmem:$0x1D400] =	vst v63  }
0x38: {  	_ =	swait.ge [sflag:s22], $0x1000  }
0x39: {  	[sflag:s22] =	ssyncset.done $0x0  }
0x3a: {  	s13 =	rddreg [dreg:$0xd];
	[sflag:s22] =	ssyncadd.s32 $0xFFFFF000  }
0x3b: {  	[spmem:s13] =	stream.linear.scatter [tilespmem:s23], [sflag:$0x3], $0x1000, $0x38;
	[tilespmem:$0x1D400] =	vst v63  }
0x3c: {  	_ =	swait.ge [sflag:s22], $0x1000  }
0x3d: {  	[sflag:s22] =	ssyncset.done $0x0  }
0x3e: {  	[sflag:s22] =	ssyncadd.s32 $0xFFFFF000  }
0x3f: {  	[spmem:s15] =	stream.linear.scatter [tilespmem:s23], [sflag:$0x3], $0x1000, $0x38;
	[tilespmem:$0x1D400] =	vst v63  }
0x40: {  	_ =	swait.ge [sflag:s22], $0x1000  }
0x41: {  	[sflag:s22] =	ssyncset.done $0x0  }
0x42: {  	[sflag:s22] =	ssyncadd.s32 $0xFFFFF000  }
0x43: {  	[spmem:s16] =	stream.linear.scatter [tilespmem:s23], [sflag:$0x3], $0x1000, $0x38;
	[tilespmem:$0x1D400] =	vst v63  }
0x44: {  	_ =	swait.ge [sflag:s22], $0x1000  }
0x45: {  	[sflag:s22] =	ssyncset.done $0x0  }
0x46: {  	[sflag:s22] =	ssyncadd.s32 $0xFFFFF000  }
0x47: {  	[spmem:s17] =	stream.linear.scatter [tilespmem:s23], [sflag:$0x3], $0x1000, $0x38;
	[tilespmem:$0x1D400] =	vst v63  }
0x48: {  	_ =	swait.ge [sflag:s22], $0x1000  }
0x49: {  	[sflag:s22] =	ssyncset.done $0x0  }
0x4a: {  	[sflag:s22] =	ssyncadd.s32 $0xFFFFF000  }
0x4b: {  	s14 =	sadd.s32 $0x0, s20;
	[bflag:$0x0] =	sbarrier.arrive $0xFFFF  }
0x4c: {  	[tilespmem:s4], [sflag:$0x3] =	stream.linear.gather [hbm4b:s14+s4], $0x400, $0x38;
	[tilespmem:$0x1D400] =	vst v63  }
0x4d: {  	_ =	swait.ge [sflag:s22], $0x400  }
0x4e: {  	[sflag:s22] =	ssyncset.done $0x0  }
0x4f: {  	[sflag:s22] =	ssyncadd.s32 $0xFFFFFC00  }
0x50: {  	[tilespmem:s25], [sflag:$0x1] =	stream.indirect.gather [spmem:s2], $0x40, s4, s24, $0xb8;
	[tilespmem:$0x1D400] =	vst v63  }
0x51: {  	_ = 	snop  }
0x52: {  	[tilespmem:s28], [sflag:$0x1] =	stream.indirect.gather [spmem:s2], $0x40, s26, s24, $0xb8;
	[tilespmem:$0x1D400] =	vst v63  }
0x53: {  	_ = 	snop  }
0x54: {  	[tilespmem:s30], [sflag:$0x1] =	stream.indirect.gather [spmem:s2], $0x40, s29, s24, $0xb8;
	[tilespmem:$0x1D400] =	vst v63  }
0x55: {  	_ = 	snop  }
0x56: {  	[tilespmem:s0], [sflag:$0x1] =	stream.indirect.gather [spmem:s2], $0x40, s31, s24, $0xb8;
	[tilespmem:$0x1D400] =	vst v63  }
0x57: {  	_ =	swait.ge [sflag:s1], $0x2000  }
0x58: {  	[sflag:s1] =	ssyncset.done $0x0  }
0x59: {  	[sflag:s1] =	ssyncadd.s32 $0xFFFFE000  }
0x5a: {  	[spmem:s3] =	stream.indirect.scatter.add.f32 [tilespmem:s25], [sflag:$0x2], $0x40, s24, s24, $0xb8;
	[tilespmem:$0x1D400] =	vst v63  }
0x5b: {  	_ =	swait.ge [sflag:s1], $0x2000  }
0x5c: {  	[sflag:s1] =	ssyncset.done $0x0  }
0x5d: {  	[sflag:s1] =	ssyncadd.s32 $0xFFFFE000  }
0x5e: {  	[spmem:s3] =	stream.indirect.scatter.add.f32 [tilespmem:s28], [sflag:$0x2], $0x40, s5, s24, $0xb8;
	[tilespmem:$0x1D400] =	vst v63  }
0x5f: {  	_ =	swait.ge [sflag:s1], $0x2000  }
0x60: {  	[sflag:s1] =	ssyncset.done $0x0  }
0x61: {  	[sflag:s1] =	ssyncadd.s32 $0xFFFFE000  }
0x62: {  	[spmem:s3] =	stream.indirect.scatter.add.f32 [tilespmem:s30], [sflag:$0x2], $0x40, s7, s24, $0xb8;
	[tilespmem:$0x1D400] =	vst v63  }
0x63: {  	_ =	swait.ge [sflag:s1], $0x2000  }
0x64: {  	[sflag:s1] =	ssyncset.done $0x0  }
0x65: {  	[sflag:s1] =	ssyncadd.s32 $0xFFFFE000  }
0x66: {  	[spmem:s3] =	stream.indirect.scatter.add.f32 [tilespmem:s0], [sflag:$0x2], $0x40, s8, s24, $0xb8;
	[tilespmem:$0x1D400] =	vst v63  }
0x67: {  	_ =	swait.ge [sflag:s9], $0x2000  }
0x68: {  	[sflag:s9] =	ssyncset.done $0x0  }
0x69: {  	[sflag:s9] =	ssyncadd.s32 $0xFFFFE000  }
0x6a: {  	_ =	swait.ge [sflag:s9], $0x2000  }
0x6b: {  	[sflag:s9] =	ssyncset.done $0x0  }
0x6c: {  	[sflag:s9] =	ssyncadd.s32 $0xFFFFE000  }
0x6d: {  	_ =	swait.ge [sflag:s9], $0x2000  }
0x6e: {  	[sflag:s9] =	ssyncset.done $0x0  }
0x6f: {  	[sflag:s9] =	ssyncadd.s32 $0xFFFFE000  }
0x70: {  	_ =	swait.ge [sflag:s9], $0x2000  }
0x71: {  	s11 =	simm.s32 $0x80;
	s12 =	simm.s32 $0x100;
	[sflag:s9] =	ssyncset.done $0x0  }
.LBB2_2:
0x72: {  	s14 =	sadd.s32 s11, s20  }
0x73: {  	[sflag:s9] =	ssyncadd.s32 $0xFFFFE000;
	s11 =	smov.u32 s12;
	s13 =	sadd.s32 $0x80, s12  }
0x74: {  	[tilespmem:s4], [sflag:$0x3] =	stream.linear.gather [hbm4b:s14+s4], $0x400, $0x38;
	[tilespmem:$0x1D400] =	vst v63  }
0x75: {  	p0 =	sne.s32 s12, $0x980;
	_ =	swait.ge [sflag:s22], $0x400  }
0x76: {  	[sflag:s22] =	ssyncset.done $0x0  }
0x77: {  	[sflag:s22] =	ssyncadd.s32 $0xFFFFFC00  }
0x78: {  	[tilespmem:s25], [sflag:$0x1] =	stream.indirect.gather [spmem:s2], $0x40, s4, s24, $0xb8;
	[tilespmem:$0x1D400] =	vst v63  }
0x79: {  	_ = 	snop  }
0x7a: {  	[tilespmem:s28], [sflag:$0x1] =	stream.indirect.gather [spmem:s2], $0x40, s26, s24, $0xb8;
	[tilespmem:$0x1D400] =	vst v63  }
0x7b: {  	_ = 	snop  }
0x7c: {  	[tilespmem:s30], [sflag:$0x1] =	stream.indirect.gather [spmem:s2], $0x40, s29, s24, $0xb8;
	[tilespmem:$0x1D400] =	vst v63  }
0x7d: {  	_ = 	snop  }
0x7e: {  	[tilespmem:s0], [sflag:$0x1] =	stream.indirect.gather [spmem:s2], $0x40, s31, s24, $0xb8;
	[tilespmem:$0x1D400] =	vst v63  }
0x7f: {  	_ =	swait.ge [sflag:s1], $0x2000  }
0x80: {  	[sflag:s1] =	ssyncset.done $0x0  }
0x81: {  	[sflag:s1] =	ssyncadd.s32 $0xFFFFE000  }
0x82: {  	[spmem:s3] =	stream.indirect.scatter.add.f32 [tilespmem:s25], [sflag:$0x2], $0x40, s24, s24, $0xb8;
	[tilespmem:$0x1D400] =	vst v63  }
0x83: {  	_ =	swait.ge [sflag:s1], $0x2000  }
0x84: {  	[sflag:s1] =	ssyncset.done $0x0  }
0x85: {  	[sflag:s1] =	ssyncadd.s32 $0xFFFFE000  }
0x86: {  	[spmem:s3] =	stream.indirect.scatter.add.f32 [tilespmem:s28], [sflag:$0x2], $0x40, s5, s24, $0xb8;
	[tilespmem:$0x1D400] =	vst v63  }
0x87: {  	_ =	swait.ge [sflag:s1], $0x2000  }
0x88: {  	[sflag:s1] =	ssyncset.done $0x0  }
0x89: {  	[sflag:s1] =	ssyncadd.s32 $0xFFFFE000  }
0x8a: {  	[spmem:s3] =	stream.indirect.scatter.add.f32 [tilespmem:s30], [sflag:$0x2], $0x40, s7, s24, $0xb8;
	[tilespmem:$0x1D400] =	vst v63  }
0x8b: {  	_ =	swait.ge [sflag:s1], $0x2000  }
0x8c: {  	[sflag:s1] =	ssyncset.done $0x0  }
0x8d: {  	[sflag:s1] =	ssyncadd.s32 $0xFFFFE000  }
0x8e: {  	[spmem:s3] =	stream.indirect.scatter.add.f32 [tilespmem:s0], [sflag:$0x2], $0x40, s8, s24, $0xb8;
	[tilespmem:$0x1D400] =	vst v63  }
0x8f: {  	_ =	swait.ge [sflag:s9], $0x2000  }
0x90: {  	[sflag:s9] =	ssyncset.done $0x0  }
0x91: {  	[sflag:s9] =	ssyncadd.s32 $0xFFFFE000  }
0x92: {  	_ =	swait.ge [sflag:s9], $0x2000  }
0x93: {  	[sflag:s9] =	ssyncset.done $0x0  }
0x94: {  	[sflag:s9] =	ssyncadd.s32 $0xFFFFE000  }
.Ltmp0:
0x95: {  	_ =	swait.ge [sflag:s9], $0x2000;
	(pc) =	sbr.rel @p0 .LBB2_2-.Ltmp0, $4  }
0x96: {  	[sflag:s9] =	ssyncset.done $0x0  }
0x97: {  	[sflag:s9] =	ssyncadd.s32 $0xFFFFE000  }
0x98: {  	_ =	swait.ge [sflag:s9], $0x2000  }
0x99: {  	s12 =	smov.u32 s13;
	[sflag:s9] =	ssyncset.done $0x0  }
0x9a: {  	s11 =	sadd.s32 s11, s20;
	[sflag:s9] =	ssyncadd.s32 $0xFFFFE000  }
0x9b: {  	[tilespmem:s4], [sflag:$0x3] =	stream.linear.gather [hbm4b:s11+s4], $0x400, $0x38;
	[tilespmem:$0x1D400] =	vst v63  }
0x9c: {  	_ =	swait.ge [sflag:s22], $0x400  }
0x9d: {  	[sflag:s22] =	ssyncset.done $0x0  }
0x9e: {  	[sflag:s22] =	ssyncadd.s32 $0xFFFFFC00  }
0x9f: {  	[tilespmem:s25], [sflag:$0x1] =	stream.indirect.gather [spmem:s2], $0x40, s4, s24, $0xb8;
	[tilespmem:$0x1D400] =	vst v63  }
0xa0: {  	_ = 	snop  }
0xa1: {  	[tilespmem:s28], [sflag:$0x1] =	stream.indirect.gather [spmem:s2], $0x40, s26, s24, $0xb8;
	[tilespmem:$0x1D400] =	vst v63  }
0xa2: {  	_ = 	snop  }
0xa3: {  	[tilespmem:s30], [sflag:$0x1] =	stream.indirect.gather [spmem:s2], $0x40, s29, s24, $0xb8;
	[tilespmem:$0x1D400] =	vst v63  }
0xa4: {  	_ = 	snop  }
0xa5: {  	[tilespmem:s0], [sflag:$0x1] =	stream.indirect.gather [spmem:s2], $0x40, s31, s24, $0xb8;
	[tilespmem:$0x1D400] =	vst v63  }
0xa6: {  	_ =	swait.ge [sflag:s1], $0x2000  }
0xa7: {  	[sflag:s1] =	ssyncset.done $0x0  }
0xa8: {  	[sflag:s1] =	ssyncadd.s32 $0xFFFFE000  }
0xa9: {  	[spmem:s3] =	stream.indirect.scatter.add.f32 [tilespmem:s25], [sflag:$0x2], $0x40, s24, s24, $0xb8;
	[tilespmem:$0x1D400] =	vst v63  }
0xaa: {  	_ =	swait.ge [sflag:s1], $0x2000  }
0xab: {  	[sflag:s1] =	ssyncset.done $0x0  }
0xac: {  	[sflag:s1] =	ssyncadd.s32 $0xFFFFE000  }
0xad: {  	[spmem:s3] =	stream.indirect.scatter.add.f32 [tilespmem:s28], [sflag:$0x2], $0x40, s5, s24, $0xb8;
	[tilespmem:$0x1D400] =	vst v63  }
0xae: {  	_ =	swait.ge [sflag:s1], $0x2000  }
0xaf: {  	[sflag:s1] =	ssyncset.done $0x0  }
0xb0: {  	[sflag:s1] =	ssyncadd.s32 $0xFFFFE000  }
0xb1: {  	[spmem:s3] =	stream.indirect.scatter.add.f32 [tilespmem:s30], [sflag:$0x2], $0x40, s7, s24, $0xb8;
	[tilespmem:$0x1D400] =	vst v63  }
0xb2: {  	_ =	swait.ge [sflag:s1], $0x2000  }
0xb3: {  	[sflag:s1] =	ssyncset.done $0x0  }
0xb4: {  	[sflag:s1] =	ssyncadd.s32 $0xFFFFE000  }
0xb5: {  	[spmem:s3] =	stream.indirect.scatter.add.f32 [tilespmem:s0], [sflag:$0x2], $0x40, s8, s24, $0xb8;
	[tilespmem:$0x1D400] =	vst v63  }
0xb6: {  	_ =	swait.ge [sflag:s9], $0x2000  }
0xb7: {  	[sflag:s9] =	ssyncset.done $0x0  }
0xb8: {  	[sflag:s9] =	ssyncadd.s32 $0xFFFFE000  }
0xb9: {  	_ =	swait.ge [sflag:s9], $0x2000  }
0xba: {  	[sflag:s9] =	ssyncset.done $0x0  }
0xbb: {  	[sflag:s9] =	ssyncadd.s32 $0xFFFFE000  }
0xbc: {  	_ =	swait.ge [sflag:s9], $0x2000  }
0xbd: {  	[sflag:s9] =	ssyncset.done $0x0  }
0xbe: {  	[sflag:s9] =	ssyncadd.s32 $0xFFFFE000  }
0xbf: {  	_ =	swait.ge [sflag:s9], $0x2000  }
0xc0: {  	[sflag:s9] =	ssyncset.done $0x0  }
0xc1: {  	[sflag:s9] =	ssyncadd.s32 $0xFFFFE000  }
0xc2: {  	[bflag:$0x0] =	sbarrier.arrive $0xFFFF  }
0xc3: {  	s13 =	sshrl.u32 s6, $0x3;
	s12 =	rddreg [dreg:$0x6]  }
0xc4: {  	[hbm:s12], [sflag:s19] =	dma.local [spmem:s13], $0x1400  }
0xc5: {  	_ =	swait.ge [sflag:s22], $0x1400  }
0xc6: {  	s10 =	sadd.s32 $0x1, s10;
	s14 =	rddreg [dreg:$0x7]  }
0xc7: {  	p0 =	sne.s32 s10, s14  }
.Ltmp1:
0xc8: {  	_ = 	snop;
	(pc) =	sbr.rel @p0 .LBB2_1-.Ltmp1, $3  }
0xc9: {  	_ =	sdelay $0x1  }
0xca: {  	[sflag:s22] =	ssyncset.done $0x0  }
0xcb: {  	[sflag:s22] =	ssyncadd.s32 $0xFFFFEC00  }
0xcc: {  	_ =	sfence.sel $0x180000  }
0xcd: {  	[bflag:$0x0] =	sbarrier.arrive $0xFFFF  }
0xce: {  	_ =	strace $0x9000004D  }
0xcf: {  	s0 =	stileid.u32;
	[bflag:$0x2] =	sbarrier.arrive $0xFFFF  }
0xd0: {  	p0 =	sne.s32 s0, $0x0;
	s0 =	rddreg [dreg:$0x4]  }
0xd1: {  	s0 =	sadd.s32 @!p0 $0x100000, s0  }
0xd2: {  	[sflag:s0] =	ssyncadd.tile.s32 @!p0 $0x1;
	_ =	shalt  }
.Lfunc_end2:
_tile_overlayer_lowered:
.L_overlay_start_2:
0xd3: {  	(tag) =	ssettag $0x2  }
0xd4: {  	s0 =	rddreg [dreg:$0x0];
	s2 =	stileid.u32  }
0xd5: {  	s1 =	rddreg [dreg:$0x1];
	p0 =	sne.s32 s2, $0x0  }
0xd6: {  	s3 =	rddreg [dreg:$0x2];
	[bflag:$0x3] =	sbarrier.arrive $0xFFFF;
	s2 =	simm.s32 @!p0 $0x1C03  }
0xd7: {  	[timem:s3], [sflag:s2] =	dma.local @!p0 [hbm:s0], s1  }
0xd8: {  	s0 =	simm.s32 @!p0 $0x3  }
0xd9: {  	_ =	swait.ge @!p0 [sflag:s0], s1  }
0xda: {  	s1 =	ssub.s32 @!p0 $0x0, s1;
	[sflag:s0] =	ssyncset.done @!p0 $0x0  }
0xdb: {  	[sflag:s0] =	ssyncadd.s32 @!p0 s1  }
0xdc: {  	[bflag:$0x3] =	sbarrier.arrive $0xFFFF  }
0xdd: {  	_ =	shalt  }

</sc_bundles>
